<compile_context>
chip_gen: v7x
topology: tpu7x:2x2x1
jax: 0.10.2.dev20260603
libtpu: 0.0.44.dev20260713+nightly
codegen_flags: <defaults>
</compile_context>

<pallas_src>
import functools

import jax
import jax.numpy as jnp
from jax import lax
from jax.experimental import pallas as pl
from jax.experimental.pallas import tpu as pltpu
from jax.experimental.pallas import tpu_sc as plsc

NC = 2
NS = 16
CH = 128
NBUF = 4
BT = 2048
GG = 256



def _make_deg_kernel(NP, KC):
    mesh = plsc.VectorSubcoreMesh(core_axis_name="c", subcore_axis_name="s")
    RPT = NP // NS
    KH = KC // NC

    @functools.partial(
        pl.kernel,
        out_type=jax.ShapeDtypeStruct((NC, NP), jnp.float32),
        mesh=mesh,
        scratch_types=[
            pltpu.VMEM((KH, CH), jnp.int32),
            pltpu.VMEM((CH,), jnp.float32),
            pltpu.VMEM_SHARED((NP,), jnp.float32),
        ],
    )
    def deg_kernel(dst_hbm, zeros_hbm, out_hbm, didx, ones_v, acc):
        c = lax.axis_index("c")
        s = lax.axis_index("s")
        for j in range(CH // 16):
            ones_v[pl.ds(j * 16, 16)] = jnp.ones((16,), jnp.float32)
        pltpu.sync_copy(dst_hbm.at[s, pl.ds(c * KH, KH)], didx)
        pltpu.sync_copy(zeros_hbm.at[pl.ds(s * RPT, RPT)],
                        acc.at[pl.ds(s * RPT, RPT)])
        plsc.subcore_barrier()

        def body(j, carry):
            pltpu.sync_copy(ones_v, acc.at[didx.at[j]], add=True)
            return carry

        lax.fori_loop(0, KH, body, 0)
        plsc.subcore_barrier()
        pltpu.sync_copy(acc.at[pl.ds(s * RPT, RPT)],
                        out_hbm.at[c, pl.ds(s * RPT, RPT)])

    return deg_kernel


def _make_scatter_kernel(NP, FH, KC):
    mesh = plsc.VectorSubcoreMesh(core_axis_name="c", subcore_axis_name="s")
    RPT = NP // NS

    @functools.partial(
        pl.kernel,
        out_type=[jax.ShapeDtypeStruct((NP, FH), jnp.float32),
                  jax.ShapeDtypeStruct((NP, FH), jnp.float32)],
        mesh=mesh,
        compiler_params=pltpu.CompilerParams(
            use_tc_tiling_on_sc=(FH % 128 == 0)),
        scratch_types=[
            pltpu.VMEM((KC, CH), jnp.int32),
            pltpu.VMEM((KC, CH), jnp.int32),
            pltpu.VMEM((NBUF, CH, FH), jnp.float32),
            pltpu.VMEM_SHARED((NP, FH), jnp.float32),
            pltpu.SemaphoreType.DMA,
            pltpu.SemaphoreType.DMA,
            pltpu.SemaphoreType.DMA,
            pltpu.SemaphoreType.DMA,
            pltpu.SemaphoreType.DMA,
            pltpu.SemaphoreType.DMA,
            pltpu.SemaphoreType.DMA,
            pltpu.SemaphoreType.DMA,
        ],
    )
    def scatter_kernel(glo_hbm, ghi_hbm, src_hbm, dst_hbm, zeros_hbm,
                       olo_hbm, ohi_hbm, sidx, didx, rows, acc,
                       g0, g1, g2, g3, s0, s1, s2, s3):
        gsems = (g0, g1, g2, g3)
        ssems = (s0, s1, s2, s3)
        c = lax.axis_index("c")
        s = lax.axis_index("s")

        def g_start(j, b):
            @pl.when(c == 0)
            def _():
                pltpu.async_copy(glo_hbm.at[sidx.at[j]], rows.at[b],
                                 gsems[b])

            @pl.when(c != 0)
            def _():
                pltpu.async_copy(ghi_hbm.at[sidx.at[j]], rows.at[b],
                                 gsems[b])

        pltpu.sync_copy(src_hbm.at[s], sidx)
        pltpu.sync_copy(dst_hbm.at[s], didx)
        pltpu.sync_copy(zeros_hbm.at[pl.ds(s * RPT, RPT)],
                        acc.at[pl.ds(s * RPT, RPT)])
        for b in range(NBUF):
            g_start(b, b)
        plsc.subcore_barrier()

        def body(jj, carry):
            for b in range(NBUF):
                j = jj * NBUF + b
                pltpu.make_async_copy(
                    glo_hbm.at[sidx.at[j]], rows.at[b], gsems[b]).wait()
                pltpu.sync_copy(rows.at[b], acc.at[didx.at[j]], add=True)

                @pl.when(j + NBUF < KC)
                def _():
                    g_start(j + NBUF, b)

            return carry

        lax.fori_loop(0, KC // NBUF, body, 0)
        plsc.subcore_barrier()

        @pl.when(c == 0)
        def _():
            pltpu.sync_copy(acc.at[pl.ds(s * RPT, RPT)],
                            olo_hbm.at[pl.ds(s * RPT, RPT)])

        @pl.when(c != 0)
        def _():
            pltpu.sync_copy(acc.at[pl.ds(s * RPT, RPT)],
                            ohi_hbm.at[pl.ds(s * RPT, RPT)])

    return scatter_kernel



def _tc_first_body(degp, x, W, dinv_o, glo_o, ghi_o):
    FH = glo_o.shape[1]
    d = degp[0] + degp[1] + 1.0
    dv = lax.rsqrt(d)
    h = jnp.dot(x[...], W[...], preferred_element_type=jnp.float32)
    g = h * dv
    dinv_o[...] = dv
    glo_o[...] = g[:, :FH]
    ghi_o[...] = g[:, FH:]


def _make_tc_first(NP, D, F):
    grid = NP // BT
    FH = F // NC
    return pl.pallas_call(
        _tc_first_body,
        grid=(grid,),
        in_specs=[
            pl.BlockSpec((NC, BT, 1), lambda i: (0, i, 0)),
            pl.BlockSpec((BT, D), lambda i: (i, 0)),
            pl.BlockSpec((D, F), lambda i: (0, 0)),
        ],
        out_specs=[
            pl.BlockSpec((BT, 1), lambda i: (i, 0)),
            pl.BlockSpec((BT, FH), lambda i: (i, 0)),
            pl.BlockSpec((BT, FH), lambda i: (i, 0)),
        ],
        out_shape=[
            jax.ShapeDtypeStruct((NP, 1), jnp.float32),
            jax.ShapeDtypeStruct((NP, FH), jnp.float32),
            jax.ShapeDtypeStruct((NP, FH), jnp.float32),
        ],
    )


def _tc_mid_body(plo, phi, glo, ghi, dinv, b, W, glo_o, ghi_o):
    FH = glo_o.shape[1]
    acc = jnp.concatenate([plo[...] + glo[...], phi[...] + ghi[...]], axis=1)
    xl = jnp.maximum(acc * dinv[...] + b[...], 0.0)
    h = jnp.dot(xl, W[...], preferred_element_type=jnp.float32)
    g = h * dinv[...]
    glo_o[...] = g[:, :FH]
    ghi_o[...] = g[:, FH:]


def _make_tc_mid(NP, Fin, Fout):
    grid = NP // BT
    FHI = Fin // NC
    FHO = Fout // NC
    return pl.pallas_call(
        _tc_mid_body,
        grid=(grid,),
        in_specs=[
            pl.BlockSpec((BT, FHI), lambda i: (i, 0)),
            pl.BlockSpec((BT, FHI), lambda i: (i, 0)),
            pl.BlockSpec((BT, FHI), lambda i: (i, 0)),
            pl.BlockSpec((BT, FHI), lambda i: (i, 0)),
            pl.BlockSpec((BT, 1), lambda i: (i, 0)),
            pl.BlockSpec((1, Fin), lambda i: (0, 0)),
            pl.BlockSpec((Fin, Fout), lambda i: (0, 0)),
        ],
        out_specs=[
            pl.BlockSpec((BT, FHO), lambda i: (i, 0)),
            pl.BlockSpec((BT, FHO), lambda i: (i, 0)),
        ],
        out_shape=[
            jax.ShapeDtypeStruct((NP, FHO), jnp.float32),
            jax.ShapeDtypeStruct((NP, FHO), jnp.float32),
        ],
    )


def _tc_final_body(plo, phi, glo, ghi, dinv, b, batch, Wh1, bh1, Wh2, bh2,
                   out, accp, accc):
    i = pl.program_id(0)
    acc = jnp.concatenate([plo[...] + glo[...], phi[...] + ghi[...]], axis=1)
    h3 = jnp.maximum(acc * dinv[...] + b[...], 0.0)
    bt = batch[...]
    ohT = (lax.broadcasted_iota(jnp.int32, (GG, BT), 0) == bt
           ).astype(jnp.float32)
    pb = lax.dot_general(ohT, h3, (((1,), (0,)), ((), ())),
                         preferred_element_type=jnp.float32)
    cb = lax.dot_general(ohT, jnp.ones((BT, 1), jnp.float32),
                         (((1,), (0,)), ((), ())),
                         preferred_element_type=jnp.float32)

    @pl.when(i == 0)
    def _():
        accp[...] = jnp.zeros_like(accp)
        accc[...] = jnp.zeros_like(accc)

    accp[...] += pb
    accc[...] += cb

    @pl.when(i == pl.num_programs(0) - 1)
    def _():
        pooled = accp[...] / jnp.maximum(accc[...], 1.0)
        z = jnp.maximum(
            jnp.dot(pooled, Wh1[...], preferred_element_type=jnp.float32)
            + bh1[...], 0.0)
        out[...] = (jnp.dot(z, Wh2[...], preferred_element_type=jnp.float32)
                    + bh2[...])


def _make_tc_final(NP, F, TP):
    grid = NP // BT
    FH = F // NC
    return pl.pallas_call(
        _tc_final_body,
        grid=(grid,),
        in_specs=[
            pl.BlockSpec((BT, FH), lambda i: (i, 0)),
            pl.BlockSpec((BT, FH), lambda i: (i, 0)),
            pl.BlockSpec((BT, FH), lambda i: (i, 0)),
            pl.BlockSpec((BT, FH), lambda i: (i, 0)),
            pl.BlockSpec((BT, 1), lambda i: (i, 0)),
            pl.BlockSpec((1, F), lambda i: (0, 0)),
            pl.BlockSpec((1, BT), lambda i: (0, i)),
            pl.BlockSpec((F, 64), lambda i: (0, 0)),
            pl.BlockSpec((1, 64), lambda i: (0, 0)),
            pl.BlockSpec((64, TP), lambda i: (0, 0)),
            pl.BlockSpec((1, TP), lambda i: (0, 0)),
        ],
        out_specs=pl.BlockSpec((GG, TP), lambda i: (0, 0)),
        out_shape=jax.ShapeDtypeStruct((GG, TP), jnp.float32),
        scratch_shapes=[
            pltpu.VMEM((GG, F), jnp.float32),
            pltpu.VMEM((GG, 1), jnp.float32),
        ],
    )



def kernel(x, edge_index, batch, W1, b1, W2, b2, W3, b3, Wh1, bh1, Wh2, bh2):
    N, D = x.shape
    E = edge_index.shape[1]
    H = W1.shape[1]
    F3 = W3.shape[1]
    T = Wh2.shape[1]
    TP = 128

    NP = ((N + 1 + BT - 1) // BT) * BT
    CM = CH * NBUF
    EPW = ((E + NS * CM - 1) // (NS * CM)) * CM
    EP = EPW * NS
    KC = EPW // CH

    src = jnp.concatenate(
        [edge_index[0], jnp.zeros((EP - E,), edge_index.dtype)]
    ).reshape(NS, KC, CH)
    dst = jnp.concatenate(
        [edge_index[1], jnp.full((EP - E,), N, edge_index.dtype)]
    ).reshape(NS, KC, CH)

    xp = jnp.pad(x, ((0, NP - N), (0, 0)))
    batchp = jnp.pad(batch, (0, NP - N), constant_values=GG).reshape(1, NP)
    zeros1 = jnp.zeros((NP,), jnp.float32)
    zerosH = jnp.zeros((NP, H // NC), jnp.float32)
    zerosF3 = jnp.zeros((NP, F3 // NC), jnp.float32)

    degp = _make_deg_kernel(NP, KC)(dst, zeros1)
    dinv, g1lo, g1hi = _make_tc_first(NP, D, H)(
        degp.reshape(NC, NP, 1), xp, W1)

    scatH = _make_scatter_kernel(NP, H // NC, KC)
    p1lo, p1hi = scatH(g1lo, g1hi, src, dst, zerosH)
    g2lo, g2hi = _make_tc_mid(NP, H, H)(
        p1lo, p1hi, g1lo, g1hi, dinv, b1.reshape(1, H), W2)
    p2lo, p2hi = scatH(g2lo, g2hi, src, dst, zerosH)
    g3lo, g3hi = _make_tc_mid(NP, H, F3)(
        p2lo, p2hi, g2lo, g2hi, dinv, b2.reshape(1, H), W3)
    p3lo, p3hi = _make_scatter_kernel(NP, F3 // NC, KC)(
        g3lo, g3hi, src, dst, zerosF3)

    Wh2p = jnp.pad(Wh2, ((0, 0), (0, TP - T)))
    bh2p = jnp.pad(bh2, (0, TP - T)).reshape(1, TP)
    logits = _make_tc_final(NP, F3, TP)(
        p3lo, p3hi, g3lo, g3hi, dinv, b3.reshape(1, F3), batchp,
        Wh1, bh1.reshape(1, 64), Wh2p, bh2p)
    return logits[:, :T]

# --- scband reference (transcript-rebuilt; emitter-appended) ---
"""Pipeline reference for scband-tox-gcn-65816078844102 (READ-ONLY COPY).

The authoritative reference and input builder live on the scoring server;
editing this copy changes nothing except your own understanding.
"""

import jax, jax.numpy as jnp
import numpy as np

N = 10000
E = 320000
D = 128
H = 128
G = 256
T = 12


def setup_inputs(seed: int = 0) -> dict:
    key = jax.random.key(seed)
    ks = jax.random.split(key, 16)
    x = jax.random.normal(ks[0], (N, D), dtype=jnp.float32)
    edge_index = jax.random.randint(ks[1], (2, E), 0, N, dtype=jnp.int32)
    batch = jnp.sort(jax.random.randint(ks[2], (N,), 0, G, dtype=jnp.int32))
    def xavier(k, fan_in, fan_out):
        limit = np.sqrt(6.0 / (fan_in + fan_out))
        return jax.random.uniform(k, (fan_in, fan_out), dtype=jnp.float32, minval=-limit, maxval=limit)
    W1 = xavier(ks[3], D, H); b1 = jnp.zeros((H,), jnp.float32)
    W2 = xavier(ks[4], H, H); b2 = jnp.zeros((H,), jnp.float32)
    W3 = xavier(ks[5], H, H // 2); b3 = jnp.zeros((H // 2,), jnp.float32)
    Wh1 = xavier(ks[6], H // 2, 64); bh1 = jnp.zeros((64,), jnp.float32)
    Wh2 = xavier(ks[7], 64, T); bh2 = jnp.zeros((T,), jnp.float32)
    return {"x": x, "edge_index": edge_index, "batch": batch,
            "W1": W1, "b1": b1, "W2": W2, "b2": b2, "W3": W3, "b3": b3,
            "Wh1": Wh1, "bh1": bh1, "Wh2": Wh2, "bh2": bh2}


def gcn_conv(x, edge_index, W, b):
    n = x.shape[0]
    loop = jnp.arange(n, dtype=edge_index.dtype)
    src = jnp.concatenate([edge_index[0], loop])
    dst = jnp.concatenate([edge_index[1], loop])
    deg = jnp.zeros((n,), x.dtype).at[dst].add(1.0)
    dinv = jax.lax.rsqrt(deg)
    norm = dinv[src] * dinv[dst]
    h = x @ W
    msg = h[src] * norm[:, None]
    out = jnp.zeros((n, W.shape[1]), x.dtype).at[dst].add(msg)
    return out + b


def reference(x, edge_index, batch, W1, b1, W2, b2, W3, b3, Wh1, bh1, Wh2, bh2):
    h = jax.nn.relu(gcn_conv(x, edge_index, W1, b1))
    h = jax.nn.relu(gcn_conv(h, edge_index, W2, b2))
    h = jax.nn.relu(gcn_conv(h, edge_index, W3, b3))
    # global_mean_pool over graph assignment
    s = jax.ops.segment_sum(h, batch, num_segments=G)
    cnt = jax.ops.segment_sum(jnp.ones((h.shape[0], 1), h.dtype), batch, num_segments=G)
    pooled = s / jnp.maximum(cnt, 1.0)
    # head (dropout is identity in eval mode)
    z = jax.nn.relu(pooled @ Wh1 + bh1)
    logits = z @ Wh2 + bh2
    return logits

if __name__ == "__main__":
    import jax
    _d = setup_inputs()
    print(jax.jit(kernel)(*tuple(_d.values())))

</pallas_src>

<mosaic_0001>
#map = affine_map<(d0, d1) -> (0, 0)>
#map1 = affine_map<(d0, d1) -> (0, 0, 0)>
module attributes {stable_mosaic.version = 14 : i64} {
  func.func @scatter_kernel(%arg0: i32, %arg1: i32, %arg2: memref<10240x32xf32, #tpu.memory_space<hbm>>, %arg3: memref<10240x32xf32, #tpu.memory_space<hbm>>, %arg4: memref<16x160x128xi32, #tpu.memory_space<hbm>>, %arg5: memref<16x160x128xi32, #tpu.memory_space<hbm>>, %arg6: memref<10240x32xf32, #tpu.memory_space<hbm>>, %arg7: memref<10240x32xf32, #tpu.memory_space<hbm>>, %arg8: memref<10240x32xf32, #tpu.memory_space<hbm>>, %arg9: memref<160x128xi32, #tpu.memory_space<vmem>>, %arg10: memref<160x128xi32, #tpu.memory_space<vmem>>, %arg11: memref<4x128x32xf32, #tpu.memory_space<vmem>>, %arg12: memref<10240x32xf32, #tpu.memory_space<vmem_shared>>, %arg13: memref<!tpu.dma_semaphore, #tpu.memory_space<semaphore_mem>>, %arg14: memref<!tpu.dma_semaphore, #tpu.memory_space<semaphore_mem>>, %arg15: memref<!tpu.dma_semaphore, #tpu.memory_space<semaphore_mem>>, %arg16: memref<!tpu.dma_semaphore, #tpu.memory_space<semaphore_mem>>, %arg17: memref<!tpu.dma_semaphore, #tpu.memory_space<semaphore_mem>>, %arg18: memref<!tpu.dma_semaphore, #tpu.memory_space<semaphore_mem>>, %arg19: memref<!tpu.dma_semaphore, #tpu.memory_space<semaphore_mem>>, %arg20: memref<!tpu.dma_semaphore, #tpu.memory_space<semaphore_mem>>) attributes {dimension_semantics = [#tpu.dimension_semantics<core_parallel>, #tpu.dimension_semantics<subcore_parallel>], iteration_bounds = array<i64: 2, 16>, scalar_prefetch = 0 : i64, scratch_operands = 12 : i64, tpu.core_type = #tpu.core_type<sc_vector_subcore>, window_params = [{transform_indices = #map}, {transform_indices = #map}, {transform_indices = #map1}, {transform_indices = #map1}, {transform_indices = #map}, {transform_indices = #map}, {transform_indices = #map}]} {
    "tpu.region"() ({
      %run_scoped3A = tpu.sem_alloc : memref<!tpu.dma_semaphore, #tpu.memory_space<semaphore_mem>>
      %dma_start3A = arith.constant 0 : i32
      %dma_start3A_55 = arith.constant 0 : i32
      %dma_start3A_56 = tpu.memref_slice %arg4[%arg1, %dma_start3A, %dma_start3A_55] : memref<16x160x128xi32, #tpu.memory_space<hbm>> -> memref<1x160x128xi32, #tpu.memory_space<hbm>>
      %dma_start3A_57 = tpu.memref_squeeze %dma_start3A_56 : memref<1x160x128xi32, #tpu.memory_space<hbm>> -> memref<160x128xi32, #tpu.memory_space<hbm>>
      %dma_start3A_58 = arith.constant 0 : i32
      %dma_start3A_59 = arith.constant 0 : i32
      %dma_start3A_60 = tpu.memref_slice %arg4[%arg1, %dma_start3A_58, %dma_start3A_59] : memref<16x160x128xi32, #tpu.memory_space<hbm>> -> memref<1x160x128xi32, #tpu.memory_space<hbm>>
      %dma_start3A_61 = tpu.memref_squeeze %dma_start3A_60 : memref<1x160x128xi32, #tpu.memory_space<hbm>> -> memref<160x128xi32, #tpu.memory_space<hbm>>
      tpu.enqueue_dma source(%dma_start3A_61 : memref<160x128xi32, #tpu.memory_space<hbm>>) target(%arg9 : memref<160x128xi32, #tpu.memory_space<vmem>>) target_semaphore(%run_scoped3A : memref<!tpu.dma_semaphore, #tpu.memory_space<semaphore_mem>>)
      %dma_wait3A = arith.constant 0 : i32
      %dma_wait3A_62 = arith.constant 0 : i32
      %dma_wait3A_63 = tpu.memref_slice %arg4[%arg1, %dma_wait3A, %dma_wait3A_62] : memref<16x160x128xi32, #tpu.memory_space<hbm>> -> memref<1x160x128xi32, #tpu.memory_space<hbm>>
      %dma_wait3A_64 = tpu.memref_squeeze %dma_wait3A_63 : memref<1x160x128xi32, #tpu.memory_space<hbm>> -> memref<160x128xi32, #tpu.memory_space<hbm>>
      %dma_wait3A_65 = arith.constant 0 : i32
      %dma_wait3A_66 = arith.constant 0 : i32
      %dma_wait3A_67 = tpu.memref_slice %arg4[%arg1, %dma_wait3A_65, %dma_wait3A_66] : memref<16x160x128xi32, #tpu.memory_space<hbm>> -> memref<1x160x128xi32, #tpu.memory_space<hbm>>
      %dma_wait3A_68 = tpu.memref_squeeze %dma_wait3A_67 : memref<1x160x128xi32, #tpu.memory_space<hbm>> -> memref<160x128xi32, #tpu.memory_space<hbm>>
      tpu.wait_dma2 semaphore(%run_scoped3A : memref<!tpu.dma_semaphore, #tpu.memory_space<semaphore_mem>>) src(%dma_wait3A_68 : memref<160x128xi32, #tpu.memory_space<hbm>>) dst(%arg9 : memref<160x128xi32, #tpu.memory_space<vmem>>)
      tpu.yield
    }) : () -> ()
    "tpu.region"() ({
      %run_scoped3A = tpu.sem_alloc : memref<!tpu.dma_semaphore, #tpu.memory_space<semaphore_mem>>
      %dma_start3A = arith.constant 0 : i32
      %dma_start3A_55 = arith.constant 0 : i32
      %dma_start3A_56 = tpu.memref_slice %arg5[%arg1, %dma_start3A, %dma_start3A_55] : memref<16x160x128xi32, #tpu.memory_space<hbm>> -> memref<1x160x128xi32, #tpu.memory_space<hbm>>
      %dma_start3A_57 = tpu.memref_squeeze %dma_start3A_56 : memref<1x160x128xi32, #tpu.memory_space<hbm>> -> memref<160x128xi32, #tpu.memory_space<hbm>>
      %dma_start3A_58 = arith.constant 0 : i32
      %dma_start3A_59 = arith.constant 0 : i32
      %dma_start3A_60 = tpu.memref_slice %arg5[%arg1, %dma_start3A_58, %dma_start3A_59] : memref<16x160x128xi32, #tpu.memory_space<hbm>> -> memref<1x160x128xi32, #tpu.memory_space<hbm>>
      %dma_start3A_61 = tpu.memref_squeeze %dma_start3A_60 : memref<1x160x128xi32, #tpu.memory_space<hbm>> -> memref<160x128xi32, #tpu.memory_space<hbm>>
      tpu.enqueue_dma source(%dma_start3A_61 : memref<160x128xi32, #tpu.memory_space<hbm>>) target(%arg10 : memref<160x128xi32, #tpu.memory_space<vmem>>) target_semaphore(%run_scoped3A : memref<!tpu.dma_semaphore, #tpu.memory_space<semaphore_mem>>)
      %dma_wait3A = arith.constant 0 : i32
      %dma_wait3A_62 = arith.constant 0 : i32
      %dma_wait3A_63 = tpu.memref_slice %arg5[%arg1, %dma_wait3A, %dma_wait3A_62] : memref<16x160x128xi32, #tpu.memory_space<hbm>> -> memref<1x160x128xi32, #tpu.memory_space<hbm>>
      %dma_wait3A_64 = tpu.memref_squeeze %dma_wait3A_63 : memref<1x160x128xi32, #tpu.memory_space<hbm>> -> memref<160x128xi32, #tpu.memory_space<hbm>>
      %dma_wait3A_65 = arith.constant 0 : i32
      %dma_wait3A_66 = arith.constant 0 : i32
      %dma_wait3A_67 = tpu.memref_slice %arg5[%arg1, %dma_wait3A_65, %dma_wait3A_66] : memref<16x160x128xi32, #tpu.memory_space<hbm>> -> memref<1x160x128xi32, #tpu.memory_space<hbm>>
      %dma_wait3A_68 = tpu.memref_squeeze %dma_wait3A_67 : memref<1x160x128xi32, #tpu.memory_space<hbm>> -> memref<160x128xi32, #tpu.memory_space<hbm>>
      tpu.wait_dma2 semaphore(%run_scoped3A : memref<!tpu.dma_semaphore, #tpu.memory_space<semaphore_mem>>) src(%dma_wait3A_68 : memref<160x128xi32, #tpu.memory_space<hbm>>) dst(%arg10 : memref<160x128xi32, #tpu.memory_space<vmem>>)
      tpu.yield
    }) : () -> ()
    %mul3A = arith.constant 640 : i32
    %mul3A_0 = arith.muli %arg1, %mul3A : i32
    %mul3A_1 = arith.constant 640 : i32
    %mul3A_2 = arith.muli %arg1, %mul3A_1 : i32
    "tpu.region"() ({
      %run_scoped3A = tpu.sem_alloc : memref<!tpu.dma_semaphore, #tpu.memory_space<semaphore_mem>>
      %dma_start3A = arith.constant 0 : i32
      %dma_start3A_55 = tpu.memref_slice %arg12[%mul3A_2, %dma_start3A] : memref<10240x32xf32, #tpu.memory_space<vmem_shared>> -> memref<640x32xf32, #tpu.memory_space<vmem_shared>>
      %dma_start3A_56 = arith.constant 0 : i32
      %dma_start3A_57 = tpu.memref_slice %arg6[%mul3A_0, %dma_start3A_56] : memref<10240x32xf32, #tpu.memory_space<hbm>> -> memref<640x32xf32, #tpu.memory_space<hbm>>
      tpu.enqueue_dma source(%dma_start3A_57 : memref<640x32xf32, #tpu.memory_space<hbm>>) target(%dma_start3A_55 : memref<640x32xf32, #tpu.memory_space<vmem_shared>>) target_semaphore(%run_scoped3A : memref<!tpu.dma_semaphore, #tpu.memory_space<semaphore_mem>>)
      %dma_wait3A = arith.constant 0 : i32
      %dma_wait3A_58 = tpu.memref_slice %arg12[%mul3A_2, %dma_wait3A] : memref<10240x32xf32, #tpu.memory_space<vmem_shared>> -> memref<640x32xf32, #tpu.memory_space<vmem_shared>>
      %dma_wait3A_59 = arith.constant 0 : i32
      %dma_wait3A_60 = tpu.memref_slice %arg6[%mul3A_0, %dma_wait3A_59] : memref<10240x32xf32, #tpu.memory_space<hbm>> -> memref<640x32xf32, #tpu.memory_space<hbm>>
      tpu.wait_dma2 semaphore(%run_scoped3A : memref<!tpu.dma_semaphore, #tpu.memory_space<semaphore_mem>>) src(%dma_wait3A_60 : memref<640x32xf32, #tpu.memory_space<hbm>>) dst(%dma_wait3A_58 : memref<640x32xf32, #tpu.memory_space<vmem_shared>>)
      tpu.yield
    }) : () -> ()
    %eq3A = arith.constant 0 : i32
    %eq3A_3 = arith.cmpi eq, %arg0, %eq3A : i32
    %convert_element_type3A = arith.extui %eq3A_3 : i1 to i32
    %cond3A = arith.constant 0 : i32
    %cond3A_4 = arith.cmpi ne, %convert_element_type3A, %cond3A : i32
    scf.if %cond3A_4 {
      %dma_start3A = arith.constant 0 : i32
      %dma_start3A_55 = arith.constant 0 : i32
      %dma_start3A_56 = arith.constant 0 : i32
      %dma_start3A_57 = arith.constant 0 : i32
      %dma_start3A_58 = tpu.memref_slice %arg11[%dma_start3A_55, %dma_start3A_56, %dma_start3A_57] : memref<4x128x32xf32, #tpu.memory_space<vmem>> -> memref<1x128x32xf32, #tpu.memory_space<vmem>>
      %dma_start3A_59 = tpu.memref_squeeze %dma_start3A_58 : memref<1x128x32xf32, #tpu.memory_space<vmem>> -> memref<128x32xf32, #tpu.memory_space<vmem>>
      %dma_start3A_60 = arith.constant 0 : i32
      %dma_start3A_61 = tpu.memref_slice %arg9[%dma_start3A, %dma_start3A_60] : memref<160x128xi32, #tpu.memory_space<vmem>> -> memref<1x128xi32, #tpu.memory_space<vmem>>
      %dma_start3A_62 = tpu.memref_squeeze %dma_start3A_61 : memref<1x128xi32, #tpu.memory_space<vmem>> -> memref<128xi32, #tpu.memory_space<vmem>>
      %dma_start3A_63 = arith.constant 0 : i32
      %dma_start3A_64 = arith.constant 0 : i32
      %dma_start3A_65 = tpu.memref_slice %arg2[%dma_start3A_63, %dma_start3A_64] : memref<10240x32xf32, #tpu.memory_space<hbm>> -> memref<10240x32xf32, #tpu.memory_space<hbm>>
      tpu.enqueue_indirect_dma source(%dma_start3A_65 : memref<10240x32xf32, #tpu.memory_space<hbm>>) target(%dma_start3A_59 : memref<128x32xf32, #tpu.memory_space<vmem>>) offsets(%dma_start3A_62 : memref<128xi32, #tpu.memory_space<vmem>>) semaphore(%arg13 : memref<!tpu.dma_semaphore, #tpu.memory_space<semaphore_mem>>)
    } else {
    }
    %ne3A = arith.constant 0 : i32
    %ne3A_5 = arith.cmpi ne, %arg0, %ne3A : i32
    %convert_element_type3A_6 = arith.extui %ne3A_5 : i1 to i32
    %cond3A_7 = arith.constant 0 : i32
    %cond3A_8 = arith.cmpi ne, %convert_element_type3A_6, %cond3A_7 : i32
    scf.if %cond3A_8 {
      %dma_start3A = arith.constant 0 : i32
      %dma_start3A_55 = arith.constant 0 : i32
      %dma_start3A_56 = arith.constant 0 : i32
      %dma_start3A_57 = arith.constant 0 : i32
      %dma_start3A_58 = tpu.memref_slice %arg11[%dma_start3A_55, %dma_start3A_56, %dma_start3A_57] : memref<4x128x32xf32, #tpu.memory_space<vmem>> -> memref<1x128x32xf32, #tpu.memory_space<vmem>>
      %dma_start3A_59 = tpu.memref_squeeze %dma_start3A_58 : memref<1x128x32xf32, #tpu.memory_space<vmem>> -> memref<128x32xf32, #tpu.memory_space<vmem>>
      %dma_start3A_60 = arith.constant 0 : i32
      %dma_start3A_61 = tpu.memref_slice %arg9[%dma_start3A, %dma_start3A_60] : memref<160x128xi32, #tpu.memory_space<vmem>> -> memref<1x128xi32, #tpu.memory_space<vmem>>
      %dma_start3A_62 = tpu.memref_squeeze %dma_start3A_61 : memref<1x128xi32, #tpu.memory_space<vmem>> -> memref<128xi32, #tpu.memory_space<vmem>>
      %dma_start3A_63 = arith.constant 0 : i32
      %dma_start3A_64 = arith.constant 0 : i32
      %dma_start3A_65 = tpu.memref_slice %arg3[%dma_start3A_63, %dma_start3A_64] : memref<10240x32xf32, #tpu.memory_space<hbm>> -> memref<10240x32xf32, #tpu.memory_space<hbm>>
      tpu.enqueue_indirect_dma source(%dma_start3A_65 : memref<10240x32xf32, #tpu.memory_space<hbm>>) target(%dma_start3A_59 : memref<128x32xf32, #tpu.memory_space<vmem>>) offsets(%dma_start3A_62 : memref<128xi32, #tpu.memory_space<vmem>>) semaphore(%arg13 : memref<!tpu.dma_semaphore, #tpu.memory_space<semaphore_mem>>)
    } else {
    }
    %eq3A_9 = arith.constant 0 : i32
    %eq3A_10 = arith.cmpi eq, %arg0, %eq3A_9 : i32
    %convert_element_type3A_11 = arith.extui %eq3A_10 : i1 to i32
    %cond3A_12 = arith.constant 0 : i32
    %cond3A_13 = arith.cmpi ne, %convert_element_type3A_11, %cond3A_12 : i32
    scf.if %cond3A_13 {
      %dma_start3A = arith.constant 1 : i32
      %dma_start3A_55 = arith.constant 1 : i32
      %dma_start3A_56 = arith.constant 0 : i32
      %dma_start3A_57 = arith.constant 0 : i32
      %dma_start3A_58 = tpu.memref_slice %arg11[%dma_start3A_55, %dma_start3A_56, %dma_start3A_57] : memref<4x128x32xf32, #tpu.memory_space<vmem>> -> memref<1x128x32xf32, #tpu.memory_space<vmem>>
      %dma_start3A_59 = tpu.memref_squeeze %dma_start3A_58 : memref<1x128x32xf32, #tpu.memory_space<vmem>> -> memref<128x32xf32, #tpu.memory_space<vmem>>
      %dma_start3A_60 = arith.constant 0 : i32
      %dma_start3A_61 = tpu.memref_slice %arg9[%dma_start3A, %dma_start3A_60] : memref<160x128xi32, #tpu.memory_space<vmem>> -> memref<1x128xi32, #tpu.memory_space<vmem>>
      %dma_start3A_62 = tpu.memref_squeeze %dma_start3A_61 : memref<1x128xi32, #tpu.memory_space<vmem>> -> memref<128xi32, #tpu.memory_space<vmem>>
      %dma_start3A_63 = arith.constant 0 : i32
      %dma_start3A_64 = arith.constant 0 : i32
      %dma_start3A_65 = tpu.memref_slice %arg2[%dma_start3A_63, %dma_start3A_64] : memref<10240x32xf32, #tpu.memory_space<hbm>> -> memref<10240x32xf32, #tpu.memory_space<hbm>>
      tpu.enqueue_indirect_dma source(%dma_start3A_65 : memref<10240x32xf32, #tpu.memory_space<hbm>>) target(%dma_start3A_59 : memref<128x32xf32, #tpu.memory_space<vmem>>) offsets(%dma_start3A_62 : memref<128xi32, #tpu.memory_space<vmem>>) semaphore(%arg14 : memref<!tpu.dma_semaphore, #tpu.memory_space<semaphore_mem>>)
    } else {
    }
    %ne3A_14 = arith.constant 0 : i32
    %ne3A_15 = arith.cmpi ne, %arg0, %ne3A_14 : i32
    %convert_element_type3A_16 = arith.extui %ne3A_15 : i1 to i32
    %cond3A_17 = arith.constant 0 : i32
    %cond3A_18 = arith.cmpi ne, %convert_element_type3A_16, %cond3A_17 : i32
    scf.if %cond3A_18 {
      %dma_start3A = arith.constant 1 : i32
      %dma_start3A_55 = arith.constant 1 : i32
      %dma_start3A_56 = arith.constant 0 : i32
      %dma_start3A_57 = arith.constant 0 : i32
      %dma_start3A_58 = tpu.memref_slice %arg11[%dma_start3A_55, %dma_start3A_56, %dma_start3A_57] : memref<4x128x32xf32, #tpu.memory_space<vmem>> -> memref<1x128x32xf32, #tpu.memory_space<vmem>>
      %dma_start3A_59 = tpu.memref_squeeze %dma_start3A_58 : memref<1x128x32xf32, #tpu.memory_space<vmem>> -> memref<128x32xf32, #tpu.memory_space<vmem>>
      %dma_start3A_60 = arith.constant 0 : i32
      %dma_start3A_61 = tpu.memref_slice %arg9[%dma_start3A, %dma_start3A_60] : memref<160x128xi32, #tpu.memory_space<vmem>> -> memref<1x128xi32, #tpu.memory_space<vmem>>
      %dma_start3A_62 = tpu.memref_squeeze %dma_start3A_61 : memref<1x128xi32, #tpu.memory_space<vmem>> -> memref<128xi32, #tpu.memory_space<vmem>>
      %dma_start3A_63 = arith.constant 0 : i32
      %dma_start3A_64 = arith.constant 0 : i32
      %dma_start3A_65 = tpu.memref_slice %arg3[%dma_start3A_63, %dma_start3A_64] : memref<10240x32xf32, #tpu.memory_space<hbm>> -> memref<10240x32xf32, #tpu.memory_space<hbm>>
      tpu.enqueue_indirect_dma source(%dma_start3A_65 : memref<10240x32xf32, #tpu.memory_space<hbm>>) target(%dma_start3A_59 : memref<128x32xf32, #tpu.memory_space<vmem>>) offsets(%dma_start3A_62 : memref<128xi32, #tpu.memory_space<vmem>>) semaphore(%arg14 : memref<!tpu.dma_semaphore, #tpu.memory_space<semaphore_mem>>)
    } else {
    }
    %eq3A_19 = arith.constant 0 : i32
    %eq3A_20 = arith.cmpi eq, %arg0, %eq3A_19 : i32
    %convert_element_type3A_21 = arith.extui %eq3A_20 : i1 to i32
    %cond3A_22 = arith.constant 0 : i32
    %cond3A_23 = arith.cmpi ne, %convert_element_type3A_21, %cond3A_22 : i32
    scf.if %cond3A_23 {
      %dma_start3A = arith.constant 2 : i32
      %dma_start3A_55 = arith.constant 2 : i32
      %dma_start3A_56 = arith.constant 0 : i32
      %dma_start3A_57 = arith.constant 0 : i32
      %dma_start3A_58 = tpu.memref_slice %arg11[%dma_start3A_55, %dma_start3A_56, %dma_start3A_57] : memref<4x128x32xf32, #tpu.memory_space<vmem>> -> memref<1x128x32xf32, #tpu.memory_space<vmem>>
      %dma_start3A_59 = tpu.memref_squeeze %dma_start3A_58 : memref<1x128x32xf32, #tpu.memory_space<vmem>> -> memref<128x32xf32, #tpu.memory_space<vmem>>
      %dma_start3A_60 = arith.constant 0 : i32
      %dma_start3A_61 = tpu.memref_slice %arg9[%dma_start3A, %dma_start3A_60] : memref<160x128xi32, #tpu.memory_space<vmem>> -> memref<1x128xi32, #tpu.memory_space<vmem>>
      %dma_start3A_62 = tpu.memref_squeeze %dma_start3A_61 : memref<1x128xi32, #tpu.memory_space<vmem>> -> memref<128xi32, #tpu.memory_space<vmem>>
      %dma_start3A_63 = arith.constant 0 : i32
      %dma_start3A_64 = arith.constant 0 : i32
      %dma_start3A_65 = tpu.memref_slice %arg2[%dma_start3A_63, %dma_start3A_64] : memref<10240x32xf32, #tpu.memory_space<hbm>> -> memref<10240x32xf32, #tpu.memory_space<hbm>>
      tpu.enqueue_indirect_dma source(%dma_start3A_65 : memref<10240x32xf32, #tpu.memory_space<hbm>>) target(%dma_start3A_59 : memref<128x32xf32, #tpu.memory_space<vmem>>) offsets(%dma_start3A_62 : memref<128xi32, #tpu.memory_space<vmem>>) semaphore(%arg15 : memref<!tpu.dma_semaphore, #tpu.memory_space<semaphore_mem>>)
    } else {
    }
    %ne3A_24 = arith.constant 0 : i32
    %ne3A_25 = arith.cmpi ne, %arg0, %ne3A_24 : i32
    %convert_element_type3A_26 = arith.extui %ne3A_25 : i1 to i32
    %cond3A_27 = arith.constant 0 : i32
    %cond3A_28 = arith.cmpi ne, %convert_element_type3A_26, %cond3A_27 : i32
    scf.if %cond3A_28 {
      %dma_start3A = arith.constant 2 : i32
      %dma_start3A_55 = arith.constant 2 : i32
      %dma_start3A_56 = arith.constant 0 : i32
      %dma_start3A_57 = arith.constant 0 : i32
      %dma_start3A_58 = tpu.memref_slice %arg11[%dma_start3A_55, %dma_start3A_56, %dma_start3A_57] : memref<4x128x32xf32, #tpu.memory_space<vmem>> -> memref<1x128x32xf32, #tpu.memory_space<vmem>>
      %dma_start3A_59 = tpu.memref_squeeze %dma_start3A_58 : memref<1x128x32xf32, #tpu.memory_space<vmem>> -> memref<128x32xf32, #tpu.memory_space<vmem>>
      %dma_start3A_60 = arith.constant 0 : i32
      %dma_start3A_61 = tpu.memref_slice %arg9[%dma_start3A, %dma_start3A_60] : memref<160x128xi32, #tpu.memory_space<vmem>> -> memref<1x128xi32, #tpu.memory_space<vmem>>
      %dma_start3A_62 = tpu.memref_squeeze %dma_start3A_61 : memref<1x128xi32, #tpu.memory_space<vmem>> -> memref<128xi32, #tpu.memory_space<vmem>>
      %dma_start3A_63 = arith.constant 0 : i32
      %dma_start3A_64 = arith.constant 0 : i32
      %dma_start3A_65 = tpu.memref_slice %arg3[%dma_start3A_63, %dma_start3A_64] : memref<10240x32xf32, #tpu.memory_space<hbm>> -> memref<10240x32xf32, #tpu.memory_space<hbm>>
      tpu.enqueue_indirect_dma source(%dma_start3A_65 : memref<10240x32xf32, #tpu.memory_space<hbm>>) target(%dma_start3A_59 : memref<128x32xf32, #tpu.memory_space<vmem>>) offsets(%dma_start3A_62 : memref<128xi32, #tpu.memory_space<vmem>>) semaphore(%arg15 : memref<!tpu.dma_semaphore, #tpu.memory_space<semaphore_mem>>)
    } else {
    }
    %eq3A_29 = arith.constant 0 : i32
    %eq3A_30 = arith.cmpi eq, %arg0, %eq3A_29 : i32
    %convert_element_type3A_31 = arith.extui %eq3A_30 : i1 to i32
    %cond3A_32 = arith.constant 0 : i32
    %cond3A_33 = arith.cmpi ne, %convert_element_type3A_31, %cond3A_32 : i32
    scf.if %cond3A_33 {
      %dma_start3A = arith.constant 3 : i32
      %dma_start3A_55 = arith.constant 3 : i32
      %dma_start3A_56 = arith.constant 0 : i32
      %dma_start3A_57 = arith.constant 0 : i32
      %dma_start3A_58 = tpu.memref_slice %arg11[%dma_start3A_55, %dma_start3A_56, %dma_start3A_57] : memref<4x128x32xf32, #tpu.memory_space<vmem>> -> memref<1x128x32xf32, #tpu.memory_space<vmem>>
      %dma_start3A_59 = tpu.memref_squeeze %dma_start3A_58 : memref<1x128x32xf32, #tpu.memory_space<vmem>> -> memref<128x32xf32, #tpu.memory_space<vmem>>
      %dma_start3A_60 = arith.constant 0 : i32
      %dma_start3A_61 = tpu.memref_slice %arg9[%dma_start3A, %dma_start3A_60] : memref<160x128xi32, #tpu.memory_space<vmem>> -> memref<1x128xi32, #tpu.memory_space<vmem>>
      %dma_start3A_62 = tpu.memref_squeeze %dma_start3A_61 : memref<1x128xi32, #tpu.memory_space<vmem>> -> memref<128xi32, #tpu.memory_space<vmem>>
      %dma_start3A_63 = arith.constant 0 : i32
      %dma_start3A_64 = arith.constant 0 : i32
      %dma_start3A_65 = tpu.memref_slice %arg2[%dma_start3A_63, %dma_start3A_64] : memref<10240x32xf32, #tpu.memory_space<hbm>> -> memref<10240x32xf32, #tpu.memory_space<hbm>>
      tpu.enqueue_indirect_dma source(%dma_start3A_65 : memref<10240x32xf32, #tpu.memory_space<hbm>>) target(%dma_start3A_59 : memref<128x32xf32, #tpu.memory_space<vmem>>) offsets(%dma_start3A_62 : memref<128xi32, #tpu.memory_space<vmem>>) semaphore(%arg16 : memref<!tpu.dma_semaphore, #tpu.memory_space<semaphore_mem>>)
    } else {
    }
    %ne3A_34 = arith.constant 0 : i32
    %ne3A_35 = arith.cmpi ne, %arg0, %ne3A_34 : i32
    %convert_element_type3A_36 = arith.extui %ne3A_35 : i1 to i32
    %cond3A_37 = arith.constant 0 : i32
    %cond3A_38 = arith.cmpi ne, %convert_element_type3A_36, %cond3A_37 : i32
    scf.if %cond3A_38 {
      %dma_start3A = arith.constant 3 : i32
      %dma_start3A_55 = arith.constant 3 : i32
      %dma_start3A_56 = arith.constant 0 : i32
      %dma_start3A_57 = arith.constant 0 : i32
      %dma_start3A_58 = tpu.memref_slice %arg11[%dma_start3A_55, %dma_start3A_56, %dma_start3A_57] : memref<4x128x32xf32, #tpu.memory_space<vmem>> -> memref<1x128x32xf32, #tpu.memory_space<vmem>>
      %dma_start3A_59 = tpu.memref_squeeze %dma_start3A_58 : memref<1x128x32xf32, #tpu.memory_space<vmem>> -> memref<128x32xf32, #tpu.memory_space<vmem>>
      %dma_start3A_60 = arith.constant 0 : i32
      %dma_start3A_61 = tpu.memref_slice %arg9[%dma_start3A, %dma_start3A_60] : memref<160x128xi32, #tpu.memory_space<vmem>> -> memref<1x128xi32, #tpu.memory_space<vmem>>
      %dma_start3A_62 = tpu.memref_squeeze %dma_start3A_61 : memref<1x128xi32, #tpu.memory_space<vmem>> -> memref<128xi32, #tpu.memory_space<vmem>>
      %dma_start3A_63 = arith.constant 0 : i32
      %dma_start3A_64 = arith.constant 0 : i32
      %dma_start3A_65 = tpu.memref_slice %arg3[%dma_start3A_63, %dma_start3A_64] : memref<10240x32xf32, #tpu.memory_space<hbm>> -> memref<10240x32xf32, #tpu.memory_space<hbm>>
      tpu.enqueue_indirect_dma source(%dma_start3A_65 : memref<10240x32xf32, #tpu.memory_space<hbm>>) target(%dma_start3A_59 : memref<128x32xf32, #tpu.memory_space<vmem>>) offsets(%dma_start3A_62 : memref<128xi32, #tpu.memory_space<vmem>>) semaphore(%arg16 : memref<!tpu.dma_semaphore, #tpu.memory_space<semaphore_mem>>)
    } else {
    }
    %barrier3A = arith.constant 0 : index
    tpu.barrier barrier_id(%barrier3A)
    %scan3A = arith.constant 0 : i32
    %scan3A_39 = arith.constant 0 : i32
    %scan3A_40 = arith.constant 40 : i32
    %scan3A_41 = arith.addi %scan3A_39, %scan3A_40 : i32
    %scan3A_42 = arith.constant 1 : i32
    scf.for %scan3A_55 = %scan3A_39 to %scan3A_41 step %scan3A_42  : i32 {
      %mul3A_56 = arith.constant 4 : i32
      %mul3A_57 = arith.muli %scan3A_55, %mul3A_56 : i32
      %add3A = arith.constant 0 : i32
      %add3A_58 = arith.addi %mul3A_57, %add3A : i32
      %dma_wait3A = arith.constant 0 : i32
      %dma_wait3A_59 = arith.constant 0 : i32
      %dma_wait3A_60 = arith.constant 0 : i32
      %dma_wait3A_61 = tpu.memref_slice %arg11[%dma_wait3A, %dma_wait3A_59, %dma_wait3A_60] : memref<4x128x32xf32, #tpu.memory_space<vmem>> -> memref<1x128x32xf32, #tpu.memory_space<vmem>>
      %dma_wait3A_62 = tpu.memref_squeeze %dma_wait3A_61 : memref<1x128x32xf32, #tpu.memory_space<vmem>> -> memref<128x32xf32, #tpu.memory_space<vmem>>
      %dma_wait3A_63 = arith.constant 0 : i32
      %dma_wait3A_64 = tpu.memref_slice %arg9[%add3A_58, %dma_wait3A_63] : memref<160x128xi32, #tpu.memory_space<vmem>> -> memref<1x128xi32, #tpu.memory_space<vmem>>
      %dma_wait3A_65 = tpu.memref_squeeze %dma_wait3A_64 : memref<1x128xi32, #tpu.memory_space<vmem>> -> memref<128xi32, #tpu.memory_space<vmem>>
      %dma_wait3A_66 = arith.constant 0 : i32
      %dma_wait3A_67 = arith.constant 0 : i32
      %dma_wait3A_68 = tpu.memref_slice %arg2[%dma_wait3A_66, %dma_wait3A_67] : memref<10240x32xf32, #tpu.memory_space<hbm>> -> memref<10240x32xf32, #tpu.memory_space<hbm>>
      tpu.wait_indirect_dma semaphore(%arg13 : memref<!tpu.dma_semaphore, #tpu.memory_space<semaphore_mem>>) src(%dma_wait3A_68 : memref<10240x32xf32, #tpu.memory_space<hbm>>) dst(%dma_wait3A_62 : memref<128x32xf32, #tpu.memory_space<vmem>>)
      %run_scoped3A = arith.constant 0 : i32
      "tpu.region"() ({
        %run_scoped3A_144 = tpu.sem_alloc : memref<!tpu.dma_semaphore, #tpu.memory_space<semaphore_mem>>
        %dma_start3A = arith.constant 0 : i32
        %dma_start3A_145 = arith.constant 0 : i32
        %dma_start3A_146 = tpu.memref_slice %arg11[%run_scoped3A, %dma_start3A, %dma_start3A_145] : memref<4x128x32xf32, #tpu.memory_space<vmem>> -> memref<1x128x32xf32, #tpu.memory_space<vmem>>
        %dma_start3A_147 = tpu.memref_squeeze %dma_start3A_146 : memref<1x128x32xf32, #tpu.memory_space<vmem>> -> memref<128x32xf32, #tpu.memory_space<vmem>>
        %dma_start3A_148 = arith.constant 0 : i32
        %dma_start3A_149 = tpu.memref_slice %arg10[%add3A_58, %dma_start3A_148] : memref<160x128xi32, #tpu.memory_space<vmem>> -> memref<1x128xi32, #tpu.memory_space<vmem>>
        %dma_start3A_150 = tpu.memref_squeeze %dma_start3A_149 : memref<1x128xi32, #tpu.memory_space<vmem>> -> memref<128xi32, #tpu.memory_space<vmem>>
        %dma_start3A_151 = arith.constant 0 : i32
        %dma_start3A_152 = arith.constant 0 : i32
        %dma_start3A_153 = tpu.memref_slice %arg12[%dma_start3A_151, %dma_start3A_152] : memref<10240x32xf32, #tpu.memory_space<vmem_shared>> -> memref<10240x32xf32, #tpu.memory_space<vmem_shared>>
        tpu.enqueue_indirect_dma source(%dma_start3A_147 : memref<128x32xf32, #tpu.memory_space<vmem>>) target(%dma_start3A_153 : memref<10240x32xf32, #tpu.memory_space<vmem_shared>>) offsets(%dma_start3A_150 : memref<128xi32, #tpu.memory_space<vmem>>) semaphore(%run_scoped3A_144 : memref<!tpu.dma_semaphore, #tpu.memory_space<semaphore_mem>>) {add = true}
        %dma_wait3A_154 = arith.constant 0 : i32
        %dma_wait3A_155 = arith.constant 0 : i32
        %dma_wait3A_156 = tpu.memref_slice %arg11[%run_scoped3A, %dma_wait3A_154, %dma_wait3A_155] : memref<4x128x32xf32, #tpu.memory_space<vmem>> -> memref<1x128x32xf32, #tpu.memory_space<vmem>>
        %dma_wait3A_157 = tpu.memref_squeeze %dma_wait3A_156 : memref<1x128x32xf32, #tpu.memory_space<vmem>> -> memref<128x32xf32, #tpu.memory_space<vmem>>
        %dma_wait3A_158 = arith.constant 0 : i32
        %dma_wait3A_159 = tpu.memref_slice %arg10[%add3A_58, %dma_wait3A_158] : memref<160x128xi32, #tpu.memory_space<vmem>> -> memref<1x128xi32, #tpu.memory_space<vmem>>
        %dma_wait3A_160 = tpu.memref_squeeze %dma_wait3A_159 : memref<1x128xi32, #tpu.memory_space<vmem>> -> memref<128xi32, #tpu.memory_space<vmem>>
        %dma_wait3A_161 = arith.constant 0 : i32
        %dma_wait3A_162 = arith.constant 0 : i32
        %dma_wait3A_163 = tpu.memref_slice %arg12[%dma_wait3A_161, %dma_wait3A_162] : memref<10240x32xf32, #tpu.memory_space<vmem_shared>> -> memref<10240x32xf32, #tpu.memory_space<vmem_shared>>
        tpu.wait_indirect_dma semaphore(%run_scoped3A_144 : memref<!tpu.dma_semaphore, #tpu.memory_space<semaphore_mem>>) src(%dma_wait3A_157 : memref<128x32xf32, #tpu.memory_space<vmem>>) dst(%dma_wait3A_163 : memref<10240x32xf32, #tpu.memory_space<vmem_shared>>)
        tpu.yield
      }) : () -> ()
      %add3A_69 = arith.constant 4 : i32
      %add3A_70 = arith.addi %add3A_58, %add3A_69 : i32
      %lt3A = arith.constant 160 : i32
      %lt3A_71 = arith.cmpi slt, %add3A_70, %lt3A : i32
      %convert_element_type3A_72 = arith.extui %lt3A_71 : i1 to i32
      %cond3A_73 = arith.constant 0 : i32
      %cond3A_74 = arith.cmpi ne, %convert_element_type3A_72, %cond3A_73 : i32
      scf.if %cond3A_74 {
        %add3A_144 = arith.constant 4 : i32
        %add3A_145 = arith.addi %add3A_58, %add3A_144 : i32
        %eq3A_146 = arith.constant 0 : i32
        %eq3A_147 = arith.cmpi eq, %arg0, %eq3A_146 : i32
        %convert_element_type3A_148 = arith.extui %eq3A_147 : i1 to i32
        %cond3A_149 = arith.constant 0 : i32
        %cond3A_150 = arith.cmpi ne, %convert_element_type3A_148, %cond3A_149 : i32
        scf.if %cond3A_150 {
          %dma_start3A = arith.constant 0 : i32
          %dma_start3A_156 = arith.constant 0 : i32
          %dma_start3A_157 = arith.constant 0 : i32
          %dma_start3A_158 = tpu.memref_slice %arg11[%dma_start3A, %dma_start3A_156, %dma_start3A_157] : memref<4x128x32xf32, #tpu.memory_space<vmem>> -> memref<1x128x32xf32, #tpu.memory_space<vmem>>
          %dma_start3A_159 = tpu.memref_squeeze %dma_start3A_158 : memref<1x128x32xf32, #tpu.memory_space<vmem>> -> memref<128x32xf32, #tpu.memory_space<vmem>>
          %dma_start3A_160 = arith.constant 0 : i32
          %dma_start3A_161 = tpu.memref_slice %arg9[%add3A_145, %dma_start3A_160] : memref<160x128xi32, #tpu.memory_space<vmem>> -> memref<1x128xi32, #tpu.memory_space<vmem>>
          %dma_start3A_162 = tpu.memref_squeeze %dma_start3A_161 : memref<1x128xi32, #tpu.memory_space<vmem>> -> memref<128xi32, #tpu.memory_space<vmem>>
          %dma_start3A_163 = arith.constant 0 : i32
          %dma_start3A_164 = arith.constant 0 : i32
          %dma_start3A_165 = tpu.memref_slice %arg2[%dma_start3A_163, %dma_start3A_164] : memref<10240x32xf32, #tpu.memory_space<hbm>> -> memref<10240x32xf32, #tpu.memory_space<hbm>>
          tpu.enqueue_indirect_dma source(%dma_start3A_165 : memref<10240x32xf32, #tpu.memory_space<hbm>>) target(%dma_start3A_159 : memref<128x32xf32, #tpu.memory_space<vmem>>) offsets(%dma_start3A_162 : memref<128xi32, #tpu.memory_space<vmem>>) semaphore(%arg13 : memref<!tpu.dma_semaphore, #tpu.memory_space<semaphore_mem>>)
        } else {
        }
        %ne3A_151 = arith.constant 0 : i32
        %ne3A_152 = arith.cmpi ne, %arg0, %ne3A_151 : i32
        %convert_element_type3A_153 = arith.extui %ne3A_152 : i1 to i32
        %cond3A_154 = arith.constant 0 : i32
        %cond3A_155 = arith.cmpi ne, %convert_element_type3A_153, %cond3A_154 : i32
        scf.if %cond3A_155 {
          %dma_start3A = arith.constant 0 : i32
          %dma_start3A_156 = arith.constant 0 : i32
          %dma_start3A_157 = arith.constant 0 : i32
          %dma_start3A_158 = tpu.memref_slice %arg11[%dma_start3A, %dma_start3A_156, %dma_start3A_157] : memref<4x128x32xf32, #tpu.memory_space<vmem>> -> memref<1x128x32xf32, #tpu.memory_space<vmem>>
          %dma_start3A_159 = tpu.memref_squeeze %dma_start3A_158 : memref<1x128x32xf32, #tpu.memory_space<vmem>> -> memref<128x32xf32, #tpu.memory_space<vmem>>
          %dma_start3A_160 = arith.constant 0 : i32
          %dma_start3A_161 = tpu.memref_slice %arg9[%add3A_145, %dma_start3A_160] : memref<160x128xi32, #tpu.memory_space<vmem>> -> memref<1x128xi32, #tpu.memory_space<vmem>>
          %dma_start3A_162 = tpu.memref_squeeze %dma_start3A_161 : memref<1x128xi32, #tpu.memory_space<vmem>> -> memref<128xi32, #tpu.memory_space<vmem>>
          %dma_start3A_163 = arith.constant 0 : i32
          %dma_start3A_164 = arith.constant 0 : i32
          %dma_start3A_165 = tpu.memref_slice %arg3[%dma_start3A_163, %dma_start3A_164] : memref<10240x32xf32, #tpu.memory_space<hbm>> -> memref<10240x32xf32, #tpu.memory_space<hbm>>
          tpu.enqueue_indirect_dma source(%dma_start3A_165 : memref<10240x32xf32, #tpu.memory_space<hbm>>) target(%dma_start3A_159 : memref<128x32xf32, #tpu.memory_space<vmem>>) offsets(%dma_start3A_162 : memref<128xi32, #tpu.memory_space<vmem>>) semaphore(%arg13 : memref<!tpu.dma_semaphore, #tpu.memory_space<semaphore_mem>>)
        } else {
        }
      } else {
      }
      %mul3A_75 = arith.constant 4 : i32
      %mul3A_76 = arith.muli %scan3A_55, %mul3A_75 : i32
      %add3A_77 = arith.constant 1 : i32
      %add3A_78 = arith.addi %mul3A_76, %add3A_77 : i32
      %dma_wait3A_79 = arith.constant 1 : i32
      %dma_wait3A_80 = arith.constant 0 : i32
      %dma_wait3A_81 = arith.constant 0 : i32
      %dma_wait3A_82 = tpu.memref_slice %arg11[%dma_wait3A_79, %dma_wait3A_80, %dma_wait3A_81] : memref<4x128x32xf32, #tpu.memory_space<vmem>> -> memref<1x128x32xf32, #tpu.memory_space<vmem>>
      %dma_wait3A_83 = tpu.memref_squeeze %dma_wait3A_82 : memref<1x128x32xf32, #tpu.memory_space<vmem>> -> memref<128x32xf32, #tpu.memory_space<vmem>>
      %dma_wait3A_84 = arith.constant 0 : i32
      %dma_wait3A_85 = tpu.memref_slice %arg9[%add3A_78, %dma_wait3A_84] : memref<160x128xi32, #tpu.memory_space<vmem>> -> memref<1x128xi32, #tpu.memory_space<vmem>>
      %dma_wait3A_86 = tpu.memref_squeeze %dma_wait3A_85 : memref<1x128xi32, #tpu.memory_space<vmem>> -> memref<128xi32, #tpu.memory_space<vmem>>
      %dma_wait3A_87 = arith.constant 0 : i32
      %dma_wait3A_88 = arith.constant 0 : i32
      %dma_wait3A_89 = tpu.memref_slice %arg2[%dma_wait3A_87, %dma_wait3A_88] : memref<10240x32xf32, #tpu.memory_space<hbm>> -> memref<10240x32xf32, #tpu.memory_space<hbm>>
      tpu.wait_indirect_dma semaphore(%arg14 : memref<!tpu.dma_semaphore, #tpu.memory_space<semaphore_mem>>) src(%dma_wait3A_89 : memref<10240x32xf32, #tpu.memory_space<hbm>>) dst(%dma_wait3A_83 : memref<128x32xf32, #tpu.memory_space<vmem>>)
      %run_scoped3A_90 = arith.constant 1 : i32
      "tpu.region"() ({
        %run_scoped3A_144 = tpu.sem_alloc : memref<!tpu.dma_semaphore, #tpu.memory_space<semaphore_mem>>
        %dma_start3A = arith.constant 0 : i32
        %dma_start3A_145 = arith.constant 0 : i32
        %dma_start3A_146 = tpu.memref_slice %arg11[%run_scoped3A_90, %dma_start3A, %dma_start3A_145] : memref<4x128x32xf32, #tpu.memory_space<vmem>> -> memref<1x128x32xf32, #tpu.memory_space<vmem>>
        %dma_start3A_147 = tpu.memref_squeeze %dma_start3A_146 : memref<1x128x32xf32, #tpu.memory_space<vmem>> -> memref<128x32xf32, #tpu.memory_space<vmem>>
        %dma_start3A_148 = arith.constant 0 : i32
        %dma_start3A_149 = tpu.memref_slice %arg10[%add3A_78, %dma_start3A_148] : memref<160x128xi32, #tpu.memory_space<vmem>> -> memref<1x128xi32, #tpu.memory_space<vmem>>
        %dma_start3A_150 = tpu.memref_squeeze %dma_start3A_149 : memref<1x128xi32, #tpu.memory_space<vmem>> -> memref<128xi32, #tpu.memory_space<vmem>>
        %dma_start3A_151 = arith.constant 0 : i32
        %dma_start3A_152 = arith.constant 0 : i32
        %dma_start3A_153 = tpu.memref_slice %arg12[%dma_start3A_151, %dma_start3A_152] : memref<10240x32xf32, #tpu.memory_space<vmem_shared>> -> memref<10240x32xf32, #tpu.memory_space<vmem_shared>>
        tpu.enqueue_indirect_dma source(%dma_start3A_147 : memref<128x32xf32, #tpu.memory_space<vmem>>) target(%dma_start3A_153 : memref<10240x32xf32, #tpu.memory_space<vmem_shared>>) offsets(%dma_start3A_150 : memref<128xi32, #tpu.memory_space<vmem>>) semaphore(%run_scoped3A_144 : memref<!tpu.dma_semaphore, #tpu.memory_space<semaphore_mem>>) {add = true}
        %dma_wait3A_154 = arith.constant 0 : i32
        %dma_wait3A_155 = arith.constant 0 : i32
        %dma_wait3A_156 = tpu.memref_slice %arg11[%run_scoped3A_90, %dma_wait3A_154, %dma_wait3A_155] : memref<4x128x32xf32, #tpu.memory_space<vmem>> -> memref<1x128x32xf32, #tpu.memory_space<vmem>>
        %dma_wait3A_157 = tpu.memref_squeeze %dma_wait3A_156 : memref<1x128x32xf32, #tpu.memory_space<vmem>> -> memref<128x32xf32, #tpu.memory_space<vmem>>
        %dma_wait3A_158 = arith.constant 0 : i32
        %dma_wait3A_159 = tpu.memref_slice %arg10[%add3A_78, %dma_wait3A_158] : memref<160x128xi32, #tpu.memory_space<vmem>> -> memref<1x128xi32, #tpu.memory_space<vmem>>
        %dma_wait3A_160 = tpu.memref_squeeze %dma_wait3A_159 : memref<1x128xi32, #tpu.memory_space<vmem>> -> memref<128xi32, #tpu.memory_space<vmem>>
        %dma_wait3A_161 = arith.constant 0 : i32
        %dma_wait3A_162 = arith.constant 0 : i32
        %dma_wait3A_163 = tpu.memref_slice %arg12[%dma_wait3A_161, %dma_wait3A_162] : memref<10240x32xf32, #tpu.memory_space<vmem_shared>> -> memref<10240x32xf32, #tpu.memory_space<vmem_shared>>
        tpu.wait_indirect_dma semaphore(%run_scoped3A_144 : memref<!tpu.dma_semaphore, #tpu.memory_space<semaphore_mem>>) src(%dma_wait3A_157 : memref<128x32xf32, #tpu.memory_space<vmem>>) dst(%dma_wait3A_163 : memref<10240x32xf32, #tpu.memory_space<vmem_shared>>)
        tpu.yield
      }) : () -> ()
      %add3A_91 = arith.constant 4 : i32
      %add3A_92 = arith.addi %add3A_78, %add3A_91 : i32
      %lt3A_93 = arith.constant 160 : i32
      %lt3A_94 = arith.cmpi slt, %add3A_92, %lt3A_93 : i32
      %convert_element_type3A_95 = arith.extui %lt3A_94 : i1 to i32
      %cond3A_96 = arith.constant 0 : i32
      %cond3A_97 = arith.cmpi ne, %convert_element_type3A_95, %cond3A_96 : i32
      scf.if %cond3A_97 {
        %add3A_144 = arith.constant 4 : i32
        %add3A_145 = arith.addi %add3A_78, %add3A_144 : i32
        %eq3A_146 = arith.constant 0 : i32
        %eq3A_147 = arith.cmpi eq, %arg0, %eq3A_146 : i32
        %convert_element_type3A_148 = arith.extui %eq3A_147 : i1 to i32
        %cond3A_149 = arith.constant 0 : i32
        %cond3A_150 = arith.cmpi ne, %convert_element_type3A_148, %cond3A_149 : i32
        scf.if %cond3A_150 {
          %dma_start3A = arith.constant 1 : i32
          %dma_start3A_156 = arith.constant 0 : i32
          %dma_start3A_157 = arith.constant 0 : i32
          %dma_start3A_158 = tpu.memref_slice %arg11[%dma_start3A, %dma_start3A_156, %dma_start3A_157] : memref<4x128x32xf32, #tpu.memory_space<vmem>> -> memref<1x128x32xf32, #tpu.memory_space<vmem>>
          %dma_start3A_159 = tpu.memref_squeeze %dma_start3A_158 : memref<1x128x32xf32, #tpu.memory_space<vmem>> -> memref<128x32xf32, #tpu.memory_space<vmem>>
          %dma_start3A_160 = arith.constant 0 : i32
          %dma_start3A_161 = tpu.memref_slice %arg9[%add3A_145, %dma_start3A_160] : memref<160x128xi32, #tpu.memory_space<vmem>> -> memref<1x128xi32, #tpu.memory_space<vmem>>
          %dma_start3A_162 = tpu.memref_squeeze %dma_start3A_161 : memref<1x128xi32, #tpu.memory_space<vmem>> -> memref<128xi32, #tpu.memory_space<vmem>>
          %dma_start3A_163 = arith.constant 0 : i32
          %dma_start3A_164 = arith.constant 0 : i32
          %dma_start3A_165 = tpu.memref_slice %arg2[%dma_start3A_163, %dma_start3A_164] : memref<10240x32xf32, #tpu.memory_space<hbm>> -> memref<10240x32xf32, #tpu.memory_space<hbm>>
          tpu.enqueue_indirect_dma source(%dma_start3A_165 : memref<10240x32xf32, #tpu.memory_space<hbm>>) target(%dma_start3A_159 : memref<128x32xf32, #tpu.memory_space<vmem>>) offsets(%dma_start3A_162 : memref<128xi32, #tpu.memory_space<vmem>>) semaphore(%arg14 : memref<!tpu.dma_semaphore, #tpu.memory_space<semaphore_mem>>)
        } else {
        }
        %ne3A_151 = arith.constant 0 : i32
        %ne3A_152 = arith.cmpi ne, %arg0, %ne3A_151 : i32
        %convert_element_type3A_153 = arith.extui %ne3A_152 : i1 to i32
        %cond3A_154 = arith.constant 0 : i32
        %cond3A_155 = arith.cmpi ne, %convert_element_type3A_153, %cond3A_154 : i32
        scf.if %cond3A_155 {
          %dma_start3A = arith.constant 1 : i32
          %dma_start3A_156 = arith.constant 0 : i32
          %dma_start3A_157 = arith.constant 0 : i32
          %dma_start3A_158 = tpu.memref_slice %arg11[%dma_start3A, %dma_start3A_156, %dma_start3A_157] : memref<4x128x32xf32, #tpu.memory_space<vmem>> -> memref<1x128x32xf32, #tpu.memory_space<vmem>>
          %dma_start3A_159 = tpu.memref_squeeze %dma_start3A_158 : memref<1x128x32xf32, #tpu.memory_space<vmem>> -> memref<128x32xf32, #tpu.memory_space<vmem>>
          %dma_start3A_160 = arith.constant 0 : i32
          %dma_start3A_161 = tpu.memref_slice %arg9[%add3A_145, %dma_start3A_160] : memref<160x128xi32, #tpu.memory_space<vmem>> -> memref<1x128xi32, #tpu.memory_space<vmem>>
          %dma_start3A_162 = tpu.memref_squeeze %dma_start3A_161 : memref<1x128xi32, #tpu.memory_space<vmem>> -> memref<128xi32, #tpu.memory_space<vmem>>
          %dma_start3A_163 = arith.constant 0 : i32
          %dma_start3A_164 = arith.constant 0 : i32
          %dma_start3A_165 = tpu.memref_slice %arg3[%dma_start3A_163, %dma_start3A_164] : memref<10240x32xf32, #tpu.memory_space<hbm>> -> memref<10240x32xf32, #tpu.memory_space<hbm>>
          tpu.enqueue_indirect_dma source(%dma_start3A_165 : memref<10240x32xf32, #tpu.memory_space<hbm>>) target(%dma_start3A_159 : memref<128x32xf32, #tpu.memory_space<vmem>>) offsets(%dma_start3A_162 : memref<128xi32, #tpu.memory_space<vmem>>) semaphore(%arg14 : memref<!tpu.dma_semaphore, #tpu.memory_space<semaphore_mem>>)
        } else {
        }
      } else {
      }
      %mul3A_98 = arith.constant 4 : i32
      %mul3A_99 = arith.muli %scan3A_55, %mul3A_98 : i32
      %add3A_100 = arith.constant 2 : i32
      %add3A_101 = arith.addi %mul3A_99, %add3A_100 : i32
      %dma_wait3A_102 = arith.constant 2 : i32
      %dma_wait3A_103 = arith.constant 0 : i32
      %dma_wait3A_104 = arith.constant 0 : i32
      %dma_wait3A_105 = tpu.memref_slice %arg11[%dma_wait3A_102, %dma_wait3A_103, %dma_wait3A_104] : memref<4x128x32xf32, #tpu.memory_space<vmem>> -> memref<1x128x32xf32, #tpu.memory_space<vmem>>
      %dma_wait3A_106 = tpu.memref_squeeze %dma_wait3A_105 : memref<1x128x32xf32, #tpu.memory_space<vmem>> -> memref<128x32xf32, #tpu.memory_space<vmem>>
      %dma_wait3A_107 = arith.constant 0 : i32
      %dma_wait3A_108 = tpu.memref_slice %arg9[%add3A_101, %dma_wait3A_107] : memref<160x128xi32, #tpu.memory_space<vmem>> -> memref<1x128xi32, #tpu.memory_space<vmem>>
      %dma_wait3A_109 = tpu.memref_squeeze %dma_wait3A_108 : memref<1x128xi32, #tpu.memory_space<vmem>> -> memref<128xi32, #tpu.memory_space<vmem>>
      %dma_wait3A_110 = arith.constant 0 : i32
      %dma_wait3A_111 = arith.constant 0 : i32
      %dma_wait3A_112 = tpu.memref_slice %arg2[%dma_wait3A_110, %dma_wait3A_111] : memref<10240x32xf32, #tpu.memory_space<hbm>> -> memref<10240x32xf32, #tpu.memory_space<hbm>>
      tpu.wait_indirect_dma semaphore(%arg15 : memref<!tpu.dma_semaphore, #tpu.memory_space<semaphore_mem>>) src(%dma_wait3A_112 : memref<10240x32xf32, #tpu.memory_space<hbm>>) dst(%dma_wait3A_106 : memref<128x32xf32, #tpu.memory_space<vmem>>)
      %run_scoped3A_113 = arith.constant 2 : i32
      "tpu.region"() ({
        %run_scoped3A_144 = tpu.sem_alloc : memref<!tpu.dma_semaphore, #tpu.memory_space<semaphore_mem>>
        %dma_start3A = arith.constant 0 : i32
        %dma_start3A_145 = arith.constant 0 : i32
        %dma_start3A_146 = tpu.memref_slice %arg11[%run_scoped3A_113, %dma_start3A, %dma_start3A_145] : memref<4x128x32xf32, #tpu.memory_space<vmem>> -> memref<1x128x32xf32, #tpu.memory_space<vmem>>
        %dma_start3A_147 = tpu.memref_squeeze %dma_start3A_146 : memref<1x128x32xf32, #tpu.memory_space<vmem>> -> memref<128x32xf32, #tpu.memory_space<vmem>>
        %dma_start3A_148 = arith.constant 0 : i32
        %dma_start3A_149 = tpu.memref_slice %arg10[%add3A_101, %dma_start3A_148] : memref<160x128xi32, #tpu.memory_space<vmem>> -> memref<1x128xi32, #tpu.memory_space<vmem>>
        %dma_start3A_150 = tpu.memref_squeeze %dma_start3A_149 : memref<1x128xi32, #tpu.memory_space<vmem>> -> memref<128xi32, #tpu.memory_space<vmem>>
        %dma_start3A_151 = arith.constant 0 : i32
        %dma_start3A_152 = arith.constant 0 : i32
        %dma_start3A_153 = tpu.memref_slice %arg12[%dma_start3A_151, %dma_start3A_152] : memref<10240x32xf32, #tpu.memory_space<vmem_shared>> -> memref<10240x32xf32, #tpu.memory_space<vmem_shared>>
        tpu.enqueue_indirect_dma source(%dma_start3A_147 : memref<128x32xf32, #tpu.memory_space<vmem>>) target(%dma_start3A_153 : memref<10240x32xf32, #tpu.memory_space<vmem_shared>>) offsets(%dma_start3A_150 : memref<128xi32, #tpu.memory_space<vmem>>) semaphore(%run_scoped3A_144 : memref<!tpu.dma_semaphore, #tpu.memory_space<semaphore_mem>>) {add = true}
        %dma_wait3A_154 = arith.constant 0 : i32
        %dma_wait3A_155 = arith.constant 0 : i32
        %dma_wait3A_156 = tpu.memref_slice %arg11[%run_scoped3A_113, %dma_wait3A_154, %dma_wait3A_155] : memref<4x128x32xf32, #tpu.memory_space<vmem>> -> memref<1x128x32xf32, #tpu.memory_space<vmem>>
        %dma_wait3A_157 = tpu.memref_squeeze %dma_wait3A_156 : memref<1x128x32xf32, #tpu.memory_space<vmem>> -> memref<128x32xf32, #tpu.memory_space<vmem>>
        %dma_wait3A_158 = arith.constant 0 : i32
        %dma_wait3A_159 = tpu.memref_slice %arg10[%add3A_101, %dma_wait3A_158] : memref<160x128xi32, #tpu.memory_space<vmem>> -> memref<1x128xi32, #tpu.memory_space<vmem>>
        %dma_wait3A_160 = tpu.memref_squeeze %dma_wait3A_159 : memref<1x128xi32, #tpu.memory_space<vmem>> -> memref<128xi32, #tpu.memory_space<vmem>>
        %dma_wait3A_161 = arith.constant 0 : i32
        %dma_wait3A_162 = arith.constant 0 : i32
        %dma_wait3A_163 = tpu.memref_slice %arg12[%dma_wait3A_161, %dma_wait3A_162] : memref<10240x32xf32, #tpu.memory_space<vmem_shared>> -> memref<10240x32xf32, #tpu.memory_space<vmem_shared>>
        tpu.wait_indirect_dma semaphore(%run_scoped3A_144 : memref<!tpu.dma_semaphore, #tpu.memory_space<semaphore_mem>>) src(%dma_wait3A_157 : memref<128x32xf32, #tpu.memory_space<vmem>>) dst(%dma_wait3A_163 : memref<10240x32xf32, #tpu.memory_space<vmem_shared>>)
        tpu.yield
      }) : () -> ()
      %add3A_114 = arith.constant 4 : i32
      %add3A_115 = arith.addi %add3A_101, %add3A_114 : i32
      %lt3A_116 = arith.constant 160 : i32
      %lt3A_117 = arith.cmpi slt, %add3A_115, %lt3A_116 : i32
      %convert_element_type3A_118 = arith.extui %lt3A_117 : i1 to i32
      %cond3A_119 = arith.constant 0 : i32
      %cond3A_120 = arith.cmpi ne, %convert_element_type3A_118, %cond3A_119 : i32
      scf.if %cond3A_120 {
        %add3A_144 = arith.constant 4 : i32
        %add3A_145 = arith.addi %add3A_101, %add3A_144 : i32
        %eq3A_146 = arith.constant 0 : i32
        %eq3A_147 = arith.cmpi eq, %arg0, %eq3A_146 : i32
        %convert_element_type3A_148 = arith.extui %eq3A_147 : i1 to i32
        %cond3A_149 = arith.constant 0 : i32
        %cond3A_150 = arith.cmpi ne, %convert_element_type3A_148, %cond3A_149 : i32
        scf.if %cond3A_150 {
          %dma_start3A = arith.constant 2 : i32
          %dma_start3A_156 = arith.constant 0 : i32
          %dma_start3A_157 = arith.constant 0 : i32
          %dma_start3A_158 = tpu.memref_slice %arg11[%dma_start3A, %dma_start3A_156, %dma_start3A_157] : memref<4x128x32xf32, #tpu.memory_space<vmem>> -> memref<1x128x32xf32, #tpu.memory_space<vmem>>
          %dma_start3A_159 = tpu.memref_squeeze %dma_start3A_158 : memref<1x128x32xf32, #tpu.memory_space<vmem>> -> memref<128x32xf32, #tpu.memory_space<vmem>>
          %dma_start3A_160 = arith.constant 0 : i32
          %dma_start3A_161 = tpu.memref_slice %arg9[%add3A_145, %dma_start3A_160] : memref<160x128xi32, #tpu.memory_space<vmem>> -> memref<1x128xi32, #tpu.memory_space<vmem>>
          %dma_start3A_162 = tpu.memref_squeeze %dma_start3A_161 : memref<1x128xi32, #tpu.memory_space<vmem>> -> memref<128xi32, #tpu.memory_space<vmem>>
          %dma_start3A_163 = arith.constant 0 : i32
          %dma_start3A_164 = arith.constant 0 : i32
          %dma_start3A_165 = tpu.memref_slice %arg2[%dma_start3A_163, %dma_start3A_164] : memref<10240x32xf32, #tpu.memory_space<hbm>> -> memref<10240x32xf32, #tpu.memory_space<hbm>>
          tpu.enqueue_indirect_dma source(%dma_start3A_165 : memref<10240x32xf32, #tpu.memory_space<hbm>>) target(%dma_start3A_159 : memref<128x32xf32, #tpu.memory_space<vmem>>) offsets(%dma_start3A_162 : memref<128xi32, #tpu.memory_space<vmem>>) semaphore(%arg15 : memref<!tpu.dma_semaphore, #tpu.memory_space<semaphore_mem>>)
        } else {
        }
        %ne3A_151 = arith.constant 0 : i32
        %ne3A_152 = arith.cmpi ne, %arg0, %ne3A_151 : i32
        %convert_element_type3A_153 = arith.extui %ne3A_152 : i1 to i32
        %cond3A_154 = arith.constant 0 : i32
        %cond3A_155 = arith.cmpi ne, %convert_element_type3A_153, %cond3A_154 : i32
        scf.if %cond3A_155 {
          %dma_start3A = arith.constant 2 : i32
          %dma_start3A_156 = arith.constant 0 : i32
          %dma_start3A_157 = arith.constant 0 : i32
          %dma_start3A_158 = tpu.memref_slice %arg11[%dma_start3A, %dma_start3A_156, %dma_start3A_157] : memref<4x128x32xf32, #tpu.memory_space<vmem>> -> memref<1x128x32xf32, #tpu.memory_space<vmem>>
          %dma_start3A_159 = tpu.memref_squeeze %dma_start3A_158 : memref<1x128x32xf32, #tpu.memory_space<vmem>> -> memref<128x32xf32, #tpu.memory_space<vmem>>
          %dma_start3A_160 = arith.constant 0 : i32
          %dma_start3A_161 = tpu.memref_slice %arg9[%add3A_145, %dma_start3A_160] : memref<160x128xi32, #tpu.memory_space<vmem>> -> memref<1x128xi32, #tpu.memory_space<vmem>>
          %dma_start3A_162 = tpu.memref_squeeze %dma_start3A_161 : memref<1x128xi32, #tpu.memory_space<vmem>> -> memref<128xi32, #tpu.memory_space<vmem>>
          %dma_start3A_163 = arith.constant 0 : i32
          %dma_start3A_164 = arith.constant 0 : i32
          %dma_start3A_165 = tpu.memref_slice %arg3[%dma_start3A_163, %dma_start3A_164] : memref<10240x32xf32, #tpu.memory_space<hbm>> -> memref<10240x32xf32, #tpu.memory_space<hbm>>
          tpu.enqueue_indirect_dma source(%dma_start3A_165 : memref<10240x32xf32, #tpu.memory_space<hbm>>) target(%dma_start3A_159 : memref<128x32xf32, #tpu.memory_space<vmem>>) offsets(%dma_start3A_162 : memref<128xi32, #tpu.memory_space<vmem>>) semaphore(%arg15 : memref<!tpu.dma_semaphore, #tpu.memory_space<semaphore_mem>>)
        } else {
        }
      } else {
      }
      %mul3A_121 = arith.constant 4 : i32
      %mul3A_122 = arith.muli %scan3A_55, %mul3A_121 : i32
      %add3A_123 = arith.constant 3 : i32
      %add3A_124 = arith.addi %mul3A_122, %add3A_123 : i32
      %dma_wait3A_125 = arith.constant 3 : i32
      %dma_wait3A_126 = arith.constant 0 : i32
      %dma_wait3A_127 = arith.constant 0 : i32
      %dma_wait3A_128 = tpu.memref_slice %arg11[%dma_wait3A_125, %dma_wait3A_126, %dma_wait3A_127] : memref<4x128x32xf32, #tpu.memory_space<vmem>> -> memref<1x128x32xf32, #tpu.memory_space<vmem>>
      %dma_wait3A_129 = tpu.memref_squeeze %dma_wait3A_128 : memref<1x128x32xf32, #tpu.memory_space<vmem>> -> memref<128x32xf32, #tpu.memory_space<vmem>>
      %dma_wait3A_130 = arith.constant 0 : i32
      %dma_wait3A_131 = tpu.memref_slice %arg9[%add3A_124, %dma_wait3A_130] : memref<160x128xi32, #tpu.memory_space<vmem>> -> memref<1x128xi32, #tpu.memory_space<vmem>>
      %dma_wait3A_132 = tpu.memref_squeeze %dma_wait3A_131 : memref<1x128xi32, #tpu.memory_space<vmem>> -> memref<128xi32, #tpu.memory_space<vmem>>
      %dma_wait3A_133 = arith.constant 0 : i32
      %dma_wait3A_134 = arith.constant 0 : i32
      %dma_wait3A_135 = tpu.memref_slice %arg2[%dma_wait3A_133, %dma_wait3A_134] : memref<10240x32xf32, #tpu.memory_space<hbm>> -> memref<10240x32xf32, #tpu.memory_space<hbm>>
      tpu.wait_indirect_dma semaphore(%arg16 : memref<!tpu.dma_semaphore, #tpu.memory_space<semaphore_mem>>) src(%dma_wait3A_135 : memref<10240x32xf32, #tpu.memory_space<hbm>>) dst(%dma_wait3A_129 : memref<128x32xf32, #tpu.memory_space<vmem>>)
      %run_scoped3A_136 = arith.constant 3 : i32
      "tpu.region"() ({
        %run_scoped3A_144 = tpu.sem_alloc : memref<!tpu.dma_semaphore, #tpu.memory_space<semaphore_mem>>
        %dma_start3A = arith.constant 0 : i32
        %dma_start3A_145 = arith.constant 0 : i32
        %dma_start3A_146 = tpu.memref_slice %arg11[%run_scoped3A_136, %dma_start3A, %dma_start3A_145] : memref<4x128x32xf32, #tpu.memory_space<vmem>> -> memref<1x128x32xf32, #tpu.memory_space<vmem>>
        %dma_start3A_147 = tpu.memref_squeeze %dma_start3A_146 : memref<1x128x32xf32, #tpu.memory_space<vmem>> -> memref<128x32xf32, #tpu.memory_space<vmem>>
        %dma_start3A_148 = arith.constant 0 : i32
        %dma_start3A_149 = tpu.memref_slice %arg10[%add3A_124, %dma_start3A_148] : memref<160x128xi32, #tpu.memory_space<vmem>> -> memref<1x128xi32, #tpu.memory_space<vmem>>
        %dma_start3A_150 = tpu.memref_squeeze %dma_start3A_149 : memref<1x128xi32, #tpu.memory_space<vmem>> -> memref<128xi32, #tpu.memory_space<vmem>>
        %dma_start3A_151 = arith.constant 0 : i32
        %dma_start3A_152 = arith.constant 0 : i32
        %dma_start3A_153 = tpu.memref_slice %arg12[%dma_start3A_151, %dma_start3A_152] : memref<10240x32xf32, #tpu.memory_space<vmem_shared>> -> memref<10240x32xf32, #tpu.memory_space<vmem_shared>>
        tpu.enqueue_indirect_dma source(%dma_start3A_147 : memref<128x32xf32, #tpu.memory_space<vmem>>) target(%dma_start3A_153 : memref<10240x32xf32, #tpu.memory_space<vmem_shared>>) offsets(%dma_start3A_150 : memref<128xi32, #tpu.memory_space<vmem>>) semaphore(%run_scoped3A_144 : memref<!tpu.dma_semaphore, #tpu.memory_space<semaphore_mem>>) {add = true}
        %dma_wait3A_154 = arith.constant 0 : i32
        %dma_wait3A_155 = arith.constant 0 : i32
        %dma_wait3A_156 = tpu.memref_slice %arg11[%run_scoped3A_136, %dma_wait3A_154, %dma_wait3A_155] : memref<4x128x32xf32, #tpu.memory_space<vmem>> -> memref<1x128x32xf32, #tpu.memory_space<vmem>>
        %dma_wait3A_157 = tpu.memref_squeeze %dma_wait3A_156 : memref<1x128x32xf32, #tpu.memory_space<vmem>> -> memref<128x32xf32, #tpu.memory_space<vmem>>
        %dma_wait3A_158 = arith.constant 0 : i32
        %dma_wait3A_159 = tpu.memref_slice %arg10[%add3A_124, %dma_wait3A_158] : memref<160x128xi32, #tpu.memory_space<vmem>> -> memref<1x128xi32, #tpu.memory_space<vmem>>
        %dma_wait3A_160 = tpu.memref_squeeze %dma_wait3A_159 : memref<1x128xi32, #tpu.memory_space<vmem>> -> memref<128xi32, #tpu.memory_space<vmem>>
        %dma_wait3A_161 = arith.constant 0 : i32
        %dma_wait3A_162 = arith.constant 0 : i32
        %dma_wait3A_163 = tpu.memref_slice %arg12[%dma_wait3A_161, %dma_wait3A_162] : memref<10240x32xf32, #tpu.memory_space<vmem_shared>> -> memref<10240x32xf32, #tpu.memory_space<vmem_shared>>
        tpu.wait_indirect_dma semaphore(%run_scoped3A_144 : memref<!tpu.dma_semaphore, #tpu.memory_space<semaphore_mem>>) src(%dma_wait3A_157 : memref<128x32xf32, #tpu.memory_space<vmem>>) dst(%dma_wait3A_163 : memref<10240x32xf32, #tpu.memory_space<vmem_shared>>)
        tpu.yield
      }) : () -> ()
      %add3A_137 = arith.constant 4 : i32
      %add3A_138 = arith.addi %add3A_124, %add3A_137 : i32
      %lt3A_139 = arith.constant 160 : i32
      %lt3A_140 = arith.cmpi slt, %add3A_138, %lt3A_139 : i32
      %convert_element_type3A_141 = arith.extui %lt3A_140 : i1 to i32
      %cond3A_142 = arith.constant 0 : i32
      %cond3A_143 = arith.cmpi ne, %convert_element_type3A_141, %cond3A_142 : i32
      scf.if %cond3A_143 {
        %add3A_144 = arith.constant 4 : i32
        %add3A_145 = arith.addi %add3A_124, %add3A_144 : i32
        %eq3A_146 = arith.constant 0 : i32
        %eq3A_147 = arith.cmpi eq, %arg0, %eq3A_146 : i32
        %convert_element_type3A_148 = arith.extui %eq3A_147 : i1 to i32
        %cond3A_149 = arith.constant 0 : i32
        %cond3A_150 = arith.cmpi ne, %convert_element_type3A_148, %cond3A_149 : i32
        scf.if %cond3A_150 {
          %dma_start3A = arith.constant 3 : i32
          %dma_start3A_156 = arith.constant 0 : i32
          %dma_start3A_157 = arith.constant 0 : i32
          %dma_start3A_158 = tpu.memref_slice %arg11[%dma_start3A, %dma_start3A_156, %dma_start3A_157] : memref<4x128x32xf32, #tpu.memory_space<vmem>> -> memref<1x128x32xf32, #tpu.memory_space<vmem>>
          %dma_start3A_159 = tpu.memref_squeeze %dma_start3A_158 : memref<1x128x32xf32, #tpu.memory_space<vmem>> -> memref<128x32xf32, #tpu.memory_space<vmem>>
          %dma_start3A_160 = arith.constant 0 : i32
          %dma_start3A_161 = tpu.memref_slice %arg9[%add3A_145, %dma_start3A_160] : memref<160x128xi32, #tpu.memory_space<vmem>> -> memref<1x128xi32, #tpu.memory_space<vmem>>
          %dma_start3A_162 = tpu.memref_squeeze %dma_start3A_161 : memref<1x128xi32, #tpu.memory_space<vmem>> -> memref<128xi32, #tpu.memory_space<vmem>>
          %dma_start3A_163 = arith.constant 0 : i32
          %dma_start3A_164 = arith.constant 0 : i32
          %dma_start3A_165 = tpu.memref_slice %arg2[%dma_start3A_163, %dma_start3A_164] : memref<10240x32xf32, #tpu.memory_space<hbm>> -> memref<10240x32xf32, #tpu.memory_space<hbm>>
          tpu.enqueue_indirect_dma source(%dma_start3A_165 : memref<10240x32xf32, #tpu.memory_space<hbm>>) target(%dma_start3A_159 : memref<128x32xf32, #tpu.memory_space<vmem>>) offsets(%dma_start3A_162 : memref<128xi32, #tpu.memory_space<vmem>>) semaphore(%arg16 : memref<!tpu.dma_semaphore, #tpu.memory_space<semaphore_mem>>)
        } else {
        }
        %ne3A_151 = arith.constant 0 : i32
        %ne3A_152 = arith.cmpi ne, %arg0, %ne3A_151 : i32
        %convert_element_type3A_153 = arith.extui %ne3A_152 : i1 to i32
        %cond3A_154 = arith.constant 0 : i32
        %cond3A_155 = arith.cmpi ne, %convert_element_type3A_153, %cond3A_154 : i32
        scf.if %cond3A_155 {
          %dma_start3A = arith.constant 3 : i32
          %dma_start3A_156 = arith.constant 0 : i32
          %dma_start3A_157 = arith.constant 0 : i32
          %dma_start3A_158 = tpu.memref_slice %arg11[%dma_start3A, %dma_start3A_156, %dma_start3A_157] : memref<4x128x32xf32, #tpu.memory_space<vmem>> -> memref<1x128x32xf32, #tpu.memory_space<vmem>>
          %dma_start3A_159 = tpu.memref_squeeze %dma_start3A_158 : memref<1x128x32xf32, #tpu.memory_space<vmem>> -> memref<128x32xf32, #tpu.memory_space<vmem>>
          %dma_start3A_160 = arith.constant 0 : i32
          %dma_start3A_161 = tpu.memref_slice %arg9[%add3A_145, %dma_start3A_160] : memref<160x128xi32, #tpu.memory_space<vmem>> -> memref<1x128xi32, #tpu.memory_space<vmem>>
          %dma_start3A_162 = tpu.memref_squeeze %dma_start3A_161 : memref<1x128xi32, #tpu.memory_space<vmem>> -> memref<128xi32, #tpu.memory_space<vmem>>
          %dma_start3A_163 = arith.constant 0 : i32
          %dma_start3A_164 = arith.constant 0 : i32
          %dma_start3A_165 = tpu.memref_slice %arg3[%dma_start3A_163, %dma_start3A_164] : memref<10240x32xf32, #tpu.memory_space<hbm>> -> memref<10240x32xf32, #tpu.memory_space<hbm>>
          tpu.enqueue_indirect_dma source(%dma_start3A_165 : memref<10240x32xf32, #tpu.memory_space<hbm>>) target(%dma_start3A_159 : memref<128x32xf32, #tpu.memory_space<vmem>>) offsets(%dma_start3A_162 : memref<128xi32, #tpu.memory_space<vmem>>) semaphore(%arg16 : memref<!tpu.dma_semaphore, #tpu.memory_space<semaphore_mem>>)
        } else {
        }
      } else {
      }
    }
    %scan3A_43 = arith.constant 40 : i32
    %barrier3A_44 = arith.constant 0 : index
    tpu.barrier barrier_id(%barrier3A_44)
    %eq3A_45 = arith.constant 0 : i32
    %eq3A_46 = arith.cmpi eq, %arg0, %eq3A_45 : i32
    %convert_element_type3A_47 = arith.extui %eq3A_46 : i1 to i32
    %cond3A_48 = arith.constant 0 : i32
    %cond3A_49 = arith.cmpi ne, %convert_element_type3A_47, %cond3A_48 : i32
    scf.if %cond3A_49 {
      %mul3A_55 = arith.constant 640 : i32
      %mul3A_56 = arith.muli %arg1, %mul3A_55 : i32
      %mul3A_57 = arith.constant 640 : i32
      %mul3A_58 = arith.muli %arg1, %mul3A_57 : i32
      "tpu.region"() ({
        %run_scoped3A = tpu.sem_alloc : memref<!tpu.dma_semaphore, #tpu.memory_space<semaphore_mem>>
        %dma_start3A = arith.constant 0 : i32
        %dma_start3A_59 = tpu.memref_slice %arg7[%mul3A_58, %dma_start3A] : memref<10240x32xf32, #tpu.memory_space<hbm>> -> memref<640x32xf32, #tpu.memory_space<hbm>>
        %dma_start3A_60 = arith.constant 0 : i32
        %dma_start3A_61 = tpu.memref_slice %arg12[%mul3A_56, %dma_start3A_60] : memref<10240x32xf32, #tpu.memory_space<vmem_shared>> -> memref<640x32xf32, #tpu.memory_space<vmem_shared>>
        tpu.enqueue_dma source(%dma_start3A_61 : memref<640x32xf32, #tpu.memory_space<vmem_shared>>) target(%dma_start3A_59 : memref<640x32xf32, #tpu.memory_space<hbm>>) target_semaphore(%run_scoped3A : memref<!tpu.dma_semaphore, #tpu.memory_space<semaphore_mem>>)
        %dma_wait3A = arith.constant 0 : i32
        %dma_wait3A_62 = tpu.memref_slice %arg7[%mul3A_58, %dma_wait3A] : memref<10240x32xf32, #tpu.memory_space<hbm>> -> memref<640x32xf32, #tpu.memory_space<hbm>>
        %dma_wait3A_63 = arith.constant 0 : i32
        %dma_wait3A_64 = tpu.memref_slice %arg12[%mul3A_56, %dma_wait3A_63] : memref<10240x32xf32, #tpu.memory_space<vmem_shared>> -> memref<640x32xf32, #tpu.memory_space<vmem_shared>>
        tpu.wait_dma2 semaphore(%run_scoped3A : memref<!tpu.dma_semaphore, #tpu.memory_space<semaphore_mem>>) src(%dma_wait3A_64 : memref<640x32xf32, #tpu.memory_space<vmem_shared>>) dst(%dma_wait3A_62 : memref<640x32xf32, #tpu.memory_space<hbm>>)
        tpu.yield
      }) : () -> ()
    } else {
    }
    %ne3A_50 = arith.constant 0 : i32
    %ne3A_51 = arith.cmpi ne, %arg0, %ne3A_50 : i32
    %convert_element_type3A_52 = arith.extui %ne3A_51 : i1 to i32
    %cond3A_53 = arith.constant 0 : i32
    %cond3A_54 = arith.cmpi ne, %convert_element_type3A_52, %cond3A_53 : i32
    scf.if %cond3A_54 {
      %mul3A_55 = arith.constant 640 : i32
      %mul3A_56 = arith.muli %arg1, %mul3A_55 : i32
      %mul3A_57 = arith.constant 640 : i32
      %mul3A_58 = arith.muli %arg1, %mul3A_57 : i32
      "tpu.region"() ({
        %run_scoped3A = tpu.sem_alloc : memref<!tpu.dma_semaphore, #tpu.memory_space<semaphore_mem>>
        %dma_start3A = arith.constant 0 : i32
        %dma_start3A_59 = tpu.memref_slice %arg8[%mul3A_58, %dma_start3A] : memref<10240x32xf32, #tpu.memory_space<hbm>> -> memref<640x32xf32, #tpu.memory_space<hbm>>
        %dma_start3A_60 = arith.constant 0 : i32
        %dma_start3A_61 = tpu.memref_slice %arg12[%mul3A_56, %dma_start3A_60] : memref<10240x32xf32, #tpu.memory_space<vmem_shared>> -> memref<640x32xf32, #tpu.memory_space<vmem_shared>>
        tpu.enqueue_dma source(%dma_start3A_61 : memref<640x32xf32, #tpu.memory_space<vmem_shared>>) target(%dma_start3A_59 : memref<640x32xf32, #tpu.memory_space<hbm>>) target_semaphore(%run_scoped3A : memref<!tpu.dma_semaphore, #tpu.memory_space<semaphore_mem>>)
        %dma_wait3A = arith.constant 0 : i32
        %dma_wait3A_62 = tpu.memref_slice %arg8[%mul3A_58, %dma_wait3A] : memref<10240x32xf32, #tpu.memory_space<hbm>> -> memref<640x32xf32, #tpu.memory_space<hbm>>
        %dma_wait3A_63 = arith.constant 0 : i32
        %dma_wait3A_64 = tpu.memref_slice %arg12[%mul3A_56, %dma_wait3A_63] : memref<10240x32xf32, #tpu.memory_space<vmem_shared>> -> memref<640x32xf32, #tpu.memory_space<vmem_shared>>
        tpu.wait_dma2 semaphore(%run_scoped3A : memref<!tpu.dma_semaphore, #tpu.memory_space<semaphore_mem>>) src(%dma_wait3A_64 : memref<640x32xf32, #tpu.memory_space<vmem_shared>>) dst(%dma_wait3A_62 : memref<640x32xf32, #tpu.memory_space<hbm>>)
        tpu.yield
      }) : () -> ()
    } else {
    }
    return
  }
}

#map = affine_map<(d0, d1) -> (0, 0, 0)>
#map1 = affine_map<(d0, d1) -> (0)>
#map2 = affine_map<(d0, d1) -> (0, 0)>
module attributes {stable_mosaic.version = 14 : i64} {
  func.func @deg_kernel(%arg0: i32, %arg1: i32, %arg2: memref<16x160x128xi32, #tpu.memory_space<hbm>>, %arg3: memref<10240xf32, #tpu.memory_space<hbm>>, %arg4: memref<2x10240xf32, #tpu.memory_space<hbm>>, %arg5: memref<80x128xi32, #tpu.memory_space<vmem>>, %arg6: memref<128xf32, #tpu.memory_space<vmem>>, %arg7: memref<10240xf32, #tpu.memory_space<vmem_shared>>) attributes {dimension_semantics = [#tpu.dimension_semantics<core_parallel>, #tpu.dimension_semantics<subcore_parallel>], iteration_bounds = array<i64: 2, 16>, scalar_prefetch = 0 : i64, scratch_operands = 3 : i64, tpu.core_type = #tpu.core_type<sc_vector_subcore>, window_params = [{transform_indices = #map}, {transform_indices = #map1}, {transform_indices = #map2}]} {
    %broadcast_in_dim3A = arith.constant 1.000000e+00 : f32
    %broadcast_in_dim3A_0 = vector.broadcast %broadcast_in_dim3A : f32 to vector<16xf32>
    %swap3A = arith.constant 0 : index
    %swap3A_1 = tpu.vector_load %arg6[%swap3A] {strides = array<i32>} : memref<128xf32, #tpu.memory_space<vmem>>, vector<16xf32>,
    %swap3A_2 = vector.shape_cast %swap3A_1 : vector<16xf32> to vector<16xf32>
    %swap3A_3 = vector.shape_cast %broadcast_in_dim3A_0 : vector<16xf32> to vector<16xf32>
    tpu.vector_store %arg6[%swap3A], %swap3A_3 {strides = array<i32>} : memref<128xf32, #tpu.memory_space<vmem>>, vector<16xf32>,
    %broadcast_in_dim3A_4 = arith.constant 1.000000e+00 : f32
    %broadcast_in_dim3A_5 = vector.broadcast %broadcast_in_dim3A_4 : f32 to vector<16xf32>
    %swap3A_6 = arith.constant 16 : index
    %swap3A_7 = tpu.vector_load %arg6[%swap3A_6] {strides = array<i32>} : memref<128xf32, #tpu.memory_space<vmem>>, vector<16xf32>,
    %swap3A_8 = vector.shape_cast %swap3A_7 : vector<16xf32> to vector<16xf32>
    %swap3A_9 = vector.shape_cast %broadcast_in_dim3A_5 : vector<16xf32> to vector<16xf32>
    tpu.vector_store %arg6[%swap3A_6], %swap3A_9 {strides = array<i32>} : memref<128xf32, #tpu.memory_space<vmem>>, vector<16xf32>,
    %broadcast_in_dim3A_10 = arith.constant 1.000000e+00 : f32
    %broadcast_in_dim3A_11 = vector.broadcast %broadcast_in_dim3A_10 : f32 to vector<16xf32>
    %swap3A_12 = arith.constant 32 : index
    %swap3A_13 = tpu.vector_load %arg6[%swap3A_12] {strides = array<i32>} : memref<128xf32, #tpu.memory_space<vmem>>, vector<16xf32>,
    %swap3A_14 = vector.shape_cast %swap3A_13 : vector<16xf32> to vector<16xf32>
    %swap3A_15 = vector.shape_cast %broadcast_in_dim3A_11 : vector<16xf32> to vector<16xf32>
    tpu.vector_store %arg6[%swap3A_12], %swap3A_15 {strides = array<i32>} : memref<128xf32, #tpu.memory_space<vmem>>, vector<16xf32>,
    %broadcast_in_dim3A_16 = arith.constant 1.000000e+00 : f32
    %broadcast_in_dim3A_17 = vector.broadcast %broadcast_in_dim3A_16 : f32 to vector<16xf32>
    %swap3A_18 = arith.constant 48 : index
    %swap3A_19 = tpu.vector_load %arg6[%swap3A_18] {strides = array<i32>} : memref<128xf32, #tpu.memory_space<vmem>>, vector<16xf32>,
    %swap3A_20 = vector.shape_cast %swap3A_19 : vector<16xf32> to vector<16xf32>
    %swap3A_21 = vector.shape_cast %broadcast_in_dim3A_17 : vector<16xf32> to vector<16xf32>
    tpu.vector_store %arg6[%swap3A_18], %swap3A_21 {strides = array<i32>} : memref<128xf32, #tpu.memory_space<vmem>>, vector<16xf32>,
    %broadcast_in_dim3A_22 = arith.constant 1.000000e+00 : f32
    %broadcast_in_dim3A_23 = vector.broadcast %broadcast_in_dim3A_22 : f32 to vector<16xf32>
    %swap3A_24 = arith.constant 64 : index
    %swap3A_25 = tpu.vector_load %arg6[%swap3A_24] {strides = array<i32>} : memref<128xf32, #tpu.memory_space<vmem>>, vector<16xf32>,
    %swap3A_26 = vector.shape_cast %swap3A_25 : vector<16xf32> to vector<16xf32>
    %swap3A_27 = vector.shape_cast %broadcast_in_dim3A_23 : vector<16xf32> to vector<16xf32>
    tpu.vector_store %arg6[%swap3A_24], %swap3A_27 {strides = array<i32>} : memref<128xf32, #tpu.memory_space<vmem>>, vector<16xf32>,
    %broadcast_in_dim3A_28 = arith.constant 1.000000e+00 : f32
    %broadcast_in_dim3A_29 = vector.broadcast %broadcast_in_dim3A_28 : f32 to vector<16xf32>
    %swap3A_30 = arith.constant 80 : index
    %swap3A_31 = tpu.vector_load %arg6[%swap3A_30] {strides = array<i32>} : memref<128xf32, #tpu.memory_space<vmem>>, vector<16xf32>,
    %swap3A_32 = vector.shape_cast %swap3A_31 : vector<16xf32> to vector<16xf32>
    %swap3A_33 = vector.shape_cast %broadcast_in_dim3A_29 : vector<16xf32> to vector<16xf32>
    tpu.vector_store %arg6[%swap3A_30], %swap3A_33 {strides = array<i32>} : memref<128xf32, #tpu.memory_space<vmem>>, vector<16xf32>,
    %broadcast_in_dim3A_34 = arith.constant 1.000000e+00 : f32
    %broadcast_in_dim3A_35 = vector.broadcast %broadcast_in_dim3A_34 : f32 to vector<16xf32>
    %swap3A_36 = arith.constant 96 : index
    %swap3A_37 = tpu.vector_load %arg6[%swap3A_36] {strides = array<i32>} : memref<128xf32, #tpu.memory_space<vmem>>, vector<16xf32>,
    %swap3A_38 = vector.shape_cast %swap3A_37 : vector<16xf32> to vector<16xf32>
    %swap3A_39 = vector.shape_cast %broadcast_in_dim3A_35 : vector<16xf32> to vector<16xf32>
    tpu.vector_store %arg6[%swap3A_36], %swap3A_39 {strides = array<i32>} : memref<128xf32, #tpu.memory_space<vmem>>, vector<16xf32>,
    %broadcast_in_dim3A_40 = arith.constant 1.000000e+00 : f32
    %broadcast_in_dim3A_41 = vector.broadcast %broadcast_in_dim3A_40 : f32 to vector<16xf32>
    %swap3A_42 = arith.constant 112 : index
    %swap3A_43 = tpu.vector_load %arg6[%swap3A_42] {strides = array<i32>} : memref<128xf32, #tpu.memory_space<vmem>>, vector<16xf32>,
    %swap3A_44 = vector.shape_cast %swap3A_43 : vector<16xf32> to vector<16xf32>
    %swap3A_45 = vector.shape_cast %broadcast_in_dim3A_41 : vector<16xf32> to vector<16xf32>
    tpu.vector_store %arg6[%swap3A_42], %swap3A_45 {strides = array<i32>} : memref<128xf32, #tpu.memory_space<vmem>>, vector<16xf32>,
    %mul3A = arith.constant 80 : i32
    %mul3A_46 = arith.muli %arg0, %mul3A : i32
    "tpu.region"() ({
      %run_scoped3A = tpu.sem_alloc : memref<!tpu.dma_semaphore, #tpu.memory_space<semaphore_mem>>
      %dma_start3A = arith.constant 0 : i32
      %dma_start3A_61 = tpu.memref_slice %arg2[%arg1, %mul3A_46, %dma_start3A] : memref<16x160x128xi32, #tpu.memory_space<hbm>> -> memref<1x80x128xi32, #tpu.memory_space<hbm>>
      %dma_start3A_62 = tpu.memref_squeeze %dma_start3A_61 : memref<1x80x128xi32, #tpu.memory_space<hbm>> -> memref<80x128xi32, #tpu.memory_space<hbm>>
      %dma_start3A_63 = arith.constant 0 : i32
      %dma_start3A_64 = tpu.memref_slice %arg2[%arg1, %mul3A_46, %dma_start3A_63] : memref<16x160x128xi32, #tpu.memory_space<hbm>> -> memref<1x80x128xi32, #tpu.memory_space<hbm>>
      %dma_start3A_65 = tpu.memref_squeeze %dma_start3A_64 : memref<1x80x128xi32, #tpu.memory_space<hbm>> -> memref<80x128xi32, #tpu.memory_space<hbm>>
      tpu.enqueue_dma source(%dma_start3A_65 : memref<80x128xi32, #tpu.memory_space<hbm>>) target(%arg5 : memref<80x128xi32, #tpu.memory_space<vmem>>) target_semaphore(%run_scoped3A : memref<!tpu.dma_semaphore, #tpu.memory_space<semaphore_mem>>)
      %dma_wait3A = arith.constant 0 : i32
      %dma_wait3A_66 = tpu.memref_slice %arg2[%arg1, %mul3A_46, %dma_wait3A] : memref<16x160x128xi32, #tpu.memory_space<hbm>> -> memref<1x80x128xi32, #tpu.memory_space<hbm>>
      %dma_wait3A_67 = tpu.memref_squeeze %dma_wait3A_66 : memref<1x80x128xi32, #tpu.memory_space<hbm>> -> memref<80x128xi32, #tpu.memory_space<hbm>>
      %dma_wait3A_68 = arith.constant 0 : i32
      %dma_wait3A_69 = tpu.memref_slice %arg2[%arg1, %mul3A_46, %dma_wait3A_68] : memref<16x160x128xi32, #tpu.memory_space<hbm>> -> memref<1x80x128xi32, #tpu.memory_space<hbm>>
      %dma_wait3A_70 = tpu.memref_squeeze %dma_wait3A_69 : memref<1x80x128xi32, #tpu.memory_space<hbm>> -> memref<80x128xi32, #tpu.memory_space<hbm>>
      tpu.wait_dma2 semaphore(%run_scoped3A : memref<!tpu.dma_semaphore, #tpu.memory_space<semaphore_mem>>) src(%dma_wait3A_70 : memref<80x128xi32, #tpu.memory_space<hbm>>) dst(%arg5 : memref<80x128xi32, #tpu.memory_space<vmem>>)
      tpu.yield
    }) : () -> ()
    %mul3A_47 = arith.constant 640 : i32
    %mul3A_48 = arith.muli %arg1, %mul3A_47 : i32
    %mul3A_49 = arith.constant 640 : i32
    %mul3A_50 = arith.muli %arg1, %mul3A_49 : i32
    "tpu.region"() ({
      %run_scoped3A = tpu.sem_alloc : memref<!tpu.dma_semaphore, #tpu.memory_space<semaphore_mem>>
      %dma_start3A = tpu.memref_slice %arg7[%mul3A_50] : memref<10240xf32, #tpu.memory_space<vmem_shared>> -> memref<640xf32, #tpu.memory_space<vmem_shared>>
      %dma_start3A_61 = tpu.memref_slice %arg3[%mul3A_48] : memref<10240xf32, #tpu.memory_space<hbm>> -> memref<640xf32, #tpu.memory_space<hbm>>
      tpu.enqueue_dma source(%dma_start3A_61 : memref<640xf32, #tpu.memory_space<hbm>>) target(%dma_start3A : memref<640xf32, #tpu.memory_space<vmem_shared>>) target_semaphore(%run_scoped3A : memref<!tpu.dma_semaphore, #tpu.memory_space<semaphore_mem>>)
      %dma_wait3A = tpu.memref_slice %arg7[%mul3A_50] : memref<10240xf32, #tpu.memory_space<vmem_shared>> -> memref<640xf32, #tpu.memory_space<vmem_shared>>
      %dma_wait3A_62 = tpu.memref_slice %arg3[%mul3A_48] : memref<10240xf32, #tpu.memory_space<hbm>> -> memref<640xf32, #tpu.memory_space<hbm>>
      tpu.wait_dma2 semaphore(%run_scoped3A : memref<!tpu.dma_semaphore, #tpu.memory_space<semaphore_mem>>) src(%dma_wait3A_62 : memref<640xf32, #tpu.memory_space<hbm>>) dst(%dma_wait3A : memref<640xf32, #tpu.memory_space<vmem_shared>>)
      tpu.yield
    }) : () -> ()
    %barrier3A = arith.constant 0 : index
    tpu.barrier barrier_id(%barrier3A)
    %scan3A = arith.constant 0 : i32
    %scan3A_51 = arith.constant 0 : i32
    %scan3A_52 = arith.constant 80 : i32
    %scan3A_53 = arith.addi %scan3A_51, %scan3A_52 : i32
    %scan3A_54 = arith.constant 1 : i32
    scf.for %scan3A_61 = %scan3A_51 to %scan3A_53 step %scan3A_54  : i32 {
      "tpu.region"() ({
        %run_scoped3A = tpu.sem_alloc : memref<!tpu.dma_semaphore, #tpu.memory_space<semaphore_mem>>
        %dma_start3A = arith.constant 0 : i32
        %dma_start3A_62 = tpu.memref_slice %arg5[%scan3A_61, %dma_start3A] : memref<80x128xi32, #tpu.memory_space<vmem>> -> memref<1x128xi32, #tpu.memory_space<vmem>>
        %dma_start3A_63 = tpu.memref_squeeze %dma_start3A_62 : memref<1x128xi32, #tpu.memory_space<vmem>> -> memref<128xi32, #tpu.memory_space<vmem>>
        %dma_start3A_64 = arith.constant 0 : i32
        %dma_start3A_65 = tpu.memref_slice %arg7[%dma_start3A_64] : memref<10240xf32, #tpu.memory_space<vmem_shared>> -> memref<10240xf32, #tpu.memory_space<vmem_shared>>
        tpu.enqueue_indirect_dma source(%arg6 : memref<128xf32, #tpu.memory_space<vmem>>) target(%dma_start3A_65 : memref<10240xf32, #tpu.memory_space<vmem_shared>>) offsets(%dma_start3A_63 : memref<128xi32, #tpu.memory_space<vmem>>) semaphore(%run_scoped3A : memref<!tpu.dma_semaphore, #tpu.memory_space<semaphore_mem>>) {add = true}
        %dma_wait3A = arith.constant 0 : i32
        %dma_wait3A_66 = tpu.memref_slice %arg5[%scan3A_61, %dma_wait3A] : memref<80x128xi32, #tpu.memory_space<vmem>> -> memref<1x128xi32, #tpu.memory_space<vmem>>
        %dma_wait3A_67 = tpu.memref_squeeze %dma_wait3A_66 : memref<1x128xi32, #tpu.memory_space<vmem>> -> memref<128xi32, #tpu.memory_space<vmem>>
        %dma_wait3A_68 = arith.constant 0 : i32
        %dma_wait3A_69 = tpu.memref_slice %arg7[%dma_wait3A_68] : memref<10240xf32, #tpu.memory_space<vmem_shared>> -> memref<10240xf32, #tpu.memory_space<vmem_shared>>
        tpu.wait_indirect_dma semaphore(%run_scoped3A : memref<!tpu.dma_semaphore, #tpu.memory_space<semaphore_mem>>) src(%arg6 : memref<128xf32, #tpu.memory_space<vmem>>) dst(%dma_wait3A_69 : memref<10240xf32, #tpu.memory_space<vmem_shared>>)
        tpu.yield
      }) : () -> ()
    }
    %scan3A_55 = arith.constant 80 : i32
    %barrier3A_56 = arith.constant 0 : index
    tpu.barrier barrier_id(%barrier3A_56)
    %mul3A_57 = arith.constant 640 : i32
    %mul3A_58 = arith.muli %arg1, %mul3A_57 : i32
    %mul3A_59 = arith.constant 640 : i32
    %mul3A_60 = arith.muli %arg1, %mul3A_59 : i32
    "tpu.region"() ({
      %run_scoped3A = tpu.sem_alloc : memref<!tpu.dma_semaphore, #tpu.memory_space<semaphore_mem>>
      %dma_start3A = tpu.memref_slice %arg4[%arg0, %mul3A_60] : memref<2x10240xf32, #tpu.memory_space<hbm>> -> memref<1x640xf32, #tpu.memory_space<hbm>>
      %dma_start3A_61 = tpu.memref_squeeze %dma_start3A : memref<1x640xf32, #tpu.memory_space<hbm>> -> memref<640xf32, #tpu.memory_space<hbm>>
      %dma_start3A_62 = tpu.memref_slice %arg7[%mul3A_58] : memref<10240xf32, #tpu.memory_space<vmem_shared>> -> memref<640xf32, #tpu.memory_space<vmem_shared>>
      tpu.enqueue_dma source(%dma_start3A_62 : memref<640xf32, #tpu.memory_space<vmem_shared>>) target(%dma_start3A_61 : memref<640xf32, #tpu.memory_space<hbm>>) target_semaphore(%run_scoped3A : memref<!tpu.dma_semaphore, #tpu.memory_space<semaphore_mem>>)
      %dma_wait3A = tpu.memref_slice %arg4[%arg0, %mul3A_60] : memref<2x10240xf32, #tpu.memory_space<hbm>> -> memref<1x640xf32, #tpu.memory_space<hbm>>
      %dma_wait3A_63 = tpu.memref_squeeze %dma_wait3A : memref<1x640xf32, #tpu.memory_space<hbm>> -> memref<640xf32, #tpu.memory_space<hbm>>
      %dma_wait3A_64 = tpu.memref_slice %arg7[%mul3A_58] : memref<10240xf32, #tpu.memory_space<vmem_shared>> -> memref<640xf32, #tpu.memory_space<vmem_shared>>
      tpu.wait_dma2 semaphore(%run_scoped3A : memref<!tpu.dma_semaphore, #tpu.memory_space<semaphore_mem>>) src(%dma_wait3A_64 : memref<640xf32, #tpu.memory_space<vmem_shared>>) dst(%dma_wait3A_63 : memref<640xf32, #tpu.memory_space<hbm>>)
      tpu.yield
    }) : () -> ()
    return
  }
}

#map = affine_map<(d0, d1) -> (0, 0)>
#map1 = affine_map<(d0, d1) -> (0, 0, 0)>
module attributes {stable_mosaic.version = 14 : i64} {
  func.func @scatter_kernel(%arg0: i32, %arg1: i32, %arg2: memref<10240x64xf32, #tpu.memory_space<hbm>>, %arg3: memref<10240x64xf32, #tpu.memory_space<hbm>>, %arg4: memref<16x160x128xi32, #tpu.memory_space<hbm>>, %arg5: memref<16x160x128xi32, #tpu.memory_space<hbm>>, %arg6: memref<10240x64xf32, #tpu.memory_space<hbm>>, %arg7: memref<10240x64xf32, #tpu.memory_space<hbm>>, %arg8: memref<10240x64xf32, #tpu.memory_space<hbm>>, %arg9: memref<160x128xi32, #tpu.memory_space<vmem>>, %arg10: memref<160x128xi32, #tpu.memory_space<vmem>>, %arg11: memref<4x128x64xf32, #tpu.memory_space<vmem>>, %arg12: memref<10240x64xf32, #tpu.memory_space<vmem_shared>>, %arg13: memref<!tpu.dma_semaphore, #tpu.memory_space<semaphore_mem>>, %arg14: memref<!tpu.dma_semaphore, #tpu.memory_space<semaphore_mem>>, %arg15: memref<!tpu.dma_semaphore, #tpu.memory_space<semaphore_mem>>, %arg16: memref<!tpu.dma_semaphore, #tpu.memory_space<semaphore_mem>>, %arg17: memref<!tpu.dma_semaphore, #tpu.memory_space<semaphore_mem>>, %arg18: memref<!tpu.dma_semaphore, #tpu.memory_space<semaphore_mem>>, %arg19: memref<!tpu.dma_semaphore, #tpu.memory_space<semaphore_mem>>, %arg20: memref<!tpu.dma_semaphore, #tpu.memory_space<semaphore_mem>>) attributes {dimension_semantics = [#tpu.dimension_semantics<core_parallel>, #tpu.dimension_semantics<subcore_parallel>], iteration_bounds = array<i64: 2, 16>, scalar_prefetch = 0 : i64, scratch_operands = 12 : i64, tpu.core_type = #tpu.core_type<sc_vector_subcore>, window_params = [{transform_indices = #map}, {transform_indices = #map}, {transform_indices = #map1}, {transform_indices = #map1}, {transform_indices = #map}, {transform_indices = #map}, {transform_indices = #map}]} {
    "tpu.region"() ({
      %run_scoped3A = tpu.sem_alloc : memref<!tpu.dma_semaphore, #tpu.memory_space<semaphore_mem>>
      %dma_start3A = arith.constant 0 : i32
      %dma_start3A_55 = arith.constant 0 : i32
      %dma_start3A_56 = tpu.memref_slice %arg4[%arg1, %dma_start3A, %dma_start3A_55] : memref<16x160x128xi32, #tpu.memory_space<hbm>> -> memref<1x160x128xi32, #tpu.memory_space<hbm>>
      %dma_start3A_57 = tpu.memref_squeeze %dma_start3A_56 : memref<1x160x128xi32, #tpu.memory_space<hbm>> -> memref<160x128xi32, #tpu.memory_space<hbm>>
      %dma_start3A_58 = arith.constant 0 : i32
      %dma_start3A_59 = arith.constant 0 : i32
      %dma_start3A_60 = tpu.memref_slice %arg4[%arg1, %dma_start3A_58, %dma_start3A_59] : memref<16x160x128xi32, #tpu.memory_space<hbm>> -> memref<1x160x128xi32, #tpu.memory_space<hbm>>
      %dma_start3A_61 = tpu.memref_squeeze %dma_start3A_60 : memref<1x160x128xi32, #tpu.memory_space<hbm>> -> memref<160x128xi32, #tpu.memory_space<hbm>>
      tpu.enqueue_dma source(%dma_start3A_61 : memref<160x128xi32, #tpu.memory_space<hbm>>) target(%arg9 : memref<160x128xi32, #tpu.memory_space<vmem>>) target_semaphore(%run_scoped3A : memref<!tpu.dma_semaphore, #tpu.memory_space<semaphore_mem>>)
      %dma_wait3A = arith.constant 0 : i32
      %dma_wait3A_62 = arith.constant 0 : i32
      %dma_wait3A_63 = tpu.memref_slice %arg4[%arg1, %dma_wait3A, %dma_wait3A_62] : memref<16x160x128xi32, #tpu.memory_space<hbm>> -> memref<1x160x128xi32, #tpu.memory_space<hbm>>
      %dma_wait3A_64 = tpu.memref_squeeze %dma_wait3A_63 : memref<1x160x128xi32, #tpu.memory_space<hbm>> -> memref<160x128xi32, #tpu.memory_space<hbm>>
      %dma_wait3A_65 = arith.constant 0 : i32
      %dma_wait3A_66 = arith.constant 0 : i32
      %dma_wait3A_67 = tpu.memref_slice %arg4[%arg1, %dma_wait3A_65, %dma_wait3A_66] : memref<16x160x128xi32, #tpu.memory_space<hbm>> -> memref<1x160x128xi32, #tpu.memory_space<hbm>>
      %dma_wait3A_68 = tpu.memref_squeeze %dma_wait3A_67 : memref<1x160x128xi32, #tpu.memory_space<hbm>> -> memref<160x128xi32, #tpu.memory_space<hbm>>
      tpu.wait_dma2 semaphore(%run_scoped3A : memref<!tpu.dma_semaphore, #tpu.memory_space<semaphore_mem>>) src(%dma_wait3A_68 : memref<160x128xi32, #tpu.memory_space<hbm>>) dst(%arg9 : memref<160x128xi32, #tpu.memory_space<vmem>>)
      tpu.yield
    }) : () -> ()
    "tpu.region"() ({
      %run_scoped3A = tpu.sem_alloc : memref<!tpu.dma_semaphore, #tpu.memory_space<semaphore_mem>>
      %dma_start3A = arith.constant 0 : i32
      %dma_start3A_55 = arith.constant 0 : i32
      %dma_start3A_56 = tpu.memref_slice %arg5[%arg1, %dma_start3A, %dma_start3A_55] : memref<16x160x128xi32, #tpu.memory_space<hbm>> -> memref<1x160x128xi32, #tpu.memory_space<hbm>>
      %dma_start3A_57 = tpu.memref_squeeze %dma_start3A_56 : memref<1x160x128xi32, #tpu.memory_space<hbm>> -> memref<160x128xi32, #tpu.memory_space<hbm>>
      %dma_start3A_58 = arith.constant 0 : i32
      %dma_start3A_59 = arith.constant 0 : i32
      %dma_start3A_60 = tpu.memref_slice %arg5[%arg1, %dma_start3A_58, %dma_start3A_59] : memref<16x160x128xi32, #tpu.memory_space<hbm>> -> memref<1x160x128xi32, #tpu.memory_space<hbm>>
      %dma_start3A_61 = tpu.memref_squeeze %dma_start3A_60 : memref<1x160x128xi32, #tpu.memory_space<hbm>> -> memref<160x128xi32, #tpu.memory_space<hbm>>
      tpu.enqueue_dma source(%dma_start3A_61 : memref<160x128xi32, #tpu.memory_space<hbm>>) target(%arg10 : memref<160x128xi32, #tpu.memory_space<vmem>>) target_semaphore(%run_scoped3A : memref<!tpu.dma_semaphore, #tpu.memory_space<semaphore_mem>>)
      %dma_wait3A = arith.constant 0 : i32
      %dma_wait3A_62 = arith.constant 0 : i32
      %dma_wait3A_63 = tpu.memref_slice %arg5[%arg1, %dma_wait3A, %dma_wait3A_62] : memref<16x160x128xi32, #tpu.memory_space<hbm>> -> memref<1x160x128xi32, #tpu.memory_space<hbm>>
      %dma_wait3A_64 = tpu.memref_squeeze %dma_wait3A_63 : memref<1x160x128xi32, #tpu.memory_space<hbm>> -> memref<160x128xi32, #tpu.memory_space<hbm>>
      %dma_wait3A_65 = arith.constant 0 : i32
      %dma_wait3A_66 = arith.constant 0 : i32
      %dma_wait3A_67 = tpu.memref_slice %arg5[%arg1, %dma_wait3A_65, %dma_wait3A_66] : memref<16x160x128xi32, #tpu.memory_space<hbm>> -> memref<1x160x128xi32, #tpu.memory_space<hbm>>
      %dma_wait3A_68 = tpu.memref_squeeze %dma_wait3A_67 : memref<1x160x128xi32, #tpu.memory_space<hbm>> -> memref<160x128xi32, #tpu.memory_space<hbm>>
      tpu.wait_dma2 semaphore(%run_scoped3A : memref<!tpu.dma_semaphore, #tpu.memory_space<semaphore_mem>>) src(%dma_wait3A_68 : memref<160x128xi32, #tpu.memory_space<hbm>>) dst(%arg10 : memref<160x128xi32, #tpu.memory_space<vmem>>)
      tpu.yield
    }) : () -> ()
    %mul3A = arith.constant 640 : i32
    %mul3A_0 = arith.muli %arg1, %mul3A : i32
    %mul3A_1 = arith.constant 640 : i32
    %mul3A_2 = arith.muli %arg1, %mul3A_1 : i32
    "tpu.region"() ({
      %run_scoped3A = tpu.sem_alloc : memref<!tpu.dma_semaphore, #tpu.memory_space<semaphore_mem>>
      %dma_start3A = arith.constant 0 : i32
      %dma_start3A_55 = tpu.memref_slice %arg12[%mul3A_2, %dma_start3A] : memref<10240x64xf32, #tpu.memory_space<vmem_shared>> -> memref<640x64xf32, #tpu.memory_space<vmem_shared>>
      %dma_start3A_56 = arith.constant 0 : i32
      %dma_start3A_57 = tpu.memref_slice %arg6[%mul3A_0, %dma_start3A_56] : memref<10240x64xf32, #tpu.memory_space<hbm>> -> memref<640x64xf32, #tpu.memory_space<hbm>>
      tpu.enqueue_dma source(%dma_start3A_57 : memref<640x64xf32, #tpu.memory_space<hbm>>) target(%dma_start3A_55 : memref<640x64xf32, #tpu.memory_space<vmem_shared>>) target_semaphore(%run_scoped3A : memref<!tpu.dma_semaphore, #tpu.memory_space<semaphore_mem>>)
      %dma_wait3A = arith.constant 0 : i32
      %dma_wait3A_58 = tpu.memref_slice %arg12[%mul3A_2, %dma_wait3A] : memref<10240x64xf32, #tpu.memory_space<vmem_shared>> -> memref<640x64xf32, #tpu.memory_space<vmem_shared>>
      %dma_wait3A_59 = arith.constant 0 : i32
      %dma_wait3A_60 = tpu.memref_slice %arg6[%mul3A_0, %dma_wait3A_59] : memref<10240x64xf32, #tpu.memory_space<hbm>> -> memref<640x64xf32, #tpu.memory_space<hbm>>
      tpu.wait_dma2 semaphore(%run_scoped3A : memref<!tpu.dma_semaphore, #tpu.memory_space<semaphore_mem>>) src(%dma_wait3A_60 : memref<640x64xf32, #tpu.memory_space<hbm>>) dst(%dma_wait3A_58 : memref<640x64xf32, #tpu.memory_space<vmem_shared>>)
      tpu.yield
    }) : () -> ()
    %eq3A = arith.constant 0 : i32
    %eq3A_3 = arith.cmpi eq, %arg0, %eq3A : i32
    %convert_element_type3A = arith.extui %eq3A_3 : i1 to i32
    %cond3A = arith.constant 0 : i32
    %cond3A_4 = arith.cmpi ne, %convert_element_type3A, %cond3A : i32
    scf.if %cond3A_4 {
      %dma_start3A = arith.constant 0 : i32
      %dma_start3A_55 = arith.constant 0 : i32
      %dma_start3A_56 = arith.constant 0 : i32
      %dma_start3A_57 = arith.constant 0 : i32
      %dma_start3A_58 = tpu.memref_slice %arg11[%dma_start3A_55, %dma_start3A_56, %dma_start3A_57] : memref<4x128x64xf32, #tpu.memory_space<vmem>> -> memref<1x128x64xf32, #tpu.memory_space<vmem>>
      %dma_start3A_59 = tpu.memref_squeeze %dma_start3A_58 : memref<1x128x64xf32, #tpu.memory_space<vmem>> -> memref<128x64xf32, #tpu.memory_space<vmem>>
      %dma_start3A_60 = arith.constant 0 : i32
      %dma_start3A_61 = tpu.memref_slice %arg9[%dma_start3A, %dma_start3A_60] : memref<160x128xi32, #tpu.memory_space<vmem>> -> memref<1x128xi32, #tpu.memory_space<vmem>>
      %dma_start3A_62 = tpu.memref_squeeze %dma_start3A_61 : memref<1x128xi32, #tpu.memory_space<vmem>> -> memref<128xi32, #tpu.memory_space<vmem>>
      %dma_start3A_63 = arith.constant 0 : i32
      %dma_start3A_64 = arith.constant 0 : i32
      %dma_start3A_65 = tpu.memref_slice %arg2[%dma_start3A_63, %dma_start3A_64] : memref<10240x64xf32, #tpu.memory_space<hbm>> -> memref<10240x64xf32, #tpu.memory_space<hbm>>
      tpu.enqueue_indirect_dma source(%dma_start3A_65 : memref<10240x64xf32, #tpu.memory_space<hbm>>) target(%dma_start3A_59 : memref<128x64xf32, #tpu.memory_space<vmem>>) offsets(%dma_start3A_62 : memref<128xi32, #tpu.memory_space<vmem>>) semaphore(%arg13 : memref<!tpu.dma_semaphore, #tpu.memory_space<semaphore_mem>>)
    } else {
    }
    %ne3A = arith.constant 0 : i32
    %ne3A_5 = arith.cmpi ne, %arg0, %ne3A : i32
    %convert_element_type3A_6 = arith.extui %ne3A_5 : i1 to i32
    %cond3A_7 = arith.constant 0 : i32
    %cond3A_8 = arith.cmpi ne, %convert_element_type3A_6, %cond3A_7 : i32
    scf.if %cond3A_8 {
      %dma_start3A = arith.constant 0 : i32
      %dma_start3A_55 = arith.constant 0 : i32
      %dma_start3A_56 = arith.constant 0 : i32
      %dma_start3A_57 = arith.constant 0 : i32
      %dma_start3A_58 = tpu.memref_slice %arg11[%dma_start3A_55, %dma_start3A_56, %dma_start3A_57] : memref<4x128x64xf32, #tpu.memory_space<vmem>> -> memref<1x128x64xf32, #tpu.memory_space<vmem>>
      %dma_start3A_59 = tpu.memref_squeeze %dma_start3A_58 : memref<1x128x64xf32, #tpu.memory_space<vmem>> -> memref<128x64xf32, #tpu.memory_space<vmem>>
      %dma_start3A_60 = arith.constant 0 : i32
      %dma_start3A_61 = tpu.memref_slice %arg9[%dma_start3A, %dma_start3A_60] : memref<160x128xi32, #tpu.memory_space<vmem>> -> memref<1x128xi32, #tpu.memory_space<vmem>>
      %dma_start3A_62 = tpu.memref_squeeze %dma_start3A_61 : memref<1x128xi32, #tpu.memory_space<vmem>> -> memref<128xi32, #tpu.memory_space<vmem>>
      %dma_start3A_63 = arith.constant 0 : i32
      %dma_start3A_64 = arith.constant 0 : i32
      %dma_start3A_65 = tpu.memref_slice %arg3[%dma_start3A_63, %dma_start3A_64] : memref<10240x64xf32, #tpu.memory_space<hbm>> -> memref<10240x64xf32, #tpu.memory_space<hbm>>
      tpu.enqueue_indirect_dma source(%dma_start3A_65 : memref<10240x64xf32, #tpu.memory_space<hbm>>) target(%dma_start3A_59 : memref<128x64xf32, #tpu.memory_space<vmem>>) offsets(%dma_start3A_62 : memref<128xi32, #tpu.memory_space<vmem>>) semaphore(%arg13 : memref<!tpu.dma_semaphore, #tpu.memory_space<semaphore_mem>>)
    } else {
    }
    %eq3A_9 = arith.constant 0 : i32
    %eq3A_10 = arith.cmpi eq, %arg0, %eq3A_9 : i32
    %convert_element_type3A_11 = arith.extui %eq3A_10 : i1 to i32
    %cond3A_12 = arith.constant 0 : i32
    %cond3A_13 = arith.cmpi ne, %convert_element_type3A_11, %cond3A_12 : i32
    scf.if %cond3A_13 {
      %dma_start3A = arith.constant 1 : i32
      %dma_start3A_55 = arith.constant 1 : i32
      %dma_start3A_56 = arith.constant 0 : i32
      %dma_start3A_57 = arith.constant 0 : i32
      %dma_start3A_58 = tpu.memref_slice %arg11[%dma_start3A_55, %dma_start3A_56, %dma_start3A_57] : memref<4x128x64xf32, #tpu.memory_space<vmem>> -> memref<1x128x64xf32, #tpu.memory_space<vmem>>
      %dma_start3A_59 = tpu.memref_squeeze %dma_start3A_58 : memref<1x128x64xf32, #tpu.memory_space<vmem>> -> memref<128x64xf32, #tpu.memory_space<vmem>>
      %dma_start3A_60 = arith.constant 0 : i32
      %dma_start3A_61 = tpu.memref_slice %arg9[%dma_start3A, %dma_start3A_60] : memref<160x128xi32, #tpu.memory_space<vmem>> -> memref<1x128xi32, #tpu.memory_space<vmem>>
      %dma_start3A_62 = tpu.memref_squeeze %dma_start3A_61 : memref<1x128xi32, #tpu.memory_space<vmem>> -> memref<128xi32, #tpu.memory_space<vmem>>
      %dma_start3A_63 = arith.constant 0 : i32
      %dma_start3A_64 = arith.constant 0 : i32
      %dma_start3A_65 = tpu.memref_slice %arg2[%dma_start3A_63, %dma_start3A_64] : memref<10240x64xf32, #tpu.memory_space<hbm>> -> memref<10240x64xf32, #tpu.memory_space<hbm>>
      tpu.enqueue_indirect_dma source(%dma_start3A_65 : memref<10240x64xf32, #tpu.memory_space<hbm>>) target(%dma_start3A_59 : memref<128x64xf32, #tpu.memory_space<vmem>>) offsets(%dma_start3A_62 : memref<128xi32, #tpu.memory_space<vmem>>) semaphore(%arg14 : memref<!tpu.dma_semaphore, #tpu.memory_space<semaphore_mem>>)
    } else {
    }
    %ne3A_14 = arith.constant 0 : i32
    %ne3A_15 = arith.cmpi ne, %arg0, %ne3A_14 : i32
    %convert_element_type3A_16 = arith.extui %ne3A_15 : i1 to i32
    %cond3A_17 = arith.constant 0 : i32
    %cond3A_18 = arith.cmpi ne, %convert_element_type3A_16, %cond3A_17 : i32
    scf.if %cond3A_18 {
      %dma_start3A = arith.constant 1 : i32
      %dma_start3A_55 = arith.constant 1 : i32
      %dma_start3A_56 = arith.constant 0 : i32
      %dma_start3A_57 = arith.constant 0 : i32
      %dma_start3A_58 = tpu.memref_slice %arg11[%dma_start3A_55, %dma_start3A_56, %dma_start3A_57] : memref<4x128x64xf32, #tpu.memory_space<vmem>> -> memref<1x128x64xf32, #tpu.memory_space<vmem>>
      %dma_start3A_59 = tpu.memref_squeeze %dma_start3A_58 : memref<1x128x64xf32, #tpu.memory_space<vmem>> -> memref<128x64xf32, #tpu.memory_space<vmem>>
      %dma_start3A_60 = arith.constant 0 : i32
      %dma_start3A_61 = tpu.memref_slice %arg9[%dma_start3A, %dma_start3A_60] : memref<160x128xi32, #tpu.memory_space<vmem>> -> memref<1x128xi32, #tpu.memory_space<vmem>>
      %dma_start3A_62 = tpu.memref_squeeze %dma_start3A_61 : memref<1x128xi32, #tpu.memory_space<vmem>> -> memref<128xi32, #tpu.memory_space<vmem>>
      %dma_start3A_63 = arith.constant 0 : i32
      %dma_start3A_64 = arith.constant 0 : i32
      %dma_start3A_65 = tpu.memref_slice %arg3[%dma_start3A_63, %dma_start3A_64] : memref<10240x64xf32, #tpu.memory_space<hbm>> -> memref<10240x64xf32, #tpu.memory_space<hbm>>
      tpu.enqueue_indirect_dma source(%dma_start3A_65 : memref<10240x64xf32, #tpu.memory_space<hbm>>) target(%dma_start3A_59 : memref<128x64xf32, #tpu.memory_space<vmem>>) offsets(%dma_start3A_62 : memref<128xi32, #tpu.memory_space<vmem>>) semaphore(%arg14 : memref<!tpu.dma_semaphore, #tpu.memory_space<semaphore_mem>>)
    } else {
    }
    %eq3A_19 = arith.constant 0 : i32
    %eq3A_20 = arith.cmpi eq, %arg0, %eq3A_19 : i32
    %convert_element_type3A_21 = arith.extui %eq3A_20 : i1 to i32
    %cond3A_22 = arith.constant 0 : i32
    %cond3A_23 = arith.cmpi ne, %convert_element_type3A_21, %cond3A_22 : i32
    scf.if %cond3A_23 {
      %dma_start3A = arith.constant 2 : i32
      %dma_start3A_55 = arith.constant 2 : i32
      %dma_start3A_56 = arith.constant 0 : i32
      %dma_start3A_57 = arith.constant 0 : i32
      %dma_start3A_58 = tpu.memref_slice %arg11[%dma_start3A_55, %dma_start3A_56, %dma_start3A_57] : memref<4x128x64xf32, #tpu.memory_space<vmem>> -> memref<1x128x64xf32, #tpu.memory_space<vmem>>
      %dma_start3A_59 = tpu.memref_squeeze %dma_start3A_58 : memref<1x128x64xf32, #tpu.memory_space<vmem>> -> memref<128x64xf32, #tpu.memory_space<vmem>>
      %dma_start3A_60 = arith.constant 0 : i32
      %dma_start3A_61 = tpu.memref_slice %arg9[%dma_start3A, %dma_start3A_60] : memref<160x128xi32, #tpu.memory_space<vmem>> -> memref<1x128xi32, #tpu.memory_space<vmem>>
      %dma_start3A_62 = tpu.memref_squeeze %dma_start3A_61 : memref<1x128xi32, #tpu.memory_space<vmem>> -> memref<128xi32, #tpu.memory_space<vmem>>
      %dma_start3A_63 = arith.constant 0 : i32
      %dma_start3A_64 = arith.constant 0 : i32
      %dma_start3A_65 = tpu.memref_slice %arg2[%dma_start3A_63, %dma_start3A_64] : memref<10240x64xf32, #tpu.memory_space<hbm>> -> memref<10240x64xf32, #tpu.memory_space<hbm>>
      tpu.enqueue_indirect_dma source(%dma_start3A_65 : memref<10240x64xf32, #tpu.memory_space<hbm>>) target(%dma_start3A_59 : memref<128x64xf32, #tpu.memory_space<vmem>>) offsets(%dma_start3A_62 : memref<128xi32, #tpu.memory_space<vmem>>) semaphore(%arg15 : memref<!tpu.dma_semaphore, #tpu.memory_space<semaphore_mem>>)
    } else {
    }
    %ne3A_24 = arith.constant 0 : i32
    %ne3A_25 = arith.cmpi ne, %arg0, %ne3A_24 : i32
    %convert_element_type3A_26 = arith.extui %ne3A_25 : i1 to i32
    %cond3A_27 = arith.constant 0 : i32
    %cond3A_28 = arith.cmpi ne, %convert_element_type3A_26, %cond3A_27 : i32
    scf.if %cond3A_28 {
      %dma_start3A = arith.constant 2 : i32
      %dma_start3A_55 = arith.constant 2 : i32
      %dma_start3A_56 = arith.constant 0 : i32
      %dma_start3A_57 = arith.constant 0 : i32
      %dma_start3A_58 = tpu.memref_slice %arg11[%dma_start3A_55, %dma_start3A_56, %dma_start3A_57] : memref<4x128x64xf32, #tpu.memory_space<vmem>> -> memref<1x128x64xf32, #tpu.memory_space<vmem>>
      %dma_start3A_59 = tpu.memref_squeeze %dma_start3A_58 : memref<1x128x64xf32, #tpu.memory_space<vmem>> -> memref<128x64xf32, #tpu.memory_space<vmem>>
      %dma_start3A_60 = arith.constant 0 : i32
      %dma_start3A_61 = tpu.memref_slice %arg9[%dma_start3A, %dma_start3A_60] : memref<160x128xi32, #tpu.memory_space<vmem>> -> memref<1x128xi32, #tpu.memory_space<vmem>>
      %dma_start3A_62 = tpu.memref_squeeze %dma_start3A_61 : memref<1x128xi32, #tpu.memory_space<vmem>> -> memref<128xi32, #tpu.memory_space<vmem>>
      %dma_start3A_63 = arith.constant 0 : i32
      %dma_start3A_64 = arith.constant 0 : i32
      %dma_start3A_65 = tpu.memref_slice %arg3[%dma_start3A_63, %dma_start3A_64] : memref<10240x64xf32, #tpu.memory_space<hbm>> -> memref<10240x64xf32, #tpu.memory_space<hbm>>
      tpu.enqueue_indirect_dma source(%dma_start3A_65 : memref<10240x64xf32, #tpu.memory_space<hbm>>) target(%dma_start3A_59 : memref<128x64xf32, #tpu.memory_space<vmem>>) offsets(%dma_start3A_62 : memref<128xi32, #tpu.memory_space<vmem>>) semaphore(%arg15 : memref<!tpu.dma_semaphore, #tpu.memory_space<semaphore_mem>>)
    } else {
    }
    %eq3A_29 = arith.constant 0 : i32
    %eq3A_30 = arith.cmpi eq, %arg0, %eq3A_29 : i32
    %convert_element_type3A_31 = arith.extui %eq3A_30 : i1 to i32
    %cond3A_32 = arith.constant 0 : i32
    %cond3A_33 = arith.cmpi ne, %convert_element_type3A_31, %cond3A_32 : i32
    scf.if %cond3A_33 {
      %dma_start3A = arith.constant 3 : i32
      %dma_start3A_55 = arith.constant 3 : i32
      %dma_start3A_56 = arith.constant 0 : i32
      %dma_start3A_57 = arith.constant 0 : i32
      %dma_start3A_58 = tpu.memref_slice %arg11[%dma_start3A_55, %dma_start3A_56, %dma_start3A_57] : memref<4x128x64xf32, #tpu.memory_space<vmem>> -> memref<1x128x64xf32, #tpu.memory_space<vmem>>
      %dma_start3A_59 = tpu.memref_squeeze %dma_start3A_58 : memref<1x128x64xf32, #tpu.memory_space<vmem>> -> memref<128x64xf32, #tpu.memory_space<vmem>>
      %dma_start3A_60 = arith.constant 0 : i32
      %dma_start3A_61 = tpu.memref_slice %arg9[%dma_start3A, %dma_start3A_60] : memref<160x128xi32, #tpu.memory_space<vmem>> -> memref<1x128xi32, #tpu.memory_space<vmem>>
      %dma_start3A_62 = tpu.memref_squeeze %dma_start3A_61 : memref<1x128xi32, #tpu.memory_space<vmem>> -> memref<128xi32, #tpu.memory_space<vmem>>
      %dma_start3A_63 = arith.constant 0 : i32
      %dma_start3A_64 = arith.constant 0 : i32
      %dma_start3A_65 = tpu.memref_slice %arg2[%dma_start3A_63, %dma_start3A_64] : memref<10240x64xf32, #tpu.memory_space<hbm>> -> memref<10240x64xf32, #tpu.memory_space<hbm>>
      tpu.enqueue_indirect_dma source(%dma_start3A_65 : memref<10240x64xf32, #tpu.memory_space<hbm>>) target(%dma_start3A_59 : memref<128x64xf32, #tpu.memory_space<vmem>>) offsets(%dma_start3A_62 : memref<128xi32, #tpu.memory_space<vmem>>) semaphore(%arg16 : memref<!tpu.dma_semaphore, #tpu.memory_space<semaphore_mem>>)
    } else {
    }
    %ne3A_34 = arith.constant 0 : i32
    %ne3A_35 = arith.cmpi ne, %arg0, %ne3A_34 : i32
    %convert_element_type3A_36 = arith.extui %ne3A_35 : i1 to i32
    %cond3A_37 = arith.constant 0 : i32
    %cond3A_38 = arith.cmpi ne, %convert_element_type3A_36, %cond3A_37 : i32
    scf.if %cond3A_38 {
      %dma_start3A = arith.constant 3 : i32
      %dma_start3A_55 = arith.constant 3 : i32
      %dma_start3A_56 = arith.constant 0 : i32
      %dma_start3A_57 = arith.constant 0 : i32
      %dma_start3A_58 = tpu.memref_slice %arg11[%dma_start3A_55, %dma_start3A_56, %dma_start3A_57] : memref<4x128x64xf32, #tpu.memory_space<vmem>> -> memref<1x128x64xf32, #tpu.memory_space<vmem>>
      %dma_start3A_59 = tpu.memref_squeeze %dma_start3A_58 : memref<1x128x64xf32, #tpu.memory_space<vmem>> -> memref<128x64xf32, #tpu.memory_space<vmem>>
      %dma_start3A_60 = arith.constant 0 : i32
      %dma_start3A_61 = tpu.memref_slice %arg9[%dma_start3A, %dma_start3A_60] : memref<160x128xi32, #tpu.memory_space<vmem>> -> memref<1x128xi32, #tpu.memory_space<vmem>>
      %dma_start3A_62 = tpu.memref_squeeze %dma_start3A_61 : memref<1x128xi32, #tpu.memory_space<vmem>> -> memref<128xi32, #tpu.memory_space<vmem>>
      %dma_start3A_63 = arith.constant 0 : i32
      %dma_start3A_64 = arith.constant 0 : i32
      %dma_start3A_65 = tpu.memref_slice %arg3[%dma_start3A_63, %dma_start3A_64] : memref<10240x64xf32, #tpu.memory_space<hbm>> -> memref<10240x64xf32, #tpu.memory_space<hbm>>
      tpu.enqueue_indirect_dma source(%dma_start3A_65 : memref<10240x64xf32, #tpu.memory_space<hbm>>) target(%dma_start3A_59 : memref<128x64xf32, #tpu.memory_space<vmem>>) offsets(%dma_start3A_62 : memref<128xi32, #tpu.memory_space<vmem>>) semaphore(%arg16 : memref<!tpu.dma_semaphore, #tpu.memory_space<semaphore_mem>>)
    } else {
    }
    %barrier3A = arith.constant 0 : index
    tpu.barrier barrier_id(%barrier3A)
    %scan3A = arith.constant 0 : i32
    %scan3A_39 = arith.constant 0 : i32
    %scan3A_40 = arith.constant 40 : i32
    %scan3A_41 = arith.addi %scan3A_39, %scan3A_40 : i32
    %scan3A_42 = arith.constant 1 : i32
    scf.for %scan3A_55 = %scan3A_39 to %scan3A_41 step %scan3A_42  : i32 {
      %mul3A_56 = arith.constant 4 : i32
      %mul3A_57 = arith.muli %scan3A_55, %mul3A_56 : i32
      %add3A = arith.constant 0 : i32
      %add3A_58 = arith.addi %mul3A_57, %add3A : i32
      %dma_wait3A = arith.constant 0 : i32
      %dma_wait3A_59 = arith.constant 0 : i32
      %dma_wait3A_60 = arith.constant 0 : i32
      %dma_wait3A_61 = tpu.memref_slice %arg11[%dma_wait3A, %dma_wait3A_59, %dma_wait3A_60] : memref<4x128x64xf32, #tpu.memory_space<vmem>> -> memref<1x128x64xf32, #tpu.memory_space<vmem>>
      %dma_wait3A_62 = tpu.memref_squeeze %dma_wait3A_61 : memref<1x128x64xf32, #tpu.memory_space<vmem>> -> memref<128x64xf32, #tpu.memory_space<vmem>>
      %dma_wait3A_63 = arith.constant 0 : i32
      %dma_wait3A_64 = tpu.memref_slice %arg9[%add3A_58, %dma_wait3A_63] : memref<160x128xi32, #tpu.memory_space<vmem>> -> memref<1x128xi32, #tpu.memory_space<vmem>>
      %dma_wait3A_65 = tpu.memref_squeeze %dma_wait3A_64 : memref<1x128xi32, #tpu.memory_space<vmem>> -> memref<128xi32, #tpu.memory_space<vmem>>
      %dma_wait3A_66 = arith.constant 0 : i32
      %dma_wait3A_67 = arith.constant 0 : i32
      %dma_wait3A_68 = tpu.memref_slice %arg2[%dma_wait3A_66, %dma_wait3A_67] : memref<10240x64xf32, #tpu.memory_space<hbm>> -> memref<10240x64xf32, #tpu.memory_space<hbm>>
      tpu.wait_indirect_dma semaphore(%arg13 : memref<!tpu.dma_semaphore, #tpu.memory_space<semaphore_mem>>) src(%dma_wait3A_68 : memref<10240x64xf32, #tpu.memory_space<hbm>>) dst(%dma_wait3A_62 : memref<128x64xf32, #tpu.memory_space<vmem>>)
      %run_scoped3A = arith.constant 0 : i32
      "tpu.region"() ({
        %run_scoped3A_144 = tpu.sem_alloc : memref<!tpu.dma_semaphore, #tpu.memory_space<semaphore_mem>>
        %dma_start3A = arith.constant 0 : i32
        %dma_start3A_145 = arith.constant 0 : i32
        %dma_start3A_146 = tpu.memref_slice %arg11[%run_scoped3A, %dma_start3A, %dma_start3A_145] : memref<4x128x64xf32, #tpu.memory_space<vmem>> -> memref<1x128x64xf32, #tpu.memory_space<vmem>>
        %dma_start3A_147 = tpu.memref_squeeze %dma_start3A_146 : memref<1x128x64xf32, #tpu.memory_space<vmem>> -> memref<128x64xf32, #tpu.memory_space<vmem>>
        %dma_start3A_148 = arith.constant 0 : i32
        %dma_start3A_149 = tpu.memref_slice %arg10[%add3A_58, %dma_start3A_148] : memref<160x128xi32, #tpu.memory_space<vmem>> -> memref<1x128xi32, #tpu.memory_space<vmem>>
        %dma_start3A_150 = tpu.memref_squeeze %dma_start3A_149 : memref<1x128xi32, #tpu.memory_space<vmem>> -> memref<128xi32, #tpu.memory_space<vmem>>
        %dma_start3A_151 = arith.constant 0 : i32
        %dma_start3A_152 = arith.constant 0 : i32
        %dma_start3A_153 = tpu.memref_slice %arg12[%dma_start3A_151, %dma_start3A_152] : memref<10240x64xf32, #tpu.memory_space<vmem_shared>> -> memref<10240x64xf32, #tpu.memory_space<vmem_shared>>
        tpu.enqueue_indirect_dma source(%dma_start3A_147 : memref<128x64xf32, #tpu.memory_space<vmem>>) target(%dma_start3A_153 : memref<10240x64xf32, #tpu.memory_space<vmem_shared>>) offsets(%dma_start3A_150 : memref<128xi32, #tpu.memory_space<vmem>>) semaphore(%run_scoped3A_144 : memref<!tpu.dma_semaphore, #tpu.memory_space<semaphore_mem>>) {add = true}
        %dma_wait3A_154 = arith.constant 0 : i32
        %dma_wait3A_155 = arith.constant 0 : i32
        %dma_wait3A_156 = tpu.memref_slice %arg11[%run_scoped3A, %dma_wait3A_154, %dma_wait3A_155] : memref<4x128x64xf32, #tpu.memory_space<vmem>> -> memref<1x128x64xf32, #tpu.memory_space<vmem>>
        %dma_wait3A_157 = tpu.memref_squeeze %dma_wait3A_156 : memref<1x128x64xf32, #tpu.memory_space<vmem>> -> memref<128x64xf32, #tpu.memory_space<vmem>>
        %dma_wait3A_158 = arith.constant 0 : i32
        %dma_wait3A_159 = tpu.memref_slice %arg10[%add3A_58, %dma_wait3A_158] : memref<160x128xi32, #tpu.memory_space<vmem>> -> memref<1x128xi32, #tpu.memory_space<vmem>>
        %dma_wait3A_160 = tpu.memref_squeeze %dma_wait3A_159 : memref<1x128xi32, #tpu.memory_space<vmem>> -> memref<128xi32, #tpu.memory_space<vmem>>
        %dma_wait3A_161 = arith.constant 0 : i32
        %dma_wait3A_162 = arith.constant 0 : i32
        %dma_wait3A_163 = tpu.memref_slice %arg12[%dma_wait3A_161, %dma_wait3A_162] : memref<10240x64xf32, #tpu.memory_space<vmem_shared>> -> memref<10240x64xf32, #tpu.memory_space<vmem_shared>>
        tpu.wait_indirect_dma semaphore(%run_scoped3A_144 : memref<!tpu.dma_semaphore, #tpu.memory_space<semaphore_mem>>) src(%dma_wait3A_157 : memref<128x64xf32, #tpu.memory_space<vmem>>) dst(%dma_wait3A_163 : memref<10240x64xf32, #tpu.memory_space<vmem_shared>>)
        tpu.yield
      }) : () -> ()
      %add3A_69 = arith.constant 4 : i32
      %add3A_70 = arith.addi %add3A_58, %add3A_69 : i32
      %lt3A = arith.constant 160 : i32
      %lt3A_71 = arith.cmpi slt, %add3A_70, %lt3A : i32
      %convert_element_type3A_72 = arith.extui %lt3A_71 : i1 to i32
      %cond3A_73 = arith.constant 0 : i32
      %cond3A_74 = arith.cmpi ne, %convert_element_type3A_72, %cond3A_73 : i32
      scf.if %cond3A_74 {
        %add3A_144 = arith.constant 4 : i32
        %add3A_145 = arith.addi %add3A_58, %add3A_144 : i32
        %eq3A_146 = arith.constant 0 : i32
        %eq3A_147 = arith.cmpi eq, %arg0, %eq3A_146 : i32
        %convert_element_type3A_148 = arith.extui %eq3A_147 : i1 to i32
        %cond3A_149 = arith.constant 0 : i32
        %cond3A_150 = arith.cmpi ne, %convert_element_type3A_148, %cond3A_149 : i32
        scf.if %cond3A_150 {
          %dma_start3A = arith.constant 0 : i32
          %dma_start3A_156 = arith.constant 0 : i32
          %dma_start3A_157 = arith.constant 0 : i32
          %dma_start3A_158 = tpu.memref_slice %arg11[%dma_start3A, %dma_start3A_156, %dma_start3A_157] : memref<4x128x64xf32, #tpu.memory_space<vmem>> -> memref<1x128x64xf32, #tpu.memory_space<vmem>>
          %dma_start3A_159 = tpu.memref_squeeze %dma_start3A_158 : memref<1x128x64xf32, #tpu.memory_space<vmem>> -> memref<128x64xf32, #tpu.memory_space<vmem>>
          %dma_start3A_160 = arith.constant 0 : i32
          %dma_start3A_161 = tpu.memref_slice %arg9[%add3A_145, %dma_start3A_160] : memref<160x128xi32, #tpu.memory_space<vmem>> -> memref<1x128xi32, #tpu.memory_space<vmem>>
          %dma_start3A_162 = tpu.memref_squeeze %dma_start3A_161 : memref<1x128xi32, #tpu.memory_space<vmem>> -> memref<128xi32, #tpu.memory_space<vmem>>
          %dma_start3A_163 = arith.constant 0 : i32
          %dma_start3A_164 = arith.constant 0 : i32
          %dma_start3A_165 = tpu.memref_slice %arg2[%dma_start3A_163, %dma_start3A_164] : memref<10240x64xf32, #tpu.memory_space<hbm>> -> memref<10240x64xf32, #tpu.memory_space<hbm>>
          tpu.enqueue_indirect_dma source(%dma_start3A_165 : memref<10240x64xf32, #tpu.memory_space<hbm>>) target(%dma_start3A_159 : memref<128x64xf32, #tpu.memory_space<vmem>>) offsets(%dma_start3A_162 : memref<128xi32, #tpu.memory_space<vmem>>) semaphore(%arg13 : memref<!tpu.dma_semaphore, #tpu.memory_space<semaphore_mem>>)
        } else {
        }
        %ne3A_151 = arith.constant 0 : i32
        %ne3A_152 = arith.cmpi ne, %arg0, %ne3A_151 : i32
        %convert_element_type3A_153 = arith.extui %ne3A_152 : i1 to i32
        %cond3A_154 = arith.constant 0 : i32
        %cond3A_155 = arith.cmpi ne, %convert_element_type3A_153, %cond3A_154 : i32
        scf.if %cond3A_155 {
          %dma_start3A = arith.constant 0 : i32
          %dma_start3A_156 = arith.constant 0 : i32
          %dma_start3A_157 = arith.constant 0 : i32
          %dma_start3A_158 = tpu.memref_slice %arg11[%dma_start3A, %dma_start3A_156, %dma_start3A_157] : memref<4x128x64xf32, #tpu.memory_space<vmem>> -> memref<1x128x64xf32, #tpu.memory_space<vmem>>
          %dma_start3A_159 = tpu.memref_squeeze %dma_start3A_158 : memref<1x128x64xf32, #tpu.memory_space<vmem>> -> memref<128x64xf32, #tpu.memory_space<vmem>>
          %dma_start3A_160 = arith.constant 0 : i32
          %dma_start3A_161 = tpu.memref_slice %arg9[%add3A_145, %dma_start3A_160] : memref<160x128xi32, #tpu.memory_space<vmem>> -> memref<1x128xi32, #tpu.memory_space<vmem>>
          %dma_start3A_162 = tpu.memref_squeeze %dma_start3A_161 : memref<1x128xi32, #tpu.memory_space<vmem>> -> memref<128xi32, #tpu.memory_space<vmem>>
          %dma_start3A_163 = arith.constant 0 : i32
          %dma_start3A_164 = arith.constant 0 : i32
          %dma_start3A_165 = tpu.memref_slice %arg3[%dma_start3A_163, %dma_start3A_164] : memref<10240x64xf32, #tpu.memory_space<hbm>> -> memref<10240x64xf32, #tpu.memory_space<hbm>>
          tpu.enqueue_indirect_dma source(%dma_start3A_165 : memref<10240x64xf32, #tpu.memory_space<hbm>>) target(%dma_start3A_159 : memref<128x64xf32, #tpu.memory_space<vmem>>) offsets(%dma_start3A_162 : memref<128xi32, #tpu.memory_space<vmem>>) semaphore(%arg13 : memref<!tpu.dma_semaphore, #tpu.memory_space<semaphore_mem>>)
        } else {
        }
      } else {
      }
      %mul3A_75 = arith.constant 4 : i32
      %mul3A_76 = arith.muli %scan3A_55, %mul3A_75 : i32
      %add3A_77 = arith.constant 1 : i32
      %add3A_78 = arith.addi %mul3A_76, %add3A_77 : i32
      %dma_wait3A_79 = arith.constant 1 : i32
      %dma_wait3A_80 = arith.constant 0 : i32
      %dma_wait3A_81 = arith.constant 0 : i32
      %dma_wait3A_82 = tpu.memref_slice %arg11[%dma_wait3A_79, %dma_wait3A_80, %dma_wait3A_81] : memref<4x128x64xf32, #tpu.memory_space<vmem>> -> memref<1x128x64xf32, #tpu.memory_space<vmem>>
      %dma_wait3A_83 = tpu.memref_squeeze %dma_wait3A_82 : memref<1x128x64xf32, #tpu.memory_space<vmem>> -> memref<128x64xf32, #tpu.memory_space<vmem>>
      %dma_wait3A_84 = arith.constant 0 : i32
      %dma_wait3A_85 = tpu.memref_slice %arg9[%add3A_78, %dma_wait3A_84] : memref<160x128xi32, #tpu.memory_space<vmem>> -> memref<1x128xi32, #tpu.memory_space<vmem>>
      %dma_wait3A_86 = tpu.memref_squeeze %dma_wait3A_85 : memref<1x128xi32, #tpu.memory_space<vmem>> -> memref<128xi32, #tpu.memory_space<vmem>>
      %dma_wait3A_87 = arith.constant 0 : i32
      %dma_wait3A_88 = arith.constant 0 : i32
      %dma_wait3A_89 = tpu.memref_slice %arg2[%dma_wait3A_87, %dma_wait3A_88] : memref<10240x64xf32, #tpu.memory_space<hbm>> -> memref<10240x64xf32, #tpu.memory_space<hbm>>
      tpu.wait_indirect_dma semaphore(%arg14 : memref<!tpu.dma_semaphore, #tpu.memory_space<semaphore_mem>>) src(%dma_wait3A_89 : memref<10240x64xf32, #tpu.memory_space<hbm>>) dst(%dma_wait3A_83 : memref<128x64xf32, #tpu.memory_space<vmem>>)
      %run_scoped3A_90 = arith.constant 1 : i32
      "tpu.region"() ({
        %run_scoped3A_144 = tpu.sem_alloc : memref<!tpu.dma_semaphore, #tpu.memory_space<semaphore_mem>>
        %dma_start3A = arith.constant 0 : i32
        %dma_start3A_145 = arith.constant 0 : i32
        %dma_start3A_146 = tpu.memref_slice %arg11[%run_scoped3A_90, %dma_start3A, %dma_start3A_145] : memref<4x128x64xf32, #tpu.memory_space<vmem>> -> memref<1x128x64xf32, #tpu.memory_space<vmem>>
        %dma_start3A_147 = tpu.memref_squeeze %dma_start3A_146 : memref<1x128x64xf32, #tpu.memory_space<vmem>> -> memref<128x64xf32, #tpu.memory_space<vmem>>
        %dma_start3A_148 = arith.constant 0 : i32
        %dma_start3A_149 = tpu.memref_slice %arg10[%add3A_78, %dma_start3A_148] : memref<160x128xi32, #tpu.memory_space<vmem>> -> memref<1x128xi32, #tpu.memory_space<vmem>>
        %dma_start3A_150 = tpu.memref_squeeze %dma_start3A_149 : memref<1x128xi32, #tpu.memory_space<vmem>> -> memref<128xi32, #tpu.memory_space<vmem>>
        %dma_start3A_151 = arith.constant 0 : i32
        %dma_start3A_152 = arith.constant 0 : i32
        %dma_start3A_153 = tpu.memref_slice %arg12[%dma_start3A_151, %dma_start3A_152] : memref<10240x64xf32, #tpu.memory_space<vmem_shared>> -> memref<10240x64xf32, #tpu.memory_space<vmem_shared>>
        tpu.enqueue_indirect_dma source(%dma_start3A_147 : memref<128x64xf32, #tpu.memory_space<vmem>>) target(%dma_start3A_153 : memref<10240x64xf32, #tpu.memory_space<vmem_shared>>) offsets(%dma_start3A_150 : memref<128xi32, #tpu.memory_space<vmem>>) semaphore(%run_scoped3A_144 : memref<!tpu.dma_semaphore, #tpu.memory_space<semaphore_mem>>) {add = true}
        %dma_wait3A_154 = arith.constant 0 : i32
        %dma_wait3A_155 = arith.constant 0 : i32
        %dma_wait3A_156 = tpu.memref_slice %arg11[%run_scoped3A_90, %dma_wait3A_154, %dma_wait3A_155] : memref<4x128x64xf32, #tpu.memory_space<vmem>> -> memref<1x128x64xf32, #tpu.memory_space<vmem>>
        %dma_wait3A_157 = tpu.memref_squeeze %dma_wait3A_156 : memref<1x128x64xf32, #tpu.memory_space<vmem>> -> memref<128x64xf32, #tpu.memory_space<vmem>>
        %dma_wait3A_158 = arith.constant 0 : i32
        %dma_wait3A_159 = tpu.memref_slice %arg10[%add3A_78, %dma_wait3A_158] : memref<160x128xi32, #tpu.memory_space<vmem>> -> memref<1x128xi32, #tpu.memory_space<vmem>>
        %dma_wait3A_160 = tpu.memref_squeeze %dma_wait3A_159 : memref<1x128xi32, #tpu.memory_space<vmem>> -> memref<128xi32, #tpu.memory_space<vmem>>
        %dma_wait3A_161 = arith.constant 0 : i32
        %dma_wait3A_162 = arith.constant 0 : i32
        %dma_wait3A_163 = tpu.memref_slice %arg12[%dma_wait3A_161, %dma_wait3A_162] : memref<10240x64xf32, #tpu.memory_space<vmem_shared>> -> memref<10240x64xf32, #tpu.memory_space<vmem_shared>>
        tpu.wait_indirect_dma semaphore(%run_scoped3A_144 : memref<!tpu.dma_semaphore, #tpu.memory_space<semaphore_mem>>) src(%dma_wait3A_157 : memref<128x64xf32, #tpu.memory_space<vmem>>) dst(%dma_wait3A_163 : memref<10240x64xf32, #tpu.memory_space<vmem_shared>>)
        tpu.yield
      }) : () -> ()
      %add3A_91 = arith.constant 4 : i32
      %add3A_92 = arith.addi %add3A_78, %add3A_91 : i32
      %lt3A_93 = arith.constant 160 : i32
      %lt3A_94 = arith.cmpi slt, %add3A_92, %lt3A_93 : i32
      %convert_element_type3A_95 = arith.extui %lt3A_94 : i1 to i32
      %cond3A_96 = arith.constant 0 : i32
      %cond3A_97 = arith.cmpi ne, %convert_element_type3A_95, %cond3A_96 : i32
      scf.if %cond3A_97 {
        %add3A_144 = arith.constant 4 : i32
        %add3A_145 = arith.addi %add3A_78, %add3A_144 : i32
        %eq3A_146 = arith.constant 0 : i32
        %eq3A_147 = arith.cmpi eq, %arg0, %eq3A_146 : i32
        %convert_element_type3A_148 = arith.extui %eq3A_147 : i1 to i32
        %cond3A_149 = arith.constant 0 : i32
        %cond3A_150 = arith.cmpi ne, %convert_element_type3A_148, %cond3A_149 : i32
        scf.if %cond3A_150 {
          %dma_start3A = arith.constant 1 : i32
          %dma_start3A_156 = arith.constant 0 : i32
          %dma_start3A_157 = arith.constant 0 : i32
          %dma_start3A_158 = tpu.memref_slice %arg11[%dma_start3A, %dma_start3A_156, %dma_start3A_157] : memref<4x128x64xf32, #tpu.memory_space<vmem>> -> memref<1x128x64xf32, #tpu.memory_space<vmem>>
          %dma_start3A_159 = tpu.memref_squeeze %dma_start3A_158 : memref<1x128x64xf32, #tpu.memory_space<vmem>> -> memref<128x64xf32, #tpu.memory_space<vmem>>
          %dma_start3A_160 = arith.constant 0 : i32
          %dma_start3A_161 = tpu.memref_slice %arg9[%add3A_145, %dma_start3A_160] : memref<160x128xi32, #tpu.memory_space<vmem>> -> memref<1x128xi32, #tpu.memory_space<vmem>>
          %dma_start3A_162 = tpu.memref_squeeze %dma_start3A_161 : memref<1x128xi32, #tpu.memory_space<vmem>> -> memref<128xi32, #tpu.memory_space<vmem>>
          %dma_start3A_163 = arith.constant 0 : i32
          %dma_start3A_164 = arith.constant 0 : i32
          %dma_start3A_165 = tpu.memref_slice %arg2[%dma_start3A_163, %dma_start3A_164] : memref<10240x64xf32, #tpu.memory_space<hbm>> -> memref<10240x64xf32, #tpu.memory_space<hbm>>
          tpu.enqueue_indirect_dma source(%dma_start3A_165 : memref<10240x64xf32, #tpu.memory_space<hbm>>) target(%dma_start3A_159 : memref<128x64xf32, #tpu.memory_space<vmem>>) offsets(%dma_start3A_162 : memref<128xi32, #tpu.memory_space<vmem>>) semaphore(%arg14 : memref<!tpu.dma_semaphore, #tpu.memory_space<semaphore_mem>>)
        } else {
        }
        %ne3A_151 = arith.constant 0 : i32
        %ne3A_152 = arith.cmpi ne, %arg0, %ne3A_151 : i32
        %convert_element_type3A_153 = arith.extui %ne3A_152 : i1 to i32
        %cond3A_154 = arith.constant 0 : i32
        %cond3A_155 = arith.cmpi ne, %convert_element_type3A_153, %cond3A_154 : i32
        scf.if %cond3A_155 {
          %dma_start3A = arith.constant 1 : i32
          %dma_start3A_156 = arith.constant 0 : i32
          %dma_start3A_157 = arith.constant 0 : i32
          %dma_start3A_158 = tpu.memref_slice %arg11[%dma_start3A, %dma_start3A_156, %dma_start3A_157] : memref<4x128x64xf32, #tpu.memory_space<vmem>> -> memref<1x128x64xf32, #tpu.memory_space<vmem>>
          %dma_start3A_159 = tpu.memref_squeeze %dma_start3A_158 : memref<1x128x64xf32, #tpu.memory_space<vmem>> -> memref<128x64xf32, #tpu.memory_space<vmem>>
          %dma_start3A_160 = arith.constant 0 : i32
          %dma_start3A_161 = tpu.memref_slice %arg9[%add3A_145, %dma_start3A_160] : memref<160x128xi32, #tpu.memory_space<vmem>> -> memref<1x128xi32, #tpu.memory_space<vmem>>
          %dma_start3A_162 = tpu.memref_squeeze %dma_start3A_161 : memref<1x128xi32, #tpu.memory_space<vmem>> -> memref<128xi32, #tpu.memory_space<vmem>>
          %dma_start3A_163 = arith.constant 0 : i32
          %dma_start3A_164 = arith.constant 0 : i32
          %dma_start3A_165 = tpu.memref_slice %arg3[%dma_start3A_163, %dma_start3A_164] : memref<10240x64xf32, #tpu.memory_space<hbm>> -> memref<10240x64xf32, #tpu.memory_space<hbm>>
          tpu.enqueue_indirect_dma source(%dma_start3A_165 : memref<10240x64xf32, #tpu.memory_space<hbm>>) target(%dma_start3A_159 : memref<128x64xf32, #tpu.memory_space<vmem>>) offsets(%dma_start3A_162 : memref<128xi32, #tpu.memory_space<vmem>>) semaphore(%arg14 : memref<!tpu.dma_semaphore, #tpu.memory_space<semaphore_mem>>)
        } else {
        }
      } else {
      }
      %mul3A_98 = arith.constant 4 : i32
      %mul3A_99 = arith.muli %scan3A_55, %mul3A_98 : i32
      %add3A_100 = arith.constant 2 : i32
      %add3A_101 = arith.addi %mul3A_99, %add3A_100 : i32
      %dma_wait3A_102 = arith.constant 2 : i32
      %dma_wait3A_103 = arith.constant 0 : i32
      %dma_wait3A_104 = arith.constant 0 : i32
      %dma_wait3A_105 = tpu.memref_slice %arg11[%dma_wait3A_102, %dma_wait3A_103, %dma_wait3A_104] : memref<4x128x64xf32, #tpu.memory_space<vmem>> -> memref<1x128x64xf32, #tpu.memory_space<vmem>>
      %dma_wait3A_106 = tpu.memref_squeeze %dma_wait3A_105 : memref<1x128x64xf32, #tpu.memory_space<vmem>> -> memref<128x64xf32, #tpu.memory_space<vmem>>
      %dma_wait3A_107 = arith.constant 0 : i32
      %dma_wait3A_108 = tpu.memref_slice %arg9[%add3A_101, %dma_wait3A_107] : memref<160x128xi32, #tpu.memory_space<vmem>> -> memref<1x128xi32, #tpu.memory_space<vmem>>
      %dma_wait3A_109 = tpu.memref_squeeze %dma_wait3A_108 : memref<1x128xi32, #tpu.memory_space<vmem>> -> memref<128xi32, #tpu.memory_space<vmem>>
      %dma_wait3A_110 = arith.constant 0 : i32
      %dma_wait3A_111 = arith.constant 0 : i32
      %dma_wait3A_112 = tpu.memref_slice %arg2[%dma_wait3A_110, %dma_wait3A_111] : memref<10240x64xf32, #tpu.memory_space<hbm>> -> memref<10240x64xf32, #tpu.memory_space<hbm>>
      tpu.wait_indirect_dma semaphore(%arg15 : memref<!tpu.dma_semaphore, #tpu.memory_space<semaphore_mem>>) src(%dma_wait3A_112 : memref<10240x64xf32, #tpu.memory_space<hbm>>) dst(%dma_wait3A_106 : memref<128x64xf32, #tpu.memory_space<vmem>>)
      %run_scoped3A_113 = arith.constant 2 : i32
      "tpu.region"() ({
        %run_scoped3A_144 = tpu.sem_alloc : memref<!tpu.dma_semaphore, #tpu.memory_space<semaphore_mem>>
        %dma_start3A = arith.constant 0 : i32
        %dma_start3A_145 = arith.constant 0 : i32
        %dma_start3A_146 = tpu.memref_slice %arg11[%run_scoped3A_113, %dma_start3A, %dma_start3A_145] : memref<4x128x64xf32, #tpu.memory_space<vmem>> -> memref<1x128x64xf32, #tpu.memory_space<vmem>>
        %dma_start3A_147 = tpu.memref_squeeze %dma_start3A_146 : memref<1x128x64xf32, #tpu.memory_space<vmem>> -> memref<128x64xf32, #tpu.memory_space<vmem>>
        %dma_start3A_148 = arith.constant 0 : i32
        %dma_start3A_149 = tpu.memref_slice %arg10[%add3A_101, %dma_start3A_148] : memref<160x128xi32, #tpu.memory_space<vmem>> -> memref<1x128xi32, #tpu.memory_space<vmem>>
        %dma_start3A_150 = tpu.memref_squeeze %dma_start3A_149 : memref<1x128xi32, #tpu.memory_space<vmem>> -> memref<128xi32, #tpu.memory_space<vmem>>
        %dma_start3A_151 = arith.constant 0 : i32
        %dma_start3A_152 = arith.constant 0 : i32
        %dma_start3A_153 = tpu.memref_slice %arg12[%dma_start3A_151, %dma_start3A_152] : memref<10240x64xf32, #tpu.memory_space<vmem_shared>> -> memref<10240x64xf32, #tpu.memory_space<vmem_shared>>
        tpu.enqueue_indirect_dma source(%dma_start3A_147 : memref<128x64xf32, #tpu.memory_space<vmem>>) target(%dma_start3A_153 : memref<10240x64xf32, #tpu.memory_space<vmem_shared>>) offsets(%dma_start3A_150 : memref<128xi32, #tpu.memory_space<vmem>>) semaphore(%run_scoped3A_144 : memref<!tpu.dma_semaphore, #tpu.memory_space<semaphore_mem>>) {add = true}
        %dma_wait3A_154 = arith.constant 0 : i32
        %dma_wait3A_155 = arith.constant 0 : i32
        %dma_wait3A_156 = tpu.memref_slice %arg11[%run_scoped3A_113, %dma_wait3A_154, %dma_wait3A_155] : memref<4x128x64xf32, #tpu.memory_space<vmem>> -> memref<1x128x64xf32, #tpu.memory_space<vmem>>
        %dma_wait3A_157 = tpu.memref_squeeze %dma_wait3A_156 : memref<1x128x64xf32, #tpu.memory_space<vmem>> -> memref<128x64xf32, #tpu.memory_space<vmem>>
        %dma_wait3A_158 = arith.constant 0 : i32
        %dma_wait3A_159 = tpu.memref_slice %arg10[%add3A_101, %dma_wait3A_158] : memref<160x128xi32, #tpu.memory_space<vmem>> -> memref<1x128xi32, #tpu.memory_space<vmem>>
        %dma_wait3A_160 = tpu.memref_squeeze %dma_wait3A_159 : memref<1x128xi32, #tpu.memory_space<vmem>> -> memref<128xi32, #tpu.memory_space<vmem>>
        %dma_wait3A_161 = arith.constant 0 : i32
        %dma_wait3A_162 = arith.constant 0 : i32
        %dma_wait3A_163 = tpu.memref_slice %arg12[%dma_wait3A_161, %dma_wait3A_162] : memref<10240x64xf32, #tpu.memory_space<vmem_shared>> -> memref<10240x64xf32, #tpu.memory_space<vmem_shared>>
        tpu.wait_indirect_dma semaphore(%run_scoped3A_144 : memref<!tpu.dma_semaphore, #tpu.memory_space<semaphore_mem>>) src(%dma_wait3A_157 : memref<128x64xf32, #tpu.memory_space<vmem>>) dst(%dma_wait3A_163 : memref<10240x64xf32, #tpu.memory_space<vmem_shared>>)
        tpu.yield
      }) : () -> ()
      %add3A_114 = arith.constant 4 : i32
      %add3A_115 = arith.addi %add3A_101, %add3A_114 : i32
      %lt3A_116 = arith.constant 160 : i32
      %lt3A_117 = arith.cmpi slt, %add3A_115, %lt3A_116 : i32
      %convert_element_type3A_118 = arith.extui %lt3A_117 : i1 to i32
      %cond3A_119 = arith.constant 0 : i32
      %cond3A_120 = arith.cmpi ne, %convert_element_type3A_118, %cond3A_119 : i32
      scf.if %cond3A_120 {
        %add3A_144 = arith.constant 4 : i32
        %add3A_145 = arith.addi %add3A_101, %add3A_144 : i32
        %eq3A_146 = arith.constant 0 : i32
        %eq3A_147 = arith.cmpi eq, %arg0, %eq3A_146 : i32
        %convert_element_type3A_148 = arith.extui %eq3A_147 : i1 to i32
        %cond3A_149 = arith.constant 0 : i32
        %cond3A_150 = arith.cmpi ne, %convert_element_type3A_148, %cond3A_149 : i32
        scf.if %cond3A_150 {
          %dma_start3A = arith.constant 2 : i32
          %dma_start3A_156 = arith.constant 0 : i32
          %dma_start3A_157 = arith.constant 0 : i32
          %dma_start3A_158 = tpu.memref_slice %arg11[%dma_start3A, %dma_start3A_156, %dma_start3A_157] : memref<4x128x64xf32, #tpu.memory_space<vmem>> -> memref<1x128x64xf32, #tpu.memory_space<vmem>>
          %dma_start3A_159 = tpu.memref_squeeze %dma_start3A_158 : memref<1x128x64xf32, #tpu.memory_space<vmem>> -> memref<128x64xf32, #tpu.memory_space<vmem>>
          %dma_start3A_160 = arith.constant 0 : i32
          %dma_start3A_161 = tpu.memref_slice %arg9[%add3A_145, %dma_start3A_160] : memref<160x128xi32, #tpu.memory_space<vmem>> -> memref<1x128xi32, #tpu.memory_space<vmem>>
          %dma_start3A_162 = tpu.memref_squeeze %dma_start3A_161 : memref<1x128xi32, #tpu.memory_space<vmem>> -> memref<128xi32, #tpu.memory_space<vmem>>
          %dma_start3A_163 = arith.constant 0 : i32
          %dma_start3A_164 = arith.constant 0 : i32
          %dma_start3A_165 = tpu.memref_slice %arg2[%dma_start3A_163, %dma_start3A_164] : memref<10240x64xf32, #tpu.memory_space<hbm>> -> memref<10240x64xf32, #tpu.memory_space<hbm>>
          tpu.enqueue_indirect_dma source(%dma_start3A_165 : memref<10240x64xf32, #tpu.memory_space<hbm>>) target(%dma_start3A_159 : memref<128x64xf32, #tpu.memory_space<vmem>>) offsets(%dma_start3A_162 : memref<128xi32, #tpu.memory_space<vmem>>) semaphore(%arg15 : memref<!tpu.dma_semaphore, #tpu.memory_space<semaphore_mem>>)
        } else {
        }
        %ne3A_151 = arith.constant 0 : i32
        %ne3A_152 = arith.cmpi ne, %arg0, %ne3A_151 : i32
        %convert_element_type3A_153 = arith.extui %ne3A_152 : i1 to i32
        %cond3A_154 = arith.constant 0 : i32
        %cond3A_155 = arith.cmpi ne, %convert_element_type3A_153, %cond3A_154 : i32
        scf.if %cond3A_155 {
          %dma_start3A = arith.constant 2 : i32
          %dma_start3A_156 = arith.constant 0 : i32
          %dma_start3A_157 = arith.constant 0 : i32
          %dma_start3A_158 = tpu.memref_slice %arg11[%dma_start3A, %dma_start3A_156, %dma_start3A_157] : memref<4x128x64xf32, #tpu.memory_space<vmem>> -> memref<1x128x64xf32, #tpu.memory_space<vmem>>
          %dma_start3A_159 = tpu.memref_squeeze %dma_start3A_158 : memref<1x128x64xf32, #tpu.memory_space<vmem>> -> memref<128x64xf32, #tpu.memory_space<vmem>>
          %dma_start3A_160 = arith.constant 0 : i32
          %dma_start3A_161 = tpu.memref_slice %arg9[%add3A_145, %dma_start3A_160] : memref<160x128xi32, #tpu.memory_space<vmem>> -> memref<1x128xi32, #tpu.memory_space<vmem>>
          %dma_start3A_162 = tpu.memref_squeeze %dma_start3A_161 : memref<1x128xi32, #tpu.memory_space<vmem>> -> memref<128xi32, #tpu.memory_space<vmem>>
          %dma_start3A_163 = arith.constant 0 : i32
          %dma_start3A_164 = arith.constant 0 : i32
          %dma_start3A_165 = tpu.memref_slice %arg3[%dma_start3A_163, %dma_start3A_164] : memref<10240x64xf32, #tpu.memory_space<hbm>> -> memref<10240x64xf32, #tpu.memory_space<hbm>>
          tpu.enqueue_indirect_dma source(%dma_start3A_165 : memref<10240x64xf32, #tpu.memory_space<hbm>>) target(%dma_start3A_159 : memref<128x64xf32, #tpu.memory_space<vmem>>) offsets(%dma_start3A_162 : memref<128xi32, #tpu.memory_space<vmem>>) semaphore(%arg15 : memref<!tpu.dma_semaphore, #tpu.memory_space<semaphore_mem>>)
        } else {
        }
      } else {
      }
      %mul3A_121 = arith.constant 4 : i32
      %mul3A_122 = arith.muli %scan3A_55, %mul3A_121 : i32
      %add3A_123 = arith.constant 3 : i32
      %add3A_124 = arith.addi %mul3A_122, %add3A_123 : i32
      %dma_wait3A_125 = arith.constant 3 : i32
      %dma_wait3A_126 = arith.constant 0 : i32
      %dma_wait3A_127 = arith.constant 0 : i32
      %dma_wait3A_128 = tpu.memref_slice %arg11[%dma_wait3A_125, %dma_wait3A_126, %dma_wait3A_127] : memref<4x128x64xf32, #tpu.memory_space<vmem>> -> memref<1x128x64xf32, #tpu.memory_space<vmem>>
      %dma_wait3A_129 = tpu.memref_squeeze %dma_wait3A_128 : memref<1x128x64xf32, #tpu.memory_space<vmem>> -> memref<128x64xf32, #tpu.memory_space<vmem>>
      %dma_wait3A_130 = arith.constant 0 : i32
      %dma_wait3A_131 = tpu.memref_slice %arg9[%add3A_124, %dma_wait3A_130] : memref<160x128xi32, #tpu.memory_space<vmem>> -> memref<1x128xi32, #tpu.memory_space<vmem>>
      %dma_wait3A_132 = tpu.memref_squeeze %dma_wait3A_131 : memref<1x128xi32, #tpu.memory_space<vmem>> -> memref<128xi32, #tpu.memory_space<vmem>>
      %dma_wait3A_133 = arith.constant 0 : i32
      %dma_wait3A_134 = arith.constant 0 : i32
      %dma_wait3A_135 = tpu.memref_slice %arg2[%dma_wait3A_133, %dma_wait3A_134] : memref<10240x64xf32, #tpu.memory_space<hbm>> -> memref<10240x64xf32, #tpu.memory_space<hbm>>
      tpu.wait_indirect_dma semaphore(%arg16 : memref<!tpu.dma_semaphore, #tpu.memory_space<semaphore_mem>>) src(%dma_wait3A_135 : memref<10240x64xf32, #tpu.memory_space<hbm>>) dst(%dma_wait3A_129 : memref<128x64xf32, #tpu.memory_space<vmem>>)
      %run_scoped3A_136 = arith.constant 3 : i32
      "tpu.region"() ({
        %run_scoped3A_144 = tpu.sem_alloc : memref<!tpu.dma_semaphore, #tpu.memory_space<semaphore_mem>>
        %dma_start3A = arith.constant 0 : i32
        %dma_start3A_145 = arith.constant 0 : i32
        %dma_start3A_146 = tpu.memref_slice %arg11[%run_scoped3A_136, %dma_start3A, %dma_start3A_145] : memref<4x128x64xf32, #tpu.memory_space<vmem>> -> memref<1x128x64xf32, #tpu.memory_space<vmem>>
        %dma_start3A_147 = tpu.memref_squeeze %dma_start3A_146 : memref<1x128x64xf32, #tpu.memory_space<vmem>> -> memref<128x64xf32, #tpu.memory_space<vmem>>
        %dma_start3A_148 = arith.constant 0 : i32
        %dma_start3A_149 = tpu.memref_slice %arg10[%add3A_124, %dma_start3A_148] : memref<160x128xi32, #tpu.memory_space<vmem>> -> memref<1x128xi32, #tpu.memory_space<vmem>>
        %dma_start3A_150 = tpu.memref_squeeze %dma_start3A_149 : memref<1x128xi32, #tpu.memory_space<vmem>> -> memref<128xi32, #tpu.memory_space<vmem>>
        %dma_start3A_151 = arith.constant 0 : i32
        %dma_start3A_152 = arith.constant 0 : i32
        %dma_start3A_153 = tpu.memref_slice %arg12[%dma_start3A_151, %dma_start3A_152] : memref<10240x64xf32, #tpu.memory_space<vmem_shared>> -> memref<10240x64xf32, #tpu.memory_space<vmem_shared>>
        tpu.enqueue_indirect_dma source(%dma_start3A_147 : memref<128x64xf32, #tpu.memory_space<vmem>>) target(%dma_start3A_153 : memref<10240x64xf32, #tpu.memory_space<vmem_shared>>) offsets(%dma_start3A_150 : memref<128xi32, #tpu.memory_space<vmem>>) semaphore(%run_scoped3A_144 : memref<!tpu.dma_semaphore, #tpu.memory_space<semaphore_mem>>) {add = true}
        %dma_wait3A_154 = arith.constant 0 : i32
        %dma_wait3A_155 = arith.constant 0 : i32
        %dma_wait3A_156 = tpu.memref_slice %arg11[%run_scoped3A_136, %dma_wait3A_154, %dma_wait3A_155] : memref<4x128x64xf32, #tpu.memory_space<vmem>> -> memref<1x128x64xf32, #tpu.memory_space<vmem>>
        %dma_wait3A_157 = tpu.memref_squeeze %dma_wait3A_156 : memref<1x128x64xf32, #tpu.memory_space<vmem>> -> memref<128x64xf32, #tpu.memory_space<vmem>>
        %dma_wait3A_158 = arith.constant 0 : i32
        %dma_wait3A_159 = tpu.memref_slice %arg10[%add3A_124, %dma_wait3A_158] : memref<160x128xi32, #tpu.memory_space<vmem>> -> memref<1x128xi32, #tpu.memory_space<vmem>>
        %dma_wait3A_160 = tpu.memref_squeeze %dma_wait3A_159 : memref<1x128xi32, #tpu.memory_space<vmem>> -> memref<128xi32, #tpu.memory_space<vmem>>
        %dma_wait3A_161 = arith.constant 0 : i32
        %dma_wait3A_162 = arith.constant 0 : i32
        %dma_wait3A_163 = tpu.memref_slice %arg12[%dma_wait3A_161, %dma_wait3A_162] : memref<10240x64xf32, #tpu.memory_space<vmem_shared>> -> memref<10240x64xf32, #tpu.memory_space<vmem_shared>>
        tpu.wait_indirect_dma semaphore(%run_scoped3A_144 : memref<!tpu.dma_semaphore, #tpu.memory_space<semaphore_mem>>) src(%dma_wait3A_157 : memref<128x64xf32, #tpu.memory_space<vmem>>) dst(%dma_wait3A_163 : memref<10240x64xf32, #tpu.memory_space<vmem_shared>>)
        tpu.yield
      }) : () -> ()
      %add3A_137 = arith.constant 4 : i32
      %add3A_138 = arith.addi %add3A_124, %add3A_137 : i32
      %lt3A_139 = arith.constant 160 : i32
      %lt3A_140 = arith.cmpi slt, %add3A_138, %lt3A_139 : i32
      %convert_element_type3A_141 = arith.extui %lt3A_140 : i1 to i32
      %cond3A_142 = arith.constant 0 : i32
      %cond3A_143 = arith.cmpi ne, %convert_element_type3A_141, %cond3A_142 : i32
      scf.if %cond3A_143 {
        %add3A_144 = arith.constant 4 : i32
        %add3A_145 = arith.addi %add3A_124, %add3A_144 : i32
        %eq3A_146 = arith.constant 0 : i32
        %eq3A_147 = arith.cmpi eq, %arg0, %eq3A_146 : i32
        %convert_element_type3A_148 = arith.extui %eq3A_147 : i1 to i32
        %cond3A_149 = arith.constant 0 : i32
        %cond3A_150 = arith.cmpi ne, %convert_element_type3A_148, %cond3A_149 : i32
        scf.if %cond3A_150 {
          %dma_start3A = arith.constant 3 : i32
          %dma_start3A_156 = arith.constant 0 : i32
          %dma_start3A_157 = arith.constant 0 : i32
          %dma_start3A_158 = tpu.memref_slice %arg11[%dma_start3A, %dma_start3A_156, %dma_start3A_157] : memref<4x128x64xf32, #tpu.memory_space<vmem>> -> memref<1x128x64xf32, #tpu.memory_space<vmem>>
          %dma_start3A_159 = tpu.memref_squeeze %dma_start3A_158 : memref<1x128x64xf32, #tpu.memory_space<vmem>> -> memref<128x64xf32, #tpu.memory_space<vmem>>
          %dma_start3A_160 = arith.constant 0 : i32
          %dma_start3A_161 = tpu.memref_slice %arg9[%add3A_145, %dma_start3A_160] : memref<160x128xi32, #tpu.memory_space<vmem>> -> memref<1x128xi32, #tpu.memory_space<vmem>>
          %dma_start3A_162 = tpu.memref_squeeze %dma_start3A_161 : memref<1x128xi32, #tpu.memory_space<vmem>> -> memref<128xi32, #tpu.memory_space<vmem>>
          %dma_start3A_163 = arith.constant 0 : i32
          %dma_start3A_164 = arith.constant 0 : i32
          %dma_start3A_165 = tpu.memref_slice %arg2[%dma_start3A_163, %dma_start3A_164] : memref<10240x64xf32, #tpu.memory_space<hbm>> -> memref<10240x64xf32, #tpu.memory_space<hbm>>
          tpu.enqueue_indirect_dma source(%dma_start3A_165 : memref<10240x64xf32, #tpu.memory_space<hbm>>) target(%dma_start3A_159 : memref<128x64xf32, #tpu.memory_space<vmem>>) offsets(%dma_start3A_162 : memref<128xi32, #tpu.memory_space<vmem>>) semaphore(%arg16 : memref<!tpu.dma_semaphore, #tpu.memory_space<semaphore_mem>>)
        } else {
        }
        %ne3A_151 = arith.constant 0 : i32
        %ne3A_152 = arith.cmpi ne, %arg0, %ne3A_151 : i32
        %convert_element_type3A_153 = arith.extui %ne3A_152 : i1 to i32
        %cond3A_154 = arith.constant 0 : i32
        %cond3A_155 = arith.cmpi ne, %convert_element_type3A_153, %cond3A_154 : i32
        scf.if %cond3A_155 {
          %dma_start3A = arith.constant 3 : i32
          %dma_start3A_156 = arith.constant 0 : i32
          %dma_start3A_157 = arith.constant 0 : i32
          %dma_start3A_158 = tpu.memref_slice %arg11[%dma_start3A, %dma_start3A_156, %dma_start3A_157] : memref<4x128x64xf32, #tpu.memory_space<vmem>> -> memref<1x128x64xf32, #tpu.memory_space<vmem>>
          %dma_start3A_159 = tpu.memref_squeeze %dma_start3A_158 : memref<1x128x64xf32, #tpu.memory_space<vmem>> -> memref<128x64xf32, #tpu.memory_space<vmem>>
          %dma_start3A_160 = arith.constant 0 : i32
          %dma_start3A_161 = tpu.memref_slice %arg9[%add3A_145, %dma_start3A_160] : memref<160x128xi32, #tpu.memory_space<vmem>> -> memref<1x128xi32, #tpu.memory_space<vmem>>
          %dma_start3A_162 = tpu.memref_squeeze %dma_start3A_161 : memref<1x128xi32, #tpu.memory_space<vmem>> -> memref<128xi32, #tpu.memory_space<vmem>>
          %dma_start3A_163 = arith.constant 0 : i32
          %dma_start3A_164 = arith.constant 0 : i32
          %dma_start3A_165 = tpu.memref_slice %arg3[%dma_start3A_163, %dma_start3A_164] : memref<10240x64xf32, #tpu.memory_space<hbm>> -> memref<10240x64xf32, #tpu.memory_space<hbm>>
          tpu.enqueue_indirect_dma source(%dma_start3A_165 : memref<10240x64xf32, #tpu.memory_space<hbm>>) target(%dma_start3A_159 : memref<128x64xf32, #tpu.memory_space<vmem>>) offsets(%dma_start3A_162 : memref<128xi32, #tpu.memory_space<vmem>>) semaphore(%arg16 : memref<!tpu.dma_semaphore, #tpu.memory_space<semaphore_mem>>)
        } else {
        }
      } else {
      }
    }
    %scan3A_43 = arith.constant 40 : i32
    %barrier3A_44 = arith.constant 0 : index
    tpu.barrier barrier_id(%barrier3A_44)
    %eq3A_45 = arith.constant 0 : i32
    %eq3A_46 = arith.cmpi eq, %arg0, %eq3A_45 : i32
    %convert_element_type3A_47 = arith.extui %eq3A_46 : i1 to i32
    %cond3A_48 = arith.constant 0 : i32
    %cond3A_49 = arith.cmpi ne, %convert_element_type3A_47, %cond3A_48 : i32
    scf.if %cond3A_49 {
      %mul3A_55 = arith.constant 640 : i32
      %mul3A_56 = arith.muli %arg1, %mul3A_55 : i32
      %mul3A_57 = arith.constant 640 : i32
      %mul3A_58 = arith.muli %arg1, %mul3A_57 : i32
      "tpu.region"() ({
        %run_scoped3A = tpu.sem_alloc : memref<!tpu.dma_semaphore, #tpu.memory_space<semaphore_mem>>
        %dma_start3A = arith.constant 0 : i32
        %dma_start3A_59 = tpu.memref_slice %arg7[%mul3A_58, %dma_start3A] : memref<10240x64xf32, #tpu.memory_space<hbm>> -> memref<640x64xf32, #tpu.memory_space<hbm>>
        %dma_start3A_60 = arith.constant 0 : i32
        %dma_start3A_61 = tpu.memref_slice %arg12[%mul3A_56, %dma_start3A_60] : memref<10240x64xf32, #tpu.memory_space<vmem_shared>> -> memref<640x64xf32, #tpu.memory_space<vmem_shared>>
        tpu.enqueue_dma source(%dma_start3A_61 : memref<640x64xf32, #tpu.memory_space<vmem_shared>>) target(%dma_start3A_59 : memref<640x64xf32, #tpu.memory_space<hbm>>) target_semaphore(%run_scoped3A : memref<!tpu.dma_semaphore, #tpu.memory_space<semaphore_mem>>)
        %dma_wait3A = arith.constant 0 : i32
        %dma_wait3A_62 = tpu.memref_slice %arg7[%mul3A_58, %dma_wait3A] : memref<10240x64xf32, #tpu.memory_space<hbm>> -> memref<640x64xf32, #tpu.memory_space<hbm>>
        %dma_wait3A_63 = arith.constant 0 : i32
        %dma_wait3A_64 = tpu.memref_slice %arg12[%mul3A_56, %dma_wait3A_63] : memref<10240x64xf32, #tpu.memory_space<vmem_shared>> -> memref<640x64xf32, #tpu.memory_space<vmem_shared>>
        tpu.wait_dma2 semaphore(%run_scoped3A : memref<!tpu.dma_semaphore, #tpu.memory_space<semaphore_mem>>) src(%dma_wait3A_64 : memref<640x64xf32, #tpu.memory_space<vmem_shared>>) dst(%dma_wait3A_62 : memref<640x64xf32, #tpu.memory_space<hbm>>)
        tpu.yield
      }) : () -> ()
    } else {
    }
    %ne3A_50 = arith.constant 0 : i32
    %ne3A_51 = arith.cmpi ne, %arg0, %ne3A_50 : i32
    %convert_element_type3A_52 = arith.extui %ne3A_51 : i1 to i32
    %cond3A_53 = arith.constant 0 : i32
    %cond3A_54 = arith.cmpi ne, %convert_element_type3A_52, %cond3A_53 : i32
    scf.if %cond3A_54 {
      %mul3A_55 = arith.constant 640 : i32
      %mul3A_56 = arith.muli %arg1, %mul3A_55 : i32
      %mul3A_57 = arith.constant 640 : i32
      %mul3A_58 = arith.muli %arg1, %mul3A_57 : i32
      "tpu.region"() ({
        %run_scoped3A = tpu.sem_alloc : memref<!tpu.dma_semaphore, #tpu.memory_space<semaphore_mem>>
        %dma_start3A = arith.constant 0 : i32
        %dma_start3A_59 = tpu.memref_slice %arg8[%mul3A_58, %dma_start3A] : memref<10240x64xf32, #tpu.memory_space<hbm>> -> memref<640x64xf32, #tpu.memory_space<hbm>>
        %dma_start3A_60 = arith.constant 0 : i32
        %dma_start3A_61 = tpu.memref_slice %arg12[%mul3A_56, %dma_start3A_60] : memref<10240x64xf32, #tpu.memory_space<vmem_shared>> -> memref<640x64xf32, #tpu.memory_space<vmem_shared>>
        tpu.enqueue_dma source(%dma_start3A_61 : memref<640x64xf32, #tpu.memory_space<vmem_shared>>) target(%dma_start3A_59 : memref<640x64xf32, #tpu.memory_space<hbm>>) target_semaphore(%run_scoped3A : memref<!tpu.dma_semaphore, #tpu.memory_space<semaphore_mem>>)
        %dma_wait3A = arith.constant 0 : i32
        %dma_wait3A_62 = tpu.memref_slice %arg8[%mul3A_58, %dma_wait3A] : memref<10240x64xf32, #tpu.memory_space<hbm>> -> memref<640x64xf32, #tpu.memory_space<hbm>>
        %dma_wait3A_63 = arith.constant 0 : i32
        %dma_wait3A_64 = tpu.memref_slice %arg12[%mul3A_56, %dma_wait3A_63] : memref<10240x64xf32, #tpu.memory_space<vmem_shared>> -> memref<640x64xf32, #tpu.memory_space<vmem_shared>>
        tpu.wait_dma2 semaphore(%run_scoped3A : memref<!tpu.dma_semaphore, #tpu.memory_space<semaphore_mem>>) src(%dma_wait3A_64 : memref<640x64xf32, #tpu.memory_space<vmem_shared>>) dst(%dma_wait3A_62 : memref<640x64xf32, #tpu.memory_space<hbm>>)
        tpu.yield
      }) : () -> ()
    } else {
    }
    return
  }
}

#map = affine_map<(d0, d1) -> (0, 0)>
#map1 = affine_map<(d0, d1) -> (0, 0, 0)>
module attributes {stable_mosaic.version = 14 : i64} {
  func.func @scatter_kernel(%arg0: i32, %arg1: i32, %arg2: memref<10240x64xf32, #tpu.memory_space<hbm>>, %arg3: memref<10240x64xf32, #tpu.memory_space<hbm>>, %arg4: memref<16x160x128xi32, #tpu.memory_space<hbm>>, %arg5: memref<16x160x128xi32, #tpu.memory_space<hbm>>, %arg6: memref<10240x64xf32, #tpu.memory_space<hbm>>, %arg7: memref<10240x64xf32, #tpu.memory_space<hbm>>, %arg8: memref<10240x64xf32, #tpu.memory_space<hbm>>, %arg9: memref<160x128xi32, #tpu.memory_space<vmem>>, %arg10: memref<160x128xi32, #tpu.memory_space<vmem>>, %arg11: memref<4x128x64xf32, #tpu.memory_space<vmem>>, %arg12: memref<10240x64xf32, #tpu.memory_space<vmem_shared>>, %arg13: memref<!tpu.dma_semaphore, #tpu.memory_space<semaphore_mem>>, %arg14: memref<!tpu.dma_semaphore, #tpu.memory_space<semaphore_mem>>, %arg15: memref<!tpu.dma_semaphore, #tpu.memory_space<semaphore_mem>>, %arg16: memref<!tpu.dma_semaphore, #tpu.memory_space<semaphore_mem>>, %arg17: memref<!tpu.dma_semaphore, #tpu.memory_space<semaphore_mem>>, %arg18: memref<!tpu.dma_semaphore, #tpu.memory_space<semaphore_mem>>, %arg19: memref<!tpu.dma_semaphore, #tpu.memory_space<semaphore_mem>>, %arg20: memref<!tpu.dma_semaphore, #tpu.memory_space<semaphore_mem>>) attributes {dimension_semantics = [#tpu.dimension_semantics<core_parallel>, #tpu.dimension_semantics<subcore_parallel>], iteration_bounds = array<i64: 2, 16>, scalar_prefetch = 0 : i64, scratch_operands = 12 : i64, tpu.core_type = #tpu.core_type<sc_vector_subcore>, window_params = [{transform_indices = #map}, {transform_indices = #map}, {transform_indices = #map1}, {transform_indices = #map1}, {transform_indices = #map}, {transform_indices = #map}, {transform_indices = #map}]} {
    "tpu.region"() ({
      %run_scoped3A = tpu.sem_alloc : memref<!tpu.dma_semaphore, #tpu.memory_space<semaphore_mem>>
      %dma_start3A = arith.constant 0 : i32
      %dma_start3A_55 = arith.constant 0 : i32
      %dma_start3A_56 = tpu.memref_slice %arg4[%arg1, %dma_start3A, %dma_start3A_55] : memref<16x160x128xi32, #tpu.memory_space<hbm>> -> memref<1x160x128xi32, #tpu.memory_space<hbm>>
      %dma_start3A_57 = tpu.memref_squeeze %dma_start3A_56 : memref<1x160x128xi32, #tpu.memory_space<hbm>> -> memref<160x128xi32, #tpu.memory_space<hbm>>
      %dma_start3A_58 = arith.constant 0 : i32
      %dma_start3A_59 = arith.constant 0 : i32
      %dma_start3A_60 = tpu.memref_slice %arg4[%arg1, %dma_start3A_58, %dma_start3A_59] : memref<16x160x128xi32, #tpu.memory_space<hbm>> -> memref<1x160x128xi32, #tpu.memory_space<hbm>>
      %dma_start3A_61 = tpu.memref_squeeze %dma_start3A_60 : memref<1x160x128xi32, #tpu.memory_space<hbm>> -> memref<160x128xi32, #tpu.memory_space<hbm>>
      tpu.enqueue_dma source(%dma_start3A_61 : memref<160x128xi32, #tpu.memory_space<hbm>>) target(%arg9 : memref<160x128xi32, #tpu.memory_space<vmem>>) target_semaphore(%run_scoped3A : memref<!tpu.dma_semaphore, #tpu.memory_space<semaphore_mem>>)
      %dma_wait3A = arith.constant 0 : i32
      %dma_wait3A_62 = arith.constant 0 : i32
      %dma_wait3A_63 = tpu.memref_slice %arg4[%arg1, %dma_wait3A, %dma_wait3A_62] : memref<16x160x128xi32, #tpu.memory_space<hbm>> -> memref<1x160x128xi32, #tpu.memory_space<hbm>>
      %dma_wait3A_64 = tpu.memref_squeeze %dma_wait3A_63 : memref<1x160x128xi32, #tpu.memory_space<hbm>> -> memref<160x128xi32, #tpu.memory_space<hbm>>
      %dma_wait3A_65 = arith.constant 0 : i32
      %dma_wait3A_66 = arith.constant 0 : i32
      %dma_wait3A_67 = tpu.memref_slice %arg4[%arg1, %dma_wait3A_65, %dma_wait3A_66] : memref<16x160x128xi32, #tpu.memory_space<hbm>> -> memref<1x160x128xi32, #tpu.memory_space<hbm>>
      %dma_wait3A_68 = tpu.memref_squeeze %dma_wait3A_67 : memref<1x160x128xi32, #tpu.memory_space<hbm>> -> memref<160x128xi32, #tpu.memory_space<hbm>>
      tpu.wait_dma2 semaphore(%run_scoped3A : memref<!tpu.dma_semaphore, #tpu.memory_space<semaphore_mem>>) src(%dma_wait3A_68 : memref<160x128xi32, #tpu.memory_space<hbm>>) dst(%arg9 : memref<160x128xi32, #tpu.memory_space<vmem>>)
      tpu.yield
    }) : () -> ()
    "tpu.region"() ({
      %run_scoped3A = tpu.sem_alloc : memref<!tpu.dma_semaphore, #tpu.memory_space<semaphore_mem>>
      %dma_start3A = arith.constant 0 : i32
      %dma_start3A_55 = arith.constant 0 : i32
      %dma_start3A_56 = tpu.memref_slice %arg5[%arg1, %dma_start3A, %dma_start3A_55] : memref<16x160x128xi32, #tpu.memory_space<hbm>> -> memref<1x160x128xi32, #tpu.memory_space<hbm>>
      %dma_start3A_57 = tpu.memref_squeeze %dma_start3A_56 : memref<1x160x128xi32, #tpu.memory_space<hbm>> -> memref<160x128xi32, #tpu.memory_space<hbm>>
      %dma_start3A_58 = arith.constant 0 : i32
      %dma_start3A_59 = arith.constant 0 : i32
      %dma_start3A_60 = tpu.memref_slice %arg5[%arg1, %dma_start3A_58, %dma_start3A_59] : memref<16x160x128xi32, #tpu.memory_space<hbm>> -> memref<1x160x128xi32, #tpu.memory_space<hbm>>
      %dma_start3A_61 = tpu.memref_squeeze %dma_start3A_60 : memref<1x160x128xi32, #tpu.memory_space<hbm>> -> memref<160x128xi32, #tpu.memory_space<hbm>>
      tpu.enqueue_dma source(%dma_start3A_61 : memref<160x128xi32, #tpu.memory_space<hbm>>) target(%arg10 : memref<160x128xi32, #tpu.memory_space<vmem>>) target_semaphore(%run_scoped3A : memref<!tpu.dma_semaphore, #tpu.memory_space<semaphore_mem>>)
      %dma_wait3A = arith.constant 0 : i32
      %dma_wait3A_62 = arith.constant 0 : i32
      %dma_wait3A_63 = tpu.memref_slice %arg5[%arg1, %dma_wait3A, %dma_wait3A_62] : memref<16x160x128xi32, #tpu.memory_space<hbm>> -> memref<1x160x128xi32, #tpu.memory_space<hbm>>
      %dma_wait3A_64 = tpu.memref_squeeze %dma_wait3A_63 : memref<1x160x128xi32, #tpu.memory_space<hbm>> -> memref<160x128xi32, #tpu.memory_space<hbm>>
      %dma_wait3A_65 = arith.constant 0 : i32
      %dma_wait3A_66 = arith.constant 0 : i32
      %dma_wait3A_67 = tpu.memref_slice %arg5[%arg1, %dma_wait3A_65, %dma_wait3A_66] : memref<16x160x128xi32, #tpu.memory_space<hbm>> -> memref<1x160x128xi32, #tpu.memory_space<hbm>>
      %dma_wait3A_68 = tpu.memref_squeeze %dma_wait3A_67 : memref<1x160x128xi32, #tpu.memory_space<hbm>> -> memref<160x128xi32, #tpu.memory_space<hbm>>
      tpu.wait_dma2 semaphore(%run_scoped3A : memref<!tpu.dma_semaphore, #tpu.memory_space<semaphore_mem>>) src(%dma_wait3A_68 : memref<160x128xi32, #tpu.memory_space<hbm>>) dst(%arg10 : memref<160x128xi32, #tpu.memory_space<vmem>>)
      tpu.yield
    }) : () -> ()
    %mul3A = arith.constant 640 : i32
    %mul3A_0 = arith.muli %arg1, %mul3A : i32
    %mul3A_1 = arith.constant 640 : i32
    %mul3A_2 = arith.muli %arg1, %mul3A_1 : i32
    "tpu.region"() ({
      %run_scoped3A = tpu.sem_alloc : memref<!tpu.dma_semaphore, #tpu.memory_space<semaphore_mem>>
      %dma_start3A = arith.constant 0 : i32
      %dma_start3A_55 = tpu.memref_slice %arg12[%mul3A_2, %dma_start3A] : memref<10240x64xf32, #tpu.memory_space<vmem_shared>> -> memref<640x64xf32, #tpu.memory_space<vmem_shared>>
      %dma_start3A_56 = arith.constant 0 : i32
      %dma_start3A_57 = tpu.memref_slice %arg6[%mul3A_0, %dma_start3A_56] : memref<10240x64xf32, #tpu.memory_space<hbm>> -> memref<640x64xf32, #tpu.memory_space<hbm>>
      tpu.enqueue_dma source(%dma_start3A_57 : memref<640x64xf32, #tpu.memory_space<hbm>>) target(%dma_start3A_55 : memref<640x64xf32, #tpu.memory_space<vmem_shared>>) target_semaphore(%run_scoped3A : memref<!tpu.dma_semaphore, #tpu.memory_space<semaphore_mem>>)
      %dma_wait3A = arith.constant 0 : i32
      %dma_wait3A_58 = tpu.memref_slice %arg12[%mul3A_2, %dma_wait3A] : memref<10240x64xf32, #tpu.memory_space<vmem_shared>> -> memref<640x64xf32, #tpu.memory_space<vmem_shared>>
      %dma_wait3A_59 = arith.constant 0 : i32
      %dma_wait3A_60 = tpu.memref_slice %arg6[%mul3A_0, %dma_wait3A_59] : memref<10240x64xf32, #tpu.memory_space<hbm>> -> memref<640x64xf32, #tpu.memory_space<hbm>>
      tpu.wait_dma2 semaphore(%run_scoped3A : memref<!tpu.dma_semaphore, #tpu.memory_space<semaphore_mem>>) src(%dma_wait3A_60 : memref<640x64xf32, #tpu.memory_space<hbm>>) dst(%dma_wait3A_58 : memref<640x64xf32, #tpu.memory_space<vmem_shared>>)
      tpu.yield
    }) : () -> ()
    %eq3A = arith.constant 0 : i32
    %eq3A_3 = arith.cmpi eq, %arg0, %eq3A : i32
    %convert_element_type3A = arith.extui %eq3A_3 : i1 to i32
    %cond3A = arith.constant 0 : i32
    %cond3A_4 = arith.cmpi ne, %convert_element_type3A, %cond3A : i32
    scf.if %cond3A_4 {
      %dma_start3A = arith.constant 0 : i32
      %dma_start3A_55 = arith.constant 0 : i32
      %dma_start3A_56 = arith.constant 0 : i32
      %dma_start3A_57 = arith.constant 0 : i32
      %dma_start3A_58 = tpu.memref_slice %arg11[%dma_start3A_55, %dma_start3A_56, %dma_start3A_57] : memref<4x128x64xf32, #tpu.memory_space<vmem>> -> memref<1x128x64xf32, #tpu.memory_space<vmem>>
      %dma_start3A_59 = tpu.memref_squeeze %dma_start3A_58 : memref<1x128x64xf32, #tpu.memory_space<vmem>> -> memref<128x64xf32, #tpu.memory_space<vmem>>
      %dma_start3A_60 = arith.constant 0 : i32
      %dma_start3A_61 = tpu.memref_slice %arg9[%dma_start3A, %dma_start3A_60] : memref<160x128xi32, #tpu.memory_space<vmem>> -> memref<1x128xi32, #tpu.memory_space<vmem>>
      %dma_start3A_62 = tpu.memref_squeeze %dma_start3A_61 : memref<1x128xi32, #tpu.memory_space<vmem>> -> memref<128xi32, #tpu.memory_space<vmem>>
      %dma_start3A_63 = arith.constant 0 : i32
      %dma_start3A_64 = arith.constant 0 : i32
      %dma_start3A_65 = tpu.memref_slice %arg2[%dma_start3A_63, %dma_start3A_64] : memref<10240x64xf32, #tpu.memory_space<hbm>> -> memref<10240x64xf32, #tpu.memory_space<hbm>>
      tpu.enqueue_indirect_dma source(%dma_start3A_65 : memref<10240x64xf32, #tpu.memory_space<hbm>>) target(%dma_start3A_59 : memref<128x64xf32, #tpu.memory_space<vmem>>) offsets(%dma_start3A_62 : memref<128xi32, #tpu.memory_space<vmem>>) semaphore(%arg13 : memref<!tpu.dma_semaphore, #tpu.memory_space<semaphore_mem>>)
    } else {
    }
    %ne3A = arith.constant 0 : i32
    %ne3A_5 = arith.cmpi ne, %arg0, %ne3A : i32
    %convert_element_type3A_6 = arith.extui %ne3A_5 : i1 to i32
    %cond3A_7 = arith.constant 0 : i32
    %cond3A_8 = arith.cmpi ne, %convert_element_type3A_6, %cond3A_7 : i32
    scf.if %cond3A_8 {
      %dma_start3A = arith.constant 0 : i32
      %dma_start3A_55 = arith.constant 0 : i32
      %dma_start3A_56 = arith.constant 0 : i32
      %dma_start3A_57 = arith.constant 0 : i32
      %dma_start3A_58 = tpu.memref_slice %arg11[%dma_start3A_55, %dma_start3A_56, %dma_start3A_57] : memref<4x128x64xf32, #tpu.memory_space<vmem>> -> memref<1x128x64xf32, #tpu.memory_space<vmem>>
      %dma_start3A_59 = tpu.memref_squeeze %dma_start3A_58 : memref<1x128x64xf32, #tpu.memory_space<vmem>> -> memref<128x64xf32, #tpu.memory_space<vmem>>
      %dma_start3A_60 = arith.constant 0 : i32
      %dma_start3A_61 = tpu.memref_slice %arg9[%dma_start3A, %dma_start3A_60] : memref<160x128xi32, #tpu.memory_space<vmem>> -> memref<1x128xi32, #tpu.memory_space<vmem>>
      %dma_start3A_62 = tpu.memref_squeeze %dma_start3A_61 : memref<1x128xi32, #tpu.memory_space<vmem>> -> memref<128xi32, #tpu.memory_space<vmem>>
      %dma_start3A_63 = arith.constant 0 : i32
      %dma_start3A_64 = arith.constant 0 : i32
      %dma_start3A_65 = tpu.memref_slice %arg3[%dma_start3A_63, %dma_start3A_64] : memref<10240x64xf32, #tpu.memory_space<hbm>> -> memref<10240x64xf32, #tpu.memory_space<hbm>>
      tpu.enqueue_indirect_dma source(%dma_start3A_65 : memref<10240x64xf32, #tpu.memory_space<hbm>>) target(%dma_start3A_59 : memref<128x64xf32, #tpu.memory_space<vmem>>) offsets(%dma_start3A_62 : memref<128xi32, #tpu.memory_space<vmem>>) semaphore(%arg13 : memref<!tpu.dma_semaphore, #tpu.memory_space<semaphore_mem>>)
    } else {
    }
    %eq3A_9 = arith.constant 0 : i32
    %eq3A_10 = arith.cmpi eq, %arg0, %eq3A_9 : i32
    %convert_element_type3A_11 = arith.extui %eq3A_10 : i1 to i32
    %cond3A_12 = arith.constant 0 : i32
    %cond3A_13 = arith.cmpi ne, %convert_element_type3A_11, %cond3A_12 : i32
    scf.if %cond3A_13 {
      %dma_start3A = arith.constant 1 : i32
      %dma_start3A_55 = arith.constant 1 : i32
      %dma_start3A_56 = arith.constant 0 : i32
      %dma_start3A_57 = arith.constant 0 : i32
      %dma_start3A_58 = tpu.memref_slice %arg11[%dma_start3A_55, %dma_start3A_56, %dma_start3A_57] : memref<4x128x64xf32, #tpu.memory_space<vmem>> -> memref<1x128x64xf32, #tpu.memory_space<vmem>>
      %dma_start3A_59 = tpu.memref_squeeze %dma_start3A_58 : memref<1x128x64xf32, #tpu.memory_space<vmem>> -> memref<128x64xf32, #tpu.memory_space<vmem>>
      %dma_start3A_60 = arith.constant 0 : i32
      %dma_start3A_61 = tpu.memref_slice %arg9[%dma_start3A, %dma_start3A_60] : memref<160x128xi32, #tpu.memory_space<vmem>> -> memref<1x128xi32, #tpu.memory_space<vmem>>
      %dma_start3A_62 = tpu.memref_squeeze %dma_start3A_61 : memref<1x128xi32, #tpu.memory_space<vmem>> -> memref<128xi32, #tpu.memory_space<vmem>>
      %dma_start3A_63 = arith.constant 0 : i32
      %dma_start3A_64 = arith.constant 0 : i32
      %dma_start3A_65 = tpu.memref_slice %arg2[%dma_start3A_63, %dma_start3A_64] : memref<10240x64xf32, #tpu.memory_space<hbm>> -> memref<10240x64xf32, #tpu.memory_space<hbm>>
      tpu.enqueue_indirect_dma source(%dma_start3A_65 : memref<10240x64xf32, #tpu.memory_space<hbm>>) target(%dma_start3A_59 : memref<128x64xf32, #tpu.memory_space<vmem>>) offsets(%dma_start3A_62 : memref<128xi32, #tpu.memory_space<vmem>>) semaphore(%arg14 : memref<!tpu.dma_semaphore, #tpu.memory_space<semaphore_mem>>)
    } else {
    }
    %ne3A_14 = arith.constant 0 : i32
    %ne3A_15 = arith.cmpi ne, %arg0, %ne3A_14 : i32
    %convert_element_type3A_16 = arith.extui %ne3A_15 : i1 to i32
    %cond3A_17 = arith.constant 0 : i32
    %cond3A_18 = arith.cmpi ne, %convert_element_type3A_16, %cond3A_17 : i32
    scf.if %cond3A_18 {
      %dma_start3A = arith.constant 1 : i32
      %dma_start3A_55 = arith.constant 1 : i32
      %dma_start3A_56 = arith.constant 0 : i32
      %dma_start3A_57 = arith.constant 0 : i32
      %dma_start3A_58 = tpu.memref_slice %arg11[%dma_start3A_55, %dma_start3A_56, %dma_start3A_57] : memref<4x128x64xf32, #tpu.memory_space<vmem>> -> memref<1x128x64xf32, #tpu.memory_space<vmem>>
      %dma_start3A_59 = tpu.memref_squeeze %dma_start3A_58 : memref<1x128x64xf32, #tpu.memory_space<vmem>> -> memref<128x64xf32, #tpu.memory_space<vmem>>
      %dma_start3A_60 = arith.constant 0 : i32
      %dma_start3A_61 = tpu.memref_slice %arg9[%dma_start3A, %dma_start3A_60] : memref<160x128xi32, #tpu.memory_space<vmem>> -> memref<1x128xi32, #tpu.memory_space<vmem>>
      %dma_start3A_62 = tpu.memref_squeeze %dma_start3A_61 : memref<1x128xi32, #tpu.memory_space<vmem>> -> memref<128xi32, #tpu.memory_space<vmem>>
      %dma_start3A_63 = arith.constant 0 : i32
      %dma_start3A_64 = arith.constant 0 : i32
      %dma_start3A_65 = tpu.memref_slice %arg3[%dma_start3A_63, %dma_start3A_64] : memref<10240x64xf32, #tpu.memory_space<hbm>> -> memref<10240x64xf32, #tpu.memory_space<hbm>>
      tpu.enqueue_indirect_dma source(%dma_start3A_65 : memref<10240x64xf32, #tpu.memory_space<hbm>>) target(%dma_start3A_59 : memref<128x64xf32, #tpu.memory_space<vmem>>) offsets(%dma_start3A_62 : memref<128xi32, #tpu.memory_space<vmem>>) semaphore(%arg14 : memref<!tpu.dma_semaphore, #tpu.memory_space<semaphore_mem>>)
    } else {
    }
    %eq3A_19 = arith.constant 0 : i32
    %eq3A_20 = arith.cmpi eq, %arg0, %eq3A_19 : i32
    %convert_element_type3A_21 = arith.extui %eq3A_20 : i1 to i32
    %cond3A_22 = arith.constant 0 : i32
    %cond3A_23 = arith.cmpi ne, %convert_element_type3A_21, %cond3A_22 : i32
    scf.if %cond3A_23 {
      %dma_start3A = arith.constant 2 : i32
      %dma_start3A_55 = arith.constant 2 : i32
      %dma_start3A_56 = arith.constant 0 : i32
      %dma_start3A_57 = arith.constant 0 : i32
      %dma_start3A_58 = tpu.memref_slice %arg11[%dma_start3A_55, %dma_start3A_56, %dma_start3A_57] : memref<4x128x64xf32, #tpu.memory_space<vmem>> -> memref<1x128x64xf32, #tpu.memory_space<vmem>>
      %dma_start3A_59 = tpu.memref_squeeze %dma_start3A_58 : memref<1x128x64xf32, #tpu.memory_space<vmem>> -> memref<128x64xf32, #tpu.memory_space<vmem>>
      %dma_start3A_60 = arith.constant 0 : i32
      %dma_start3A_61 = tpu.memref_slice %arg9[%dma_start3A, %dma_start3A_60] : memref<160x128xi32, #tpu.memory_space<vmem>> -> memref<1x128xi32, #tpu.memory_space<vmem>>
      %dma_start3A_62 = tpu.memref_squeeze %dma_start3A_61 : memref<1x128xi32, #tpu.memory_space<vmem>> -> memref<128xi32, #tpu.memory_space<vmem>>
      %dma_start3A_63 = arith.constant 0 : i32
      %dma_start3A_64 = arith.constant 0 : i32
      %dma_start3A_65 = tpu.memref_slice %arg2[%dma_start3A_63, %dma_start3A_64] : memref<10240x64xf32, #tpu.memory_space<hbm>> -> memref<10240x64xf32, #tpu.memory_space<hbm>>
      tpu.enqueue_indirect_dma source(%dma_start3A_65 : memref<10240x64xf32, #tpu.memory_space<hbm>>) target(%dma_start3A_59 : memref<128x64xf32, #tpu.memory_space<vmem>>) offsets(%dma_start3A_62 : memref<128xi32, #tpu.memory_space<vmem>>) semaphore(%arg15 : memref<!tpu.dma_semaphore, #tpu.memory_space<semaphore_mem>>)
    } else {
    }
    %ne3A_24 = arith.constant 0 : i32
    %ne3A_25 = arith.cmpi ne, %arg0, %ne3A_24 : i32
    %convert_element_type3A_26 = arith.extui %ne3A_25 : i1 to i32
    %cond3A_27 = arith.constant 0 : i32
    %cond3A_28 = arith.cmpi ne, %convert_element_type3A_26, %cond3A_27 : i32
    scf.if %cond3A_28 {
      %dma_start3A = arith.constant 2 : i32
      %dma_start3A_55 = arith.constant 2 : i32
      %dma_start3A_56 = arith.constant 0 : i32
      %dma_start3A_57 = arith.constant 0 : i32
      %dma_start3A_58 = tpu.memref_slice %arg11[%dma_start3A_55, %dma_start3A_56, %dma_start3A_57] : memref<4x128x64xf32, #tpu.memory_space<vmem>> -> memref<1x128x64xf32, #tpu.memory_space<vmem>>
      %dma_start3A_59 = tpu.memref_squeeze %dma_start3A_58 : memref<1x128x64xf32, #tpu.memory_space<vmem>> -> memref<128x64xf32, #tpu.memory_space<vmem>>
      %dma_start3A_60 = arith.constant 0 : i32
      %dma_start3A_61 = tpu.memref_slice %arg9[%dma_start3A, %dma_start3A_60] : memref<160x128xi32, #tpu.memory_space<vmem>> -> memref<1x128xi32, #tpu.memory_space<vmem>>
      %dma_start3A_62 = tpu.memref_squeeze %dma_start3A_61 : memref<1x128xi32, #tpu.memory_space<vmem>> -> memref<128xi32, #tpu.memory_space<vmem>>
      %dma_start3A_63 = arith.constant 0 : i32
      %dma_start3A_64 = arith.constant 0 : i32
      %dma_start3A_65 = tpu.memref_slice %arg3[%dma_start3A_63, %dma_start3A_64] : memref<10240x64xf32, #tpu.memory_space<hbm>> -> memref<10240x64xf32, #tpu.memory_space<hbm>>
      tpu.enqueue_indirect_dma source(%dma_start3A_65 : memref<10240x64xf32, #tpu.memory_space<hbm>>) target(%dma_start3A_59 : memref<128x64xf32, #tpu.memory_space<vmem>>) offsets(%dma_start3A_62 : memref<128xi32, #tpu.memory_space<vmem>>) semaphore(%arg15 : memref<!tpu.dma_semaphore, #tpu.memory_space<semaphore_mem>>)
    } else {
    }
    %eq3A_29 = arith.constant 0 : i32
    %eq3A_30 = arith.cmpi eq, %arg0, %eq3A_29 : i32
    %convert_element_type3A_31 = arith.extui %eq3A_30 : i1 to i32
    %cond3A_32 = arith.constant 0 : i32
    %cond3A_33 = arith.cmpi ne, %convert_element_type3A_31, %cond3A_32 : i32
    scf.if %cond3A_33 {
      %dma_start3A = arith.constant 3 : i32
      %dma_start3A_55 = arith.constant 3 : i32
      %dma_start3A_56 = arith.constant 0 : i32
      %dma_start3A_57 = arith.constant 0 : i32
      %dma_start3A_58 = tpu.memref_slice %arg11[%dma_start3A_55, %dma_start3A_56, %dma_start3A_57] : memref<4x128x64xf32, #tpu.memory_space<vmem>> -> memref<1x128x64xf32, #tpu.memory_space<vmem>>
      %dma_start3A_59 = tpu.memref_squeeze %dma_start3A_58 : memref<1x128x64xf32, #tpu.memory_space<vmem>> -> memref<128x64xf32, #tpu.memory_space<vmem>>
      %dma_start3A_60 = arith.constant 0 : i32
      %dma_start3A_61 = tpu.memref_slice %arg9[%dma_start3A, %dma_start3A_60] : memref<160x128xi32, #tpu.memory_space<vmem>> -> memref<1x128xi32, #tpu.memory_space<vmem>>
      %dma_start3A_62 = tpu.memref_squeeze %dma_start3A_61 : memref<1x128xi32, #tpu.memory_space<vmem>> -> memref<128xi32, #tpu.memory_space<vmem>>
      %dma_start3A_63 = arith.constant 0 : i32
      %dma_start3A_64 = arith.constant 0 : i32
      %dma_start3A_65 = tpu.memref_slice %arg2[%dma_start3A_63, %dma_start3A_64] : memref<10240x64xf32, #tpu.memory_space<hbm>> -> memref<10240x64xf32, #tpu.memory_space<hbm>>
      tpu.enqueue_indirect_dma source(%dma_start3A_65 : memref<10240x64xf32, #tpu.memory_space<hbm>>) target(%dma_start3A_59 : memref<128x64xf32, #tpu.memory_space<vmem>>) offsets(%dma_start3A_62 : memref<128xi32, #tpu.memory_space<vmem>>) semaphore(%arg16 : memref<!tpu.dma_semaphore, #tpu.memory_space<semaphore_mem>>)
    } else {
    }
    %ne3A_34 = arith.constant 0 : i32
    %ne3A_35 = arith.cmpi ne, %arg0, %ne3A_34 : i32
    %convert_element_type3A_36 = arith.extui %ne3A_35 : i1 to i32
    %cond3A_37 = arith.constant 0 : i32
    %cond3A_38 = arith.cmpi ne, %convert_element_type3A_36, %cond3A_37 : i32
    scf.if %cond3A_38 {
      %dma_start3A = arith.constant 3 : i32
      %dma_start3A_55 = arith.constant 3 : i32
      %dma_start3A_56 = arith.constant 0 : i32
      %dma_start3A_57 = arith.constant 0 : i32
      %dma_start3A_58 = tpu.memref_slice %arg11[%dma_start3A_55, %dma_start3A_56, %dma_start3A_57] : memref<4x128x64xf32, #tpu.memory_space<vmem>> -> memref<1x128x64xf32, #tpu.memory_space<vmem>>
      %dma_start3A_59 = tpu.memref_squeeze %dma_start3A_58 : memref<1x128x64xf32, #tpu.memory_space<vmem>> -> memref<128x64xf32, #tpu.memory_space<vmem>>
      %dma_start3A_60 = arith.constant 0 : i32
      %dma_start3A_61 = tpu.memref_slice %arg9[%dma_start3A, %dma_start3A_60] : memref<160x128xi32, #tpu.memory_space<vmem>> -> memref<1x128xi32, #tpu.memory_space<vmem>>
      %dma_start3A_62 = tpu.memref_squeeze %dma_start3A_61 : memref<1x128xi32, #tpu.memory_space<vmem>> -> memref<128xi32, #tpu.memory_space<vmem>>
      %dma_start3A_63 = arith.constant 0 : i32
      %dma_start3A_64 = arith.constant 0 : i32
      %dma_start3A_65 = tpu.memref_slice %arg3[%dma_start3A_63, %dma_start3A_64] : memref<10240x64xf32, #tpu.memory_space<hbm>> -> memref<10240x64xf32, #tpu.memory_space<hbm>>
      tpu.enqueue_indirect_dma source(%dma_start3A_65 : memref<10240x64xf32, #tpu.memory_space<hbm>>) target(%dma_start3A_59 : memref<128x64xf32, #tpu.memory_space<vmem>>) offsets(%dma_start3A_62 : memref<128xi32, #tpu.memory_space<vmem>>) semaphore(%arg16 : memref<!tpu.dma_semaphore, #tpu.memory_space<semaphore_mem>>)
    } else {
    }
    %barrier3A = arith.constant 0 : index
    tpu.barrier barrier_id(%barrier3A)
    %scan3A = arith.constant 0 : i32
    %scan3A_39 = arith.constant 0 : i32
    %scan3A_40 = arith.constant 40 : i32
    %scan3A_41 = arith.addi %scan3A_39, %scan3A_40 : i32
    %scan3A_42 = arith.constant 1 : i32
    scf.for %scan3A_55 = %scan3A_39 to %scan3A_41 step %scan3A_42  : i32 {
      %mul3A_56 = arith.constant 4 : i32
      %mul3A_57 = arith.muli %scan3A_55, %mul3A_56 : i32
      %add3A = arith.constant 0 : i32
      %add3A_58 = arith.addi %mul3A_57, %add3A : i32
      %dma_wait3A = arith.constant 0 : i32
      %dma_wait3A_59 = arith.constant 0 : i32
      %dma_wait3A_60 = arith.constant 0 : i32
      %dma_wait3A_61 = tpu.memref_slice %arg11[%dma_wait3A, %dma_wait3A_59, %dma_wait3A_60] : memref<4x128x64xf32, #tpu.memory_space<vmem>> -> memref<1x128x64xf32, #tpu.memory_space<vmem>>
      %dma_wait3A_62 = tpu.memref_squeeze %dma_wait3A_61 : memref<1x128x64xf32, #tpu.memory_space<vmem>> -> memref<128x64xf32, #tpu.memory_space<vmem>>
      %dma_wait3A_63 = arith.constant 0 : i32
      %dma_wait3A_64 = tpu.memref_slice %arg9[%add3A_58, %dma_wait3A_63] : memref<160x128xi32, #tpu.memory_space<vmem>> -> memref<1x128xi32, #tpu.memory_space<vmem>>
      %dma_wait3A_65 = tpu.memref_squeeze %dma_wait3A_64 : memref<1x128xi32, #tpu.memory_space<vmem>> -> memref<128xi32, #tpu.memory_space<vmem>>
      %dma_wait3A_66 = arith.constant 0 : i32
      %dma_wait3A_67 = arith.constant 0 : i32
      %dma_wait3A_68 = tpu.memref_slice %arg2[%dma_wait3A_66, %dma_wait3A_67] : memref<10240x64xf32, #tpu.memory_space<hbm>> -> memref<10240x64xf32, #tpu.memory_space<hbm>>
      tpu.wait_indirect_dma semaphore(%arg13 : memref<!tpu.dma_semaphore, #tpu.memory_space<semaphore_mem>>) src(%dma_wait3A_68 : memref<10240x64xf32, #tpu.memory_space<hbm>>) dst(%dma_wait3A_62 : memref<128x64xf32, #tpu.memory_space<vmem>>)
      %run_scoped3A = arith.constant 0 : i32
      "tpu.region"() ({
        %run_scoped3A_144 = tpu.sem_alloc : memref<!tpu.dma_semaphore, #tpu.memory_space<semaphore_mem>>
        %dma_start3A = arith.constant 0 : i32
        %dma_start3A_145 = arith.constant 0 : i32
        %dma_start3A_146 = tpu.memref_slice %arg11[%run_scoped3A, %dma_start3A, %dma_start3A_145] : memref<4x128x64xf32, #tpu.memory_space<vmem>> -> memref<1x128x64xf32, #tpu.memory_space<vmem>>
        %dma_start3A_147 = tpu.memref_squeeze %dma_start3A_146 : memref<1x128x64xf32, #tpu.memory_space<vmem>> -> memref<128x64xf32, #tpu.memory_space<vmem>>
        %dma_start3A_148 = arith.constant 0 : i32
        %dma_start3A_149 = tpu.memref_slice %arg10[%add3A_58, %dma_start3A_148] : memref<160x128xi32, #tpu.memory_space<vmem>> -> memref<1x128xi32, #tpu.memory_space<vmem>>
        %dma_start3A_150 = tpu.memref_squeeze %dma_start3A_149 : memref<1x128xi32, #tpu.memory_space<vmem>> -> memref<128xi32, #tpu.memory_space<vmem>>
        %dma_start3A_151 = arith.constant 0 : i32
        %dma_start3A_152 = arith.constant 0 : i32
        %dma_start3A_153 = tpu.memref_slice %arg12[%dma_start3A_151, %dma_start3A_152] : memref<10240x64xf32, #tpu.memory_space<vmem_shared>> -> memref<10240x64xf32, #tpu.memory_space<vmem_shared>>
        tpu.enqueue_indirect_dma source(%dma_start3A_147 : memref<128x64xf32, #tpu.memory_space<vmem>>) target(%dma_start3A_153 : memref<10240x64xf32, #tpu.memory_space<vmem_shared>>) offsets(%dma_start3A_150 : memref<128xi32, #tpu.memory_space<vmem>>) semaphore(%run_scoped3A_144 : memref<!tpu.dma_semaphore, #tpu.memory_space<semaphore_mem>>) {add = true}
        %dma_wait3A_154 = arith.constant 0 : i32
        %dma_wait3A_155 = arith.constant 0 : i32
        %dma_wait3A_156 = tpu.memref_slice %arg11[%run_scoped3A, %dma_wait3A_154, %dma_wait3A_155] : memref<4x128x64xf32, #tpu.memory_space<vmem>> -> memref<1x128x64xf32, #tpu.memory_space<vmem>>
        %dma_wait3A_157 = tpu.memref_squeeze %dma_wait3A_156 : memref<1x128x64xf32, #tpu.memory_space<vmem>> -> memref<128x64xf32, #tpu.memory_space<vmem>>
        %dma_wait3A_158 = arith.constant 0 : i32
        %dma_wait3A_159 = tpu.memref_slice %arg10[%add3A_58, %dma_wait3A_158] : memref<160x128xi32, #tpu.memory_space<vmem>> -> memref<1x128xi32, #tpu.memory_space<vmem>>
        %dma_wait3A_160 = tpu.memref_squeeze %dma_wait3A_159 : memref<1x128xi32, #tpu.memory_space<vmem>> -> memref<128xi32, #tpu.memory_space<vmem>>
        %dma_wait3A_161 = arith.constant 0 : i32
        %dma_wait3A_162 = arith.constant 0 : i32
        %dma_wait3A_163 = tpu.memref_slice %arg12[%dma_wait3A_161, %dma_wait3A_162] : memref<10240x64xf32, #tpu.memory_space<vmem_shared>> -> memref<10240x64xf32, #tpu.memory_space<vmem_shared>>
        tpu.wait_indirect_dma semaphore(%run_scoped3A_144 : memref<!tpu.dma_semaphore, #tpu.memory_space<semaphore_mem>>) src(%dma_wait3A_157 : memref<128x64xf32, #tpu.memory_space<vmem>>) dst(%dma_wait3A_163 : memref<10240x64xf32, #tpu.memory_space<vmem_shared>>)
        tpu.yield
      }) : () -> ()
      %add3A_69 = arith.constant 4 : i32
      %add3A_70 = arith.addi %add3A_58, %add3A_69 : i32
      %lt3A = arith.constant 160 : i32
      %lt3A_71 = arith.cmpi slt, %add3A_70, %lt3A : i32
      %convert_element_type3A_72 = arith.extui %lt3A_71 : i1 to i32
      %cond3A_73 = arith.constant 0 : i32
      %cond3A_74 = arith.cmpi ne, %convert_element_type3A_72, %cond3A_73 : i32
      scf.if %cond3A_74 {
        %add3A_144 = arith.constant 4 : i32
        %add3A_145 = arith.addi %add3A_58, %add3A_144 : i32
        %eq3A_146 = arith.constant 0 : i32
        %eq3A_147 = arith.cmpi eq, %arg0, %eq3A_146 : i32
        %convert_element_type3A_148 = arith.extui %eq3A_147 : i1 to i32
        %cond3A_149 = arith.constant 0 : i32
        %cond3A_150 = arith.cmpi ne, %convert_element_type3A_148, %cond3A_149 : i32
        scf.if %cond3A_150 {
          %dma_start3A = arith.constant 0 : i32
          %dma_start3A_156 = arith.constant 0 : i32
          %dma_start3A_157 = arith.constant 0 : i32
          %dma_start3A_158 = tpu.memref_slice %arg11[%dma_start3A, %dma_start3A_156, %dma_start3A_157] : memref<4x128x64xf32, #tpu.memory_space<vmem>> -> memref<1x128x64xf32, #tpu.memory_space<vmem>>
          %dma_start3A_159 = tpu.memref_squeeze %dma_start3A_158 : memref<1x128x64xf32, #tpu.memory_space<vmem>> -> memref<128x64xf32, #tpu.memory_space<vmem>>
          %dma_start3A_160 = arith.constant 0 : i32
          %dma_start3A_161 = tpu.memref_slice %arg9[%add3A_145, %dma_start3A_160] : memref<160x128xi32, #tpu.memory_space<vmem>> -> memref<1x128xi32, #tpu.memory_space<vmem>>
          %dma_start3A_162 = tpu.memref_squeeze %dma_start3A_161 : memref<1x128xi32, #tpu.memory_space<vmem>> -> memref<128xi32, #tpu.memory_space<vmem>>
          %dma_start3A_163 = arith.constant 0 : i32
          %dma_start3A_164 = arith.constant 0 : i32
          %dma_start3A_165 = tpu.memref_slice %arg2[%dma_start3A_163, %dma_start3A_164] : memref<10240x64xf32, #tpu.memory_space<hbm>> -> memref<10240x64xf32, #tpu.memory_space<hbm>>
          tpu.enqueue_indirect_dma source(%dma_start3A_165 : memref<10240x64xf32, #tpu.memory_space<hbm>>) target(%dma_start3A_159 : memref<128x64xf32, #tpu.memory_space<vmem>>) offsets(%dma_start3A_162 : memref<128xi32, #tpu.memory_space<vmem>>) semaphore(%arg13 : memref<!tpu.dma_semaphore, #tpu.memory_space<semaphore_mem>>)
        } else {
        }
        %ne3A_151 = arith.constant 0 : i32
        %ne3A_152 = arith.cmpi ne, %arg0, %ne3A_151 : i32
        %convert_element_type3A_153 = arith.extui %ne3A_152 : i1 to i32
        %cond3A_154 = arith.constant 0 : i32
        %cond3A_155 = arith.cmpi ne, %convert_element_type3A_153, %cond3A_154 : i32
        scf.if %cond3A_155 {
          %dma_start3A = arith.constant 0 : i32
          %dma_start3A_156 = arith.constant 0 : i32
          %dma_start3A_157 = arith.constant 0 : i32
          %dma_start3A_158 = tpu.memref_slice %arg11[%dma_start3A, %dma_start3A_156, %dma_start3A_157] : memref<4x128x64xf32, #tpu.memory_space<vmem>> -> memref<1x128x64xf32, #tpu.memory_space<vmem>>
          %dma_start3A_159 = tpu.memref_squeeze %dma_start3A_158 : memref<1x128x64xf32, #tpu.memory_space<vmem>> -> memref<128x64xf32, #tpu.memory_space<vmem>>
          %dma_start3A_160 = arith.constant 0 : i32
          %dma_start3A_161 = tpu.memref_slice %arg9[%add3A_145, %dma_start3A_160] : memref<160x128xi32, #tpu.memory_space<vmem>> -> memref<1x128xi32, #tpu.memory_space<vmem>>
          %dma_start3A_162 = tpu.memref_squeeze %dma_start3A_161 : memref<1x128xi32, #tpu.memory_space<vmem>> -> memref<128xi32, #tpu.memory_space<vmem>>
          %dma_start3A_163 = arith.constant 0 : i32
          %dma_start3A_164 = arith.constant 0 : i32
          %dma_start3A_165 = tpu.memref_slice %arg3[%dma_start3A_163, %dma_start3A_164] : memref<10240x64xf32, #tpu.memory_space<hbm>> -> memref<10240x64xf32, #tpu.memory_space<hbm>>
          tpu.enqueue_indirect_dma source(%dma_start3A_165 : memref<10240x64xf32, #tpu.memory_space<hbm>>) target(%dma_start3A_159 : memref<128x64xf32, #tpu.memory_space<vmem>>) offsets(%dma_start3A_162 : memref<128xi32, #tpu.memory_space<vmem>>) semaphore(%arg13 : memref<!tpu.dma_semaphore, #tpu.memory_space<semaphore_mem>>)
        } else {
        }
      } else {
      }
      %mul3A_75 = arith.constant 4 : i32
      %mul3A_76 = arith.muli %scan3A_55, %mul3A_75 : i32
      %add3A_77 = arith.constant 1 : i32
      %add3A_78 = arith.addi %mul3A_76, %add3A_77 : i32
      %dma_wait3A_79 = arith.constant 1 : i32
      %dma_wait3A_80 = arith.constant 0 : i32
      %dma_wait3A_81 = arith.constant 0 : i32
      %dma_wait3A_82 = tpu.memref_slice %arg11[%dma_wait3A_79, %dma_wait3A_80, %dma_wait3A_81] : memref<4x128x64xf32, #tpu.memory_space<vmem>> -> memref<1x128x64xf32, #tpu.memory_space<vmem>>
      %dma_wait3A_83 = tpu.memref_squeeze %dma_wait3A_82 : memref<1x128x64xf32, #tpu.memory_space<vmem>> -> memref<128x64xf32, #tpu.memory_space<vmem>>
      %dma_wait3A_84 = arith.constant 0 : i32
      %dma_wait3A_85 = tpu.memref_slice %arg9[%add3A_78, %dma_wait3A_84] : memref<160x128xi32, #tpu.memory_space<vmem>> -> memref<1x128xi32, #tpu.memory_space<vmem>>
      %dma_wait3A_86 = tpu.memref_squeeze %dma_wait3A_85 : memref<1x128xi32, #tpu.memory_space<vmem>> -> memref<128xi32, #tpu.memory_space<vmem>>
      %dma_wait3A_87 = arith.constant 0 : i32
      %dma_wait3A_88 = arith.constant 0 : i32
      %dma_wait3A_89 = tpu.memref_slice %arg2[%dma_wait3A_87, %dma_wait3A_88] : memref<10240x64xf32, #tpu.memory_space<hbm>> -> memref<10240x64xf32, #tpu.memory_space<hbm>>
      tpu.wait_indirect_dma semaphore(%arg14 : memref<!tpu.dma_semaphore, #tpu.memory_space<semaphore_mem>>) src(%dma_wait3A_89 : memref<10240x64xf32, #tpu.memory_space<hbm>>) dst(%dma_wait3A_83 : memref<128x64xf32, #tpu.memory_space<vmem>>)
      %run_scoped3A_90 = arith.constant 1 : i32
      "tpu.region"() ({
        %run_scoped3A_144 = tpu.sem_alloc : memref<!tpu.dma_semaphore, #tpu.memory_space<semaphore_mem>>
        %dma_start3A = arith.constant 0 : i32
        %dma_start3A_145 = arith.constant 0 : i32
        %dma_start3A_146 = tpu.memref_slice %arg11[%run_scoped3A_90, %dma_start3A, %dma_start3A_145] : memref<4x128x64xf32, #tpu.memory_space<vmem>> -> memref<1x128x64xf32, #tpu.memory_space<vmem>>
        %dma_start3A_147 = tpu.memref_squeeze %dma_start3A_146 : memref<1x128x64xf32, #tpu.memory_space<vmem>> -> memref<128x64xf32, #tpu.memory_space<vmem>>
        %dma_start3A_148 = arith.constant 0 : i32
        %dma_start3A_149 = tpu.memref_slice %arg10[%add3A_78, %dma_start3A_148] : memref<160x128xi32, #tpu.memory_space<vmem>> -> memref<1x128xi32, #tpu.memory_space<vmem>>
        %dma_start3A_150 = tpu.memref_squeeze %dma_start3A_149 : memref<1x128xi32, #tpu.memory_space<vmem>> -> memref<128xi32, #tpu.memory_space<vmem>>
        %dma_start3A_151 = arith.constant 0 : i32
        %dma_start3A_152 = arith.constant 0 : i32
        %dma_start3A_153 = tpu.memref_slice %arg12[%dma_start3A_151, %dma_start3A_152] : memref<10240x64xf32, #tpu.memory_space<vmem_shared>> -> memref<10240x64xf32, #tpu.memory_space<vmem_shared>>
        tpu.enqueue_indirect_dma source(%dma_start3A_147 : memref<128x64xf32, #tpu.memory_space<vmem>>) target(%dma_start3A_153 : memref<10240x64xf32, #tpu.memory_space<vmem_shared>>) offsets(%dma_start3A_150 : memref<128xi32, #tpu.memory_space<vmem>>) semaphore(%run_scoped3A_144 : memref<!tpu.dma_semaphore, #tpu.memory_space<semaphore_mem>>) {add = true}
        %dma_wait3A_154 = arith.constant 0 : i32
        %dma_wait3A_155 = arith.constant 0 : i32
        %dma_wait3A_156 = tpu.memref_slice %arg11[%run_scoped3A_90, %dma_wait3A_154, %dma_wait3A_155] : memref<4x128x64xf32, #tpu.memory_space<vmem>> -> memref<1x128x64xf32, #tpu.memory_space<vmem>>
        %dma_wait3A_157 = tpu.memref_squeeze %dma_wait3A_156 : memref<1x128x64xf32, #tpu.memory_space<vmem>> -> memref<128x64xf32, #tpu.memory_space<vmem>>
        %dma_wait3A_158 = arith.constant 0 : i32
        %dma_wait3A_159 = tpu.memref_slice %arg10[%add3A_78, %dma_wait3A_158] : memref<160x128xi32, #tpu.memory_space<vmem>> -> memref<1x128xi32, #tpu.memory_space<vmem>>
        %dma_wait3A_160 = tpu.memref_squeeze %dma_wait3A_159 : memref<1x128xi32, #tpu.memory_space<vmem>> -> memref<128xi32, #tpu.memory_space<vmem>>
        %dma_wait3A_161 = arith.constant 0 : i32
        %dma_wait3A_162 = arith.constant 0 : i32
        %dma_wait3A_163 = tpu.memref_slice %arg12[%dma_wait3A_161, %dma_wait3A_162] : memref<10240x64xf32, #tpu.memory_space<vmem_shared>> -> memref<10240x64xf32, #tpu.memory_space<vmem_shared>>
        tpu.wait_indirect_dma semaphore(%run_scoped3A_144 : memref<!tpu.dma_semaphore, #tpu.memory_space<semaphore_mem>>) src(%dma_wait3A_157 : memref<128x64xf32, #tpu.memory_space<vmem>>) dst(%dma_wait3A_163 : memref<10240x64xf32, #tpu.memory_space<vmem_shared>>)
        tpu.yield
      }) : () -> ()
      %add3A_91 = arith.constant 4 : i32
      %add3A_92 = arith.addi %add3A_78, %add3A_91 : i32
      %lt3A_93 = arith.constant 160 : i32
      %lt3A_94 = arith.cmpi slt, %add3A_92, %lt3A_93 : i32
      %convert_element_type3A_95 = arith.extui %lt3A_94 : i1 to i32
      %cond3A_96 = arith.constant 0 : i32
      %cond3A_97 = arith.cmpi ne, %convert_element_type3A_95, %cond3A_96 : i32
      scf.if %cond3A_97 {
        %add3A_144 = arith.constant 4 : i32
        %add3A_145 = arith.addi %add3A_78, %add3A_144 : i32
        %eq3A_146 = arith.constant 0 : i32
        %eq3A_147 = arith.cmpi eq, %arg0, %eq3A_146 : i32
        %convert_element_type3A_148 = arith.extui %eq3A_147 : i1 to i32
        %cond3A_149 = arith.constant 0 : i32
        %cond3A_150 = arith.cmpi ne, %convert_element_type3A_148, %cond3A_149 : i32
        scf.if %cond3A_150 {
          %dma_start3A = arith.constant 1 : i32
          %dma_start3A_156 = arith.constant 0 : i32
          %dma_start3A_157 = arith.constant 0 : i32
          %dma_start3A_158 = tpu.memref_slice %arg11[%dma_start3A, %dma_start3A_156, %dma_start3A_157] : memref<4x128x64xf32, #tpu.memory_space<vmem>> -> memref<1x128x64xf32, #tpu.memory_space<vmem>>
          %dma_start3A_159 = tpu.memref_squeeze %dma_start3A_158 : memref<1x128x64xf32, #tpu.memory_space<vmem>> -> memref<128x64xf32, #tpu.memory_space<vmem>>
          %dma_start3A_160 = arith.constant 0 : i32
          %dma_start3A_161 = tpu.memref_slice %arg9[%add3A_145, %dma_start3A_160] : memref<160x128xi32, #tpu.memory_space<vmem>> -> memref<1x128xi32, #tpu.memory_space<vmem>>
          %dma_start3A_162 = tpu.memref_squeeze %dma_start3A_161 : memref<1x128xi32, #tpu.memory_space<vmem>> -> memref<128xi32, #tpu.memory_space<vmem>>
          %dma_start3A_163 = arith.constant 0 : i32
          %dma_start3A_164 = arith.constant 0 : i32
          %dma_start3A_165 = tpu.memref_slice %arg2[%dma_start3A_163, %dma_start3A_164] : memref<10240x64xf32, #tpu.memory_space<hbm>> -> memref<10240x64xf32, #tpu.memory_space<hbm>>
          tpu.enqueue_indirect_dma source(%dma_start3A_165 : memref<10240x64xf32, #tpu.memory_space<hbm>>) target(%dma_start3A_159 : memref<128x64xf32, #tpu.memory_space<vmem>>) offsets(%dma_start3A_162 : memref<128xi32, #tpu.memory_space<vmem>>) semaphore(%arg14 : memref<!tpu.dma_semaphore, #tpu.memory_space<semaphore_mem>>)
        } else {
        }
        %ne3A_151 = arith.constant 0 : i32
        %ne3A_152 = arith.cmpi ne, %arg0, %ne3A_151 : i32
        %convert_element_type3A_153 = arith.extui %ne3A_152 : i1 to i32
        %cond3A_154 = arith.constant 0 : i32
        %cond3A_155 = arith.cmpi ne, %convert_element_type3A_153, %cond3A_154 : i32
        scf.if %cond3A_155 {
          %dma_start3A = arith.constant 1 : i32
          %dma_start3A_156 = arith.constant 0 : i32
          %dma_start3A_157 = arith.constant 0 : i32
          %dma_start3A_158 = tpu.memref_slice %arg11[%dma_start3A, %dma_start3A_156, %dma_start3A_157] : memref<4x128x64xf32, #tpu.memory_space<vmem>> -> memref<1x128x64xf32, #tpu.memory_space<vmem>>
          %dma_start3A_159 = tpu.memref_squeeze %dma_start3A_158 : memref<1x128x64xf32, #tpu.memory_space<vmem>> -> memref<128x64xf32, #tpu.memory_space<vmem>>
          %dma_start3A_160 = arith.constant 0 : i32
          %dma_start3A_161 = tpu.memref_slice %arg9[%add3A_145, %dma_start3A_160] : memref<160x128xi32, #tpu.memory_space<vmem>> -> memref<1x128xi32, #tpu.memory_space<vmem>>
          %dma_start3A_162 = tpu.memref_squeeze %dma_start3A_161 : memref<1x128xi32, #tpu.memory_space<vmem>> -> memref<128xi32, #tpu.memory_space<vmem>>
          %dma_start3A_163 = arith.constant 0 : i32
          %dma_start3A_164 = arith.constant 0 : i32
          %dma_start3A_165 = tpu.memref_slice %arg3[%dma_start3A_163, %dma_start3A_164] : memref<10240x64xf32, #tpu.memory_space<hbm>> -> memref<10240x64xf32, #tpu.memory_space<hbm>>
          tpu.enqueue_indirect_dma source(%dma_start3A_165 : memref<10240x64xf32, #tpu.memory_space<hbm>>) target(%dma_start3A_159 : memref<128x64xf32, #tpu.memory_space<vmem>>) offsets(%dma_start3A_162 : memref<128xi32, #tpu.memory_space<vmem>>) semaphore(%arg14 : memref<!tpu.dma_semaphore, #tpu.memory_space<semaphore_mem>>)
        } else {
        }
      } else {
      }
      %mul3A_98 = arith.constant 4 : i32
      %mul3A_99 = arith.muli %scan3A_55, %mul3A_98 : i32
      %add3A_100 = arith.constant 2 : i32
      %add3A_101 = arith.addi %mul3A_99, %add3A_100 : i32
      %dma_wait3A_102 = arith.constant 2 : i32
      %dma_wait3A_103 = arith.constant 0 : i32
      %dma_wait3A_104 = arith.constant 0 : i32
      %dma_wait3A_105 = tpu.memref_slice %arg11[%dma_wait3A_102, %dma_wait3A_103, %dma_wait3A_104] : memref<4x128x64xf32, #tpu.memory_space<vmem>> -> memref<1x128x64xf32, #tpu.memory_space<vmem>>
      %dma_wait3A_106 = tpu.memref_squeeze %dma_wait3A_105 : memref<1x128x64xf32, #tpu.memory_space<vmem>> -> memref<128x64xf32, #tpu.memory_space<vmem>>
      %dma_wait3A_107 = arith.constant 0 : i32
      %dma_wait3A_108 = tpu.memref_slice %arg9[%add3A_101, %dma_wait3A_107] : memref<160x128xi32, #tpu.memory_space<vmem>> -> memref<1x128xi32, #tpu.memory_space<vmem>>
      %dma_wait3A_109 = tpu.memref_squeeze %dma_wait3A_108 : memref<1x128xi32, #tpu.memory_space<vmem>> -> memref<128xi32, #tpu.memory_space<vmem>>
      %dma_wait3A_110 = arith.constant 0 : i32
      %dma_wait3A_111 = arith.constant 0 : i32
      %dma_wait3A_112 = tpu.memref_slice %arg2[%dma_wait3A_110, %dma_wait3A_111] : memref<10240x64xf32, #tpu.memory_space<hbm>> -> memref<10240x64xf32, #tpu.memory_space<hbm>>
      tpu.wait_indirect_dma semaphore(%arg15 : memref<!tpu.dma_semaphore, #tpu.memory_space<semaphore_mem>>) src(%dma_wait3A_112 : memref<10240x64xf32, #tpu.memory_space<hbm>>) dst(%dma_wait3A_106 : memref<128x64xf32, #tpu.memory_space<vmem>>)
      %run_scoped3A_113 = arith.constant 2 : i32
      "tpu.region"() ({
        %run_scoped3A_144 = tpu.sem_alloc : memref<!tpu.dma_semaphore, #tpu.memory_space<semaphore_mem>>
        %dma_start3A = arith.constant 0 : i32
        %dma_start3A_145 = arith.constant 0 : i32
        %dma_start3A_146 = tpu.memref_slice %arg11[%run_scoped3A_113, %dma_start3A, %dma_start3A_145] : memref<4x128x64xf32, #tpu.memory_space<vmem>> -> memref<1x128x64xf32, #tpu.memory_space<vmem>>
        %dma_start3A_147 = tpu.memref_squeeze %dma_start3A_146 : memref<1x128x64xf32, #tpu.memory_space<vmem>> -> memref<128x64xf32, #tpu.memory_space<vmem>>
        %dma_start3A_148 = arith.constant 0 : i32
        %dma_start3A_149 = tpu.memref_slice %arg10[%add3A_101, %dma_start3A_148] : memref<160x128xi32, #tpu.memory_space<vmem>> -> memref<1x128xi32, #tpu.memory_space<vmem>>
        %dma_start3A_150 = tpu.memref_squeeze %dma_start3A_149 : memref<1x128xi32, #tpu.memory_space<vmem>> -> memref<128xi32, #tpu.memory_space<vmem>>
        %dma_start3A_151 = arith.constant 0 : i32
        %dma_start3A_152 = arith.constant 0 : i32
        %dma_start3A_153 = tpu.memref_slice %arg12[%dma_start3A_151, %dma_start3A_152] : memref<10240x64xf32, #tpu.memory_space<vmem_shared>> -> memref<10240x64xf32, #tpu.memory_space<vmem_shared>>
        tpu.enqueue_indirect_dma source(%dma_start3A_147 : memref<128x64xf32, #tpu.memory_space<vmem>>) target(%dma_start3A_153 : memref<10240x64xf32, #tpu.memory_space<vmem_shared>>) offsets(%dma_start3A_150 : memref<128xi32, #tpu.memory_space<vmem>>) semaphore(%run_scoped3A_144 : memref<!tpu.dma_semaphore, #tpu.memory_space<semaphore_mem>>) {add = true}
        %dma_wait3A_154 = arith.constant 0 : i32
        %dma_wait3A_155 = arith.constant 0 : i32
        %dma_wait3A_156 = tpu.memref_slice %arg11[%run_scoped3A_113, %dma_wait3A_154, %dma_wait3A_155] : memref<4x128x64xf32, #tpu.memory_space<vmem>> -> memref<1x128x64xf32, #tpu.memory_space<vmem>>
        %dma_wait3A_157 = tpu.memref_squeeze %dma_wait3A_156 : memref<1x128x64xf32, #tpu.memory_space<vmem>> -> memref<128x64xf32, #tpu.memory_space<vmem>>
        %dma_wait3A_158 = arith.constant 0 : i32
        %dma_wait3A_159 = tpu.memref_slice %arg10[%add3A_101, %dma_wait3A_158] : memref<160x128xi32, #tpu.memory_space<vmem>> -> memref<1x128xi32, #tpu.memory_space<vmem>>
        %dma_wait3A_160 = tpu.memref_squeeze %dma_wait3A_159 : memref<1x128xi32, #tpu.memory_space<vmem>> -> memref<128xi32, #tpu.memory_space<vmem>>
        %dma_wait3A_161 = arith.constant 0 : i32
        %dma_wait3A_162 = arith.constant 0 : i32
        %dma_wait3A_163 = tpu.memref_slice %arg12[%dma_wait3A_161, %dma_wait3A_162] : memref<10240x64xf32, #tpu.memory_space<vmem_shared>> -> memref<10240x64xf32, #tpu.memory_space<vmem_shared>>
        tpu.wait_indirect_dma semaphore(%run_scoped3A_144 : memref<!tpu.dma_semaphore, #tpu.memory_space<semaphore_mem>>) src(%dma_wait3A_157 : memref<128x64xf32, #tpu.memory_space<vmem>>) dst(%dma_wait3A_163 : memref<10240x64xf32, #tpu.memory_space<vmem_shared>>)
        tpu.yield
      }) : () -> ()
      %add3A_114 = arith.constant 4 : i32
      %add3A_115 = arith.addi %add3A_101, %add3A_114 : i32
      %lt3A_116 = arith.constant 160 : i32
      %lt3A_117 = arith.cmpi slt, %add3A_115, %lt3A_116 : i32
      %convert_element_type3A_118 = arith.extui %lt3A_117 : i1 to i32
      %cond3A_119 = arith.constant 0 : i32
      %cond3A_120 = arith.cmpi ne, %convert_element_type3A_118, %cond3A_119 : i32
      scf.if %cond3A_120 {
        %add3A_144 = arith.constant 4 : i32
        %add3A_145 = arith.addi %add3A_101, %add3A_144 : i32
        %eq3A_146 = arith.constant 0 : i32
        %eq3A_147 = arith.cmpi eq, %arg0, %eq3A_146 : i32
        %convert_element_type3A_148 = arith.extui %eq3A_147 : i1 to i32
        %cond3A_149 = arith.constant 0 : i32
        %cond3A_150 = arith.cmpi ne, %convert_element_type3A_148, %cond3A_149 : i32
        scf.if %cond3A_150 {
          %dma_start3A = arith.constant 2 : i32
          %dma_start3A_156 = arith.constant 0 : i32
          %dma_start3A_157 = arith.constant 0 : i32
          %dma_start3A_158 = tpu.memref_slice %arg11[%dma_start3A, %dma_start3A_156, %dma_start3A_157] : memref<4x128x64xf32, #tpu.memory_space<vmem>> -> memref<1x128x64xf32, #tpu.memory_space<vmem>>
          %dma_start3A_159 = tpu.memref_squeeze %dma_start3A_158 : memref<1x128x64xf32, #tpu.memory_space<vmem>> -> memref<128x64xf32, #tpu.memory_space<vmem>>
          %dma_start3A_160 = arith.constant 0 : i32
          %dma_start3A_161 = tpu.memref_slice %arg9[%add3A_145, %dma_start3A_160] : memref<160x128xi32, #tpu.memory_space<vmem>> -> memref<1x128xi32, #tpu.memory_space<vmem>>
          %dma_start3A_162 = tpu.memref_squeeze %dma_start3A_161 : memref<1x128xi32, #tpu.memory_space<vmem>> -> memref<128xi32, #tpu.memory_space<vmem>>
          %dma_start3A_163 = arith.constant 0 : i32
          %dma_start3A_164 = arith.constant 0 : i32
          %dma_start3A_165 = tpu.memref_slice %arg2[%dma_start3A_163, %dma_start3A_164] : memref<10240x64xf32, #tpu.memory_space<hbm>> -> memref<10240x64xf32, #tpu.memory_space<hbm>>
          tpu.enqueue_indirect_dma source(%dma_start3A_165 : memref<10240x64xf32, #tpu.memory_space<hbm>>) target(%dma_start3A_159 : memref<128x64xf32, #tpu.memory_space<vmem>>) offsets(%dma_start3A_162 : memref<128xi32, #tpu.memory_space<vmem>>) semaphore(%arg15 : memref<!tpu.dma_semaphore, #tpu.memory_space<semaphore_mem>>)
        } else {
        }
        %ne3A_151 = arith.constant 0 : i32
        %ne3A_152 = arith.cmpi ne, %arg0, %ne3A_151 : i32
        %convert_element_type3A_153 = arith.extui %ne3A_152 : i1 to i32
        %cond3A_154 = arith.constant 0 : i32
        %cond3A_155 = arith.cmpi ne, %convert_element_type3A_153, %cond3A_154 : i32
        scf.if %cond3A_155 {
          %dma_start3A = arith.constant 2 : i32
          %dma_start3A_156 = arith.constant 0 : i32
          %dma_start3A_157 = arith.constant 0 : i32
          %dma_start3A_158 = tpu.memref_slice %arg11[%dma_start3A, %dma_start3A_156, %dma_start3A_157] : memref<4x128x64xf32, #tpu.memory_space<vmem>> -> memref<1x128x64xf32, #tpu.memory_space<vmem>>
          %dma_start3A_159 = tpu.memref_squeeze %dma_start3A_158 : memref<1x128x64xf32, #tpu.memory_space<vmem>> -> memref<128x64xf32, #tpu.memory_space<vmem>>
          %dma_start3A_160 = arith.constant 0 : i32
          %dma_start3A_161 = tpu.memref_slice %arg9[%add3A_145, %dma_start3A_160] : memref<160x128xi32, #tpu.memory_space<vmem>> -> memref<1x128xi32, #tpu.memory_space<vmem>>
          %dma_start3A_162 = tpu.memref_squeeze %dma_start3A_161 : memref<1x128xi32, #tpu.memory_space<vmem>> -> memref<128xi32, #tpu.memory_space<vmem>>
          %dma_start3A_163 = arith.constant 0 : i32
          %dma_start3A_164 = arith.constant 0 : i32
          %dma_start3A_165 = tpu.memref_slice %arg3[%dma_start3A_163, %dma_start3A_164] : memref<10240x64xf32, #tpu.memory_space<hbm>> -> memref<10240x64xf32, #tpu.memory_space<hbm>>
          tpu.enqueue_indirect_dma source(%dma_start3A_165 : memref<10240x64xf32, #tpu.memory_space<hbm>>) target(%dma_start3A_159 : memref<128x64xf32, #tpu.memory_space<vmem>>) offsets(%dma_start3A_162 : memref<128xi32, #tpu.memory_space<vmem>>) semaphore(%arg15 : memref<!tpu.dma_semaphore, #tpu.memory_space<semaphore_mem>>)
        } else {
        }
      } else {
      }
      %mul3A_121 = arith.constant 4 : i32
      %mul3A_122 = arith.muli %scan3A_55, %mul3A_121 : i32
      %add3A_123 = arith.constant 3 : i32
      %add3A_124 = arith.addi %mul3A_122, %add3A_123 : i32
      %dma_wait3A_125 = arith.constant 3 : i32
      %dma_wait3A_126 = arith.constant 0 : i32
      %dma_wait3A_127 = arith.constant 0 : i32
      %dma_wait3A_128 = tpu.memref_slice %arg11[%dma_wait3A_125, %dma_wait3A_126, %dma_wait3A_127] : memref<4x128x64xf32, #tpu.memory_space<vmem>> -> memref<1x128x64xf32, #tpu.memory_space<vmem>>
      %dma_wait3A_129 = tpu.memref_squeeze %dma_wait3A_128 : memref<1x128x64xf32, #tpu.memory_space<vmem>> -> memref<128x64xf32, #tpu.memory_space<vmem>>
      %dma_wait3A_130 = arith.constant 0 : i32
      %dma_wait3A_131 = tpu.memref_slice %arg9[%add3A_124, %dma_wait3A_130] : memref<160x128xi32, #tpu.memory_space<vmem>> -> memref<1x128xi32, #tpu.memory_space<vmem>>
      %dma_wait3A_132 = tpu.memref_squeeze %dma_wait3A_131 : memref<1x128xi32, #tpu.memory_space<vmem>> -> memref<128xi32, #tpu.memory_space<vmem>>
      %dma_wait3A_133 = arith.constant 0 : i32
      %dma_wait3A_134 = arith.constant 0 : i32
      %dma_wait3A_135 = tpu.memref_slice %arg2[%dma_wait3A_133, %dma_wait3A_134] : memref<10240x64xf32, #tpu.memory_space<hbm>> -> memref<10240x64xf32, #tpu.memory_space<hbm>>
      tpu.wait_indirect_dma semaphore(%arg16 : memref<!tpu.dma_semaphore, #tpu.memory_space<semaphore_mem>>) src(%dma_wait3A_135 : memref<10240x64xf32, #tpu.memory_space<hbm>>) dst(%dma_wait3A_129 : memref<128x64xf32, #tpu.memory_space<vmem>>)
      %run_scoped3A_136 = arith.constant 3 : i32
      "tpu.region"() ({
        %run_scoped3A_144 = tpu.sem_alloc : memref<!tpu.dma_semaphore, #tpu.memory_space<semaphore_mem>>
        %dma_start3A = arith.constant 0 : i32
        %dma_start3A_145 = arith.constant 0 : i32
        %dma_start3A_146 = tpu.memref_slice %arg11[%run_scoped3A_136, %dma_start3A, %dma_start3A_145] : memref<4x128x64xf32, #tpu.memory_space<vmem>> -> memref<1x128x64xf32, #tpu.memory_space<vmem>>
        %dma_start3A_147 = tpu.memref_squeeze %dma_start3A_146 : memref<1x128x64xf32, #tpu.memory_space<vmem>> -> memref<128x64xf32, #tpu.memory_space<vmem>>
        %dma_start3A_148 = arith.constant 0 : i32
        %dma_start3A_149 = tpu.memref_slice %arg10[%add3A_124, %dma_start3A_148] : memref<160x128xi32, #tpu.memory_space<vmem>> -> memref<1x128xi32, #tpu.memory_space<vmem>>
        %dma_start3A_150 = tpu.memref_squeeze %dma_start3A_149 : memref<1x128xi32, #tpu.memory_space<vmem>> -> memref<128xi32, #tpu.memory_space<vmem>>
        %dma_start3A_151 = arith.constant 0 : i32
        %dma_start3A_152 = arith.constant 0 : i32
        %dma_start3A_153 = tpu.memref_slice %arg12[%dma_start3A_151, %dma_start3A_152] : memref<10240x64xf32, #tpu.memory_space<vmem_shared>> -> memref<10240x64xf32, #tpu.memory_space<vmem_shared>>
        tpu.enqueue_indirect_dma source(%dma_start3A_147 : memref<128x64xf32, #tpu.memory_space<vmem>>) target(%dma_start3A_153 : memref<10240x64xf32, #tpu.memory_space<vmem_shared>>) offsets(%dma_start3A_150 : memref<128xi32, #tpu.memory_space<vmem>>) semaphore(%run_scoped3A_144 : memref<!tpu.dma_semaphore, #tpu.memory_space<semaphore_mem>>) {add = true}
        %dma_wait3A_154 = arith.constant 0 : i32
        %dma_wait3A_155 = arith.constant 0 : i32
        %dma_wait3A_156 = tpu.memref_slice %arg11[%run_scoped3A_136, %dma_wait3A_154, %dma_wait3A_155] : memref<4x128x64xf32, #tpu.memory_space<vmem>> -> memref<1x128x64xf32, #tpu.memory_space<vmem>>
        %dma_wait3A_157 = tpu.memref_squeeze %dma_wait3A_156 : memref<1x128x64xf32, #tpu.memory_space<vmem>> -> memref<128x64xf32, #tpu.memory_space<vmem>>
        %dma_wait3A_158 = arith.constant 0 : i32
        %dma_wait3A_159 = tpu.memref_slice %arg10[%add3A_124, %dma_wait3A_158] : memref<160x128xi32, #tpu.memory_space<vmem>> -> memref<1x128xi32, #tpu.memory_space<vmem>>
        %dma_wait3A_160 = tpu.memref_squeeze %dma_wait3A_159 : memref<1x128xi32, #tpu.memory_space<vmem>> -> memref<128xi32, #tpu.memory_space<vmem>>
        %dma_wait3A_161 = arith.constant 0 : i32
        %dma_wait3A_162 = arith.constant 0 : i32
        %dma_wait3A_163 = tpu.memref_slice %arg12[%dma_wait3A_161, %dma_wait3A_162] : memref<10240x64xf32, #tpu.memory_space<vmem_shared>> -> memref<10240x64xf32, #tpu.memory_space<vmem_shared>>
        tpu.wait_indirect_dma semaphore(%run_scoped3A_144 : memref<!tpu.dma_semaphore, #tpu.memory_space<semaphore_mem>>) src(%dma_wait3A_157 : memref<128x64xf32, #tpu.memory_space<vmem>>) dst(%dma_wait3A_163 : memref<10240x64xf32, #tpu.memory_space<vmem_shared>>)
        tpu.yield
      }) : () -> ()
      %add3A_137 = arith.constant 4 : i32
      %add3A_138 = arith.addi %add3A_124, %add3A_137 : i32
      %lt3A_139 = arith.constant 160 : i32
      %lt3A_140 = arith.cmpi slt, %add3A_138, %lt3A_139 : i32
      %convert_element_type3A_141 = arith.extui %lt3A_140 : i1 to i32
      %cond3A_142 = arith.constant 0 : i32
      %cond3A_143 = arith.cmpi ne, %convert_element_type3A_141, %cond3A_142 : i32
      scf.if %cond3A_143 {
        %add3A_144 = arith.constant 4 : i32
        %add3A_145 = arith.addi %add3A_124, %add3A_144 : i32
        %eq3A_146 = arith.constant 0 : i32
        %eq3A_147 = arith.cmpi eq, %arg0, %eq3A_146 : i32
        %convert_element_type3A_148 = arith.extui %eq3A_147 : i1 to i32
        %cond3A_149 = arith.constant 0 : i32
        %cond3A_150 = arith.cmpi ne, %convert_element_type3A_148, %cond3A_149 : i32
        scf.if %cond3A_150 {
          %dma_start3A = arith.constant 3 : i32
          %dma_start3A_156 = arith.constant 0 : i32
          %dma_start3A_157 = arith.constant 0 : i32
          %dma_start3A_158 = tpu.memref_slice %arg11[%dma_start3A, %dma_start3A_156, %dma_start3A_157] : memref<4x128x64xf32, #tpu.memory_space<vmem>> -> memref<1x128x64xf32, #tpu.memory_space<vmem>>
          %dma_start3A_159 = tpu.memref_squeeze %dma_start3A_158 : memref<1x128x64xf32, #tpu.memory_space<vmem>> -> memref<128x64xf32, #tpu.memory_space<vmem>>
          %dma_start3A_160 = arith.constant 0 : i32
          %dma_start3A_161 = tpu.memref_slice %arg9[%add3A_145, %dma_start3A_160] : memref<160x128xi32, #tpu.memory_space<vmem>> -> memref<1x128xi32, #tpu.memory_space<vmem>>
          %dma_start3A_162 = tpu.memref_squeeze %dma_start3A_161 : memref<1x128xi32, #tpu.memory_space<vmem>> -> memref<128xi32, #tpu.memory_space<vmem>>
          %dma_start3A_163 = arith.constant 0 : i32
          %dma_start3A_164 = arith.constant 0 : i32
          %dma_start3A_165 = tpu.memref_slice %arg2[%dma_start3A_163, %dma_start3A_164] : memref<10240x64xf32, #tpu.memory_space<hbm>> -> memref<10240x64xf32, #tpu.memory_space<hbm>>
          tpu.enqueue_indirect_dma source(%dma_start3A_165 : memref<10240x64xf32, #tpu.memory_space<hbm>>) target(%dma_start3A_159 : memref<128x64xf32, #tpu.memory_space<vmem>>) offsets(%dma_start3A_162 : memref<128xi32, #tpu.memory_space<vmem>>) semaphore(%arg16 : memref<!tpu.dma_semaphore, #tpu.memory_space<semaphore_mem>>)
        } else {
        }
        %ne3A_151 = arith.constant 0 : i32
        %ne3A_152 = arith.cmpi ne, %arg0, %ne3A_151 : i32
        %convert_element_type3A_153 = arith.extui %ne3A_152 : i1 to i32
        %cond3A_154 = arith.constant 0 : i32
        %cond3A_155 = arith.cmpi ne, %convert_element_type3A_153, %cond3A_154 : i32
        scf.if %cond3A_155 {
          %dma_start3A = arith.constant 3 : i32
          %dma_start3A_156 = arith.constant 0 : i32
          %dma_start3A_157 = arith.constant 0 : i32
          %dma_start3A_158 = tpu.memref_slice %arg11[%dma_start3A, %dma_start3A_156, %dma_start3A_157] : memref<4x128x64xf32, #tpu.memory_space<vmem>> -> memref<1x128x64xf32, #tpu.memory_space<vmem>>
          %dma_start3A_159 = tpu.memref_squeeze %dma_start3A_158 : memref<1x128x64xf32, #tpu.memory_space<vmem>> -> memref<128x64xf32, #tpu.memory_space<vmem>>
          %dma_start3A_160 = arith.constant 0 : i32
          %dma_start3A_161 = tpu.memref_slice %arg9[%add3A_145, %dma_start3A_160] : memref<160x128xi32, #tpu.memory_space<vmem>> -> memref<1x128xi32, #tpu.memory_space<vmem>>
          %dma_start3A_162 = tpu.memref_squeeze %dma_start3A_161 : memref<1x128xi32, #tpu.memory_space<vmem>> -> memref<128xi32, #tpu.memory_space<vmem>>
          %dma_start3A_163 = arith.constant 0 : i32
          %dma_start3A_164 = arith.constant 0 : i32
          %dma_start3A_165 = tpu.memref_slice %arg3[%dma_start3A_163, %dma_start3A_164] : memref<10240x64xf32, #tpu.memory_space<hbm>> -> memref<10240x64xf32, #tpu.memory_space<hbm>>
          tpu.enqueue_indirect_dma source(%dma_start3A_165 : memref<10240x64xf32, #tpu.memory_space<hbm>>) target(%dma_start3A_159 : memref<128x64xf32, #tpu.memory_space<vmem>>) offsets(%dma_start3A_162 : memref<128xi32, #tpu.memory_space<vmem>>) semaphore(%arg16 : memref<!tpu.dma_semaphore, #tpu.memory_space<semaphore_mem>>)
        } else {
        }
      } else {
      }
    }
    %scan3A_43 = arith.constant 40 : i32
    %barrier3A_44 = arith.constant 0 : index
    tpu.barrier barrier_id(%barrier3A_44)
    %eq3A_45 = arith.constant 0 : i32
    %eq3A_46 = arith.cmpi eq, %arg0, %eq3A_45 : i32
    %convert_element_type3A_47 = arith.extui %eq3A_46 : i1 to i32
    %cond3A_48 = arith.constant 0 : i32
    %cond3A_49 = arith.cmpi ne, %convert_element_type3A_47, %cond3A_48 : i32
    scf.if %cond3A_49 {
      %mul3A_55 = arith.constant 640 : i32
      %mul3A_56 = arith.muli %arg1, %mul3A_55 : i32
      %mul3A_57 = arith.constant 640 : i32
      %mul3A_58 = arith.muli %arg1, %mul3A_57 : i32
      "tpu.region"() ({
        %run_scoped3A = tpu.sem_alloc : memref<!tpu.dma_semaphore, #tpu.memory_space<semaphore_mem>>
        %dma_start3A = arith.constant 0 : i32
        %dma_start3A_59 = tpu.memref_slice %arg7[%mul3A_58, %dma_start3A] : memref<10240x64xf32, #tpu.memory_space<hbm>> -> memref<640x64xf32, #tpu.memory_space<hbm>>
        %dma_start3A_60 = arith.constant 0 : i32
        %dma_start3A_61 = tpu.memref_slice %arg12[%mul3A_56, %dma_start3A_60] : memref<10240x64xf32, #tpu.memory_space<vmem_shared>> -> memref<640x64xf32, #tpu.memory_space<vmem_shared>>
        tpu.enqueue_dma source(%dma_start3A_61 : memref<640x64xf32, #tpu.memory_space<vmem_shared>>) target(%dma_start3A_59 : memref<640x64xf32, #tpu.memory_space<hbm>>) target_semaphore(%run_scoped3A : memref<!tpu.dma_semaphore, #tpu.memory_space<semaphore_mem>>)
        %dma_wait3A = arith.constant 0 : i32
        %dma_wait3A_62 = tpu.memref_slice %arg7[%mul3A_58, %dma_wait3A] : memref<10240x64xf32, #tpu.memory_space<hbm>> -> memref<640x64xf32, #tpu.memory_space<hbm>>
        %dma_wait3A_63 = arith.constant 0 : i32
        %dma_wait3A_64 = tpu.memref_slice %arg12[%mul3A_56, %dma_wait3A_63] : memref<10240x64xf32, #tpu.memory_space<vmem_shared>> -> memref<640x64xf32, #tpu.memory_space<vmem_shared>>
        tpu.wait_dma2 semaphore(%run_scoped3A : memref<!tpu.dma_semaphore, #tpu.memory_space<semaphore_mem>>) src(%dma_wait3A_64 : memref<640x64xf32, #tpu.memory_space<vmem_shared>>) dst(%dma_wait3A_62 : memref<640x64xf32, #tpu.memory_space<hbm>>)
        tpu.yield
      }) : () -> ()
    } else {
    }
    %ne3A_50 = arith.constant 0 : i32
    %ne3A_51 = arith.cmpi ne, %arg0, %ne3A_50 : i32
    %convert_element_type3A_52 = arith.extui %ne3A_51 : i1 to i32
    %cond3A_53 = arith.constant 0 : i32
    %cond3A_54 = arith.cmpi ne, %convert_element_type3A_52, %cond3A_53 : i32
    scf.if %cond3A_54 {
      %mul3A_55 = arith.constant 640 : i32
      %mul3A_56 = arith.muli %arg1, %mul3A_55 : i32
      %mul3A_57 = arith.constant 640 : i32
      %mul3A_58 = arith.muli %arg1, %mul3A_57 : i32
      "tpu.region"() ({
        %run_scoped3A = tpu.sem_alloc : memref<!tpu.dma_semaphore, #tpu.memory_space<semaphore_mem>>
        %dma_start3A = arith.constant 0 : i32
        %dma_start3A_59 = tpu.memref_slice %arg8[%mul3A_58, %dma_start3A] : memref<10240x64xf32, #tpu.memory_space<hbm>> -> memref<640x64xf32, #tpu.memory_space<hbm>>
        %dma_start3A_60 = arith.constant 0 : i32
        %dma_start3A_61 = tpu.memref_slice %arg12[%mul3A_56, %dma_start3A_60] : memref<10240x64xf32, #tpu.memory_space<vmem_shared>> -> memref<640x64xf32, #tpu.memory_space<vmem_shared>>
        tpu.enqueue_dma source(%dma_start3A_61 : memref<640x64xf32, #tpu.memory_space<vmem_shared>>) target(%dma_start3A_59 : memref<640x64xf32, #tpu.memory_space<hbm>>) target_semaphore(%run_scoped3A : memref<!tpu.dma_semaphore, #tpu.memory_space<semaphore_mem>>)
        %dma_wait3A = arith.constant 0 : i32
        %dma_wait3A_62 = tpu.memref_slice %arg8[%mul3A_58, %dma_wait3A] : memref<10240x64xf32, #tpu.memory_space<hbm>> -> memref<640x64xf32, #tpu.memory_space<hbm>>
        %dma_wait3A_63 = arith.constant 0 : i32
        %dma_wait3A_64 = tpu.memref_slice %arg12[%mul3A_56, %dma_wait3A_63] : memref<10240x64xf32, #tpu.memory_space<vmem_shared>> -> memref<640x64xf32, #tpu.memory_space<vmem_shared>>
        tpu.wait_dma2 semaphore(%run_scoped3A : memref<!tpu.dma_semaphore, #tpu.memory_space<semaphore_mem>>) src(%dma_wait3A_64 : memref<640x64xf32, #tpu.memory_space<vmem_shared>>) dst(%dma_wait3A_62 : memref<640x64xf32, #tpu.memory_space<hbm>>)
        tpu.yield
      }) : () -> ()
    } else {
    }
    return
  }
}

module attributes {stable_mosaic.version = 14 : i64} {
  func.func @_tc_first_body(%arg0: i32, %arg1: memref<2x2048x1xf32, #tpu.memory_space<vmem>>, %arg2: memref<2048x128xf32, #tpu.memory_space<vmem>>, %arg3: memref<128x128xf32, #tpu.memory_space<vmem>>, %arg4: memref<2048x1xf32, #tpu.memory_space<vmem>>, %arg5: memref<2048x64xf32, #tpu.memory_space<vmem>>, %arg6: memref<2048x64xf32, #tpu.memory_space<vmem>>) attributes {dimension_semantics = [#tpu.dimension_semantics<arbitrary>], iteration_bounds = array<i64: 5>, scalar_prefetch = 0 : i64, scratch_operands = 0 : i64, tpu.core_type = #tpu.core_type<tc>, window_params = [{transform_indices = @transform_0, window_bounds = array<i64: 2, 2048, 1>}, {transform_indices = @transform_1, window_bounds = array<i64: 2048, 128>}, {pipeline_mode = #tpu.pipeline_mode<synchronous>, transform_indices = @transform_2, window_bounds = array<i64: 128, 128>}, {transform_indices = @transform_3, window_bounds = array<i64: 2048, 1>}, {transform_indices = @transform_4, window_bounds = array<i64: 2048, 64>}, {transform_indices = @transform_5, window_bounds = array<i64: 2048, 64>}]} {
    %get3A = arith.constant 0 : index
    %get3A_0 = arith.constant 0 : index
    %get3A_1 = arith.constant 0 : index
    %get3A_2 = vector.load %arg1[%get3A, %get3A_0, %get3A_1] : memref<2x2048x1xf32, #tpu.memory_space<vmem>>, vector<1x2048x1xf32>
    %get3A_3 = vector.shape_cast %get3A_2 : vector<1x2048x1xf32> to vector<2048x1xf32>
    %get3A_4 = arith.constant 1 : index
    %get3A_5 = arith.constant 0 : index
    %get3A_6 = arith.constant 0 : index
    %get3A_7 = vector.load %arg1[%get3A_4, %get3A_5, %get3A_6] : memref<2x2048x1xf32, #tpu.memory_space<vmem>>, vector<1x2048x1xf32>
    %get3A_8 = vector.shape_cast %get3A_7 : vector<1x2048x1xf32> to vector<2048x1xf32>
    %add3A = arith.addf %get3A_3, %get3A_8 : vector<2048x1xf32>
    %add3A_9 = arith.constant 1.000000e+00 : f32
    %add3A_10 = vector.broadcast %add3A_9 : f32 to vector<2048x1xf32>
    %add3A_11 = arith.addf %add3A, %add3A_10 : vector<2048x1xf32>
    %rsqrt3A = math.rsqrt %add3A_11 : vector<2048x1xf32>
    %get3A_12 = arith.constant 0 : index
    %get3A_13 = arith.constant 0 : index
    %get3A_14 = vector.load %arg2[%get3A_12, %get3A_13] : memref<2048x128xf32, #tpu.memory_space<vmem>>, vector<2048x128xf32>
    %get3A_15 = arith.constant 0 : index
    %get3A_16 = arith.constant 0 : index
    %get3A_17 = vector.load %arg3[%get3A_15, %get3A_16] : memref<128x128xf32, #tpu.memory_space<vmem>>, vector<128x128xf32>
    %dot_general3A = arith.constant dense<0.000000e+00> : vector<2048x128xf32>
    %dot_general3A_18 = tpu.matmul %get3A_14, %get3A_17, %dot_general3A {dimension_numbers = #tpu.dot_dimension_numbers<[1], [0], [0], [1], [0, 0, 1, 1], [], []>, transpose_lhs_hint = false} : vector<2048x128xf32>, vector<128x128xf32>, vector<2048x128xf32> -> vector<2048x128xf32>
    %mul3A = vector.broadcast %rsqrt3A : vector<2048x1xf32> to vector<2048x128xf32>
    %mul3A_19 = arith.mulf %dot_general3A_18, %mul3A : vector<2048x128xf32>
    %swap3A = arith.constant 0 : index
    %swap3A_20 = arith.constant 0 : index
    %swap3A_21 = vector.load %arg4[%swap3A, %swap3A_20] : memref<2048x1xf32, #tpu.memory_space<vmem>>, vector<2048x1xf32>
    tpu.vector_store %arg4[%swap3A, %swap3A_20], %rsqrt3A {strides = array<i32>} : memref<2048x1xf32, #tpu.memory_space<vmem>>, vector<2048x1xf32>,
    %slice3A = vector.extract_strided_slice %mul3A_19 {offsets = [0, 0], sizes = [2048, 64], strides = [1, 1]} : vector<2048x128xf32> to vector<2048x64xf32>
    %swap3A_22 = arith.constant 0 : index
    %swap3A_23 = arith.constant 0 : index
    %swap3A_24 = vector.load %arg5[%swap3A_22, %swap3A_23] : memref<2048x64xf32, #tpu.memory_space<vmem>>, vector<2048x64xf32>
    tpu.vector_store %arg5[%swap3A_22, %swap3A_23], %slice3A {strides = array<i32>} : memref<2048x64xf32, #tpu.memory_space<vmem>>, vector<2048x64xf32>,
    %slice3A_25 = vector.extract_strided_slice %mul3A_19 {offsets = [0, 64], sizes = [2048, 64], strides = [1, 1]} : vector<2048x128xf32> to vector<2048x64xf32>
    %swap3A_26 = arith.constant 0 : index
    %swap3A_27 = arith.constant 0 : index
    %swap3A_28 = vector.load %arg6[%swap3A_26, %swap3A_27] : memref<2048x64xf32, #tpu.memory_space<vmem>>, vector<2048x64xf32>
    tpu.vector_store %arg6[%swap3A_26, %swap3A_27], %slice3A_25 {strides = array<i32>} : memref<2048x64xf32, #tpu.memory_space<vmem>>, vector<2048x64xf32>,
    return
  }
  func.func @transform_0(%arg0: i32) -> (i32, i32, i32) {
    %c0_i32 = arith.constant 0 : i32
    %c0_i32_0 = arith.constant 0 : i32
    %c0_i32_1 = arith.constant 0 : i32
    return %c0_i32, %arg0, %c0_i32_0 : i32, i32, i32
  }
  func.func @transform_1(%arg0: i32) -> (i32, i32) {
    %c0_i32 = arith.constant 0 : i32
    %c0_i32_0 = arith.constant 0 : i32
    return %arg0, %c0_i32 : i32, i32
  }
  func.func @transform_2(%arg0: i32) -> (i32, i32) {
    %c0_i32 = arith.constant 0 : i32
    %c0_i32_0 = arith.constant 0 : i32
    %c0_i32_1 = arith.constant 0 : i32
    return %c0_i32, %c0_i32_0 : i32, i32
  }
  func.func @transform_3(%arg0: i32) -> (i32, i32) {
    %c0_i32 = arith.constant 0 : i32
    %c0_i32_0 = arith.constant 0 : i32
    return %arg0, %c0_i32 : i32, i32
  }
  func.func @transform_4(%arg0: i32) -> (i32, i32) {
    %c0_i32 = arith.constant 0 : i32
    %c0_i32_0 = arith.constant 0 : i32
    return %arg0, %c0_i32 : i32, i32
  }
  func.func @transform_5(%arg0: i32) -> (i32, i32) {
    %c0_i32 = arith.constant 0 : i32
    %c0_i32_0 = arith.constant 0 : i32
    return %arg0, %c0_i32 : i32, i32
  }
}

module attributes {stable_mosaic.version = 14 : i64} {
  func.func @_tc_mid_body(%arg0: i32, %arg1: memref<2048x64xf32, #tpu.memory_space<vmem>>, %arg2: memref<2048x64xf32, #tpu.memory_space<vmem>>, %arg3: memref<2048x64xf32, #tpu.memory_space<vmem>>, %arg4: memref<2048x64xf32, #tpu.memory_space<vmem>>, %arg5: memref<2048x1xf32, #tpu.memory_space<vmem>>, %arg6: memref<1x128xf32, #tpu.memory_space<vmem>>, %arg7: memref<128x128xf32, #tpu.memory_space<vmem>>, %arg8: memref<2048x64xf32, #tpu.memory_space<vmem>>, %arg9: memref<2048x64xf32, #tpu.memory_space<vmem>>) attributes {dimension_semantics = [#tpu.dimension_semantics<arbitrary>], iteration_bounds = array<i64: 5>, scalar_prefetch = 0 : i64, scratch_operands = 0 : i64, tpu.core_type = #tpu.core_type<tc>, window_params = [{transform_indices = @transform_0, window_bounds = array<i64: 2048, 64>}, {transform_indices = @transform_1, window_bounds = array<i64: 2048, 64>}, {transform_indices = @transform_2, window_bounds = array<i64: 2048, 64>}, {transform_indices = @transform_3, window_bounds = array<i64: 2048, 64>}, {transform_indices = @transform_4, window_bounds = array<i64: 2048, 1>}, {pipeline_mode = #tpu.pipeline_mode<synchronous>, transform_indices = @transform_5, window_bounds = array<i64: 1, 128>}, {pipeline_mode = #tpu.pipeline_mode<synchronous>, transform_indices = @transform_6, window_bounds = array<i64: 128, 128>}, {transform_indices = @transform_7, window_bounds = array<i64: 2048, 64>}, {transform_indices = @transform_8, window_bounds = array<i64: 2048, 64>}]} {
    %get3A = arith.constant 0 : index
    %get3A_0 = arith.constant 0 : index
    %get3A_1 = vector.load %arg1[%get3A, %get3A_0] : memref<2048x64xf32, #tpu.memory_space<vmem>>, vector<2048x64xf32>
    %get3A_2 = arith.constant 0 : index
    %get3A_3 = arith.constant 0 : index
    %get3A_4 = vector.load %arg3[%get3A_2, %get3A_3] : memref<2048x64xf32, #tpu.memory_space<vmem>>, vector<2048x64xf32>
    %add3A = arith.addf %get3A_1, %get3A_4 : vector<2048x64xf32>
    %get3A_5 = arith.constant 0 : index
    %get3A_6 = arith.constant 0 : index
    %get3A_7 = vector.load %arg2[%get3A_5, %get3A_6] : memref<2048x64xf32, #tpu.memory_space<vmem>>, vector<2048x64xf32>
    %get3A_8 = arith.constant 0 : index
    %get3A_9 = arith.constant 0 : index
    %get3A_10 = vector.load %arg4[%get3A_8, %get3A_9] : memref<2048x64xf32, #tpu.memory_space<vmem>>, vector<2048x64xf32>
    %add3A_11 = arith.addf %get3A_7, %get3A_10 : vector<2048x64xf32>
    %concatenate3A = tpu.concatenate %add3A, %add3A_11 in 1 : vector<2048x64xf32>, vector<2048x64xf32> -> vector<2048x128xf32>
    %get3A_12 = arith.constant 0 : index
    %get3A_13 = arith.constant 0 : index
    %get3A_14 = vector.load %arg5[%get3A_12, %get3A_13] : memref<2048x1xf32, #tpu.memory_space<vmem>>, vector<2048x1xf32>
    %mul3A = vector.broadcast %get3A_14 : vector<2048x1xf32> to vector<2048x128xf32>
    %mul3A_15 = arith.mulf %concatenate3A, %mul3A : vector<2048x128xf32>
    %get3A_16 = arith.constant 0 : index
    %get3A_17 = arith.constant 0 : index
    %get3A_18 = vector.load %arg6[%get3A_16, %get3A_17] : memref<1x128xf32, #tpu.memory_space<vmem>>, vector<1x128xf32>
    %add3A_19 = vector.broadcast %get3A_18 : vector<1x128xf32> to vector<2048x128xf32>
    %add3A_20 = arith.addf %mul3A_15, %add3A_19 : vector<2048x128xf32>
    %max3A = arith.constant 0.000000e+00 : f32
    %max3A_21 = vector.broadcast %max3A : f32 to vector<2048x128xf32>
    %max3A_22 = arith.maximumf %add3A_20, %max3A_21 : vector<2048x128xf32>
    %get3A_23 = arith.constant 0 : index
    %get3A_24 = arith.constant 0 : index
    %get3A_25 = vector.load %arg7[%get3A_23, %get3A_24] : memref<128x128xf32, #tpu.memory_space<vmem>>, vector<128x128xf32>
    %dot_general3A = arith.constant dense<0.000000e+00> : vector<2048x128xf32>
    %dot_general3A_26 = tpu.matmul %max3A_22, %get3A_25, %dot_general3A {dimension_numbers = #tpu.dot_dimension_numbers<[1], [0], [0], [1], [0, 0, 1, 1], [], []>, transpose_lhs_hint = false} : vector<2048x128xf32>, vector<128x128xf32>, vector<2048x128xf32> -> vector<2048x128xf32>
    %get3A_27 = arith.constant 0 : index
    %get3A_28 = arith.constant 0 : index
    %get3A_29 = vector.load %arg5[%get3A_27, %get3A_28] : memref<2048x1xf32, #tpu.memory_space<vmem>>, vector<2048x1xf32>
    %mul3A_30 = vector.broadcast %get3A_29 : vector<2048x1xf32> to vector<2048x128xf32>
    %mul3A_31 = arith.mulf %dot_general3A_26, %mul3A_30 : vector<2048x128xf32>
    %slice3A = vector.extract_strided_slice %mul3A_31 {offsets = [0, 0], sizes = [2048, 64], strides = [1, 1]} : vector<2048x128xf32> to vector<2048x64xf32>
    %swap3A = arith.constant 0 : index
    %swap3A_32 = arith.constant 0 : index
    %swap3A_33 = vector.load %arg8[%swap3A, %swap3A_32] : memref<2048x64xf32, #tpu.memory_space<vmem>>, vector<2048x64xf32>
    tpu.vector_store %arg8[%swap3A, %swap3A_32], %slice3A {strides = array<i32>} : memref<2048x64xf32, #tpu.memory_space<vmem>>, vector<2048x64xf32>,
    %slice3A_34 = vector.extract_strided_slice %mul3A_31 {offsets = [0, 64], sizes = [2048, 64], strides = [1, 1]} : vector<2048x128xf32> to vector<2048x64xf32>
    %swap3A_35 = arith.constant 0 : index
    %swap3A_36 = arith.constant 0 : index
    %swap3A_37 = vector.load %arg9[%swap3A_35, %swap3A_36] : memref<2048x64xf32, #tpu.memory_space<vmem>>, vector<2048x64xf32>
    tpu.vector_store %arg9[%swap3A_35, %swap3A_36], %slice3A_34 {strides = array<i32>} : memref<2048x64xf32, #tpu.memory_space<vmem>>, vector<2048x64xf32>,
    return
  }
  func.func @transform_0(%arg0: i32) -> (i32, i32) {
    %c0_i32 = arith.constant 0 : i32
    %c0_i32_0 = arith.constant 0 : i32
    return %arg0, %c0_i32 : i32, i32
  }
  func.func @transform_1(%arg0: i32) -> (i32, i32) {
    %c0_i32 = arith.constant 0 : i32
    %c0_i32_0 = arith.constant 0 : i32
    return %arg0, %c0_i32 : i32, i32
  }
  func.func @transform_2(%arg0: i32) -> (i32, i32) {
    %c0_i32 = arith.constant 0 : i32
    %c0_i32_0 = arith.constant 0 : i32
    return %arg0, %c0_i32 : i32, i32
  }
  func.func @transform_3(%arg0: i32) -> (i32, i32) {
    %c0_i32 = arith.constant 0 : i32
    %c0_i32_0 = arith.constant 0 : i32
    return %arg0, %c0_i32 : i32, i32
  }
  func.func @transform_4(%arg0: i32) -> (i32, i32) {
    %c0_i32 = arith.constant 0 : i32
    %c0_i32_0 = arith.constant 0 : i32
    return %arg0, %c0_i32 : i32, i32
  }
  func.func @transform_5(%arg0: i32) -> (i32, i32) {
    %c0_i32 = arith.constant 0 : i32
    %c0_i32_0 = arith.constant 0 : i32
    %c0_i32_1 = arith.constant 0 : i32
    return %c0_i32, %c0_i32_0 : i32, i32
  }
  func.func @transform_6(%arg0: i32) -> (i32, i32) {
    %c0_i32 = arith.constant 0 : i32
    %c0_i32_0 = arith.constant 0 : i32
    %c0_i32_1 = arith.constant 0 : i32
    return %c0_i32, %c0_i32_0 : i32, i32
  }
  func.func @transform_7(%arg0: i32) -> (i32, i32) {
    %c0_i32 = arith.constant 0 : i32
    %c0_i32_0 = arith.constant 0 : i32
    return %arg0, %c0_i32 : i32, i32
  }
  func.func @transform_8(%arg0: i32) -> (i32, i32) {
    %c0_i32 = arith.constant 0 : i32
    %c0_i32_0 = arith.constant 0 : i32
    return %arg0, %c0_i32 : i32, i32
  }
}

module attributes {stable_mosaic.version = 14 : i64} {
  func.func @_tc_mid_body(%arg0: i32, %arg1: memref<2048x64xf32, #tpu.memory_space<vmem>>, %arg2: memref<2048x64xf32, #tpu.memory_space<vmem>>, %arg3: memref<2048x64xf32, #tpu.memory_space<vmem>>, %arg4: memref<2048x64xf32, #tpu.memory_space<vmem>>, %arg5: memref<2048x1xf32, #tpu.memory_space<vmem>>, %arg6: memref<1x128xf32, #tpu.memory_space<vmem>>, %arg7: memref<128x64xf32, #tpu.memory_space<vmem>>, %arg8: memref<2048x32xf32, #tpu.memory_space<vmem>>, %arg9: memref<2048x32xf32, #tpu.memory_space<vmem>>) attributes {dimension_semantics = [#tpu.dimension_semantics<arbitrary>], iteration_bounds = array<i64: 5>, scalar_prefetch = 0 : i64, scratch_operands = 0 : i64, tpu.core_type = #tpu.core_type<tc>, window_params = [{transform_indices = @transform_0, window_bounds = array<i64: 2048, 64>}, {transform_indices = @transform_1, window_bounds = array<i64: 2048, 64>}, {transform_indices = @transform_2, window_bounds = array<i64: 2048, 64>}, {transform_indices = @transform_3, window_bounds = array<i64: 2048, 64>}, {transform_indices = @transform_4, window_bounds = array<i64: 2048, 1>}, {pipeline_mode = #tpu.pipeline_mode<synchronous>, transform_indices = @transform_5, window_bounds = array<i64: 1, 128>}, {pipeline_mode = #tpu.pipeline_mode<synchronous>, transform_indices = @transform_6, window_bounds = array<i64: 128, 64>}, {transform_indices = @transform_7, window_bounds = array<i64: 2048, 32>}, {transform_indices = @transform_8, window_bounds = array<i64: 2048, 32>}]} {
    %get3A = arith.constant 0 : index
    %get3A_0 = arith.constant 0 : index
    %get3A_1 = vector.load %arg1[%get3A, %get3A_0] : memref<2048x64xf32, #tpu.memory_space<vmem>>, vector<2048x64xf32>
    %get3A_2 = arith.constant 0 : index
    %get3A_3 = arith.constant 0 : index
    %get3A_4 = vector.load %arg3[%get3A_2, %get3A_3] : memref<2048x64xf32, #tpu.memory_space<vmem>>, vector<2048x64xf32>
    %add3A = arith.addf %get3A_1, %get3A_4 : vector<2048x64xf32>
    %get3A_5 = arith.constant 0 : index
    %get3A_6 = arith.constant 0 : index
    %get3A_7 = vector.load %arg2[%get3A_5, %get3A_6] : memref<2048x64xf32, #tpu.memory_space<vmem>>, vector<2048x64xf32>
    %get3A_8 = arith.constant 0 : index
    %get3A_9 = arith.constant 0 : index
    %get3A_10 = vector.load %arg4[%get3A_8, %get3A_9] : memref<2048x64xf32, #tpu.memory_space<vmem>>, vector<2048x64xf32>
    %add3A_11 = arith.addf %get3A_7, %get3A_10 : vector<2048x64xf32>
    %concatenate3A = tpu.concatenate %add3A, %add3A_11 in 1 : vector<2048x64xf32>, vector<2048x64xf32> -> vector<2048x128xf32>
    %get3A_12 = arith.constant 0 : index
    %get3A_13 = arith.constant 0 : index
    %get3A_14 = vector.load %arg5[%get3A_12, %get3A_13] : memref<2048x1xf32, #tpu.memory_space<vmem>>, vector<2048x1xf32>
    %mul3A = vector.broadcast %get3A_14 : vector<2048x1xf32> to vector<2048x128xf32>
    %mul3A_15 = arith.mulf %concatenate3A, %mul3A : vector<2048x128xf32>
    %get3A_16 = arith.constant 0 : index
    %get3A_17 = arith.constant 0 : index
    %get3A_18 = vector.load %arg6[%get3A_16, %get3A_17] : memref<1x128xf32, #tpu.memory_space<vmem>>, vector<1x128xf32>
    %add3A_19 = vector.broadcast %get3A_18 : vector<1x128xf32> to vector<2048x128xf32>
    %add3A_20 = arith.addf %mul3A_15, %add3A_19 : vector<2048x128xf32>
    %max3A = arith.constant 0.000000e+00 : f32
    %max3A_21 = vector.broadcast %max3A : f32 to vector<2048x128xf32>
    %max3A_22 = arith.maximumf %add3A_20, %max3A_21 : vector<2048x128xf32>
    %get3A_23 = arith.constant 0 : index
    %get3A_24 = arith.constant 0 : index
    %get3A_25 = vector.load %arg7[%get3A_23, %get3A_24] : memref<128x64xf32, #tpu.memory_space<vmem>>, vector<128x64xf32>
    %dot_general3A = arith.constant dense<0.000000e+00> : vector<2048x64xf32>
    %dot_general3A_26 = tpu.matmul %max3A_22, %get3A_25, %dot_general3A {dimension_numbers = #tpu.dot_dimension_numbers<[1], [0], [0], [1], [0, 0, 1, 1], [], []>, transpose_lhs_hint = false} : vector<2048x128xf32>, vector<128x64xf32>, vector<2048x64xf32> -> vector<2048x64xf32>
    %get3A_27 = arith.constant 0 : index
    %get3A_28 = arith.constant 0 : index
    %get3A_29 = vector.load %arg5[%get3A_27, %get3A_28] : memref<2048x1xf32, #tpu.memory_space<vmem>>, vector<2048x1xf32>
    %mul3A_30 = vector.broadcast %get3A_29 : vector<2048x1xf32> to vector<2048x64xf32>
    %mul3A_31 = arith.mulf %dot_general3A_26, %mul3A_30 : vector<2048x64xf32>
    %slice3A = vector.extract_strided_slice %mul3A_31 {offsets = [0, 0], sizes = [2048, 32], strides = [1, 1]} : vector<2048x64xf32> to vector<2048x32xf32>
    %swap3A = arith.constant 0 : index
    %swap3A_32 = arith.constant 0 : index
    %swap3A_33 = vector.load %arg8[%swap3A, %swap3A_32] : memref<2048x32xf32, #tpu.memory_space<vmem>>, vector<2048x32xf32>
    tpu.vector_store %arg8[%swap3A, %swap3A_32], %slice3A {strides = array<i32>} : memref<2048x32xf32, #tpu.memory_space<vmem>>, vector<2048x32xf32>,
    %slice3A_34 = vector.extract_strided_slice %mul3A_31 {offsets = [0, 32], sizes = [2048, 32], strides = [1, 1]} : vector<2048x64xf32> to vector<2048x32xf32>
    %swap3A_35 = arith.constant 0 : index
    %swap3A_36 = arith.constant 0 : index
    %swap3A_37 = vector.load %arg9[%swap3A_35, %swap3A_36] : memref<2048x32xf32, #tpu.memory_space<vmem>>, vector<2048x32xf32>
    tpu.vector_store %arg9[%swap3A_35, %swap3A_36], %slice3A_34 {strides = array<i32>} : memref<2048x32xf32, #tpu.memory_space<vmem>>, vector<2048x32xf32>,
    return
  }
  func.func @transform_0(%arg0: i32) -> (i32, i32) {
    %c0_i32 = arith.constant 0 : i32
    %c0_i32_0 = arith.constant 0 : i32
    return %arg0, %c0_i32 : i32, i32
  }
  func.func @transform_1(%arg0: i32) -> (i32, i32) {
    %c0_i32 = arith.constant 0 : i32
    %c0_i32_0 = arith.constant 0 : i32
    return %arg0, %c0_i32 : i32, i32
  }
  func.func @transform_2(%arg0: i32) -> (i32, i32) {
    %c0_i32 = arith.constant 0 : i32
    %c0_i32_0 = arith.constant 0 : i32
    return %arg0, %c0_i32 : i32, i32
  }
  func.func @transform_3(%arg0: i32) -> (i32, i32) {
    %c0_i32 = arith.constant 0 : i32
    %c0_i32_0 = arith.constant 0 : i32
    return %arg0, %c0_i32 : i32, i32
  }
  func.func @transform_4(%arg0: i32) -> (i32, i32) {
    %c0_i32 = arith.constant 0 : i32
    %c0_i32_0 = arith.constant 0 : i32
    return %arg0, %c0_i32 : i32, i32
  }
  func.func @transform_5(%arg0: i32) -> (i32, i32) {
    %c0_i32 = arith.constant 0 : i32
    %c0_i32_0 = arith.constant 0 : i32
    %c0_i32_1 = arith.constant 0 : i32
    return %c0_i32, %c0_i32_0 : i32, i32
  }
  func.func @transform_6(%arg0: i32) -> (i32, i32) {
    %c0_i32 = arith.constant 0 : i32
    %c0_i32_0 = arith.constant 0 : i32
    %c0_i32_1 = arith.constant 0 : i32
    return %c0_i32, %c0_i32_0 : i32, i32
  }
  func.func @transform_7(%arg0: i32) -> (i32, i32) {
    %c0_i32 = arith.constant 0 : i32
    %c0_i32_0 = arith.constant 0 : i32
    return %arg0, %c0_i32 : i32, i32
  }
  func.func @transform_8(%arg0: i32) -> (i32, i32) {
    %c0_i32 = arith.constant 0 : i32
    %c0_i32_0 = arith.constant 0 : i32
    return %arg0, %c0_i32 : i32, i32
  }
}

module attributes {stable_mosaic.version = 14 : i64} {
  func.func @_tc_final_body(%arg0: i32, %arg1: memref<2048x32xf32, #tpu.memory_space<vmem>>, %arg2: memref<2048x32xf32, #tpu.memory_space<vmem>>, %arg3: memref<2048x32xf32, #tpu.memory_space<vmem>>, %arg4: memref<2048x32xf32, #tpu.memory_space<vmem>>, %arg5: memref<2048x1xf32, #tpu.memory_space<vmem>>, %arg6: memref<1x64xf32, #tpu.memory_space<vmem>>, %arg7: memref<1x2048xi32, #tpu.memory_space<vmem>>, %arg8: memref<64x64xf32, #tpu.memory_space<vmem>>, %arg9: memref<1x64xf32, #tpu.memory_space<vmem>>, %arg10: memref<64x128xf32, #tpu.memory_space<vmem>>, %arg11: memref<1x128xf32, #tpu.memory_space<vmem>>, %arg12: memref<256x128xf32, #tpu.memory_space<vmem>>, %arg13: memref<256x64xf32, #tpu.memory_space<vmem>>, %arg14: memref<256x1xf32, #tpu.memory_space<vmem>>) attributes {dimension_semantics = [#tpu.dimension_semantics<arbitrary>], iteration_bounds = array<i64: 5>, scalar_prefetch = 0 : i64, scratch_operands = 2 : i64, tpu.core_type = #tpu.core_type<tc>, window_params = [{transform_indices = @transform_0, window_bounds = array<i64: 2048, 32>}, {transform_indices = @transform_1, window_bounds = array<i64: 2048, 32>}, {transform_indices = @transform_2, window_bounds = array<i64: 2048, 32>}, {transform_indices = @transform_3, window_bounds = array<i64: 2048, 32>}, {transform_indices = @transform_4, window_bounds = array<i64: 2048, 1>}, {pipeline_mode = #tpu.pipeline_mode<synchronous>, transform_indices = @transform_5, window_bounds = array<i64: 1, 64>}, {transform_indices = @transform_6, window_bounds = array<i64: 1, 2048>}, {pipeline_mode = #tpu.pipeline_mode<synchronous>, transform_indices = @transform_7, window_bounds = array<i64: 64, 64>}, {pipeline_mode = #tpu.pipeline_mode<synchronous>, transform_indices = @transform_8, window_bounds = array<i64: 1, 64>}, {pipeline_mode = #tpu.pipeline_mode<synchronous>, transform_indices = @transform_9, window_bounds = array<i64: 64, 128>}, {pipeline_mode = #tpu.pipeline_mode<synchronous>, transform_indices = @transform_10, window_bounds = array<i64: 1, 128>}, {pipeline_mode = #tpu.pipeline_mode<synchronous>, transform_indices = @transform_11, window_bounds = array<i64: 256, 128>}]} {
    %get3A = arith.constant 0 : index
    %get3A_0 = arith.constant 0 : index
    %get3A_1 = vector.load %arg1[%get3A, %get3A_0] : memref<2048x32xf32, #tpu.memory_space<vmem>>, vector<2048x32xf32>
    %get3A_2 = arith.constant 0 : index
    %get3A_3 = arith.constant 0 : index
    %get3A_4 = vector.load %arg3[%get3A_2, %get3A_3] : memref<2048x32xf32, #tpu.memory_space<vmem>>, vector<2048x32xf32>
    %add3A = arith.addf %get3A_1, %get3A_4 : vector<2048x32xf32>
    %get3A_5 = arith.constant 0 : index
    %get3A_6 = arith.constant 0 : index
    %get3A_7 = vector.load %arg2[%get3A_5, %get3A_6] : memref<2048x32xf32, #tpu.memory_space<vmem>>, vector<2048x32xf32>
    %get3A_8 = arith.constant 0 : index
    %get3A_9 = arith.constant 0 : index
    %get3A_10 = vector.load %arg4[%get3A_8, %get3A_9] : memref<2048x32xf32, #tpu.memory_space<vmem>>, vector<2048x32xf32>
    %add3A_11 = arith.addf %get3A_7, %get3A_10 : vector<2048x32xf32>
    %concatenate3A = tpu.concatenate %add3A, %add3A_11 in 1 : vector<2048x32xf32>, vector<2048x32xf32> -> vector<2048x64xf32>
    %get3A_12 = arith.constant 0 : index
    %get3A_13 = arith.constant 0 : index
    %get3A_14 = vector.load %arg5[%get3A_12, %get3A_13] : memref<2048x1xf32, #tpu.memory_space<vmem>>, vector<2048x1xf32>
    %mul3A = vector.broadcast %get3A_14 : vector<2048x1xf32> to vector<2048x64xf32>
    %mul3A_15 = arith.mulf %concatenate3A, %mul3A : vector<2048x64xf32>
    %get3A_16 = arith.constant 0 : index
    %get3A_17 = arith.constant 0 : index
    %get3A_18 = vector.load %arg6[%get3A_16, %get3A_17] : memref<1x64xf32, #tpu.memory_space<vmem>>, vector<1x64xf32>
    %add3A_19 = vector.broadcast %get3A_18 : vector<1x64xf32> to vector<2048x64xf32>
    %add3A_20 = arith.addf %mul3A_15, %add3A_19 : vector<2048x64xf32>
    %max3A = arith.constant 0.000000e+00 : f32
    %max3A_21 = vector.broadcast %max3A : f32 to vector<2048x64xf32>
    %max3A_22 = arith.maximumf %add3A_20, %max3A_21 : vector<2048x64xf32>
    %get3A_23 = arith.constant 0 : index
    %get3A_24 = arith.constant 0 : index
    %get3A_25 = vector.load %arg7[%get3A_23, %get3A_24] : memref<1x2048xi32, #tpu.memory_space<vmem>>, vector<1x2048xi32>
    %iota3A = tpu.iota {dimensions = array<i32: 0>} : vector<256x2048xi32>
    %eq3A = vector.broadcast %get3A_25 : vector<1x2048xi32> to vector<256x2048xi32>
    %eq3A_26 = arith.cmpi eq, %iota3A, %eq3A : vector<256x2048xi32>
    %convert_element_type3A = arith.extui %eq3A_26 : vector<256x2048xi1> to vector<256x2048xi32>
    %convert_element_type3A_27 = arith.sitofp %convert_element_type3A : vector<256x2048xi32> to vector<256x2048xf32>
    %dot_general3A = arith.constant dense<0.000000e+00> : vector<256x64xf32>
    %dot_general3A_28 = tpu.matmul %convert_element_type3A_27, %max3A_22, %dot_general3A {dimension_numbers = #tpu.dot_dimension_numbers<[1], [0], [0], [1], [0, 0, 1, 1], [], []>, transpose_lhs_hint = false} : vector<256x2048xf32>, vector<2048x64xf32>, vector<256x64xf32> -> vector<256x64xf32>
    %broadcast_in_dim3A = arith.constant 1.000000e+00 : f32
    %broadcast_in_dim3A_29 = vector.broadcast %broadcast_in_dim3A : f32 to vector<2048x1xf32>
    %dot_general3A_30 = arith.constant dense<0.000000e+00> : vector<256x1xf32>
    %dot_general3A_31 = tpu.matmul %convert_element_type3A_27, %broadcast_in_dim3A_29, %dot_general3A_30 {dimension_numbers = #tpu.dot_dimension_numbers<[1], [0], [0], [1], [0, 0, 1, 1], [], []>, transpose_lhs_hint = false} : vector<256x2048xf32>, vector<2048x1xf32>, vector<256x1xf32> -> vector<256x1xf32>
    %eq3A_32 = arith.constant 0 : i32
    %eq3A_33 = arith.cmpi eq, %arg0, %eq3A_32 : i32
    %convert_element_type3A_34 = arith.extui %eq3A_33 : i1 to i32
    %cond3A = arith.constant 0 : i32
    %cond3A_35 = arith.cmpi ne, %convert_element_type3A_34, %cond3A : i32
    scf.if %cond3A_35 {
      %broadcast_in_dim3A_54 = arith.constant 0.000000e+00 : f32
      %broadcast_in_dim3A_55 = vector.broadcast %broadcast_in_dim3A_54 : f32 to vector<256x64xf32>
      %swap3A_56 = arith.constant 0 : index
      %swap3A_57 = arith.constant 0 : index
      %swap3A_58 = vector.load %arg13[%swap3A_56, %swap3A_57] : memref<256x64xf32, #tpu.memory_space<vmem>>, vector<256x64xf32>
      tpu.vector_store %arg13[%swap3A_56, %swap3A_57], %broadcast_in_dim3A_55 {strides = array<i32>} : memref<256x64xf32, #tpu.memory_space<vmem>>, vector<256x64xf32>,
      %broadcast_in_dim3A_59 = arith.constant 0.000000e+00 : f32
      %broadcast_in_dim3A_60 = vector.broadcast %broadcast_in_dim3A_59 : f32 to vector<256x1xf32>
      %swap3A_61 = arith.constant 0 : index
      %swap3A_62 = arith.constant 0 : index
      %swap3A_63 = vector.load %arg14[%swap3A_61, %swap3A_62] : memref<256x1xf32, #tpu.memory_space<vmem>>, vector<256x1xf32>
      tpu.vector_store %arg14[%swap3A_61, %swap3A_62], %broadcast_in_dim3A_60 {strides = array<i32>} : memref<256x1xf32, #tpu.memory_space<vmem>>, vector<256x1xf32>,
    } else {
    }
    %get3A_36 = arith.constant 0 : index
    %get3A_37 = arith.constant 0 : index
    %get3A_38 = vector.load %arg13[%get3A_36, %get3A_37] : memref<256x64xf32, #tpu.memory_space<vmem>>, vector<256x64xf32>
    %add3A_39 = arith.addf %get3A_38, %dot_general3A_28 : vector<256x64xf32>
    %swap3A = arith.constant 0 : index
    %swap3A_40 = arith.constant 0 : index
    %swap3A_41 = vector.load %arg13[%swap3A, %swap3A_40] : memref<256x64xf32, #tpu.memory_space<vmem>>, vector<256x64xf32>
    tpu.vector_store %arg13[%swap3A, %swap3A_40], %add3A_39 {strides = array<i32>} : memref<256x64xf32, #tpu.memory_space<vmem>>, vector<256x64xf32>,
    %get3A_42 = arith.constant 0 : index
    %get3A_43 = arith.constant 0 : index
    %get3A_44 = vector.load %arg14[%get3A_42, %get3A_43] : memref<256x1xf32, #tpu.memory_space<vmem>>, vector<256x1xf32>
    %add3A_45 = arith.addf %get3A_44, %dot_general3A_31 : vector<256x1xf32>
    %swap3A_46 = arith.constant 0 : index
    %swap3A_47 = arith.constant 0 : index
    %swap3A_48 = vector.load %arg14[%swap3A_46, %swap3A_47] : memref<256x1xf32, #tpu.memory_space<vmem>>, vector<256x1xf32>
    tpu.vector_store %arg14[%swap3A_46, %swap3A_47], %add3A_45 {strides = array<i32>} : memref<256x1xf32, #tpu.memory_space<vmem>>, vector<256x1xf32>,
    %eq3A_49 = arith.constant 4 : i32
    %eq3A_50 = arith.cmpi eq, %arg0, %eq3A_49 : i32
    %convert_element_type3A_51 = arith.extui %eq3A_50 : i1 to i32
    %cond3A_52 = arith.constant 0 : i32
    %cond3A_53 = arith.cmpi ne, %convert_element_type3A_51, %cond3A_52 : i32
    scf.if %cond3A_53 {
      %get3A_54 = arith.constant 0 : index
      %get3A_55 = arith.constant 0 : index
      %get3A_56 = vector.load %arg13[%get3A_54, %get3A_55] : memref<256x64xf32, #tpu.memory_space<vmem>>, vector<256x64xf32>
      %get3A_57 = arith.constant 0 : index
      %get3A_58 = arith.constant 0 : index
      %get3A_59 = vector.load %arg14[%get3A_57, %get3A_58] : memref<256x1xf32, #tpu.memory_space<vmem>>, vector<256x1xf32>
      %max3A_60 = arith.constant 1.000000e+00 : f32
      %max3A_61 = vector.broadcast %max3A_60 : f32 to vector<256x1xf32>
      %max3A_62 = arith.maximumf %get3A_59, %max3A_61 : vector<256x1xf32>
      %div3A = vector.broadcast %max3A_62 : vector<256x1xf32> to vector<256x64xf32>
      %div3A_63 = arith.divf %get3A_56, %div3A : vector<256x64xf32>
      %get3A_64 = arith.constant 0 : index
      %get3A_65 = arith.constant 0 : index
      %get3A_66 = vector.load %arg8[%get3A_64, %get3A_65] : memref<64x64xf32, #tpu.memory_space<vmem>>, vector<64x64xf32>
      %dot_general3A_67 = arith.constant dense<0.000000e+00> : vector<256x64xf32>
      %dot_general3A_68 = tpu.matmul %div3A_63, %get3A_66, %dot_general3A_67 {dimension_numbers = #tpu.dot_dimension_numbers<[1], [0], [0], [1], [0, 0, 1, 1], [], []>, transpose_lhs_hint = false} : vector<256x64xf32>, vector<64x64xf32>, vector<256x64xf32> -> vector<256x64xf32>
      %get3A_69 = arith.constant 0 : index
      %get3A_70 = arith.constant 0 : index
      %get3A_71 = vector.load %arg9[%get3A_69, %get3A_70] : memref<1x64xf32, #tpu.memory_space<vmem>>, vector<1x64xf32>
      %add3A_72 = vector.broadcast %get3A_71 : vector<1x64xf32> to vector<256x64xf32>
      %add3A_73 = arith.addf %dot_general3A_68, %add3A_72 : vector<256x64xf32>
      %max3A_74 = arith.constant 0.000000e+00 : f32
      %max3A_75 = vector.broadcast %max3A_74 : f32 to vector<256x64xf32>
      %max3A_76 = arith.maximumf %add3A_73, %max3A_75 : vector<256x64xf32>
      %get3A_77 = arith.constant 0 : index
      %get3A_78 = arith.constant 0 : index
      %get3A_79 = vector.load %arg10[%get3A_77, %get3A_78] : memref<64x128xf32, #tpu.memory_space<vmem>>, vector<64x128xf32>
      %dot_general3A_80 = arith.constant dense<0.000000e+00> : vector<256x128xf32>
      %dot_general3A_81 = tpu.matmul %max3A_76, %get3A_79, %dot_general3A_80 {dimension_numbers = #tpu.dot_dimension_numbers<[1], [0], [0], [1], [0, 0, 1, 1], [], []>, transpose_lhs_hint = false} : vector<256x64xf32>, vector<64x128xf32>, vector<256x128xf32> -> vector<256x128xf32>
      %get3A_82 = arith.constant 0 : index
      %get3A_83 = arith.constant 0 : index
      %get3A_84 = vector.load %arg11[%get3A_82, %get3A_83] : memref<1x128xf32, #tpu.memory_space<vmem>>, vector<1x128xf32>
      %add3A_85 = vector.broadcast %get3A_84 : vector<1x128xf32> to vector<256x128xf32>
      %add3A_86 = arith.addf %dot_general3A_81, %add3A_85 : vector<256x128xf32>
      %swap3A_87 = arith.constant 0 : index
      %swap3A_88 = arith.constant 0 : index
      %swap3A_89 = vector.load %arg12[%swap3A_87, %swap3A_88] : memref<256x128xf32, #tpu.memory_space<vmem>>, vector<256x128xf32>
      tpu.vector_store %arg12[%swap3A_87, %swap3A_88], %add3A_86 {strides = array<i32>} : memref<256x128xf32, #tpu.memory_space<vmem>>, vector<256x128xf32>,
    } else {
    }
    return
  }
  func.func @transform_0(%arg0: i32) -> (i32, i32) {
    %c0_i32 = arith.constant 0 : i32
    %c0_i32_0 = arith.constant 0 : i32
    return %arg0, %c0_i32 : i32, i32
  }
  func.func @transform_1(%arg0: i32) -> (i32, i32) {
    %c0_i32 = arith.constant 0 : i32
    %c0_i32_0 = arith.constant 0 : i32
    return %arg0, %c0_i32 : i32, i32
  }
  func.func @transform_2(%arg0: i32) -> (i32, i32) {
    %c0_i32 = arith.constant 0 : i32
    %c0_i32_0 = arith.constant 0 : i32
    return %arg0, %c0_i32 : i32, i32
  }
  func.func @transform_3(%arg0: i32) -> (i32, i32) {
    %c0_i32 = arith.constant 0 : i32
    %c0_i32_0 = arith.constant 0 : i32
    return %arg0, %c0_i32 : i32, i32
  }
  func.func @transform_4(%arg0: i32) -> (i32, i32) {
    %c0_i32 = arith.constant 0 : i32
    %c0_i32_0 = arith.constant 0 : i32
    return %arg0, %c0_i32 : i32, i32
  }
  func.func @transform_5(%arg0: i32) -> (i32, i32) {
    %c0_i32 = arith.constant 0 : i32
    %c0_i32_0 = arith.constant 0 : i32
    %c0_i32_1 = arith.constant 0 : i32
    return %c0_i32, %c0_i32_0 : i32, i32
  }
  func.func @transform_6(%arg0: i32) -> (i32, i32) {
    %c0_i32 = arith.constant 0 : i32
    %c0_i32_0 = arith.constant 0 : i32
    return %c0_i32, %arg0 : i32, i32
  }
  func.func @transform_7(%arg0: i32) -> (i32, i32) {
    %c0_i32 = arith.constant 0 : i32
    %c0_i32_0 = arith.constant 0 : i32
    %c0_i32_1 = arith.constant 0 : i32
    return %c0_i32, %c0_i32_0 : i32, i32
  }
  func.func @transform_8(%arg0: i32) -> (i32, i32) {
    %c0_i32 = arith.constant 0 : i32
    %c0_i32_0 = arith.constant 0 : i32
    %c0_i32_1 = arith.constant 0 : i32
    return %c0_i32, %c0_i32_0 : i32, i32
  }
  func.func @transform_9(%arg0: i32) -> (i32, i32) {
    %c0_i32 = arith.constant 0 : i32
    %c0_i32_0 = arith.constant 0 : i32
    %c0_i32_1 = arith.constant 0 : i32
    return %c0_i32, %c0_i32_0 : i32, i32
  }
  func.func @transform_10(%arg0: i32) -> (i32, i32) {
    %c0_i32 = arith.constant 0 : i32
    %c0_i32_0 = arith.constant 0 : i32
    %c0_i32_1 = arith.constant 0 : i32
    return %c0_i32, %c0_i32_0 : i32, i32
  }
  func.func @transform_11(%arg0: i32) -> (i32, i32) {
    %c0_i32 = arith.constant 0 : i32
    %c0_i32_0 = arith.constant 0 : i32
    %c0_i32_1 = arith.constant 0 : i32
    return %c0_i32, %c0_i32_0 : i32, i32
  }
}

</mosaic_0001>

<sc_bundles>
// kernel: kernel.10.cloned.1.call-start
scs
__scs_entry_jumppad:
0x0: {  	(pc) =	sbr.rel $0x88, $3  }
0x1: {  	(tag) =	ssettag $0x0;
	lr =	simm.s32 $0x1  }
0x2: {  	[smem:$0x3F94] =	sst lr;
	_ =	strace $0xD0000000  }
0x3: {  	_ = 	snop  }
0x4: {  	_ = 	snop  }
0x5: {  	_ = 	snop  }
0x6: {  	_ = 	snop  }
0x7: {  	_ = 	snop  }
__scs_overlays_trampoline_lowered:
0x8: {  	[smem:$0x3FA3] =	sst s0  }
0x9: {  	[smem:$0x3FA4] =	sst s1  }
0xa: {  	[smem:$0x3FA5] =	sst s2  }
0xb: {  	[smem:$0x3FA6] =	sst s3  }
0xc: {  	[smem:$0x3FA7] =	sst s4  }
0xd: {  	[smem:$0x3FA8] =	sst s5  }
0xe: {  	[smem:$0x3FA9] =	sst s6  }
0xf: {  	[smem:$0x3FAA] =	sst s7  }
0x10: {  	[smem:$0x3FAB] =	sst s8  }
0x11: {  	[smem:$0x3FAC] =	sst s9;
	s0 =	simm.s32 @!p0 $0x0  }
0x12: {  	s1 =	sld [smem:$0x3F92];
	s0 =	simm.s32 @p0 $0x1  }
0x13: {  	[smem:$0x3FAD] =	sst s0;
	s0 =	simm.s32 @!p1 $0x0  }
0x14: {  	s2 =	sld [smem:$0x3F91];
	s0 =	simm.s32 @p1 $0x1  }
0x15: {  	[smem:$0x3FAE] =	sst s0;
	s0 =	simm.s32 @!p2 $0x0  }
0x16: {  	s3 =	sld [smem:$0x3FDB];
	s0 =	simm.s32 @p2 $0x1  }
0x17: {  	s4 =	simm.s32 $0x1BF5;
	[smem:$0x3FB0] =	sst s0  }
0x18: {  	s0 =	sld [smem:$0x3F93];
	_ =	swait.ge [sflag:s4], $0x0  }
0x19: {  	s7 =	sld [smem:$0x3F94]  }
0x1a: {  	s8 =	sadd.s32 $0xFFFFE003, lr  }
0x1b: {  	s9 =	sadd.s32 $0xFFFFFEF7, lr;
	s5 =	simm.s32 $0xFFFFFFFF;
	p2 =	slt.u32 s8, $0xFFFFF086  }
0x1c: {  	p1 =	slt.u32 s9, $0xF7A;
	s5 =	simm.s32 @!p2 $0x0  }
0x1d: {  	s5 =	simm.s32 @p1 $0x1;
	p0 =	seq.s32 s7, s2  }
0x1e: {  	s7 =	smul.u32 @!p0 $0xF7A, s2;
	p2 =	seq.s32 @!p0 s5, $0x0  }
0x1f: {  	s9 =	smul.u32 $0xF7A, s1;
	s8 =	simm.s32 @!p0 $0x1BF5;
	p2 =	por !p2, p0  }
0x20: {  	[sflag:s8] =	ssyncset.s32 @!p0 $0xFFFFF086;
	s6 =	sadd.s32 @!p0 s3, s7;
	s7 =	simm.s32 @!p0 $0x108  }
0x21: {  	s3 =	sadd.s32 s3, s9;
	s6 =	sadd.s32 @!p0 $0x88, s6;
	s7 =	simm.s32 @p2 $0x1082  }
0x22: {  	[simem:s7], [sflag:s8] =	dma.local @!p0 [hbm:s6], $0xF7A  }
0x23: {  	s9 =	sor.u32 $0xD0000000, s2;
	s6 =	simm.s32 $0x108;
	_ =	swait.ge @!p0 [sflag:s8], $0x0  }
0x24: {  	s3 =	sadd.s32 $0x88, s3;
	s6 =	simm.s32 @!p1 $0x1082;
	[sflag:s4] =	ssyncset.s32 $0xFFFFF086  }
0x25: {  	[simem:s6], [sflag:s4] =	dma.local [hbm:s3], $0xF7A  }
0x26: {  	[smem:$0x3F94] =	sst s1;
	(tag) =	ssettag s2;
	_ =	strace s9  }
0x27: {  	s1 =	sld [smem:$0x3FA4]  }
0x28: {  	s2 =	sld [smem:$0x3FA5]  }
0x29: {  	s4 =	sld [smem:$0x3FA7]  }
0x2a: {  	p0 =	seq.s32 s5, $0x0;
	s5 =	sld [smem:$0x3FA8]  }
0x2b: {  	s6 =	sld [smem:$0x3FA9]  }
0x2c: {  	s7 =	sld [smem:$0x3FAA]  }
0x2d: {  	s3 =	simm.s32 $0x108;
	s8 =	sld [smem:$0x3FAB]  }
0x2e: {  	s3 =	simm.s32 @!p0 $0x1082;
	s9 =	sld [smem:$0x3FAC]  }
0x2f: {  	lr =	sadd.s32 s0, s3;
	s0 =	sld [smem:$0x3FA3]  }
0x30: {  	s3 =	sld [smem:$0x3FA6]  }
0x31: {  	[smem:$0x3FAF] =	sst s10  }
0x32: {  	s10 =	sld [smem:$0x3FAD];
	_ =	sdelay $0x3  }
0x33: {  	p0 =	seq.s32 s10, $0x1;
	s10 =	sld [smem:$0x3FAF];
	_ =	sdelay $0x3  }
0x34: {  	[smem:$0x3FAF] =	sst s10  }
0x35: {  	s10 =	sld [smem:$0x3FAE];
	_ =	sdelay $0x3  }
0x36: {  	p1 =	seq.s32 s10, $0x1;
	s10 =	sld [smem:$0x3FAF];
	_ =	sdelay $0x3  }
0x37: {  	[smem:$0x3FAF] =	sst s10  }
0x38: {  	s10 =	sld [smem:$0x3FB0]  }
0x39: {  	_ = 	snop;
	(pc) =	sbr.ind lr, $3  }
0x3a: {  	_ = 	snop  }
0x3b: {  	_ = 	snop  }
0x3c: {  	p2 =	seq.s32 s10, $0x1;
	s10 =	sld [smem:$0x3FAF]  }
0x3d: {  	_ =	shalt  }
0x3e: {  	_ =	shalt  }
0x3f: {  	_ =	shalt  }
0x40: {  	_ =	shalt  }
0x41: {  	_ =	shalt  }
0x42: {  	_ =	shalt  }
0x43: {  	_ =	shalt  }
0x44: {  	_ =	shalt  }
0x45: {  	_ =	shalt  }
0x46: {  	_ =	shalt  }
0x47: {  	_ =	shalt  }
0x48: {  	_ =	shalt  }
0x49: {  	_ =	shalt  }
0x4a: {  	_ =	shalt  }
0x4b: {  	_ =	shalt  }
0x4c: {  	_ =	shalt  }
0x4d: {  	_ =	shalt  }
0x4e: {  	_ =	shalt  }
0x4f: {  	_ =	shalt  }
0x50: {  	_ =	shalt  }
0x51: {  	_ =	shalt  }
0x52: {  	_ =	shalt  }
0x53: {  	_ =	shalt  }
0x54: {  	_ =	shalt  }
0x55: {  	_ =	shalt  }
0x56: {  	_ =	shalt  }
0x57: {  	_ =	shalt  }
0x58: {  	_ =	shalt  }
0x59: {  	_ =	shalt  }
0x5a: {  	_ =	shalt  }
0x5b: {  	_ =	shalt  }
0x5c: {  	_ =	shalt  }
0x5d: {  	_ =	shalt  }
0x5e: {  	_ =	shalt  }
0x5f: {  	_ =	shalt  }
0x60: {  	_ =	shalt  }
0x61: {  	_ =	shalt  }
0x62: {  	_ =	shalt  }
0x63: {  	_ =	shalt  }
0x64: {  	_ =	shalt  }
0x65: {  	_ =	shalt  }
0x66: {  	_ =	shalt  }
0x67: {  	_ =	shalt  }
0x68: {  	_ =	shalt  }
0x69: {  	_ =	shalt  }
0x6a: {  	_ =	shalt  }
0x6b: {  	_ =	shalt  }
0x6c: {  	_ =	shalt  }
0x6d: {  	_ =	shalt  }
0x6e: {  	_ =	shalt  }
0x6f: {  	_ =	shalt  }
0x70: {  	_ =	shalt  }
0x71: {  	_ =	shalt  }
0x72: {  	_ =	shalt  }
0x73: {  	_ =	shalt  }
0x74: {  	_ =	shalt  }
0x75: {  	_ =	shalt  }
0x76: {  	_ =	shalt  }
0x77: {  	_ =	shalt  }
0x78: {  	_ =	shalt  }
0x79: {  	_ =	shalt  }
0x7a: {  	_ =	shalt  }
0x7b: {  	_ =	shalt  }
0x7c: {  	_ =	shalt  }
0x7d: {  	_ =	shalt  }
0x7e: {  	_ =	shalt  }
0x7f: {  	_ =	shalt  }
0x80: {  	_ =	shalt  }
0x81: {  	_ =	shalt  }
0x82: {  	_ =	shalt  }
0x83: {  	_ =	shalt  }
0x84: {  	_ =	shalt  }
0x85: {  	_ =	shalt  }
0x86: {  	_ =	shalt  }
0x87: {  	_ =	shalt  }
.Lfunc_end0:
.L_simem_size_0:
called_computation_lowered:
.L_overlay_start_0:
0x88: {  	s2 =	sld [smem:$0x3FD9]  }
0x89: {  	s3 =	sld [smem:$0x3FFE];
	_ =	sdelay $0x1  }
0x8a: {  	s1 =	srdreg.scid  }
0x8b: {  	s0 =	sand.u32 $0x1, s1  }
0x8c: {  	s16 =	sshll.u32 s0, $0xA;
	s2 =	sadd.s32 s3, s2  }
0x8d: {  	s2 =	sadd.s32 s2, s16  }
0x8e: {  	[smem:$0x3FBB] =	sst s2  }
0x8f: {  	_ = 	snop  }
0x90: {  	(tm) =	ssettm $0x1  }
0x91: {  	s17 =	sld [smem:$0x3FFB];
	_ =	sdelay $0x3  }
0x92: {  	_ =	strace s17  }
0x93: {  	s2 =	sld [smem:$0x3FFC];
	_ =	sdelay $0x3  }
0x94: {  	_ =	strace s2  }
0x95: {  	s2 =	sld [smem:$0x3FFD];
	_ =	sdelay $0x3  }
0x96: {  	_ =	strace s2  }
0x97: {  	_ =	strace $0x8FFFFFFF  }
0x98: {  	s18 =	sld [smem:$0x3FDB];
	_ =	sdelay $0x1  }
0x99: {  	s19 =	simm.s32 $_scs_section_size  }
0x9a: {  	s4 =	simm.s32 $_size__tile_overlayer_lowered;
	s5 =	simm.s32 $_tile_overlayer_lowered  }
0x9b: {  	s22 =	simm.s32 $0x1BFF;
	s21 =	sshll.u32 s5, $0x1;
	s2 =	sadd.s32 s19, s18  }
0x9c: {  	s6 =	simm.s32 $0x0;
	s20 =	sshll.u32 s4, $0x1;
	s4 =	sadd.s32 s21, s2  }
0x9d: {  	[timem:s6], [sflag:s22] =	dma.local [hbm:s4], s20  }
0x9e: {  	_ =	swait.ge [sflag:s22], s20  }
0x9f: {  	s3 =	ssub.s32 $0x0, s20;
	[sflag:s22] =	ssyncset.done $0x0  }
0xa0: {  	[sflag:s22] =	ssyncadd.s32 s3;
	_ =	sdelay $0x1  }
0xa1: {  	s23 =	simm.s32 $0x1B8B  }
0xa2: {  	_ =	swait.ge [sflag:s23], $0x1  }
0xa3: {  	[sflag:s23] =	ssyncset.done $0x0  }
0xa4: {  	s25 =	simm.s32 $0x1B8E;
	s24 =	sld [smem:$0x3FFE];
	[sflag:s23] =	ssyncadd.s32 $0xFFFFFFFF  }
0xa5: {  	s26 =	simm.s32 $execute0_lowered;
	[smem:$0x3FD2] =	sst s25  }
0xa6: {  	s4 =	sshll.u32 s26, $0x1;
	_ =	strace $0x80000046;
	[dreg:$0x1] =	wrdreg $0xFFFFFFFF  }
0xa7: {  	s28 =	simm.s32 $_size_execute0_lowered;
	s2 =	sadd.s32 s2, s4;
	[dreg:$0x0] =	wrdreg $0x0  }
0xa8: {  	s4 =	sshll.u32 s28, $0x1;
	[dreg:$0x2] =	wrdreg s2  }
0xa9: {  	[dreg:$0x3] =	wrdreg s4  }
0xaa: {  	[dreg:$0x4] =	wrdreg $0xC0  }
0xab: {  	_ =	task [dreg:s6], $0x5FFFF  }
0xac: {  	[dreg:$0x1] =	wrdreg $0xFFFFFFFF  }
0xad: {  	[dreg:$0x0] =	wrdreg $0x60  }
0xae: {  	[dreg:$0x2] =	wrdreg s24  }
0xaf: {  	[dreg:$0x3] =	wrdreg $0x28800  }
0xb0: {  	[dreg:$0x4] =	wrdreg $0x9  }
0xb1: {  	_ =	task.clear_ibuf [dreg:s6], $0x5FFFF;
	_ =	strace $0x90000046  }
0xb2: {  	s29 =	simm.s32 $0x9;
	_ =	strace $0x80000048  }
0xb3: {  	_ =	swait.ge [sflag:s29], $0x1  }
0xb4: {  	[sflag:s29] =	ssyncadd.s32 $0xFFFFFFFF  }
0xb5: {  	_ =	strace $0x90000048  }
0xb6: {  	_ =	sfence  }
0xb7: {  	s30 =	sld [smem:$0x0];
	_ =	sdelay $0x2  }
0xb8: {  	s31 =	sshll.u32 s1, $0xD;
	s1 =	sshrl.u32 s1, $0x2  }
0xb9: {  	s3 =	sand.u32 $0x4000, s31;
	s1 =	sadd.s32 s1, s30  }
0xba: {  	s0 =	sor.u32 s3, s0;
	s1 =	sshll.u32 s1, $0x11  }
0xbb: {  	s0 =	sor.u32 s1, s0  }
0xbc: {  	s0 =	sadd.s32 $0x8F2B, s0  }
0xbd: {  	[sflag:s0] =	ssyncadd.remote.s32 $0x1  }
0xbe: {  	_ =	sfence.sel $0xFFFF  }
0xbf: {  	[dreg:$0x0] =	wrdreg $0xFFFFFFFF;
	(pc) =	sbr.abs _section_cstart, $3  }
0xc0: {  	[dreg:$0x1] =	wrdreg $0xFFFFFFFF  }
0xc1: {  	_ =	task.clear_ibuf [dreg:s6], $0x2FFFF;
	_ =	strace $0x9FFFFFFF  }
0xc2: {  	(tm) =	ssettm $0x7FFFFFFF  }
0xc3: {  	_ =	shalt  }
tec
execute0_lowered:
.L_overlay_start_1:
0x0: {  	(tag) =	ssettag $0x1  }
0x1: {  	s1 =	srdreg.scid  }
0x2: {  	s0 =	stileid.u32;
	s4 =	rddreg [dreg:$0x0]  }
0x3: {  	s2 =	rddreg [dreg:$0x1];
	s3 =	simm.s32 $0x0;
	s12 =	simm.s32 $0x2800  }
0x4: {  	s13 =	simm.s32 $0x20;
	s14 =	simm.s32 $0x10;
	s6 =	smul.u32 $0x5000, s0  }
0x5: {  	s5 =	sand.u32 $0x1, s1;
	s1 =	rddreg [dreg:$0x2];
	s28 =	smul.u32 $0x500, s0  }
0x6: {  	s15 =	simm.s32 $0x0;
	[smem:$0x7FF] =	sst s3;
	s8 =	smul.u32 $0x280, s0  }
0x7: {  	s31 =	sshll.u32 s0, $0x6;
	s7 =	smul.u32 $0x2800, s5;
	s9 =	sshll.u32 s5, $0x7  }
0x8: {  	_ =	strace $0x80000047;
	s5 =	ssub.s32 $0x2, s5;
	s29 =	sshrl.u32 s8, $0x3  }
0x9: {  	s30 =	sshrl.u32 s5, $0x1;
	s11 =	sadd.s32 s8, s2;
	s8 =	simm.s32 $0x1  }
0xa: {  	s6 =	sadd.s32 s7, s6;
	s7 =	sor.u32 s9, s28;
	s9 =	sadd.s32 s29, s4  }
0xb: {  	s10 =	ssub.s32 s5, s30;
	s6 =	sshrl.u32 s6, $0x3;
	s7 =	sshrl.u32 s7, $0x3  }
0xc: {  	s5 =	sadd.s32 $0xE200, s9;
	s6 =	sadd.s32 s6, s4;
	s7 =	sadd.s32 s7, s4  }
0xd: {  	s9 =	sor.u32 $0x1C01, s31;
	s4 =	sadd.s32 $0x4200, s6;
	s6 =	sadd.s32 $0xE800, s7  }
0xe: {  	v0 =	vimm.f32 $1.000000000e+00;
	s7 =	smax.u32 s10, $0x1;
	s10 =	sshrl.u32 s11, $0x3;
	s11 =	simm.s32 $0x80  }
.LBB2_1:
0xf: {  	[tilespmem:$0x2800] =	vst v0  }
0x10: {  	[tilespmem:$0x2810] =	vst v0  }
0x11: {  	[tilespmem:$0x2820] =	vst v0  }
0x12: {  	[tilespmem:$0x2830] =	vst v0  }
0x13: {  	[tilespmem:$0x2840] =	vst v0  }
0x14: {  	[tilespmem:$0x2850] =	vst v0  }
0x15: {  	[tilespmem:$0x2860] =	vst v0  }
0x16: {  	[tilespmem:$0x2870] =	vst v0  }
0x17: {  	[tilespmem:s3], [sflag:$0x1] =	stream.linear.gather [hbm4b:s4+s3], $0x2800, $0x38;
	[tilespmem:$0x2B00] =	vst v63  }
0x18: {  	_ =	swait.ge [sflag:s8], $0x2800  }
0x19: {  	[sflag:s8] =	ssyncset.done $0x0  }
0x1a: {  	[sflag:s8] =	ssyncadd.s32 $0xFFFFD800  }
0x1b: {  	[spmem:s10], [sflag:s9] =	dma.local [hbm:s5], $0x50  }
0x1c: {  	_ =	swait.ge [sflag:s8], $0x50  }
0x1d: {  	[sflag:s8] =	ssyncset.done $0x0  }
0x1e: {  	[sflag:s8] =	ssyncadd.s32 $0xFFFFFFB0  }
0x1f: {  	s16 =	simm.s32 $0x0;
	[bflag:$0x0] =	sbarrier.arrive $0xFFFF  }
0x20: {  	[spmem:s2] =	stream.indirect.scatter.add.f32 [tilespmem:s12], [sflag:$0x1], $0x1, s16, s11, $0xb8;
	[tilespmem:$0x2B00] =	vst v63  }
0x21: {  	_ =	swait.ge [sflag:s8], $0x80  }
0x22: {  	s16 =	simm.s32 $0x200;
	[sflag:s8] =	ssyncset.done $0x0  }
.LBB2_2:
0x23: {  	s17 =	sshra.s32 s16, $0x2;
	[sflag:s8] =	ssyncadd.s32 $0xFFFFFF80;
	p0 =	sne.s32 s16, $0x9E00  }
0x24: {  	[spmem:s2] =	stream.indirect.scatter.add.f32 [tilespmem:s12], [sflag:$0x1], $0x1, s17, s11, $0xb8;
	[tilespmem:$0x2B00] =	vst v63  }
.Ltmp0:
0x25: {  	_ = 	snop;
	(pc) =	sbr.rel @p0 .LBB2_2-.Ltmp0, $4  }
0x26: {  	_ = 	snop  }
0x27: {  	s16 =	sadd.s32 $0x200, s16  }
0x28: {  	_ =	swait.ge [sflag:s8], $0x80  }
0x29: {  	[sflag:s8] =	ssyncset.done $0x0  }
0x2a: {  	s15 =	sadd.s32 $0x1, s15  }
0x2b: {  	[sflag:s8] =	ssyncadd.s32 $0xFFFFFF80;
	p0 =	sne.s32 s15, s7  }
.Ltmp1:
0x2c: {  	[bflag:$0x0] =	sbarrier.arrive $0xFFFF;
	(pc) =	sbr.rel @p0 .LBB2_1-.Ltmp1, $4  }
0x2d: {  	[hbm:s6@s13], [sflag:s9] =	dma.strided [spmem:s10@s14], $0x50, s8, $0x10   }
0x2e: {  	_ =	swait.ge [sflag:s8], $0x50  }
0x2f: {  	[sflag:s8] =	ssyncset.done $0x0  }
0x30: {  	[sflag:s8] =	ssyncadd.s32 $0xFFFFFFB0  }
0x31: {  	_ =	sfence.sel $0x180000  }
0x32: {  	[bflag:$0x0] =	sbarrier.arrive $0xFFFF  }
0x33: {  	p0 =	sne.s32 s0, $0x0;
	_ =	strace $0x90000047  }
0x34: {  	s0 =	sadd.s32 @!p0 $0x100000, s1;
	[bflag:$0x2] =	sbarrier.arrive $0xFFFF  }
0x35: {  	[sflag:s0] =	ssyncadd.tile.s32 @!p0 $0x1;
	_ =	shalt  }
.Lfunc_end2:
_tile_overlayer_lowered:
.L_overlay_start_2:
0x36: {  	(tag) =	ssettag $0x2  }
0x37: {  	s0 =	rddreg [dreg:$0x0];
	s2 =	stileid.u32  }
0x38: {  	s1 =	rddreg [dreg:$0x1];
	p0 =	sne.s32 s2, $0x0  }
0x39: {  	s3 =	rddreg [dreg:$0x2];
	[bflag:$0x3] =	sbarrier.arrive $0xFFFF;
	s2 =	simm.s32 @!p0 $0x1C01  }
0x3a: {  	[timem:s3], [sflag:s2] =	dma.local @!p0 [hbm:s0], s1  }
0x3b: {  	s0 =	simm.s32 @!p0 $0x1  }
0x3c: {  	_ =	swait.ge @!p0 [sflag:s0], s1  }
0x3d: {  	s1 =	ssub.s32 @!p0 $0x0, s1;
	[sflag:s0] =	ssyncset.done @!p0 $0x0  }
0x3e: {  	[sflag:s0] =	ssyncadd.s32 @!p0 s1  }
0x3f: {  	[bflag:$0x3] =	sbarrier.arrive $0xFFFF  }
0x40: {  	_ =	shalt  }

// kernel: kernel.13.cloned.1.call-start
scs
__scs_entry_jumppad:
0x0: {  	(pc) =	sbr.rel $0x88, $3  }
0x1: {  	(tag) =	ssettag $0x0;
	lr =	simm.s32 $0x1  }
0x2: {  	[smem:$0x3F94] =	sst lr;
	_ =	strace $0xD0000000  }
0x3: {  	_ = 	snop  }
0x4: {  	_ = 	snop  }
0x5: {  	_ = 	snop  }
0x6: {  	_ = 	snop  }
0x7: {  	_ = 	snop  }
__scs_overlays_trampoline_lowered:
0x8: {  	[smem:$0x3FA3] =	sst s0  }
0x9: {  	[smem:$0x3FA4] =	sst s1  }
0xa: {  	[smem:$0x3FA5] =	sst s2  }
0xb: {  	[smem:$0x3FA6] =	sst s3  }
0xc: {  	[smem:$0x3FA7] =	sst s4  }
0xd: {  	[smem:$0x3FA8] =	sst s5  }
0xe: {  	[smem:$0x3FA9] =	sst s6  }
0xf: {  	[smem:$0x3FAA] =	sst s7  }
0x10: {  	[smem:$0x3FAB] =	sst s8  }
0x11: {  	[smem:$0x3FAC] =	sst s9;
	s0 =	simm.s32 @!p0 $0x0  }
0x12: {  	s1 =	sld [smem:$0x3F92];
	s0 =	simm.s32 @p0 $0x1  }
0x13: {  	[smem:$0x3FAD] =	sst s0;
	s0 =	simm.s32 @!p1 $0x0  }
0x14: {  	s2 =	sld [smem:$0x3F91];
	s0 =	simm.s32 @p1 $0x1  }
0x15: {  	[smem:$0x3FAE] =	sst s0;
	s0 =	simm.s32 @!p2 $0x0  }
0x16: {  	s3 =	sld [smem:$0x3FDB];
	s0 =	simm.s32 @p2 $0x1  }
0x17: {  	s4 =	simm.s32 $0x1BF5;
	[smem:$0x3FB0] =	sst s0  }
0x18: {  	s0 =	sld [smem:$0x3F93];
	_ =	swait.ge [sflag:s4], $0x0  }
0x19: {  	s7 =	sld [smem:$0x3F94]  }
0x1a: {  	s8 =	sadd.s32 $0xFFFFE003, lr  }
0x1b: {  	s9 =	sadd.s32 $0xFFFFFEF7, lr;
	s5 =	simm.s32 $0xFFFFFFFF;
	p2 =	slt.u32 s8, $0xFFFFF086  }
0x1c: {  	p1 =	slt.u32 s9, $0xF7A;
	s5 =	simm.s32 @!p2 $0x0  }
0x1d: {  	s5 =	simm.s32 @p1 $0x1;
	p0 =	seq.s32 s7, s2  }
0x1e: {  	s7 =	smul.u32 @!p0 $0xF7A, s2;
	p2 =	seq.s32 @!p0 s5, $0x0  }
0x1f: {  	s9 =	smul.u32 $0xF7A, s1;
	s8 =	simm.s32 @!p0 $0x1BF5;
	p2 =	por !p2, p0  }
0x20: {  	[sflag:s8] =	ssyncset.s32 @!p0 $0xFFFFF086;
	s6 =	sadd.s32 @!p0 s3, s7;
	s7 =	simm.s32 @!p0 $0x108  }
0x21: {  	s3 =	sadd.s32 s3, s9;
	s6 =	sadd.s32 @!p0 $0x88, s6;
	s7 =	simm.s32 @p2 $0x1082  }
0x22: {  	[simem:s7], [sflag:s8] =	dma.local @!p0 [hbm:s6], $0xF7A  }
0x23: {  	s9 =	sor.u32 $0xD0000000, s2;
	s6 =	simm.s32 $0x108;
	_ =	swait.ge @!p0 [sflag:s8], $0x0  }
0x24: {  	s3 =	sadd.s32 $0x88, s3;
	s6 =	simm.s32 @!p1 $0x1082;
	[sflag:s4] =	ssyncset.s32 $0xFFFFF086  }
0x25: {  	[simem:s6], [sflag:s4] =	dma.local [hbm:s3], $0xF7A  }
0x26: {  	[smem:$0x3F94] =	sst s1;
	(tag) =	ssettag s2;
	_ =	strace s9  }
0x27: {  	s1 =	sld [smem:$0x3FA4]  }
0x28: {  	s2 =	sld [smem:$0x3FA5]  }
0x29: {  	s4 =	sld [smem:$0x3FA7]  }
0x2a: {  	p0 =	seq.s32 s5, $0x0;
	s5 =	sld [smem:$0x3FA8]  }
0x2b: {  	s6 =	sld [smem:$0x3FA9]  }
0x2c: {  	s7 =	sld [smem:$0x3FAA]  }
0x2d: {  	s3 =	simm.s32 $0x108;
	s8 =	sld [smem:$0x3FAB]  }
0x2e: {  	s3 =	simm.s32 @!p0 $0x1082;
	s9 =	sld [smem:$0x3FAC]  }
0x2f: {  	lr =	sadd.s32 s0, s3;
	s0 =	sld [smem:$0x3FA3]  }
0x30: {  	s3 =	sld [smem:$0x3FA6]  }
0x31: {  	[smem:$0x3FAF] =	sst s10  }
0x32: {  	s10 =	sld [smem:$0x3FAD];
	_ =	sdelay $0x3  }
0x33: {  	p0 =	seq.s32 s10, $0x1;
	s10 =	sld [smem:$0x3FAF];
	_ =	sdelay $0x3  }
0x34: {  	[smem:$0x3FAF] =	sst s10  }
0x35: {  	s10 =	sld [smem:$0x3FAE];
	_ =	sdelay $0x3  }
0x36: {  	p1 =	seq.s32 s10, $0x1;
	s10 =	sld [smem:$0x3FAF];
	_ =	sdelay $0x3  }
0x37: {  	[smem:$0x3FAF] =	sst s10  }
0x38: {  	s10 =	sld [smem:$0x3FB0]  }
0x39: {  	_ = 	snop;
	(pc) =	sbr.ind lr, $3  }
0x3a: {  	_ = 	snop  }
0x3b: {  	_ = 	snop  }
0x3c: {  	p2 =	seq.s32 s10, $0x1;
	s10 =	sld [smem:$0x3FAF]  }
0x3d: {  	_ =	shalt  }
0x3e: {  	_ =	shalt  }
0x3f: {  	_ =	shalt  }
0x40: {  	_ =	shalt  }
0x41: {  	_ =	shalt  }
0x42: {  	_ =	shalt  }
0x43: {  	_ =	shalt  }
0x44: {  	_ =	shalt  }
0x45: {  	_ =	shalt  }
0x46: {  	_ =	shalt  }
0x47: {  	_ =	shalt  }
0x48: {  	_ =	shalt  }
0x49: {  	_ =	shalt  }
0x4a: {  	_ =	shalt  }
0x4b: {  	_ =	shalt  }
0x4c: {  	_ =	shalt  }
0x4d: {  	_ =	shalt  }
0x4e: {  	_ =	shalt  }
0x4f: {  	_ =	shalt  }
0x50: {  	_ =	shalt  }
0x51: {  	_ =	shalt  }
0x52: {  	_ =	shalt  }
0x53: {  	_ =	shalt  }
0x54: {  	_ =	shalt  }
0x55: {  	_ =	shalt  }
0x56: {  	_ =	shalt  }
0x57: {  	_ =	shalt  }
0x58: {  	_ =	shalt  }
0x59: {  	_ =	shalt  }
0x5a: {  	_ =	shalt  }
0x5b: {  	_ =	shalt  }
0x5c: {  	_ =	shalt  }
0x5d: {  	_ =	shalt  }
0x5e: {  	_ =	shalt  }
0x5f: {  	_ =	shalt  }
0x60: {  	_ =	shalt  }
0x61: {  	_ =	shalt  }
0x62: {  	_ =	shalt  }
0x63: {  	_ =	shalt  }
0x64: {  	_ =	shalt  }
0x65: {  	_ =	shalt  }
0x66: {  	_ =	shalt  }
0x67: {  	_ =	shalt  }
0x68: {  	_ =	shalt  }
0x69: {  	_ =	shalt  }
0x6a: {  	_ =	shalt  }
0x6b: {  	_ =	shalt  }
0x6c: {  	_ =	shalt  }
0x6d: {  	_ =	shalt  }
0x6e: {  	_ =	shalt  }
0x6f: {  	_ =	shalt  }
0x70: {  	_ =	shalt  }
0x71: {  	_ =	shalt  }
0x72: {  	_ =	shalt  }
0x73: {  	_ =	shalt  }
0x74: {  	_ =	shalt  }
0x75: {  	_ =	shalt  }
0x76: {  	_ =	shalt  }
0x77: {  	_ =	shalt  }
0x78: {  	_ =	shalt  }
0x79: {  	_ =	shalt  }
0x7a: {  	_ =	shalt  }
0x7b: {  	_ =	shalt  }
0x7c: {  	_ =	shalt  }
0x7d: {  	_ =	shalt  }
0x7e: {  	_ =	shalt  }
0x7f: {  	_ =	shalt  }
0x80: {  	_ =	shalt  }
0x81: {  	_ =	shalt  }
0x82: {  	_ =	shalt  }
0x83: {  	_ =	shalt  }
0x84: {  	_ =	shalt  }
0x85: {  	_ =	shalt  }
0x86: {  	_ =	shalt  }
0x87: {  	_ =	shalt  }
.Lfunc_end0:
.L_simem_size_0:
called_computation.1_lowered:
.L_overlay_start_0:
0x88: {  	s2 =	sld [smem:$0x3FD9]  }
0x89: {  	s3 =	sld [smem:$0x3FFE];
	_ =	sdelay $0x1  }
0x8a: {  	s1 =	srdreg.scid  }
0x8b: {  	s0 =	sand.u32 $0x1, s1  }
0x8c: {  	s16 =	sshll.u32 s0, $0xA;
	s2 =	sadd.s32 s3, s2  }
0x8d: {  	s2 =	sadd.s32 s2, s16  }
0x8e: {  	[smem:$0x3FBB] =	sst s2  }
0x8f: {  	_ = 	snop  }
0x90: {  	(tm) =	ssettm $0x1  }
0x91: {  	s17 =	sld [smem:$0x3FFB];
	_ =	sdelay $0x3  }
0x92: {  	_ =	strace s17  }
0x93: {  	s2 =	sld [smem:$0x3FFC];
	_ =	sdelay $0x3  }
0x94: {  	_ =	strace s2  }
0x95: {  	s2 =	sld [smem:$0x3FFD];
	_ =	sdelay $0x3  }
0x96: {  	_ =	strace s2  }
0x97: {  	_ =	strace $0x8FFFFFFF  }
0x98: {  	s18 =	sld [smem:$0x3FDB];
	_ =	sdelay $0x1  }
0x99: {  	s19 =	simm.s32 $_scs_section_size  }
0x9a: {  	s4 =	simm.s32 $_size__tile_overlayer_lowered;
	s5 =	simm.s32 $_tile_overlayer_lowered  }
0x9b: {  	s22 =	simm.s32 $0x1BFF;
	s21 =	sshll.u32 s5, $0x1;
	s2 =	sadd.s32 s19, s18  }
0x9c: {  	s6 =	simm.s32 $0x0;
	s20 =	sshll.u32 s4, $0x1;
	s4 =	sadd.s32 s21, s2  }
0x9d: {  	[timem:s6], [sflag:s22] =	dma.local [hbm:s4], s20  }
0x9e: {  	_ =	swait.ge [sflag:s22], s20  }
0x9f: {  	s3 =	ssub.s32 $0x0, s20;
	[sflag:s22] =	ssyncset.done $0x0  }
0xa0: {  	[sflag:s22] =	ssyncadd.s32 s3;
	_ =	sdelay $0x1  }
0xa1: {  	s23 =	simm.s32 $0x1B8B  }
0xa2: {  	_ =	swait.ge [sflag:s23], $0x1  }
0xa3: {  	[sflag:s23] =	ssyncset.done $0x0  }
0xa4: {  	s25 =	simm.s32 $0x1B8E;
	s24 =	sld [smem:$0x3FFE];
	[sflag:s23] =	ssyncadd.s32 $0xFFFFFFFF  }
0xa5: {  	s26 =	simm.s32 $execute0_lowered;
	[smem:$0x3FD2] =	sst s25  }
0xa6: {  	s4 =	sshll.u32 s26, $0x1;
	_ =	strace $0x80000049;
	[dreg:$0x1] =	wrdreg $0xFFFFFFFF  }
0xa7: {  	s28 =	simm.s32 $_size_execute0_lowered;
	s2 =	sadd.s32 s2, s4;
	[dreg:$0x0] =	wrdreg $0x0  }
0xa8: {  	s4 =	sshll.u32 s28, $0x1;
	[dreg:$0x2] =	wrdreg s2  }
0xa9: {  	[dreg:$0x3] =	wrdreg s4  }
0xaa: {  	[dreg:$0x4] =	wrdreg $0xC0  }
0xab: {  	_ =	task [dreg:s6], $0x5FFFF  }
0xac: {  	[dreg:$0x1] =	wrdreg $0xFFFFFFFF  }
0xad: {  	[dreg:$0x0] =	wrdreg $0x60  }
0xae: {  	[dreg:$0x2] =	wrdreg s24  }
0xaf: {  	[dreg:$0x3] =	wrdreg $0x120000  }
0xb0: {  	[dreg:$0x4] =	wrdreg $0x9  }
0xb1: {  	_ =	task.clear_ibuf [dreg:s6], $0x5FFFF;
	_ =	strace $0x90000049  }
0xb2: {  	s29 =	simm.s32 $0x9;
	_ =	strace $0x8000004B  }
0xb3: {  	_ =	swait.ge [sflag:s29], $0x1  }
0xb4: {  	[sflag:s29] =	ssyncadd.s32 $0xFFFFFFFF  }
0xb5: {  	_ =	strace $0x9000004B  }
0xb6: {  	_ =	sfence  }
0xb7: {  	s30 =	sld [smem:$0x0];
	_ =	sdelay $0x2  }
0xb8: {  	s31 =	sshll.u32 s1, $0xD;
	s1 =	sshrl.u32 s1, $0x2  }
0xb9: {  	s3 =	sand.u32 $0x4000, s31;
	s1 =	sadd.s32 s1, s30  }
0xba: {  	s0 =	sor.u32 s3, s0;
	s1 =	sshll.u32 s1, $0x11  }
0xbb: {  	s0 =	sor.u32 s1, s0  }
0xbc: {  	s0 =	sadd.s32 $0x8F2B, s0  }
0xbd: {  	[sflag:s0] =	ssyncadd.remote.s32 $0x1  }
0xbe: {  	_ =	sfence.sel $0xFFFF  }
0xbf: {  	[dreg:$0x0] =	wrdreg $0xFFFFFFFF;
	(pc) =	sbr.abs _section_cstart, $3  }
0xc0: {  	[dreg:$0x1] =	wrdreg $0xFFFFFFFF  }
0xc1: {  	_ =	task.clear_ibuf [dreg:s6], $0x2FFFF;
	_ =	strace $0x9FFFFFFF  }
0xc2: {  	(tm) =	ssettm $0x7FFFFFFF  }
0xc3: {  	_ =	shalt  }
tec
execute0_lowered:
.L_overlay_start_1:
0x0: {  	(tag) =	ssettag $0x1  }
0x1: {  	s7 =	rddreg [dreg:$0x0]  }
0x2: {  	s2 =	rddreg [dreg:$0x1];
	s3 =	simm.s32 $0x0;
	s0 =	stileid.u32  }
0x3: {  	s6 =	srdreg.scid;
	s17 =	simm.s32 $0x80;
	s18 =	simm.s32 $0xA000  }
0x4: {  	s19 =	simm.s32 $0xC000;
	s20 =	simm.s32 $0x100;
	s21 =	simm.s32 $0xE000  }
0x5: {  	s22 =	simm.s32 $0x180;
	s23 =	simm.s32 $0x10000;
	s24 =	simm.s32 $0x1  }
0x6: {  	s25 =	simm.s32 $0x3;
	s26 =	simm.s32 $0x4;
	s8 =	smul.u32 $0xA00, s0  }
0x7: {  	s28 =	simm.s32 $0x0;
	[smem:$0x7FF] =	sst s3;
	s9 =	smul.u32 $0xA000, s0  }
0x8: {  	s4 =	sadd.s32 $0xA5200, s7;
	s5 =	sadd.s32 $0x91200, s7;
	s6 =	sand.u32 $0x1, s6  }
0x9: {  	s13 =	sadd.s32 $0xE1200, s7;
	s15 =	sadd.s32 $0xCD200, s7;
	s31 =	sshll.u32 s0, $0x6  }
0xa: {  	_ =	strace $0x8000004A;
	s10 =	ssub.s32 $0x2, s6;
	p0 =	seq.s32 s6, $0x0  }
0xb: {  	s8 =	sadd.s32 s8, s7;
	s12 =	sshrl.u32 s9, $0x3;
	s14 =	sshrl.u32 s10, $0x1  }
.Ltmp0:
0xc: {  	s16 =	sadd.s32 s9, s2;
	s15 =	smov.u32 @p0 s13;
	(pc) =	sbr.rel .LBB2_1-.Ltmp0, $4  }
0xd: {  	s13 =	simm.s32 $0x5;
	s11 =	sadd.s32 s12, s7;
	s10 =	ssub.s32 s10, s14  }
0xe: {  	s7 =	sadd.s32 $0xF200, s8;
	s8 =	sadd.s32 $0x4200, s8;
	s12 =	sadd.s32 s15, s12  }
0xf: {  	s15 =	sor.u32 $0x1C05, s31;
	s9 =	sadd.s32 $0xB9200, s11;
	s11 =	smov.u32 s5  }
0x10: {  	s16 =	sshrl.u32 s16, $0x3;
	s10 =	smax.u32 s10, $0x1;
	s11 =	smov.u32 @p0 s4  }
.LBB2_4:
0x11: {  	_ =	swait.ge [sflag:s26], $0x2000  }
0x12: {  	[sflag:s26] =	ssyncset.done $0x0  }
0x13: {  	[sflag:s26] =	ssyncadd.s32 $0xFFFFE000  }
0x14: {  	[spmem:s2] =	stream.indirect.scatter.add.f32 [tilespmem:s23], [sflag:$0x5], $0x40, s31, s17, $0xb8;
	[tilespmem:$0x1C000] =	vst v63  }
0x15: {  	_ =	swait.ge [sflag:s13], $0x2000  }
0x16: {  	s28 =	sadd.s32 $0x1, s28;
	[sflag:s13] =	ssyncset.done $0x0  }
0x17: {  	p0 =	sne.s32 s28, s10;
	[sflag:s13] =	ssyncadd.s32 $0xFFFFE000  }
.Ltmp1:
0x18: {  	[bflag:$0x0] =	sbarrier.arrive $0xFFFF;
	(pc) =	sbr.rel @!p0 .LBB2_5-.Ltmp1, $4  }
0x19: {  	[hbm:s12], [sflag:s15] =	dma.local [spmem:s16], $0x1400  }
0x1a: {  	_ =	swait.ge [sflag:s13], $0x1400  }
0x1b: {  	[sflag:s13] =	ssyncset.done $0x0  }
0x1c: {  	[sflag:s13] =	ssyncadd.s32 $0xFFFFEC00  }
.LBB2_1:
0x1d: {  	[tilespmem:s3], [sflag:$0x5] =	stream.linear.gather [hbm4b:s7+s3], $0x5000, $0x38;
	[tilespmem:$0x1C000] =	vst v63  }
0x1e: {  	_ =	swait.ge [sflag:s13], $0x5000  }
0x1f: {  	[sflag:s13] =	ssyncset.done $0x0  }
0x20: {  	s0 =	simm.s32 $0x5000;
	[sflag:s13] =	ssyncadd.s32 $0xFFFFB000  }
0x21: {  	[tilespmem:s0], [sflag:$0x5] =	stream.linear.gather [hbm4b:s8+s3], $0x5000, $0x38;
	[tilespmem:$0x1C000] =	vst v63  }
0x22: {  	_ =	swait.ge [sflag:s13], $0x5000  }
0x23: {  	[sflag:s13] =	ssyncset.done $0x0  }
0x24: {  	[sflag:s13] =	ssyncadd.s32 $0xFFFFB000  }
0x25: {  	[spmem:s16], [sflag:s15] =	dma.local [hbm:s9], $0x1400  }
0x26: {  	_ =	swait.ge [sflag:s13], $0x1400  }
0x27: {  	[sflag:s13] =	ssyncset.done $0x0  }
0x28: {  	[sflag:s13] =	ssyncadd.s32 $0xFFFFEC00  }
0x29: {  	[tilespmem:s18], [sflag:$0x1] =	stream.indirect.gather [hbm4b:s11+s17], $0x40, s3, s17, $0xb8;
	[tilespmem:$0x1C000] =	vst v63  }
0x2a: {  	_ = 	snop  }
0x2b: {  	[tilespmem:s19], [sflag:$0x2] =	stream.indirect.gather [hbm4b:s11+s17], $0x40, s17, s17, $0xb8;
	[tilespmem:$0x1C000] =	vst v63  }
0x2c: {  	_ = 	snop  }
0x2d: {  	[tilespmem:s21], [sflag:$0x3] =	stream.indirect.gather [hbm4b:s11+s17], $0x40, s20, s17, $0xb8;
	[tilespmem:$0x1C000] =	vst v63  }
0x2e: {  	_ = 	snop  }
0x2f: {  	[tilespmem:s23], [sflag:$0x4] =	stream.indirect.gather [hbm4b:s11+s17], $0x40, s22, s17, $0xb8;
	[tilespmem:$0x1C000] =	vst v63  }
0x30: {  	s29 =	simm.s32 $0x0;
	[bflag:$0x0] =	sbarrier.arrive $0xFFFF  }
.LBB2_2:
0x31: {  	_ =	swait.ge [sflag:s24], $0x2000  }
0x32: {  	s30 =	sshra.s32 s29, $0x2;
	[sflag:s24] =	ssyncset.done $0x0  }
0x33: {  	s31 =	sadd.s32 $0x5000, s30;
	[sflag:s24] =	ssyncadd.s32 $0xFFFFE000  }
0x34: {  	[spmem:s2] =	stream.indirect.scatter.add.f32 [tilespmem:s18], [sflag:$0x5], $0x40, s31, s17, $0xb8;
	[tilespmem:$0x1C000] =	vst v63  }
0x35: {  	_ =	swait.ge [sflag:s13], $0x2000  }
0x36: {  	p0 =	seq.s32 s29, $0x13800;
	[sflag:s13] =	ssyncset.done $0x0  }
0x37: {  	s31 =	simm.s32 @p0 $0x2;
	[sflag:s13] =	ssyncadd.s32 $0xFFFFE000  }
0x38: {  	_ =	swait.ge @p0 [sflag:s31], $0x2000  }
0x39: {  	[sflag:s31] =	ssyncset.done @p0 $0x0  }
0x3a: {  	[sflag:s31] =	ssyncadd.s32 @p0 $0xFFFFE000;
	s31 =	sshra.s32 @p0 s29, $0x2  }
0x3b: {  	s0 =	simm.s32 @p0 $0x80;
	s1 =	simm.s32 @p0 $0xC000;
	s31 =	sadd.s32 @p0 $0x5080, s31  }
0x3c: {  	[spmem:s2] =	stream.indirect.scatter.add.f32 @p0 [tilespmem:s1], [sflag:$0x5], $0x40, s31, s0, $0xb8;
	[tilespmem:$0x1C000] =	vst v63  }
0x3d: {  	s0 =	simm.s32 @p0 $0x5  }
0x3e: {  	_ =	swait.ge @p0 [sflag:s0], $0x2000  }
0x3f: {  	[sflag:s0] =	ssyncset.done @p0 $0x0  }
0x40: {  	[sflag:s0] =	ssyncadd.s32 @p0 $0xFFFFE000;
	s0 =	sshra.s32 @!p0 s29, $0x2  }
0x41: {  	s14 =	simm.s32 @!p0 $0xA000;
	s31 =	simm.s32 @!p0 $0x80;
	s1 =	sadd.s32 @!p0 $0x200, s0  }
0x42: {  	[tilespmem:s14], [sflag:$0x1] =	stream.indirect.gather @!p0 [hbm4b:s11+s31], $0x40, s1, s31, $0xb8;
	[tilespmem:$0x1C000] =	vst v63  }
0x43: {  	s1 =	simm.s32 @!p0 $0x2  }
0x44: {  	_ =	swait.ge @!p0 [sflag:s1], $0x2000  }
0x45: {  	[sflag:s1] =	ssyncset.done @!p0 $0x0  }
0x46: {  	s14 =	simm.s32 @!p0 $0xC000;
	[sflag:s1] =	ssyncadd.s32 @!p0 $0xFFFFE000;
	s1 =	sadd.s32 @!p0 $0x5080, s0  }
0x47: {  	[spmem:s2] =	stream.indirect.scatter.add.f32 @!p0 [tilespmem:s14], [sflag:$0x5], $0x40, s1, s31, $0xb8;
	[tilespmem:$0x1C000] =	vst v63  }
0x48: {  	p1 =	sne.s32 @!p0 s6, $0x0;
	s1 =	simm.s32 @!p0 $0x5  }
0x49: {  	p2 =	por !p1, p0;
	_ =	swait.ge @!p0 [sflag:s1], $0x2000  }
0x4a: {  	p1 =	por p1, p0;
	s0 =	sadd.s32 @!p0 $0x280, s0;
	[sflag:s1] =	ssyncset.done @!p0 $0x0  }
0x4b: {  	s14 =	simm.s32 @!p2 $0xC000;
	[sflag:s1] =	ssyncadd.s32 @!p0 $0xFFFFE000;
	s1 =	simm.s32 @!p2 $0x80  }
0x4c: {  	[tilespmem:s14], [sflag:$0x2] =	stream.indirect.gather @!p2 [hbm4b:s5+s1], $0x40, s0, s1, $0xb8;
	[tilespmem:$0x1C000] =	vst v63  }
0x4d: {  	s1 =	simm.s32 @!p1 $0x80;
	s14 =	simm.s32 @!p1 $0xC000  }
0x4e: {  	[tilespmem:s14], [sflag:$0x2] =	stream.indirect.gather @!p1 [hbm4b:s4+s1], $0x40, s0, s1, $0xb8;
	[tilespmem:$0x1C000] =	vst v63  }
0x4f: {  	_ =	swait.ge [sflag:s25], $0x2000  }
0x50: {  	[sflag:s25] =	ssyncset.done $0x0  }
.Ltmp2:
0x51: {  	s14 =	sadd.s32 $0x5100, s30;
	[sflag:s25] =	ssyncadd.s32 $0xFFFFE000;
	(pc) =	sbr.rel @p0 .LBB2_4-.Ltmp2, $4  }
0x52: {  	[spmem:s2] =	stream.indirect.scatter.add.f32 [tilespmem:s21], [sflag:$0x5], $0x40, s14, s17, $0xb8;
	[tilespmem:$0x1C000] =	vst v63  }
0x53: {  	_ =	swait.ge [sflag:s13], $0x2000  }
0x54: {  	[sflag:s13] =	ssyncset.done $0x0  }
0x55: {  	s31 =	sadd.s32 $0x5180, s30;
	[sflag:s13] =	ssyncadd.s32 $0xFFFFE000  }
0x56: {  	s0 =	sadd.s32 $0x300, s30  }
0x57: {  	[tilespmem:s21], [sflag:$0x3] =	stream.indirect.gather [hbm4b:s11+s17], $0x40, s0, s17, $0xb8;
	[tilespmem:$0x1C000] =	vst v63  }
0x58: {  	_ =	swait.ge [sflag:s26], $0x2000  }
0x59: {  	[sflag:s26] =	ssyncset.done $0x0  }
0x5a: {  	[sflag:s26] =	ssyncadd.s32 $0xFFFFE000  }
0x5b: {  	[spmem:s2] =	stream.indirect.scatter.add.f32 [tilespmem:s23], [sflag:$0x5], $0x40, s31, s17, $0xb8;
	[tilespmem:$0x1C000] =	vst v63  }
.Ltmp3:
0x5c: {  	_ = 	snop;
	(pc) =	sbr.rel .LBB2_2-.Ltmp3, $4  }
0x5d: {  	_ =	swait.ge [sflag:s13], $0x2000  }
0x5e: {  	[sflag:s13] =	ssyncset.done $0x0  }
0x5f: {  	s29 =	sadd.s32 $0x800, s29;
	s31 =	sadd.s32 $0x380, s30;
	[sflag:s13] =	ssyncadd.s32 $0xFFFFE000  }
0x60: {  	[tilespmem:s23], [sflag:$0x4] =	stream.indirect.gather [hbm4b:s11+s17], $0x40, s31, s17, $0xb8;
	[tilespmem:$0x1C000] =	vst v63  }
.LBB2_5:
0x61: {  	_ =	sfence.sel $0x180000  }
0x62: {  	[bflag:$0x0] =	sbarrier.arrive $0xFFFF  }
0x63: {  	_ =	strace $0x9000004A  }
0x64: {  	s0 =	stileid.u32;
	[bflag:$0x2] =	sbarrier.arrive $0xFFFF  }
0x65: {  	p0 =	sne.s32 s0, $0x0;
	s0 =	rddreg [dreg:$0x2]  }
0x66: {  	s0 =	sadd.s32 @!p0 $0x100000, s0  }
0x67: {  	[sflag:s0] =	ssyncadd.tile.s32 @!p0 $0x1;
	_ =	shalt  }
.Lfunc_end2:
_tile_overlayer_lowered:
.L_overlay_start_2:
0x68: {  	(tag) =	ssettag $0x2  }
0x69: {  	s0 =	rddreg [dreg:$0x0];
	s2 =	stileid.u32  }
0x6a: {  	s1 =	rddreg [dreg:$0x1];
	p0 =	sne.s32 s2, $0x0  }
0x6b: {  	s3 =	rddreg [dreg:$0x2];
	[bflag:$0x3] =	sbarrier.arrive $0xFFFF;
	s2 =	simm.s32 @!p0 $0x1C05  }
0x6c: {  	[timem:s3], [sflag:s2] =	dma.local @!p0 [hbm:s0], s1  }
0x6d: {  	s0 =	simm.s32 @!p0 $0x5  }
0x6e: {  	_ =	swait.ge @!p0 [sflag:s0], s1  }
0x6f: {  	s1 =	ssub.s32 @!p0 $0x0, s1;
	[sflag:s0] =	ssyncset.done @!p0 $0x0  }
0x70: {  	[sflag:s0] =	ssyncadd.s32 @!p0 s1  }
0x71: {  	[bflag:$0x3] =	sbarrier.arrive $0xFFFF  }
0x72: {  	_ =	shalt  }

// kernel: kernel.16.cloned.1.call-start
scs
__scs_entry_jumppad:
0x0: {  	(pc) =	sbr.rel $0x88, $3  }
0x1: {  	(tag) =	ssettag $0x0;
	lr =	simm.s32 $0x1  }
0x2: {  	[smem:$0x3F94] =	sst lr;
	_ =	strace $0xD0000000  }
0x3: {  	_ = 	snop  }
0x4: {  	_ = 	snop  }
0x5: {  	_ = 	snop  }
0x6: {  	_ = 	snop  }
0x7: {  	_ = 	snop  }
__scs_overlays_trampoline_lowered:
0x8: {  	[smem:$0x3FA3] =	sst s0  }
0x9: {  	[smem:$0x3FA4] =	sst s1  }
0xa: {  	[smem:$0x3FA5] =	sst s2  }
0xb: {  	[smem:$0x3FA6] =	sst s3  }
0xc: {  	[smem:$0x3FA7] =	sst s4  }
0xd: {  	[smem:$0x3FA8] =	sst s5  }
0xe: {  	[smem:$0x3FA9] =	sst s6  }
0xf: {  	[smem:$0x3FAA] =	sst s7  }
0x10: {  	[smem:$0x3FAB] =	sst s8  }
0x11: {  	[smem:$0x3FAC] =	sst s9;
	s0 =	simm.s32 @!p0 $0x0  }
0x12: {  	s1 =	sld [smem:$0x3F92];
	s0 =	simm.s32 @p0 $0x1  }
0x13: {  	[smem:$0x3FAD] =	sst s0;
	s0 =	simm.s32 @!p1 $0x0  }
0x14: {  	s2 =	sld [smem:$0x3F91];
	s0 =	simm.s32 @p1 $0x1  }
0x15: {  	[smem:$0x3FAE] =	sst s0;
	s0 =	simm.s32 @!p2 $0x0  }
0x16: {  	s3 =	sld [smem:$0x3FDB];
	s0 =	simm.s32 @p2 $0x1  }
0x17: {  	s4 =	simm.s32 $0x1BF5;
	[smem:$0x3FB0] =	sst s0  }
0x18: {  	s0 =	sld [smem:$0x3F93];
	_ =	swait.ge [sflag:s4], $0x0  }
0x19: {  	s7 =	sld [smem:$0x3F94]  }
0x1a: {  	s8 =	sadd.s32 $0xFFFFE003, lr  }
0x1b: {  	s9 =	sadd.s32 $0xFFFFFEF7, lr;
	s5 =	simm.s32 $0xFFFFFFFF;
	p2 =	slt.u32 s8, $0xFFFFF086  }
0x1c: {  	p1 =	slt.u32 s9, $0xF7A;
	s5 =	simm.s32 @!p2 $0x0  }
0x1d: {  	s5 =	simm.s32 @p1 $0x1;
	p0 =	seq.s32 s7, s2  }
0x1e: {  	s7 =	smul.u32 @!p0 $0xF7A, s2;
	p2 =	seq.s32 @!p0 s5, $0x0  }
0x1f: {  	s9 =	smul.u32 $0xF7A, s1;
	s8 =	simm.s32 @!p0 $0x1BF5;
	p2 =	por !p2, p0  }
0x20: {  	[sflag:s8] =	ssyncset.s32 @!p0 $0xFFFFF086;
	s6 =	sadd.s32 @!p0 s3, s7;
	s7 =	simm.s32 @!p0 $0x108  }
0x21: {  	s3 =	sadd.s32 s3, s9;
	s6 =	sadd.s32 @!p0 $0x88, s6;
	s7 =	simm.s32 @p2 $0x1082  }
0x22: {  	[simem:s7], [sflag:s8] =	dma.local @!p0 [hbm:s6], $0xF7A  }
0x23: {  	s9 =	sor.u32 $0xD0000000, s2;
	s6 =	simm.s32 $0x108;
	_ =	swait.ge @!p0 [sflag:s8], $0x0  }
0x24: {  	s3 =	sadd.s32 $0x88, s3;
	s6 =	simm.s32 @!p1 $0x1082;
	[sflag:s4] =	ssyncset.s32 $0xFFFFF086  }
0x25: {  	[simem:s6], [sflag:s4] =	dma.local [hbm:s3], $0xF7A  }
0x26: {  	[smem:$0x3F94] =	sst s1;
	(tag) =	ssettag s2;
	_ =	strace s9  }
0x27: {  	s1 =	sld [smem:$0x3FA4]  }
0x28: {  	s2 =	sld [smem:$0x3FA5]  }
0x29: {  	s4 =	sld [smem:$0x3FA7]  }
0x2a: {  	p0 =	seq.s32 s5, $0x0;
	s5 =	sld [smem:$0x3FA8]  }
0x2b: {  	s6 =	sld [smem:$0x3FA9]  }
0x2c: {  	s7 =	sld [smem:$0x3FAA]  }
0x2d: {  	s3 =	simm.s32 $0x108;
	s8 =	sld [smem:$0x3FAB]  }
0x2e: {  	s3 =	simm.s32 @!p0 $0x1082;
	s9 =	sld [smem:$0x3FAC]  }
0x2f: {  	lr =	sadd.s32 s0, s3;
	s0 =	sld [smem:$0x3FA3]  }
0x30: {  	s3 =	sld [smem:$0x3FA6]  }
0x31: {  	[smem:$0x3FAF] =	sst s10  }
0x32: {  	s10 =	sld [smem:$0x3FAD];
	_ =	sdelay $0x3  }
0x33: {  	p0 =	seq.s32 s10, $0x1;
	s10 =	sld [smem:$0x3FAF];
	_ =	sdelay $0x3  }
0x34: {  	[smem:$0x3FAF] =	sst s10  }
0x35: {  	s10 =	sld [smem:$0x3FAE];
	_ =	sdelay $0x3  }
0x36: {  	p1 =	seq.s32 s10, $0x1;
	s10 =	sld [smem:$0x3FAF];
	_ =	sdelay $0x3  }
0x37: {  	[smem:$0x3FAF] =	sst s10  }
0x38: {  	s10 =	sld [smem:$0x3FB0]  }
0x39: {  	_ = 	snop;
	(pc) =	sbr.ind lr, $3  }
0x3a: {  	_ = 	snop  }
0x3b: {  	_ = 	snop  }
0x3c: {  	p2 =	seq.s32 s10, $0x1;
	s10 =	sld [smem:$0x3FAF]  }
0x3d: {  	_ =	shalt  }
0x3e: {  	_ =	shalt  }
0x3f: {  	_ =	shalt  }
0x40: {  	_ =	shalt  }
0x41: {  	_ =	shalt  }
0x42: {  	_ =	shalt  }
0x43: {  	_ =	shalt  }
0x44: {  	_ =	shalt  }
0x45: {  	_ =	shalt  }
0x46: {  	_ =	shalt  }
0x47: {  	_ =	shalt  }
0x48: {  	_ =	shalt  }
0x49: {  	_ =	shalt  }
0x4a: {  	_ =	shalt  }
0x4b: {  	_ =	shalt  }
0x4c: {  	_ =	shalt  }
0x4d: {  	_ =	shalt  }
0x4e: {  	_ =	shalt  }
0x4f: {  	_ =	shalt  }
0x50: {  	_ =	shalt  }
0x51: {  	_ =	shalt  }
0x52: {  	_ =	shalt  }
0x53: {  	_ =	shalt  }
0x54: {  	_ =	shalt  }
0x55: {  	_ =	shalt  }
0x56: {  	_ =	shalt  }
0x57: {  	_ =	shalt  }
0x58: {  	_ =	shalt  }
0x59: {  	_ =	shalt  }
0x5a: {  	_ =	shalt  }
0x5b: {  	_ =	shalt  }
0x5c: {  	_ =	shalt  }
0x5d: {  	_ =	shalt  }
0x5e: {  	_ =	shalt  }
0x5f: {  	_ =	shalt  }
0x60: {  	_ =	shalt  }
0x61: {  	_ =	shalt  }
0x62: {  	_ =	shalt  }
0x63: {  	_ =	shalt  }
0x64: {  	_ =	shalt  }
0x65: {  	_ =	shalt  }
0x66: {  	_ =	shalt  }
0x67: {  	_ =	shalt  }
0x68: {  	_ =	shalt  }
0x69: {  	_ =	shalt  }
0x6a: {  	_ =	shalt  }
0x6b: {  	_ =	shalt  }
0x6c: {  	_ =	shalt  }
0x6d: {  	_ =	shalt  }
0x6e: {  	_ =	shalt  }
0x6f: {  	_ =	shalt  }
0x70: {  	_ =	shalt  }
0x71: {  	_ =	shalt  }
0x72: {  	_ =	shalt  }
0x73: {  	_ =	shalt  }
0x74: {  	_ =	shalt  }
0x75: {  	_ =	shalt  }
0x76: {  	_ =	shalt  }
0x77: {  	_ =	shalt  }
0x78: {  	_ =	shalt  }
0x79: {  	_ =	shalt  }
0x7a: {  	_ =	shalt  }
0x7b: {  	_ =	shalt  }
0x7c: {  	_ =	shalt  }
0x7d: {  	_ =	shalt  }
0x7e: {  	_ =	shalt  }
0x7f: {  	_ =	shalt  }
0x80: {  	_ =	shalt  }
0x81: {  	_ =	shalt  }
0x82: {  	_ =	shalt  }
0x83: {  	_ =	shalt  }
0x84: {  	_ =	shalt  }
0x85: {  	_ =	shalt  }
0x86: {  	_ =	shalt  }
0x87: {  	_ =	shalt  }
.Lfunc_end0:
.L_simem_size_0:
called_computation.2_lowered:
.L_overlay_start_0:
0x88: {  	s2 =	sld [smem:$0x3FD9]  }
0x89: {  	s3 =	sld [smem:$0x3FFE];
	_ =	sdelay $0x1  }
0x8a: {  	s1 =	srdreg.scid  }
0x8b: {  	s0 =	sand.u32 $0x1, s1  }
0x8c: {  	s16 =	sshll.u32 s0, $0xA;
	s2 =	sadd.s32 s3, s2  }
0x8d: {  	s2 =	sadd.s32 s2, s16  }
0x8e: {  	[smem:$0x3FBB] =	sst s2  }
0x8f: {  	_ = 	snop  }
0x90: {  	(tm) =	ssettm $0x1  }
0x91: {  	s17 =	sld [smem:$0x3FFB];
	_ =	sdelay $0x3  }
0x92: {  	_ =	strace s17  }
0x93: {  	s2 =	sld [smem:$0x3FFC];
	_ =	sdelay $0x3  }
0x94: {  	_ =	strace s2  }
0x95: {  	s2 =	sld [smem:$0x3FFD];
	_ =	sdelay $0x3  }
0x96: {  	_ =	strace s2  }
0x97: {  	_ =	strace $0x8FFFFFFF  }
0x98: {  	s18 =	sld [smem:$0x3FDB];
	_ =	sdelay $0x1  }
0x99: {  	s19 =	simm.s32 $_scs_section_size  }
0x9a: {  	s4 =	simm.s32 $_size__tile_overlayer_lowered;
	s5 =	simm.s32 $_tile_overlayer_lowered  }
0x9b: {  	s22 =	simm.s32 $0x1BFF;
	s21 =	sshll.u32 s5, $0x1;
	s2 =	sadd.s32 s19, s18  }
0x9c: {  	s6 =	simm.s32 $0x0;
	s20 =	sshll.u32 s4, $0x1;
	s4 =	sadd.s32 s21, s2  }
0x9d: {  	[timem:s6], [sflag:s22] =	dma.local [hbm:s4], s20  }
0x9e: {  	_ =	swait.ge [sflag:s22], s20  }
0x9f: {  	s3 =	ssub.s32 $0x0, s20;
	[sflag:s22] =	ssyncset.done $0x0  }
0xa0: {  	[sflag:s22] =	ssyncadd.s32 s3;
	_ =	sdelay $0x1  }
0xa1: {  	s23 =	simm.s32 $0x1B8B  }
0xa2: {  	_ =	swait.ge [sflag:s23], $0x1  }
0xa3: {  	[sflag:s23] =	ssyncset.done $0x0  }
0xa4: {  	s25 =	simm.s32 $0x1B8E;
	s24 =	sld [smem:$0x3FFE];
	[sflag:s23] =	ssyncadd.s32 $0xFFFFFFFF  }
0xa5: {  	s26 =	simm.s32 $execute0_lowered;
	[smem:$0x3FD2] =	sst s25  }
0xa6: {  	s4 =	sshll.u32 s26, $0x1;
	_ =	strace $0x8000004C;
	[dreg:$0x1] =	wrdreg $0xFFFFFFFF  }
0xa7: {  	s28 =	simm.s32 $_size_execute0_lowered;
	s2 =	sadd.s32 s2, s4;
	[dreg:$0x0] =	wrdreg $0x0  }
0xa8: {  	s4 =	sshll.u32 s28, $0x1;
	[dreg:$0x2] =	wrdreg s2  }
0xa9: {  	[dreg:$0x3] =	wrdreg s4  }
0xaa: {  	[dreg:$0x4] =	wrdreg $0xC0  }
0xab: {  	_ =	task [dreg:s6], $0x5FFFF  }
0xac: {  	[dreg:$0x1] =	wrdreg $0xFFFFFFFF  }
0xad: {  	[dreg:$0x0] =	wrdreg $0x60  }
0xae: {  	[dreg:$0x2] =	wrdreg s24  }
0xaf: {  	[dreg:$0x3] =	wrdreg $0x120000  }
0xb0: {  	[dreg:$0x4] =	wrdreg $0x9  }
0xb1: {  	_ =	task.clear_ibuf [dreg:s6], $0x5FFFF;
	_ =	strace $0x9000004C  }
0xb2: {  	s29 =	simm.s32 $0x9;
	_ =	strace $0x8000004E  }
0xb3: {  	_ =	swait.ge [sflag:s29], $0x1  }
0xb4: {  	[sflag:s29] =	ssyncadd.s32 $0xFFFFFFFF  }
0xb5: {  	_ =	strace $0x9000004E  }
0xb6: {  	_ =	sfence  }
0xb7: {  	s30 =	sld [smem:$0x0];
	_ =	sdelay $0x2  }
0xb8: {  	s31 =	sshll.u32 s1, $0xD;
	s1 =	sshrl.u32 s1, $0x2  }
0xb9: {  	s3 =	sand.u32 $0x4000, s31;
	s1 =	sadd.s32 s1, s30  }
0xba: {  	s0 =	sor.u32 s3, s0;
	s1 =	sshll.u32 s1, $0x11  }
0xbb: {  	s0 =	sor.u32 s1, s0  }
0xbc: {  	s0 =	sadd.s32 $0x8F2B, s0  }
0xbd: {  	[sflag:s0] =	ssyncadd.remote.s32 $0x1  }
0xbe: {  	_ =	sfence.sel $0xFFFF  }
0xbf: {  	[dreg:$0x0] =	wrdreg $0xFFFFFFFF;
	(pc) =	sbr.abs _section_cstart, $3  }
0xc0: {  	[dreg:$0x1] =	wrdreg $0xFFFFFFFF  }
0xc1: {  	_ =	task.clear_ibuf [dreg:s6], $0x2FFFF;
	_ =	strace $0x9FFFFFFF  }
0xc2: {  	(tm) =	ssettm $0x7FFFFFFF  }
0xc3: {  	_ =	shalt  }
tec
execute0_lowered:
.L_overlay_start_1:
0x0: {  	(tag) =	ssettag $0x1  }
0x1: {  	s7 =	rddreg [dreg:$0x0]  }
0x2: {  	s2 =	rddreg [dreg:$0x1];
	s3 =	simm.s32 $0x0;
	s0 =	stileid.u32  }
0x3: {  	s6 =	srdreg.scid;
	s17 =	simm.s32 $0x80;
	s18 =	simm.s32 $0xA000  }
0x4: {  	s19 =	simm.s32 $0xC000;
	s20 =	simm.s32 $0x100;
	s21 =	simm.s32 $0xE000  }
0x5: {  	s22 =	simm.s32 $0x180;
	s23 =	simm.s32 $0x10000;
	s24 =	simm.s32 $0x1  }
0x6: {  	s25 =	simm.s32 $0x3;
	s26 =	simm.s32 $0x4;
	s8 =	smul.u32 $0xA00, s0  }
0x7: {  	s28 =	simm.s32 $0x0;
	[smem:$0x7FF] =	sst s3;
	s9 =	smul.u32 $0xA000, s0  }
0x8: {  	s4 =	sadd.s32 $0xA5200, s7;
	s5 =	sadd.s32 $0x91200, s7;
	s6 =	sand.u32 $0x1, s6  }
0x9: {  	s13 =	sadd.s32 $0xE1200, s7;
	s15 =	sadd.s32 $0xCD200, s7;
	s31 =	sshll.u32 s0, $0x6  }
0xa: {  	_ =	strace $0x8000004D;
	s10 =	ssub.s32 $0x2, s6;
	p0 =	seq.s32 s6, $0x0  }
0xb: {  	s8 =	sadd.s32 s8, s7;
	s12 =	sshrl.u32 s9, $0x3;
	s14 =	sshrl.u32 s10, $0x1  }
.Ltmp0:
0xc: {  	s16 =	sadd.s32 s9, s2;
	s15 =	smov.u32 @p0 s13;
	(pc) =	sbr.rel .LBB2_1-.Ltmp0, $4  }
0xd: {  	s13 =	simm.s32 $0x5;
	s11 =	sadd.s32 s12, s7;
	s10 =	ssub.s32 s10, s14  }
0xe: {  	s7 =	sadd.s32 $0xF200, s8;
	s8 =	sadd.s32 $0x4200, s8;
	s12 =	sadd.s32 s15, s12  }
0xf: {  	s15 =	sor.u32 $0x1C05, s31;
	s9 =	sadd.s32 $0xB9200, s11;
	s11 =	smov.u32 s5  }
0x10: {  	s16 =	sshrl.u32 s16, $0x3;
	s10 =	smax.u32 s10, $0x1;
	s11 =	smov.u32 @p0 s4  }
.LBB2_4:
0x11: {  	_ =	swait.ge [sflag:s26], $0x2000  }
0x12: {  	[sflag:s26] =	ssyncset.done $0x0  }
0x13: {  	[sflag:s26] =	ssyncadd.s32 $0xFFFFE000  }
0x14: {  	[spmem:s2] =	stream.indirect.scatter.add.f32 [tilespmem:s23], [sflag:$0x5], $0x40, s31, s17, $0xb8;
	[tilespmem:$0x1C000] =	vst v63  }
0x15: {  	_ =	swait.ge [sflag:s13], $0x2000  }
0x16: {  	s28 =	sadd.s32 $0x1, s28;
	[sflag:s13] =	ssyncset.done $0x0  }
0x17: {  	p0 =	sne.s32 s28, s10;
	[sflag:s13] =	ssyncadd.s32 $0xFFFFE000  }
.Ltmp1:
0x18: {  	[bflag:$0x0] =	sbarrier.arrive $0xFFFF;
	(pc) =	sbr.rel @!p0 .LBB2_5-.Ltmp1, $4  }
0x19: {  	[hbm:s12], [sflag:s15] =	dma.local [spmem:s16], $0x1400  }
0x1a: {  	_ =	swait.ge [sflag:s13], $0x1400  }
0x1b: {  	[sflag:s13] =	ssyncset.done $0x0  }
0x1c: {  	[sflag:s13] =	ssyncadd.s32 $0xFFFFEC00  }
.LBB2_1:
0x1d: {  	[tilespmem:s3], [sflag:$0x5] =	stream.linear.gather [hbm4b:s7+s3], $0x5000, $0x38;
	[tilespmem:$0x1C000] =	vst v63  }
0x1e: {  	_ =	swait.ge [sflag:s13], $0x5000  }
0x1f: {  	[sflag:s13] =	ssyncset.done $0x0  }
0x20: {  	s0 =	simm.s32 $0x5000;
	[sflag:s13] =	ssyncadd.s32 $0xFFFFB000  }
0x21: {  	[tilespmem:s0], [sflag:$0x5] =	stream.linear.gather [hbm4b:s8+s3], $0x5000, $0x38;
	[tilespmem:$0x1C000] =	vst v63  }
0x22: {  	_ =	swait.ge [sflag:s13], $0x5000  }
0x23: {  	[sflag:s13] =	ssyncset.done $0x0  }
0x24: {  	[sflag:s13] =	ssyncadd.s32 $0xFFFFB000  }
0x25: {  	[spmem:s16], [sflag:s15] =	dma.local [hbm:s9], $0x1400  }
0x26: {  	_ =	swait.ge [sflag:s13], $0x1400  }
0x27: {  	[sflag:s13] =	ssyncset.done $0x0  }
0x28: {  	[sflag:s13] =	ssyncadd.s32 $0xFFFFEC00  }
0x29: {  	[tilespmem:s18], [sflag:$0x1] =	stream.indirect.gather [hbm4b:s11+s17], $0x40, s3, s17, $0xb8;
	[tilespmem:$0x1C000] =	vst v63  }
0x2a: {  	_ = 	snop  }
0x2b: {  	[tilespmem:s19], [sflag:$0x2] =	stream.indirect.gather [hbm4b:s11+s17], $0x40, s17, s17, $0xb8;
	[tilespmem:$0x1C000] =	vst v63  }
0x2c: {  	_ = 	snop  }
0x2d: {  	[tilespmem:s21], [sflag:$0x3] =	stream.indirect.gather [hbm4b:s11+s17], $0x40, s20, s17, $0xb8;
	[tilespmem:$0x1C000] =	vst v63  }
0x2e: {  	_ = 	snop  }
0x2f: {  	[tilespmem:s23], [sflag:$0x4] =	stream.indirect.gather [hbm4b:s11+s17], $0x40, s22, s17, $0xb8;
	[tilespmem:$0x1C000] =	vst v63  }
0x30: {  	s29 =	simm.s32 $0x0;
	[bflag:$0x0] =	sbarrier.arrive $0xFFFF  }
.LBB2_2:
0x31: {  	_ =	swait.ge [sflag:s24], $0x2000  }
0x32: {  	s30 =	sshra.s32 s29, $0x2;
	[sflag:s24] =	ssyncset.done $0x0  }
0x33: {  	s31 =	sadd.s32 $0x5000, s30;
	[sflag:s24] =	ssyncadd.s32 $0xFFFFE000  }
0x34: {  	[spmem:s2] =	stream.indirect.scatter.add.f32 [tilespmem:s18], [sflag:$0x5], $0x40, s31, s17, $0xb8;
	[tilespmem:$0x1C000] =	vst v63  }
0x35: {  	_ =	swait.ge [sflag:s13], $0x2000  }
0x36: {  	p0 =	seq.s32 s29, $0x13800;
	[sflag:s13] =	ssyncset.done $0x0  }
0x37: {  	s31 =	simm.s32 @p0 $0x2;
	[sflag:s13] =	ssyncadd.s32 $0xFFFFE000  }
0x38: {  	_ =	swait.ge @p0 [sflag:s31], $0x2000  }
0x39: {  	[sflag:s31] =	ssyncset.done @p0 $0x0  }
0x3a: {  	[sflag:s31] =	ssyncadd.s32 @p0 $0xFFFFE000;
	s31 =	sshra.s32 @p0 s29, $0x2  }
0x3b: {  	s0 =	simm.s32 @p0 $0x80;
	s1 =	simm.s32 @p0 $0xC000;
	s31 =	sadd.s32 @p0 $0x5080, s31  }
0x3c: {  	[spmem:s2] =	stream.indirect.scatter.add.f32 @p0 [tilespmem:s1], [sflag:$0x5], $0x40, s31, s0, $0xb8;
	[tilespmem:$0x1C000] =	vst v63  }
0x3d: {  	s0 =	simm.s32 @p0 $0x5  }
0x3e: {  	_ =	swait.ge @p0 [sflag:s0], $0x2000  }
0x3f: {  	[sflag:s0] =	ssyncset.done @p0 $0x0  }
0x40: {  	[sflag:s0] =	ssyncadd.s32 @p0 $0xFFFFE000;
	s0 =	sshra.s32 @!p0 s29, $0x2  }
0x41: {  	s14 =	simm.s32 @!p0 $0xA000;
	s31 =	simm.s32 @!p0 $0x80;
	s1 =	sadd.s32 @!p0 $0x200, s0  }
0x42: {  	[tilespmem:s14], [sflag:$0x1] =	stream.indirect.gather @!p0 [hbm4b:s11+s31], $0x40, s1, s31, $0xb8;
	[tilespmem:$0x1C000] =	vst v63  }
0x43: {  	s1 =	simm.s32 @!p0 $0x2  }
0x44: {  	_ =	swait.ge @!p0 [sflag:s1], $0x2000  }
0x45: {  	[sflag:s1] =	ssyncset.done @!p0 $0x0  }
0x46: {  	s14 =	simm.s32 @!p0 $0xC000;
	[sflag:s1] =	ssyncadd.s32 @!p0 $0xFFFFE000;
	s1 =	sadd.s32 @!p0 $0x5080, s0  }
0x47: {  	[spmem:s2] =	stream.indirect.scatter.add.f32 @!p0 [tilespmem:s14], [sflag:$0x5], $0x40, s1, s31, $0xb8;
	[tilespmem:$0x1C000] =	vst v63  }
0x48: {  	p1 =	sne.s32 @!p0 s6, $0x0;
	s1 =	simm.s32 @!p0 $0x5  }
0x49: {  	p2 =	por !p1, p0;
	_ =	swait.ge @!p0 [sflag:s1], $0x2000  }
0x4a: {  	p1 =	por p1, p0;
	s0 =	sadd.s32 @!p0 $0x280, s0;
	[sflag:s1] =	ssyncset.done @!p0 $0x0  }
0x4b: {  	s14 =	simm.s32 @!p2 $0xC000;
	[sflag:s1] =	ssyncadd.s32 @!p0 $0xFFFFE000;
	s1 =	simm.s32 @!p2 $0x80  }
0x4c: {  	[tilespmem:s14], [sflag:$0x2] =	stream.indirect.gather @!p2 [hbm4b:s5+s1], $0x40, s0, s1, $0xb8;
	[tilespmem:$0x1C000] =	vst v63  }
0x4d: {  	s1 =	simm.s32 @!p1 $0x80;
	s14 =	simm.s32 @!p1 $0xC000  }
0x4e: {  	[tilespmem:s14], [sflag:$0x2] =	stream.indirect.gather @!p1 [hbm4b:s4+s1], $0x40, s0, s1, $0xb8;
	[tilespmem:$0x1C000] =	vst v63  }
0x4f: {  	_ =	swait.ge [sflag:s25], $0x2000  }
0x50: {  	[sflag:s25] =	ssyncset.done $0x0  }
.Ltmp2:
0x51: {  	s14 =	sadd.s32 $0x5100, s30;
	[sflag:s25] =	ssyncadd.s32 $0xFFFFE000;
	(pc) =	sbr.rel @p0 .LBB2_4-.Ltmp2, $4  }
0x52: {  	[spmem:s2] =	stream.indirect.scatter.add.f32 [tilespmem:s21], [sflag:$0x5], $0x40, s14, s17, $0xb8;
	[tilespmem:$0x1C000] =	vst v63  }
0x53: {  	_ =	swait.ge [sflag:s13], $0x2000  }
0x54: {  	[sflag:s13] =	ssyncset.done $0x0  }
0x55: {  	s31 =	sadd.s32 $0x5180, s30;
	[sflag:s13] =	ssyncadd.s32 $0xFFFFE000  }
0x56: {  	s0 =	sadd.s32 $0x300, s30  }
0x57: {  	[tilespmem:s21], [sflag:$0x3] =	stream.indirect.gather [hbm4b:s11+s17], $0x40, s0, s17, $0xb8;
	[tilespmem:$0x1C000] =	vst v63  }
0x58: {  	_ =	swait.ge [sflag:s26], $0x2000  }
0x59: {  	[sflag:s26] =	ssyncset.done $0x0  }
0x5a: {  	[sflag:s26] =	ssyncadd.s32 $0xFFFFE000  }
0x5b: {  	[spmem:s2] =	stream.indirect.scatter.add.f32 [tilespmem:s23], [sflag:$0x5], $0x40, s31, s17, $0xb8;
	[tilespmem:$0x1C000] =	vst v63  }
.Ltmp3:
0x5c: {  	_ = 	snop;
	(pc) =	sbr.rel .LBB2_2-.Ltmp3, $4  }
0x5d: {  	_ =	swait.ge [sflag:s13], $0x2000  }
0x5e: {  	[sflag:s13] =	ssyncset.done $0x0  }
0x5f: {  	s29 =	sadd.s32 $0x800, s29;
	s31 =	sadd.s32 $0x380, s30;
	[sflag:s13] =	ssyncadd.s32 $0xFFFFE000  }
0x60: {  	[tilespmem:s23], [sflag:$0x4] =	stream.indirect.gather [hbm4b:s11+s17], $0x40, s31, s17, $0xb8;
	[tilespmem:$0x1C000] =	vst v63  }
.LBB2_5:
0x61: {  	_ =	sfence.sel $0x180000  }
0x62: {  	[bflag:$0x0] =	sbarrier.arrive $0xFFFF  }
0x63: {  	_ =	strace $0x9000004D  }
0x64: {  	s0 =	stileid.u32;
	[bflag:$0x2] =	sbarrier.arrive $0xFFFF  }
0x65: {  	p0 =	sne.s32 s0, $0x0;
	s0 =	rddreg [dreg:$0x2]  }
0x66: {  	s0 =	sadd.s32 @!p0 $0x100000, s0  }
0x67: {  	[sflag:s0] =	ssyncadd.tile.s32 @!p0 $0x1;
	_ =	shalt  }
.Lfunc_end2:
_tile_overlayer_lowered:
.L_overlay_start_2:
0x68: {  	(tag) =	ssettag $0x2  }
0x69: {  	s0 =	rddreg [dreg:$0x0];
	s2 =	stileid.u32  }
0x6a: {  	s1 =	rddreg [dreg:$0x1];
	p0 =	sne.s32 s2, $0x0  }
0x6b: {  	s3 =	rddreg [dreg:$0x2];
	[bflag:$0x3] =	sbarrier.arrive $0xFFFF;
	s2 =	simm.s32 @!p0 $0x1C05  }
0x6c: {  	[timem:s3], [sflag:s2] =	dma.local @!p0 [hbm:s0], s1  }
0x6d: {  	s0 =	simm.s32 @!p0 $0x5  }
0x6e: {  	_ =	swait.ge @!p0 [sflag:s0], s1  }
0x6f: {  	s1 =	ssub.s32 @!p0 $0x0, s1;
	[sflag:s0] =	ssyncset.done @!p0 $0x0  }
0x70: {  	[sflag:s0] =	ssyncadd.s32 @!p0 s1  }
0x71: {  	[bflag:$0x3] =	sbarrier.arrive $0xFFFF  }
0x72: {  	_ =	shalt  }

// kernel: kernel.19.cloned.1.call-start
scs
__scs_entry_jumppad:
0x0: {  	(pc) =	sbr.rel $0x88, $3  }
0x1: {  	(tag) =	ssettag $0x0;
	lr =	simm.s32 $0x1  }
0x2: {  	[smem:$0x3F94] =	sst lr;
	_ =	strace $0xD0000000  }
0x3: {  	_ = 	snop  }
0x4: {  	_ = 	snop  }
0x5: {  	_ = 	snop  }
0x6: {  	_ = 	snop  }
0x7: {  	_ = 	snop  }
__scs_overlays_trampoline_lowered:
0x8: {  	[smem:$0x3FA3] =	sst s0  }
0x9: {  	[smem:$0x3FA4] =	sst s1  }
0xa: {  	[smem:$0x3FA5] =	sst s2  }
0xb: {  	[smem:$0x3FA6] =	sst s3  }
0xc: {  	[smem:$0x3FA7] =	sst s4  }
0xd: {  	[smem:$0x3FA8] =	sst s5  }
0xe: {  	[smem:$0x3FA9] =	sst s6  }
0xf: {  	[smem:$0x3FAA] =	sst s7  }
0x10: {  	[smem:$0x3FAB] =	sst s8  }
0x11: {  	[smem:$0x3FAC] =	sst s9;
	s0 =	simm.s32 @!p0 $0x0  }
0x12: {  	s1 =	sld [smem:$0x3F92];
	s0 =	simm.s32 @p0 $0x1  }
0x13: {  	[smem:$0x3FAD] =	sst s0;
	s0 =	simm.s32 @!p1 $0x0  }
0x14: {  	s2 =	sld [smem:$0x3F91];
	s0 =	simm.s32 @p1 $0x1  }
0x15: {  	[smem:$0x3FAE] =	sst s0;
	s0 =	simm.s32 @!p2 $0x0  }
0x16: {  	s3 =	sld [smem:$0x3FDB];
	s0 =	simm.s32 @p2 $0x1  }
0x17: {  	s4 =	simm.s32 $0x1BF5;
	[smem:$0x3FB0] =	sst s0  }
0x18: {  	s0 =	sld [smem:$0x3F93];
	_ =	swait.ge [sflag:s4], $0x0  }
0x19: {  	s7 =	sld [smem:$0x3F94]  }
0x1a: {  	s8 =	sadd.s32 $0xFFFFE003, lr  }
0x1b: {  	s9 =	sadd.s32 $0xFFFFFEF7, lr;
	s5 =	simm.s32 $0xFFFFFFFF;
	p2 =	slt.u32 s8, $0xFFFFF086  }
0x1c: {  	p1 =	slt.u32 s9, $0xF7A;
	s5 =	simm.s32 @!p2 $0x0  }
0x1d: {  	s5 =	simm.s32 @p1 $0x1;
	p0 =	seq.s32 s7, s2  }
0x1e: {  	s7 =	smul.u32 @!p0 $0xF7A, s2;
	p2 =	seq.s32 @!p0 s5, $0x0  }
0x1f: {  	s9 =	smul.u32 $0xF7A, s1;
	s8 =	simm.s32 @!p0 $0x1BF5;
	p2 =	por !p2, p0  }
0x20: {  	[sflag:s8] =	ssyncset.s32 @!p0 $0xFFFFF086;
	s6 =	sadd.s32 @!p0 s3, s7;
	s7 =	simm.s32 @!p0 $0x108  }
0x21: {  	s3 =	sadd.s32 s3, s9;
	s6 =	sadd.s32 @!p0 $0x88, s6;
	s7 =	simm.s32 @p2 $0x1082  }
0x22: {  	[simem:s7], [sflag:s8] =	dma.local @!p0 [hbm:s6], $0xF7A  }
0x23: {  	s9 =	sor.u32 $0xD0000000, s2;
	s6 =	simm.s32 $0x108;
	_ =	swait.ge @!p0 [sflag:s8], $0x0  }
0x24: {  	s3 =	sadd.s32 $0x88, s3;
	s6 =	simm.s32 @!p1 $0x1082;
	[sflag:s4] =	ssyncset.s32 $0xFFFFF086  }
0x25: {  	[simem:s6], [sflag:s4] =	dma.local [hbm:s3], $0xF7A  }
0x26: {  	[smem:$0x3F94] =	sst s1;
	(tag) =	ssettag s2;
	_ =	strace s9  }
0x27: {  	s1 =	sld [smem:$0x3FA4]  }
0x28: {  	s2 =	sld [smem:$0x3FA5]  }
0x29: {  	s4 =	sld [smem:$0x3FA7]  }
0x2a: {  	p0 =	seq.s32 s5, $0x0;
	s5 =	sld [smem:$0x3FA8]  }
0x2b: {  	s6 =	sld [smem:$0x3FA9]  }
0x2c: {  	s7 =	sld [smem:$0x3FAA]  }
0x2d: {  	s3 =	simm.s32 $0x108;
	s8 =	sld [smem:$0x3FAB]  }
0x2e: {  	s3 =	simm.s32 @!p0 $0x1082;
	s9 =	sld [smem:$0x3FAC]  }
0x2f: {  	lr =	sadd.s32 s0, s3;
	s0 =	sld [smem:$0x3FA3]  }
0x30: {  	s3 =	sld [smem:$0x3FA6]  }
0x31: {  	[smem:$0x3FAF] =	sst s10  }
0x32: {  	s10 =	sld [smem:$0x3FAD];
	_ =	sdelay $0x3  }
0x33: {  	p0 =	seq.s32 s10, $0x1;
	s10 =	sld [smem:$0x3FAF];
	_ =	sdelay $0x3  }
0x34: {  	[smem:$0x3FAF] =	sst s10  }
0x35: {  	s10 =	sld [smem:$0x3FAE];
	_ =	sdelay $0x3  }
0x36: {  	p1 =	seq.s32 s10, $0x1;
	s10 =	sld [smem:$0x3FAF];
	_ =	sdelay $0x3  }
0x37: {  	[smem:$0x3FAF] =	sst s10  }
0x38: {  	s10 =	sld [smem:$0x3FB0]  }
0x39: {  	_ = 	snop;
	(pc) =	sbr.ind lr, $3  }
0x3a: {  	_ = 	snop  }
0x3b: {  	_ = 	snop  }
0x3c: {  	p2 =	seq.s32 s10, $0x1;
	s10 =	sld [smem:$0x3FAF]  }
0x3d: {  	_ =	shalt  }
0x3e: {  	_ =	shalt  }
0x3f: {  	_ =	shalt  }
0x40: {  	_ =	shalt  }
0x41: {  	_ =	shalt  }
0x42: {  	_ =	shalt  }
0x43: {  	_ =	shalt  }
0x44: {  	_ =	shalt  }
0x45: {  	_ =	shalt  }
0x46: {  	_ =	shalt  }
0x47: {  	_ =	shalt  }
0x48: {  	_ =	shalt  }
0x49: {  	_ =	shalt  }
0x4a: {  	_ =	shalt  }
0x4b: {  	_ =	shalt  }
0x4c: {  	_ =	shalt  }
0x4d: {  	_ =	shalt  }
0x4e: {  	_ =	shalt  }
0x4f: {  	_ =	shalt  }
0x50: {  	_ =	shalt  }
0x51: {  	_ =	shalt  }
0x52: {  	_ =	shalt  }
0x53: {  	_ =	shalt  }
0x54: {  	_ =	shalt  }
0x55: {  	_ =	shalt  }
0x56: {  	_ =	shalt  }
0x57: {  	_ =	shalt  }
0x58: {  	_ =	shalt  }
0x59: {  	_ =	shalt  }
0x5a: {  	_ =	shalt  }
0x5b: {  	_ =	shalt  }
0x5c: {  	_ =	shalt  }
0x5d: {  	_ =	shalt  }
0x5e: {  	_ =	shalt  }
0x5f: {  	_ =	shalt  }
0x60: {  	_ =	shalt  }
0x61: {  	_ =	shalt  }
0x62: {  	_ =	shalt  }
0x63: {  	_ =	shalt  }
0x64: {  	_ =	shalt  }
0x65: {  	_ =	shalt  }
0x66: {  	_ =	shalt  }
0x67: {  	_ =	shalt  }
0x68: {  	_ =	shalt  }
0x69: {  	_ =	shalt  }
0x6a: {  	_ =	shalt  }
0x6b: {  	_ =	shalt  }
0x6c: {  	_ =	shalt  }
0x6d: {  	_ =	shalt  }
0x6e: {  	_ =	shalt  }
0x6f: {  	_ =	shalt  }
0x70: {  	_ =	shalt  }
0x71: {  	_ =	shalt  }
0x72: {  	_ =	shalt  }
0x73: {  	_ =	shalt  }
0x74: {  	_ =	shalt  }
0x75: {  	_ =	shalt  }
0x76: {  	_ =	shalt  }
0x77: {  	_ =	shalt  }
0x78: {  	_ =	shalt  }
0x79: {  	_ =	shalt  }
0x7a: {  	_ =	shalt  }
0x7b: {  	_ =	shalt  }
0x7c: {  	_ =	shalt  }
0x7d: {  	_ =	shalt  }
0x7e: {  	_ =	shalt  }
0x7f: {  	_ =	shalt  }
0x80: {  	_ =	shalt  }
0x81: {  	_ =	shalt  }
0x82: {  	_ =	shalt  }
0x83: {  	_ =	shalt  }
0x84: {  	_ =	shalt  }
0x85: {  	_ =	shalt  }
0x86: {  	_ =	shalt  }
0x87: {  	_ =	shalt  }
.Lfunc_end0:
.L_simem_size_0:
called_computation.3_lowered:
.L_overlay_start_0:
0x88: {  	s2 =	sld [smem:$0x3FD9]  }
0x89: {  	s3 =	sld [smem:$0x3FFE];
	_ =	sdelay $0x1  }
0x8a: {  	s1 =	srdreg.scid  }
0x8b: {  	s0 =	sand.u32 $0x1, s1  }
0x8c: {  	s16 =	sshll.u32 s0, $0xA;
	s2 =	sadd.s32 s3, s2  }
0x8d: {  	s2 =	sadd.s32 s2, s16  }
0x8e: {  	[smem:$0x3FBB] =	sst s2  }
0x8f: {  	_ = 	snop  }
0x90: {  	(tm) =	ssettm $0x1  }
0x91: {  	s17 =	sld [smem:$0x3FFB];
	_ =	sdelay $0x3  }
0x92: {  	_ =	strace s17  }
0x93: {  	s2 =	sld [smem:$0x3FFC];
	_ =	sdelay $0x3  }
0x94: {  	_ =	strace s2  }
0x95: {  	s2 =	sld [smem:$0x3FFD];
	_ =	sdelay $0x3  }
0x96: {  	_ =	strace s2  }
0x97: {  	_ =	strace $0x8FFFFFFF  }
0x98: {  	s18 =	sld [smem:$0x3FDB];
	_ =	sdelay $0x1  }
0x99: {  	s19 =	simm.s32 $_scs_section_size  }
0x9a: {  	s4 =	simm.s32 $_size__tile_overlayer_lowered;
	s5 =	simm.s32 $_tile_overlayer_lowered  }
0x9b: {  	s22 =	simm.s32 $0x1BFF;
	s21 =	sshll.u32 s5, $0x1;
	s2 =	sadd.s32 s19, s18  }
0x9c: {  	s6 =	simm.s32 $0x0;
	s20 =	sshll.u32 s4, $0x1;
	s4 =	sadd.s32 s21, s2  }
0x9d: {  	[timem:s6], [sflag:s22] =	dma.local [hbm:s4], s20  }
0x9e: {  	_ =	swait.ge [sflag:s22], s20  }
0x9f: {  	s3 =	ssub.s32 $0x0, s20;
	[sflag:s22] =	ssyncset.done $0x0  }
0xa0: {  	[sflag:s22] =	ssyncadd.s32 s3;
	_ =	sdelay $0x1  }
0xa1: {  	s23 =	simm.s32 $0x1B8B  }
0xa2: {  	_ =	swait.ge [sflag:s23], $0x1  }
0xa3: {  	[sflag:s23] =	ssyncset.done $0x0  }
0xa4: {  	s25 =	simm.s32 $0x1B8E;
	s24 =	sld [smem:$0x3FFE];
	[sflag:s23] =	ssyncadd.s32 $0xFFFFFFFF  }
0xa5: {  	s26 =	simm.s32 $execute0_lowered;
	[smem:$0x3FD2] =	sst s25  }
0xa6: {  	s4 =	sshll.u32 s26, $0x1;
	_ =	strace $0x8000004F;
	[dreg:$0x1] =	wrdreg $0xFFFFFFFF  }
0xa7: {  	s28 =	simm.s32 $_size_execute0_lowered;
	s2 =	sadd.s32 s2, s4;
	[dreg:$0x0] =	wrdreg $0x0  }
0xa8: {  	s4 =	sshll.u32 s28, $0x1;
	[dreg:$0x2] =	wrdreg s2  }
0xa9: {  	[dreg:$0x3] =	wrdreg s4  }
0xaa: {  	[dreg:$0x4] =	wrdreg $0xC0  }
0xab: {  	_ =	task [dreg:s6], $0x5FFFF  }
0xac: {  	[dreg:$0x1] =	wrdreg $0xFFFFFFFF  }
0xad: {  	[dreg:$0x0] =	wrdreg $0x60  }
0xae: {  	[dreg:$0x2] =	wrdreg s24  }
0xaf: {  	[dreg:$0x3] =	wrdreg $0xE0000  }
0xb0: {  	[dreg:$0x4] =	wrdreg $0x9  }
0xb1: {  	_ =	task.clear_ibuf [dreg:s6], $0x5FFFF;
	_ =	strace $0x9000004F  }
0xb2: {  	s29 =	simm.s32 $0x9;
	_ =	strace $0x80000051  }
0xb3: {  	_ =	swait.ge [sflag:s29], $0x1  }
0xb4: {  	[sflag:s29] =	ssyncadd.s32 $0xFFFFFFFF  }
0xb5: {  	_ =	strace $0x90000051  }
0xb6: {  	_ =	sfence  }
0xb7: {  	s30 =	sld [smem:$0x0];
	_ =	sdelay $0x2  }
0xb8: {  	s31 =	sshll.u32 s1, $0xD;
	s1 =	sshrl.u32 s1, $0x2  }
0xb9: {  	s3 =	sand.u32 $0x4000, s31;
	s1 =	sadd.s32 s1, s30  }
0xba: {  	s0 =	sor.u32 s3, s0;
	s1 =	sshll.u32 s1, $0x11  }
0xbb: {  	s0 =	sor.u32 s1, s0  }
0xbc: {  	s0 =	sadd.s32 $0x8F2B, s0  }
0xbd: {  	[sflag:s0] =	ssyncadd.remote.s32 $0x1  }
0xbe: {  	_ =	sfence.sel $0xFFFF  }
0xbf: {  	[dreg:$0x0] =	wrdreg $0xFFFFFFFF;
	(pc) =	sbr.abs _section_cstart, $3  }
0xc0: {  	[dreg:$0x1] =	wrdreg $0xFFFFFFFF  }
0xc1: {  	_ =	task.clear_ibuf [dreg:s6], $0x2FFFF;
	_ =	strace $0x9FFFFFFF  }
0xc2: {  	(tm) =	ssettm $0x7FFFFFFF  }
0xc3: {  	_ =	shalt  }
tec
execute0_lowered:
.L_overlay_start_1:
0x0: {  	(tag) =	ssettag $0x1  }
0x1: {  	s7 =	rddreg [dreg:$0x0]  }
0x2: {  	s2 =	rddreg [dreg:$0x1];
	s3 =	simm.s32 $0x0;
	s0 =	stileid.u32  }
0x3: {  	s6 =	srdreg.scid;
	s17 =	simm.s32 $0x80;
	s18 =	simm.s32 $0xA000  }
0x4: {  	s19 =	simm.s32 $0xB000;
	s20 =	simm.s32 $0x100;
	s21 =	simm.s32 $0xC000  }
0x5: {  	s22 =	simm.s32 $0x180;
	s23 =	simm.s32 $0xD000;
	s24 =	simm.s32 $0x1  }
0x6: {  	s25 =	simm.s32 $0x3;
	s26 =	simm.s32 $0x4;
	s8 =	smul.u32 $0xA00, s0  }
0x7: {  	s28 =	simm.s32 $0x0;
	[smem:$0x7FF] =	sst s3;
	s9 =	smul.u32 $0x5000, s0  }
0x8: {  	s4 =	sadd.s32 $0x4B200, s7;
	s5 =	sadd.s32 $0x41200, s7;
	s6 =	sand.u32 $0x1, s6  }
0x9: {  	s13 =	sadd.s32 $0x69200, s7;
	s15 =	sadd.s32 $0x5F200, s7;
	s31 =	sshll.u32 s0, $0x6  }
0xa: {  	_ =	strace $0x80000050;
	s10 =	ssub.s32 $0x2, s6;
	p0 =	seq.s32 s6, $0x0  }
0xb: {  	s8 =	sadd.s32 s8, s7;
	s12 =	sshrl.u32 s9, $0x3;
	s14 =	sshrl.u32 s10, $0x1  }
.Ltmp0:
0xc: {  	s16 =	sadd.s32 s9, s2;
	s15 =	smov.u32 @p0 s13;
	(pc) =	sbr.rel .LBB2_1-.Ltmp0, $4  }
0xd: {  	s13 =	simm.s32 $0x5;
	s11 =	sadd.s32 s12, s7;
	s10 =	ssub.s32 s10, s14  }
0xe: {  	s7 =	sadd.s32 $0xF200, s8;
	s8 =	sadd.s32 $0x4200, s8;
	s12 =	sadd.s32 s15, s12  }
0xf: {  	s15 =	sor.u32 $0x1C05, s31;
	s9 =	sadd.s32 $0x55200, s11;
	s11 =	smov.u32 s5  }
0x10: {  	s16 =	sshrl.u32 s16, $0x3;
	s10 =	smax.u32 s10, $0x1;
	s11 =	smov.u32 @p0 s4  }
.LBB2_4:
0x11: {  	_ =	swait.ge [sflag:s26], $0x1000  }
0x12: {  	[sflag:s26] =	ssyncset.done $0x0  }
0x13: {  	[sflag:s26] =	ssyncadd.s32 $0xFFFFF000  }
0x14: {  	[spmem:s2] =	stream.indirect.scatter.add.f32 [tilespmem:s23], [sflag:$0x5], $0x20, s31, s17, $0xb8;
	[tilespmem:$0x13000] =	vst v63  }
0x15: {  	_ =	swait.ge [sflag:s13], $0x1000  }
0x16: {  	s28 =	sadd.s32 $0x1, s28;
	[sflag:s13] =	ssyncset.done $0x0  }
0x17: {  	p0 =	sne.s32 s28, s10;
	[sflag:s13] =	ssyncadd.s32 $0xFFFFF000  }
.Ltmp1:
0x18: {  	[bflag:$0x0] =	sbarrier.arrive $0xFFFF;
	(pc) =	sbr.rel @!p0 .LBB2_5-.Ltmp1, $4  }
0x19: {  	[hbm:s12], [sflag:s15] =	dma.local [spmem:s16], $0xA00  }
0x1a: {  	_ =	swait.ge [sflag:s13], $0xA00  }
0x1b: {  	[sflag:s13] =	ssyncset.done $0x0  }
0x1c: {  	[sflag:s13] =	ssyncadd.s32 $0xFFFFF600  }
.LBB2_1:
0x1d: {  	[tilespmem:s3], [sflag:$0x5] =	stream.linear.gather [hbm4b:s7+s3], $0x5000, $0x38;
	[tilespmem:$0x13000] =	vst v63  }
0x1e: {  	_ =	swait.ge [sflag:s13], $0x5000  }
0x1f: {  	[sflag:s13] =	ssyncset.done $0x0  }
0x20: {  	s0 =	simm.s32 $0x5000;
	[sflag:s13] =	ssyncadd.s32 $0xFFFFB000  }
0x21: {  	[tilespmem:s0], [sflag:$0x5] =	stream.linear.gather [hbm4b:s8+s3], $0x5000, $0x38;
	[tilespmem:$0x13000] =	vst v63  }
0x22: {  	_ =	swait.ge [sflag:s13], $0x5000  }
0x23: {  	[sflag:s13] =	ssyncset.done $0x0  }
0x24: {  	[sflag:s13] =	ssyncadd.s32 $0xFFFFB000  }
0x25: {  	[spmem:s16], [sflag:s15] =	dma.local [hbm:s9], $0xA00  }
0x26: {  	_ =	swait.ge [sflag:s13], $0xA00  }
0x27: {  	[sflag:s13] =	ssyncset.done $0x0  }
0x28: {  	[sflag:s13] =	ssyncadd.s32 $0xFFFFF600  }
0x29: {  	[tilespmem:s18], [sflag:$0x1] =	stream.indirect.gather [hbm4b:s11+s17], $0x20, s3, s17, $0xb8;
	[tilespmem:$0x13000] =	vst v63  }
0x2a: {  	_ = 	snop  }
0x2b: {  	[tilespmem:s19], [sflag:$0x2] =	stream.indirect.gather [hbm4b:s11+s17], $0x20, s17, s17, $0xb8;
	[tilespmem:$0x13000] =	vst v63  }
0x2c: {  	_ = 	snop  }
0x2d: {  	[tilespmem:s21], [sflag:$0x3] =	stream.indirect.gather [hbm4b:s11+s17], $0x20, s20, s17, $0xb8;
	[tilespmem:$0x13000] =	vst v63  }
0x2e: {  	_ = 	snop  }
0x2f: {  	[tilespmem:s23], [sflag:$0x4] =	stream.indirect.gather [hbm4b:s11+s17], $0x20, s22, s17, $0xb8;
	[tilespmem:$0x13000] =	vst v63  }
0x30: {  	s29 =	simm.s32 $0x0;
	[bflag:$0x0] =	sbarrier.arrive $0xFFFF  }
.LBB2_2:
0x31: {  	_ =	swait.ge [sflag:s24], $0x1000  }
0x32: {  	s30 =	sshra.s32 s29, $0x2;
	[sflag:s24] =	ssyncset.done $0x0  }
0x33: {  	s31 =	sadd.s32 $0x5000, s30;
	[sflag:s24] =	ssyncadd.s32 $0xFFFFF000  }
0x34: {  	[spmem:s2] =	stream.indirect.scatter.add.f32 [tilespmem:s18], [sflag:$0x5], $0x20, s31, s17, $0xb8;
	[tilespmem:$0x13000] =	vst v63  }
0x35: {  	_ =	swait.ge [sflag:s13], $0x1000  }
0x36: {  	p0 =	seq.s32 s29, $0x13800;
	[sflag:s13] =	ssyncset.done $0x0  }
0x37: {  	s31 =	simm.s32 @p0 $0x2;
	[sflag:s13] =	ssyncadd.s32 $0xFFFFF000  }
0x38: {  	_ =	swait.ge @p0 [sflag:s31], $0x1000  }
0x39: {  	[sflag:s31] =	ssyncset.done @p0 $0x0  }
0x3a: {  	[sflag:s31] =	ssyncadd.s32 @p0 $0xFFFFF000;
	s31 =	sshra.s32 @p0 s29, $0x2  }
0x3b: {  	s0 =	simm.s32 @p0 $0x80;
	s1 =	simm.s32 @p0 $0xB000;
	s31 =	sadd.s32 @p0 $0x5080, s31  }
0x3c: {  	[spmem:s2] =	stream.indirect.scatter.add.f32 @p0 [tilespmem:s1], [sflag:$0x5], $0x20, s31, s0, $0xb8;
	[tilespmem:$0x13000] =	vst v63  }
0x3d: {  	s0 =	simm.s32 @p0 $0x5  }
0x3e: {  	_ =	swait.ge @p0 [sflag:s0], $0x1000  }
0x3f: {  	[sflag:s0] =	ssyncset.done @p0 $0x0  }
0x40: {  	[sflag:s0] =	ssyncadd.s32 @p0 $0xFFFFF000;
	s0 =	sshra.s32 @!p0 s29, $0x2  }
0x41: {  	s14 =	simm.s32 @!p0 $0xA000;
	s31 =	simm.s32 @!p0 $0x80;
	s1 =	sadd.s32 @!p0 $0x200, s0  }
0x42: {  	[tilespmem:s14], [sflag:$0x1] =	stream.indirect.gather @!p0 [hbm4b:s11+s31], $0x20, s1, s31, $0xb8;
	[tilespmem:$0x13000] =	vst v63  }
0x43: {  	s1 =	simm.s32 @!p0 $0x2  }
0x44: {  	_ =	swait.ge @!p0 [sflag:s1], $0x1000  }
0x45: {  	[sflag:s1] =	ssyncset.done @!p0 $0x0  }
0x46: {  	s14 =	simm.s32 @!p0 $0xB000;
	[sflag:s1] =	ssyncadd.s32 @!p0 $0xFFFFF000;
	s1 =	sadd.s32 @!p0 $0x5080, s0  }
0x47: {  	[spmem:s2] =	stream.indirect.scatter.add.f32 @!p0 [tilespmem:s14], [sflag:$0x5], $0x20, s1, s31, $0xb8;
	[tilespmem:$0x13000] =	vst v63  }
0x48: {  	p1 =	sne.s32 @!p0 s6, $0x0;
	s1 =	simm.s32 @!p0 $0x5  }
0x49: {  	p2 =	por !p1, p0;
	_ =	swait.ge @!p0 [sflag:s1], $0x1000  }
0x4a: {  	p1 =	por p1, p0;
	s0 =	sadd.s32 @!p0 $0x280, s0;
	[sflag:s1] =	ssyncset.done @!p0 $0x0  }
0x4b: {  	s14 =	simm.s32 @!p2 $0xB000;
	[sflag:s1] =	ssyncadd.s32 @!p0 $0xFFFFF000;
	s1 =	simm.s32 @!p2 $0x80  }
0x4c: {  	[tilespmem:s14], [sflag:$0x2] =	stream.indirect.gather @!p2 [hbm4b:s5+s1], $0x20, s0, s1, $0xb8;
	[tilespmem:$0x13000] =	vst v63  }
0x4d: {  	s1 =	simm.s32 @!p1 $0x80;
	s14 =	simm.s32 @!p1 $0xB000  }
0x4e: {  	[tilespmem:s14], [sflag:$0x2] =	stream.indirect.gather @!p1 [hbm4b:s4+s1], $0x20, s0, s1, $0xb8;
	[tilespmem:$0x13000] =	vst v63  }
0x4f: {  	_ =	swait.ge [sflag:s25], $0x1000  }
0x50: {  	[sflag:s25] =	ssyncset.done $0x0  }
.Ltmp2:
0x51: {  	s14 =	sadd.s32 $0x5100, s30;
	[sflag:s25] =	ssyncadd.s32 $0xFFFFF000;
	(pc) =	sbr.rel @p0 .LBB2_4-.Ltmp2, $4  }
0x52: {  	[spmem:s2] =	stream.indirect.scatter.add.f32 [tilespmem:s21], [sflag:$0x5], $0x20, s14, s17, $0xb8;
	[tilespmem:$0x13000] =	vst v63  }
0x53: {  	_ =	swait.ge [sflag:s13], $0x1000  }
0x54: {  	[sflag:s13] =	ssyncset.done $0x0  }
0x55: {  	s31 =	sadd.s32 $0x5180, s30;
	[sflag:s13] =	ssyncadd.s32 $0xFFFFF000  }
0x56: {  	s0 =	sadd.s32 $0x300, s30  }
0x57: {  	[tilespmem:s21], [sflag:$0x3] =	stream.indirect.gather [hbm4b:s11+s17], $0x20, s0, s17, $0xb8;
	[tilespmem:$0x13000] =	vst v63  }
0x58: {  	_ =	swait.ge [sflag:s26], $0x1000  }
0x59: {  	[sflag:s26] =	ssyncset.done $0x0  }
0x5a: {  	[sflag:s26] =	ssyncadd.s32 $0xFFFFF000  }
0x5b: {  	[spmem:s2] =	stream.indirect.scatter.add.f32 [tilespmem:s23], [sflag:$0x5], $0x20, s31, s17, $0xb8;
	[tilespmem:$0x13000] =	vst v63  }
.Ltmp3:
0x5c: {  	_ = 	snop;
	(pc) =	sbr.rel .LBB2_2-.Ltmp3, $4  }
0x5d: {  	_ =	swait.ge [sflag:s13], $0x1000  }
0x5e: {  	[sflag:s13] =	ssyncset.done $0x0  }
0x5f: {  	s29 =	sadd.s32 $0x800, s29;
	s31 =	sadd.s32 $0x380, s30;
	[sflag:s13] =	ssyncadd.s32 $0xFFFFF000  }
0x60: {  	[tilespmem:s23], [sflag:$0x4] =	stream.indirect.gather [hbm4b:s11+s17], $0x20, s31, s17, $0xb8;
	[tilespmem:$0x13000] =	vst v63  }
.LBB2_5:
0x61: {  	_ =	sfence.sel $0x180000  }
0x62: {  	[bflag:$0x0] =	sbarrier.arrive $0xFFFF  }
0x63: {  	_ =	strace $0x90000050  }
0x64: {  	s0 =	stileid.u32;
	[bflag:$0x2] =	sbarrier.arrive $0xFFFF  }
0x65: {  	p0 =	sne.s32 s0, $0x0;
	s0 =	rddreg [dreg:$0x2]  }
0x66: {  	s0 =	sadd.s32 @!p0 $0x100000, s0  }
0x67: {  	[sflag:s0] =	ssyncadd.tile.s32 @!p0 $0x1;
	_ =	shalt  }
.Lfunc_end2:
_tile_overlayer_lowered:
.L_overlay_start_2:
0x68: {  	(tag) =	ssettag $0x2  }
0x69: {  	s0 =	rddreg [dreg:$0x0];
	s2 =	stileid.u32  }
0x6a: {  	s1 =	rddreg [dreg:$0x1];
	p0 =	sne.s32 s2, $0x0  }
0x6b: {  	s3 =	rddreg [dreg:$0x2];
	[bflag:$0x3] =	sbarrier.arrive $0xFFFF;
	s2 =	simm.s32 @!p0 $0x1C05  }
0x6c: {  	[timem:s3], [sflag:s2] =	dma.local @!p0 [hbm:s0], s1  }
0x6d: {  	s0 =	simm.s32 @!p0 $0x5  }
0x6e: {  	_ =	swait.ge @!p0 [sflag:s0], s1  }
0x6f: {  	s1 =	ssub.s32 @!p0 $0x0, s1;
	[sflag:s0] =	ssyncset.done @!p0 $0x0  }
0x70: {  	[sflag:s0] =	ssyncadd.s32 @!p0 s1  }
0x71: {  	[bflag:$0x3] =	sbarrier.arrive $0xFFFF  }
0x72: {  	_ =	shalt  }

</sc_bundles>
